<compile_context>
chip_gen: v7x
topology: tpu7x:2x2x1
jax: 0.10.2.dev20260603
libtpu: 0.0.44.dev20260713+nightly
codegen_flags: <defaults>
</compile_context>

<pallas_src>
import functools

import jax
import jax.numpy as jnp
from jax import lax
from jax.experimental import pallas as pl
from jax.experimental.pallas import tpu as pltpu
from jax.experimental.pallas import tpu_sc as plsc

N = 50000
E = 800000
R = 8
D = 64
H = 64
O = 32

NC = 2
NS = 16
LANES = 16

NP = 50048
DUMP = N
EP = 819200
CH = 400
CHA = 400
TILE_ROWS = NP // NS

_MESH = plsc.VectorSubcoreMesh(
    core_axis_name="c", subcore_axis_name="s", num_cores=NC, num_subcores=NS
)
_SC_PARAMS = pltpu.CompilerParams(
    use_tc_tiling_on_sc=False, needs_layout_passes=False
)


def _lane_splat(v, j):
    return v.at[jnp.full((LANES,), j, jnp.int32)].get(mode="promise_in_bounds")


def _count_body(dst_h, et_h, z_h, cnt0_h, cnt1_h, dstv, etv, oh, acc):
    c = lax.axis_index("c")
    s = lax.axis_index("s")
    rbase = pl.multiple_of(s * TILE_ROWS, 8)
    rows_sl = pl.ds(rbase, TILE_ROWS)
    pltpu.sync_copy(z_h.at[rows_sl], acc.at[rows_sl])
    plsc.subcore_barrier()

    per_tile = EP // (NC * NS)
    ebase = (c * NS + s) * per_tile
    iota = lax.iota(jnp.int32, LANES)

    @pl.loop(0, per_tile // CH)
    def _chunk(ch):
        base = ebase + ch * CH
        pltpu.sync_copy(dst_h.at[pl.ds(base, CH)], dstv)
        pltpu.sync_copy(et_h.at[pl.ds(base, CH)], etv)

        @pl.loop(0, CH // LANES)
        def _group(g):
            o = pl.multiple_of(g * LANES, LANES)
            tv = etv[pl.ds(o, LANES)]
            for j in range(LANES):
                oh[o + j, :] = jnp.where(iota == _lane_splat(tv, j), 1.0, 0.0)

        pltpu.sync_copy(oh, acc.at[dstv], add=True)

    plsc.subcore_barrier()

    @pl.when(c == 0)
    def _():
        pltpu.sync_copy(acc.at[rows_sl], cnt0_h.at[rows_sl])

    @pl.when(c == 1)
    def _():
        pltpu.sync_copy(acc.at[rows_sl], cnt1_h.at[rows_sl])


_count_kernel = pl.kernel(
    _count_body,
    out_type=[
        jax.ShapeDtypeStruct((NP, 16), jnp.float32),
        jax.ShapeDtypeStruct((NP, 16), jnp.float32),
    ],
    mesh=_MESH,
    scratch_types=[
        pltpu.VMEM((CH,), jnp.int32),
        pltpu.VMEM((CH,), jnp.int32),
        pltpu.VMEM((CH, 16), jnp.float32),
        pltpu.VMEM_SHARED((NP, 16), jnp.float32),
    ],
    compiler_params=_SC_PARAMS,
)


def _sedge_body(dst_h, et_h, s_h, se_h,
                dstv0, dstv1, etv0, etv1, srows0, srows1, sebuf0, sebuf1,
                sem0, sem1):
    dstv = (dstv0, dstv1)
    etv = (etv0, etv1)
    srows = (srows0, srows1)
    sebuf = (sebuf0, sebuf1)
    sem = (sem0, sem1)
    c = lax.axis_index("c")
    s = lax.axis_index("s")
    per_tile = EP // (NC * NS)
    ebase = (c * NS + s) * per_tile
    iota = lax.iota(jnp.int32, LANES)

    def load(i, b):
        base = ebase + i * CH
        pltpu.sync_copy(dst_h.at[pl.ds(base, CH)], dstv[b])
        pltpu.sync_copy(et_h.at[pl.ds(base, CH)], etv[b])
        pltpu.async_copy(s_h.at[dstv[b]], srows[b], sem[b])

    def extract_store(i, b):
        pltpu.make_async_copy(s_h.at[dstv[b]], srows[b], sem[b]).wait()

        @pl.loop(0, CH // LANES)
        def _group(g):
            o = pl.multiple_of(g * LANES, LANES)
            tv = etv[b][pl.ds(o, LANES)]
            sebuf[b][pl.ds(o, LANES)] = plsc.load_gather(srows[b], [o + iota, tv])

        base = ebase + i * CH
        pltpu.sync_copy(sebuf[b], se_h.at[pl.ds(base, CH)])

    @pl.loop(0, per_tile // (2 * CH))
    def _pair(it):
        i0 = it * 2
        load(i0, 0)
        load(i0 + 1, 1)
        extract_store(i0, 0)
        extract_store(i0 + 1, 1)


_sedge_kernel = pl.kernel(
    _sedge_body,
    out_type=jax.ShapeDtypeStruct((EP,), jnp.float32),
    mesh=_MESH,
    scratch_types=[
        pltpu.VMEM((CH,), jnp.int32),
        pltpu.VMEM((CH,), jnp.int32),
        pltpu.VMEM((CH,), jnp.int32),
        pltpu.VMEM((CH,), jnp.int32),
        pltpu.VMEM((CH, 16), jnp.float32),
        pltpu.VMEM((CH, 16), jnp.float32),
        pltpu.VMEM((CH,), jnp.float32),
        pltpu.VMEM((CH,), jnp.float32),
        pltpu.SemaphoreType.DMA,
        pltpu.SemaphoreType.DMA,
    ],
    compiler_params=_SC_PARAMS,
)


def _agg_body(W, dim_split, src_h, dst_h, et_h, x0_h, x1_h, se_h, z_h,
              y0_h, y1_h,
              srcv0, srcv1, dstv0, dstv1, etv0, etv1, gidx0, gidx1,
              sebuf0, sebuf1, rows0, rows1, acc, semx0, semx1):
    srcv = (srcv0, srcv1)
    dstv = (dstv0, dstv1)
    etv = (etv0, etv1)
    gidx = (gidx0, gidx1)
    sebuf = (sebuf0, sebuf1)
    rows = (rows0, rows1)
    semx = (semx0, semx1)
    c = lax.axis_index("c")
    s = lax.axis_index("s")
    rbase = pl.multiple_of(s * TILE_ROWS, 8)
    rows_sl = pl.ds(rbase, TILE_ROWS)
    pltpu.sync_copy(z_h.at[rows_sl], acc.at[rows_sl])
    plsc.subcore_barrier()

    if dim_split:
        per_tile = EP // NS
        ebase = s * per_tile
    else:
        per_tile = EP // (NC * NS)
        ebase = (c * NS + s) * per_tile
    iota = lax.iota(jnp.int32, LANES)

    def load_linear(i, b):
        base = ebase + i * CHA
        pltpu.sync_copy(src_h.at[pl.ds(base, CHA)], srcv[b])
        pltpu.sync_copy(dst_h.at[pl.ds(base, CHA)], dstv[b])
        pltpu.sync_copy(et_h.at[pl.ds(base, CHA)], etv[b])
        pltpu.sync_copy(se_h.at[pl.ds(base, CHA)], sebuf[b])

        @pl.loop(0, CHA // LANES)
        def _mkidx(g):
            o = pl.multiple_of(g * LANES, LANES)
            gidx[b][pl.ds(o, LANES)] = (
                etv[b][pl.ds(o, LANES)] * N + srcv[b][pl.ds(o, LANES)]
            )

    def wait_gather(b):
        pltpu.make_async_copy(x0_h.at[gidx[b]], rows[b], semx[b]).wait()

    def scale_scatter(b):
        @pl.loop(0, CHA // LANES)
        def _scale(g):
            o = pl.multiple_of(g * LANES, LANES)
            sval = sebuf[b][pl.ds(o, LANES)]
            for j in range(LANES):
                sj = _lane_splat(sval, j)
                for q in range(W // LANES):
                    qs = pl.ds(q * LANES, LANES)
                    rows[b][o + j, qs] = rows[b][o + j, qs] * sj

        pltpu.sync_copy(rows[b], acc.at[dstv[b]], add=True)

    def start(b):
        if dim_split:
            @pl.when(c == 0)
            def _():
                pltpu.async_copy(x0_h.at[gidx[b]], rows[b], semx[b])

            @pl.when(c == 1)
            def _():
                pltpu.async_copy(x1_h.at[gidx[b]], rows[b], semx[b])
        else:
            pltpu.async_copy(x0_h.at[gidx[b]], rows[b], semx[b])

    npairs = per_tile // (2 * CHA)
    load_linear(0, 0)
    start(0)

    @pl.loop(0, npairs)
    def _pair(it):
        i0 = it * 2
        load_linear(i0 + 1, 1)
        wait_gather(0)
        start(1)
        scale_scatter(0)

        @pl.when(it + 1 < npairs)
        def _prefetch():
            load_linear(i0 + 2, 0)
            start(0)

        wait_gather(1)
        scale_scatter(1)

    plsc.subcore_barrier()

    @pl.when(c == 0)
    def _():
        pltpu.sync_copy(acc.at[rows_sl], y0_h.at[rows_sl])

    @pl.when(c == 1)
    def _():
        pltpu.sync_copy(acc.at[rows_sl], y1_h.at[rows_sl])


def _make_agg_kernel(W, dim_split):
    return pl.kernel(
        functools.partial(_agg_body, W, dim_split),
        out_type=[
            jax.ShapeDtypeStruct((NP, W), jnp.float32),
            jax.ShapeDtypeStruct((NP, W), jnp.float32),
        ],
        mesh=_MESH,
        scratch_types=(
            [pltpu.VMEM((CHA,), jnp.int32)] * 8
            + [pltpu.VMEM((CHA,), jnp.float32)] * 2
            + [pltpu.VMEM((CHA, W), jnp.float32)] * 2
            + [
                pltpu.VMEM_SHARED((NP, W), jnp.float32),
                pltpu.SemaphoreType.DMA,
                pltpu.SemaphoreType.DMA,
            ]
        ),
        compiler_params=_SC_PARAMS,
    )


_agg_l1 = _make_agg_kernel(32, True)
_agg_l2 = _make_agg_kernel(32, False)


_BN = 2000


def _xt2_body(x_ref, w_ref, x0_ref, x1_ref):
    p = jnp.dot(x_ref[...], w_ref[0], preferred_element_type=jnp.float32)
    half = p.shape[1] // 2
    x0_ref[...] = p[:, :half]
    x1_ref[...] = p[:, half:]


def _xt1_body(x_ref, w_ref, x0_ref):
    x0_ref[...] = jnp.dot(x_ref[...], w_ref[0],
                          preferred_element_type=jnp.float32)


def _xtables(x, w, dout, split):
    nb = N // _BN
    wout = dout // 2 if split else dout
    nout = 2 if split else 1
    out_spec = pl.BlockSpec((_BN, wout), lambda t, i: (t * (N // _BN) + i, 0))
    res = pl.pallas_call(
        _xt2_body if split else _xt1_body,
        grid=(R, nb),
        in_specs=[
            pl.BlockSpec((_BN, x.shape[1]), lambda t, i: (i, 0)),
            pl.BlockSpec((1, w.shape[1], dout), lambda t, i: (t, 0, 0)),
        ],
        out_specs=[out_spec] * nout,
        out_shape=[jax.ShapeDtypeStruct((R * N, wout), jnp.float32)] * nout,
    )(x, w)
    return res


def _recip_body(c0_ref, c1_ref, s_ref):
    s_ref[...] = 1.0 / jnp.clip(c0_ref[...] + c1_ref[...], 1.0, None)


def _recip(cnt0, cnt1):
    r = pl.pallas_call(
        _recip_body,
        out_shape=jax.ShapeDtypeStruct((NP * 16 // 128, 128), jnp.float32),
    )(cnt0.reshape(NP * 16 // 128, 128), cnt1.reshape(NP * 16 // 128, 128))
    return r.reshape(NP, 16)


def _dense_body(act, concat, x_ref, r_ref, b_ref, y0_ref, y1_ref, o_ref):
    t = jnp.dot(x_ref[...], r_ref[...], preferred_element_type=jnp.float32)
    if concat:
        t = t + b_ref[...] + jnp.concatenate([y0_ref[...], y1_ref[...]], axis=1)
    else:
        t = t + b_ref[...] + y0_ref[...] + y1_ref[...]
    o_ref[...] = act(t)


def _dense(x, root, b, y0, y1, act, concat):
    dout = root.shape[1]
    w = dout // 2 if concat else dout
    nb = N // _BN
    return pl.pallas_call(
        functools.partial(_dense_body, act, concat),
        grid=(nb,),
        in_specs=[
            pl.BlockSpec((_BN, x.shape[1]), lambda i: (i, 0)),
            pl.BlockSpec(root.shape, lambda i: (0, 0)),
            pl.BlockSpec((1, dout), lambda i: (0, 0)),
            pl.BlockSpec((_BN, w), lambda i: (i, 0)),
            pl.BlockSpec((_BN, w), lambda i: (i, 0)),
        ],
        out_specs=pl.BlockSpec((_BN, dout), lambda i: (i, 0)),
        out_shape=jax.ShapeDtypeStruct((N, dout), jnp.float32),
    )(x, root, b.reshape(1, dout), y0, y1)


def kernel(emb, w1, root1, b1, w2, root2, b2, edge_index, edge_type):
    pad = EP - E
    src = jnp.concatenate([edge_index[0], jnp.zeros((pad,), jnp.int32)])
    dst = jnp.concatenate([edge_index[1], jnp.full((pad,), DUMP, jnp.int32)])
    et = jnp.concatenate([edge_type, jnp.zeros((pad,), jnp.int32)])

    z16 = jnp.zeros((NP, 16), jnp.float32)
    z32 = jnp.zeros((NP, 32), jnp.float32)

    cnt0, cnt1 = _count_kernel(dst, et, z16)
    s_tab = _recip(cnt0, cnt1)
    s_e = _sedge_kernel(dst, et, s_tab)

    x10, x11 = _xtables(emb, w1, H, True)
    y10, y11 = _agg_l1(src, dst, et, x10, x11, s_e, z32)
    h = _dense(emb, root1, b1, y10[:N], y11[:N],
               lambda v: jnp.maximum(v, 0.0), True)

    (x2,) = _xtables(h, w2, O, False)
    y20, y21 = _agg_l2(src, dst, et, x2, x2, s_e, z32)
    out = _dense(h, root2, b2, y20[:N], y21[:N], jax.nn.sigmoid, False)
    return out

# --- scband reference (transcript-rebuilt; emitter-appended) ---
"""Pipeline reference for scband-attention-layers-81836306858151 (READ-ONLY COPY).

The authoritative reference and input builder live on the scoring server;
editing this copy changes nothing except your own understanding.
"""

import jax, jax.numpy as jnp
import numpy as np

NUM_NODES = 50000
NUM_EDGES = 800000
NUM_RELATIONS = 8
EMBED_DIM = 64
HIDDEN_L = 64
NUM_LABELS = 32


def setup_inputs(seed: int = 0) -> dict:
    key = jax.random.key(seed)
    ks = jax.random.split(key, 10)
    edge_index = jax.random.randint(ks[0], (2, NUM_EDGES), 0, NUM_NODES, dtype=jnp.int64 if jax.config.jax_enable_x64 else jnp.int32).astype(jnp.int32)
    edge_type = jax.random.randint(ks[1], (NUM_EDGES,), 0, NUM_RELATIONS).astype(jnp.int32)
    emb = jax.random.normal(ks[2], (NUM_NODES, EMBED_DIM), dtype=jnp.float32)
    # kaiming-uniform-ish init for relation weights
    bound1 = float(np.sqrt(6.0 / EMBED_DIM))
    w1 = jax.random.uniform(ks[3], (NUM_RELATIONS, EMBED_DIM, HIDDEN_L), minval=-bound1, maxval=bound1, dtype=jnp.float32)
    root1 = jax.random.uniform(ks[4], (EMBED_DIM, HIDDEN_L), minval=-bound1, maxval=bound1, dtype=jnp.float32)
    b1 = jnp.zeros((HIDDEN_L,), dtype=jnp.float32)
    bound2 = float(np.sqrt(6.0 / HIDDEN_L))
    w2 = jax.random.uniform(ks[5], (NUM_RELATIONS, HIDDEN_L, NUM_LABELS), minval=-bound2, maxval=bound2, dtype=jnp.float32)
    root2 = jax.random.uniform(ks[6], (HIDDEN_L, NUM_LABELS), minval=-bound2, maxval=bound2, dtype=jnp.float32)
    b2 = jnp.zeros((NUM_LABELS,), dtype=jnp.float32)
    return {"emb": emb, "w1": w1, "root1": root1, "b1": b1,
            "w2": w2, "root2": root2, "b2": b2,
            "edge_index": edge_index, "edge_type": edge_type}


def _rgcn_conv(x, weight, root, bias, edge_index, edge_type, num_relations, num_nodes):
    # PyG RGCNConv (non-decomposed): mean aggregation per relation, summed across relations,
    # plus root/self-loop transform and bias.
    src = edge_index[0]
    dst = edge_index[1]
    out = x @ root + bias
    x_src = jnp.take(x, src, axis=0)  # gather [E, d_in]
    for r in range(num_relations):
        mask = (edge_type == r)
        msg = x_src @ weight[r]  # [E, d_out]
        msg = jnp.where(mask[:, None], msg, 0.0)
        summed = jax.ops.segment_sum(msg, dst, num_segments=num_nodes)
        count = jax.ops.segment_sum(mask.astype(x.dtype), dst, num_segments=num_nodes)
        out = out + summed / jnp.clip(count, 1.0, None)[:, None]
    return out


def reference(emb, w1, root1, b1, w2, root2, b2, edge_index, edge_type):
    x = _rgcn_conv(emb, w1, root1, b1, edge_index, edge_type, NUM_RELATIONS, NUM_NODES)
    x = jax.nn.relu(x)
    x = _rgcn_conv(x, w2, root2, b2, edge_index, edge_type, NUM_RELATIONS, NUM_NODES)
    x = jax.nn.sigmoid(x)
    return x

if __name__ == "__main__":
    import jax
    _d = setup_inputs()
    print(jax.jit(kernel)(*tuple(_d.values())))

</pallas_src>

<mosaic_0001>
#map = affine_map<(d0, d1) -> (0)>
#map1 = affine_map<(d0, d1) -> (0, 0)>
module attributes {stable_mosaic.version = 14 : i64} {
  func.func @_agg_body(%arg0: i32, %arg1: i32, %arg2: memref<819200xi32, #tpu.memory_space<hbm>>, %arg3: memref<819200xi32, #tpu.memory_space<hbm>>, %arg4: memref<819200xi32, #tpu.memory_space<hbm>>, %arg5: memref<400000x32xf32, #tpu.memory_space<hbm>>, %arg6: memref<400000x32xf32, #tpu.memory_space<hbm>>, %arg7: memref<819200xf32, #tpu.memory_space<hbm>>, %arg8: memref<50048x32xf32, #tpu.memory_space<hbm>>, %arg9: memref<50048x32xf32, #tpu.memory_space<hbm>>, %arg10: memref<50048x32xf32, #tpu.memory_space<hbm>>, %arg11: memref<400xi32, #tpu.memory_space<vmem>>, %arg12: memref<400xi32, #tpu.memory_space<vmem>>, %arg13: memref<400xi32, #tpu.memory_space<vmem>>, %arg14: memref<400xi32, #tpu.memory_space<vmem>>, %arg15: memref<400xi32, #tpu.memory_space<vmem>>, %arg16: memref<400xi32, #tpu.memory_space<vmem>>, %arg17: memref<400xi32, #tpu.memory_space<vmem>>, %arg18: memref<400xi32, #tpu.memory_space<vmem>>, %arg19: memref<400xf32, #tpu.memory_space<vmem>>, %arg20: memref<400xf32, #tpu.memory_space<vmem>>, %arg21: memref<400x32xf32, #tpu.memory_space<vmem>>, %arg22: memref<400x32xf32, #tpu.memory_space<vmem>>, %arg23: memref<50048x32xf32, #tpu.memory_space<vmem_shared>>, %arg24: memref<!tpu.dma_semaphore, #tpu.memory_space<semaphore_mem>>, %arg25: memref<!tpu.dma_semaphore, #tpu.memory_space<semaphore_mem>>) attributes {dimension_semantics = [#tpu.dimension_semantics<core_parallel>, #tpu.dimension_semantics<subcore_parallel>], iteration_bounds = array<i64: 2, 16>, scalar_prefetch = 0 : i64, scratch_operands = 15 : i64, tpu.core_type = #tpu.core_type<sc_vector_subcore>, window_params = [{transform_indices = #map}, {transform_indices = #map}, {transform_indices = #map}, {transform_indices = #map1}, {transform_indices = #map1}, {transform_indices = #map}, {transform_indices = #map1}, {transform_indices = #map1}, {transform_indices = #map1}]} {
    %mul3A = arith.constant 3128 : i32
    %mul3A_0 = arith.muli %arg1, %mul3A : i32
    %multiple_of3A = tpu.assume_multiple %mul3A_0, 8 : i32
    "tpu.region"() ({
      %run_scoped3A = tpu.sem_alloc : memref<!tpu.dma_semaphore, #tpu.memory_space<semaphore_mem>>
      %dma_start3A_26 = arith.constant 0 : i32
      %dma_start3A_27 = tpu.memref_slice %arg23[%multiple_of3A, %dma_start3A_26] : memref<50048x32xf32, #tpu.memory_space<vmem_shared>> -> memref<3128x32xf32, #tpu.memory_space<vmem_shared>>
      %dma_start3A_28 = arith.constant 0 : i32
      %dma_start3A_29 = tpu.memref_slice %arg8[%multiple_of3A, %dma_start3A_28] : memref<50048x32xf32, #tpu.memory_space<hbm>> -> memref<3128x32xf32, #tpu.memory_space<hbm>>
      tpu.enqueue_dma source(%dma_start3A_29 : memref<3128x32xf32, #tpu.memory_space<hbm>>) target(%dma_start3A_27 : memref<3128x32xf32, #tpu.memory_space<vmem_shared>>) target_semaphore(%run_scoped3A : memref<!tpu.dma_semaphore, #tpu.memory_space<semaphore_mem>>)
      %dma_wait3A = arith.constant 0 : i32
      %dma_wait3A_30 = tpu.memref_slice %arg23[%multiple_of3A, %dma_wait3A] : memref<50048x32xf32, #tpu.memory_space<vmem_shared>> -> memref<3128x32xf32, #tpu.memory_space<vmem_shared>>
      %dma_wait3A_31 = arith.constant 0 : i32
      %dma_wait3A_32 = tpu.memref_slice %arg8[%multiple_of3A, %dma_wait3A_31] : memref<50048x32xf32, #tpu.memory_space<hbm>> -> memref<3128x32xf32, #tpu.memory_space<hbm>>
      tpu.wait_dma2 semaphore(%run_scoped3A : memref<!tpu.dma_semaphore, #tpu.memory_space<semaphore_mem>>) src(%dma_wait3A_32 : memref<3128x32xf32, #tpu.memory_space<hbm>>) dst(%dma_wait3A_30 : memref<3128x32xf32, #tpu.memory_space<vmem_shared>>)
      tpu.yield
    }) : () -> ()
    %barrier3A = arith.constant 0 : index
    tpu.barrier barrier_id(%barrier3A)
    %mul3A_1 = arith.constant 16 : i32
    %mul3A_2 = arith.muli %arg0, %mul3A_1 : i32
    %add3A = arith.addi %mul3A_2, %arg1 : i32
    %mul3A_3 = arith.constant 25600 : i32
    %mul3A_4 = arith.muli %add3A, %mul3A_3 : i32
    %iota3A = tpu.iota {dimensions = array<i32: 0>} : vector<16xi32>
    %add3A_5 = arith.constant 0 : i32
    %add3A_6 = arith.addi %mul3A_4, %add3A_5 : i32
    "tpu.region"() ({
      %run_scoped3A = tpu.sem_alloc : memref<!tpu.dma_semaphore, #tpu.memory_space<semaphore_mem>>
      %dma_start3A_26 = tpu.memref_slice %arg2[%add3A_6] : memref<819200xi32, #tpu.memory_space<hbm>> -> memref<400xi32, #tpu.memory_space<hbm>>
      %dma_start3A_27 = tpu.memref_slice %arg2[%add3A_6] : memref<819200xi32, #tpu.memory_space<hbm>> -> memref<400xi32, #tpu.memory_space<hbm>>
      tpu.enqueue_dma source(%dma_start3A_27 : memref<400xi32, #tpu.memory_space<hbm>>) target(%arg11 : memref<400xi32, #tpu.memory_space<vmem>>) target_semaphore(%run_scoped3A : memref<!tpu.dma_semaphore, #tpu.memory_space<semaphore_mem>>)
      %dma_wait3A = tpu.memref_slice %arg2[%add3A_6] : memref<819200xi32, #tpu.memory_space<hbm>> -> memref<400xi32, #tpu.memory_space<hbm>>
      %dma_wait3A_28 = tpu.memref_slice %arg2[%add3A_6] : memref<819200xi32, #tpu.memory_space<hbm>> -> memref<400xi32, #tpu.memory_space<hbm>>
      tpu.wait_dma2 semaphore(%run_scoped3A : memref<!tpu.dma_semaphore, #tpu.memory_space<semaphore_mem>>) src(%dma_wait3A_28 : memref<400xi32, #tpu.memory_space<hbm>>) dst(%arg11 : memref<400xi32, #tpu.memory_space<vmem>>)
      tpu.yield
    }) : () -> ()
    "tpu.region"() ({
      %run_scoped3A = tpu.sem_alloc : memref<!tpu.dma_semaphore, #tpu.memory_space<semaphore_mem>>
      %dma_start3A_26 = tpu.memref_slice %arg3[%add3A_6] : memref<819200xi32, #tpu.memory_space<hbm>> -> memref<400xi32, #tpu.memory_space<hbm>>
      %dma_start3A_27 = tpu.memref_slice %arg3[%add3A_6] : memref<819200xi32, #tpu.memory_space<hbm>> -> memref<400xi32, #tpu.memory_space<hbm>>
      tpu.enqueue_dma source(%dma_start3A_27 : memref<400xi32, #tpu.memory_space<hbm>>) target(%arg13 : memref<400xi32, #tpu.memory_space<vmem>>) target_semaphore(%run_scoped3A : memref<!tpu.dma_semaphore, #tpu.memory_space<semaphore_mem>>)
      %dma_wait3A = tpu.memref_slice %arg3[%add3A_6] : memref<819200xi32, #tpu.memory_space<hbm>> -> memref<400xi32, #tpu.memory_space<hbm>>
      %dma_wait3A_28 = tpu.memref_slice %arg3[%add3A_6] : memref<819200xi32, #tpu.memory_space<hbm>> -> memref<400xi32, #tpu.memory_space<hbm>>
      tpu.wait_dma2 semaphore(%run_scoped3A : memref<!tpu.dma_semaphore, #tpu.memory_space<semaphore_mem>>) src(%dma_wait3A_28 : memref<400xi32, #tpu.memory_space<hbm>>) dst(%arg13 : memref<400xi32, #tpu.memory_space<vmem>>)
      tpu.yield
    }) : () -> ()
    "tpu.region"() ({
      %run_scoped3A = tpu.sem_alloc : memref<!tpu.dma_semaphore, #tpu.memory_space<semaphore_mem>>
      %dma_start3A_26 = tpu.memref_slice %arg4[%add3A_6] : memref<819200xi32, #tpu.memory_space<hbm>> -> memref<400xi32, #tpu.memory_space<hbm>>
      %dma_start3A_27 = tpu.memref_slice %arg4[%add3A_6] : memref<819200xi32, #tpu.memory_space<hbm>> -> memref<400xi32, #tpu.memory_space<hbm>>
      tpu.enqueue_dma source(%dma_start3A_27 : memref<400xi32, #tpu.memory_space<hbm>>) target(%arg15 : memref<400xi32, #tpu.memory_space<vmem>>) target_semaphore(%run_scoped3A : memref<!tpu.dma_semaphore, #tpu.memory_space<semaphore_mem>>)
      %dma_wait3A = tpu.memref_slice %arg4[%add3A_6] : memref<819200xi32, #tpu.memory_space<hbm>> -> memref<400xi32, #tpu.memory_space<hbm>>
      %dma_wait3A_28 = tpu.memref_slice %arg4[%add3A_6] : memref<819200xi32, #tpu.memory_space<hbm>> -> memref<400xi32, #tpu.memory_space<hbm>>
      tpu.wait_dma2 semaphore(%run_scoped3A : memref<!tpu.dma_semaphore, #tpu.memory_space<semaphore_mem>>) src(%dma_wait3A_28 : memref<400xi32, #tpu.memory_space<hbm>>) dst(%arg15 : memref<400xi32, #tpu.memory_space<vmem>>)
      tpu.yield
    }) : () -> ()
    "tpu.region"() ({
      %run_scoped3A = tpu.sem_alloc : memref<!tpu.dma_semaphore, #tpu.memory_space<semaphore_mem>>
      %dma_start3A_26 = tpu.memref_slice %arg7[%add3A_6] : memref<819200xf32, #tpu.memory_space<hbm>> -> memref<400xf32, #tpu.memory_space<hbm>>
      %dma_start3A_27 = tpu.memref_slice %arg7[%add3A_6] : memref<819200xf32, #tpu.memory_space<hbm>> -> memref<400xf32, #tpu.memory_space<hbm>>
      tpu.enqueue_dma source(%dma_start3A_27 : memref<400xf32, #tpu.memory_space<hbm>>) target(%arg19 : memref<400xf32, #tpu.memory_space<vmem>>) target_semaphore(%run_scoped3A : memref<!tpu.dma_semaphore, #tpu.memory_space<semaphore_mem>>)
      %dma_wait3A = tpu.memref_slice %arg7[%add3A_6] : memref<819200xf32, #tpu.memory_space<hbm>> -> memref<400xf32, #tpu.memory_space<hbm>>
      %dma_wait3A_28 = tpu.memref_slice %arg7[%add3A_6] : memref<819200xf32, #tpu.memory_space<hbm>> -> memref<400xf32, #tpu.memory_space<hbm>>
      tpu.wait_dma2 semaphore(%run_scoped3A : memref<!tpu.dma_semaphore, #tpu.memory_space<semaphore_mem>>) src(%dma_wait3A_28 : memref<400xf32, #tpu.memory_space<hbm>>) dst(%arg19 : memref<400xf32, #tpu.memory_space<vmem>>)
      tpu.yield
    }) : () -> ()
    %scan3A = arith.constant 0 : i32
    %scan3A_7 = arith.constant 25 : i32
    %scan3A_8 = arith.addi %scan3A, %scan3A_7 : i32
    %scan3A_9 = arith.constant 1 : i32
    scf.for %scan3A_26 = %scan3A to %scan3A_8 step %scan3A_9  : i32 {
      %mul3A_27 = arith.constant 1 : i32
      %mul3A_28 = arith.muli %scan3A_26, %mul3A_27 : i32
      %add3A_29 = arith.constant 0 : i32
      %add3A_30 = arith.addi %add3A_29, %mul3A_28 : i32
      %mul3A_31 = arith.constant 16 : i32
      %mul3A_32 = arith.muli %add3A_30, %mul3A_31 : i32
      %multiple_of3A_33 = tpu.assume_multiple %mul3A_32, 16 : i32
      %get3A = arith.index_cast %multiple_of3A_33 : i32 to index
      %get3A_34 = tpu.vector_load %arg15[%get3A] {strides = array<i32>} : memref<400xi32, #tpu.memory_space<vmem>>, vector<16xi32>,
      %mul3A_35 = arith.constant 50000 : i32
      %mul3A_36 = vector.broadcast %mul3A_35 : i32 to vector<16xi32>
      %mul3A_37 = arith.muli %get3A_34, %mul3A_36 : vector<16xi32>
      %get3A_38 = arith.index_cast %multiple_of3A_33 : i32 to index
      %get3A_39 = tpu.vector_load %arg11[%get3A_38] {strides = array<i32>} : memref<400xi32, #tpu.memory_space<vmem>>, vector<16xi32>,
      %add3A_40 = arith.addi %mul3A_37, %get3A_39 : vector<16xi32>
      %swap3A = arith.index_cast %multiple_of3A_33 : i32 to index
      %swap3A_41 = tpu.vector_load %arg17[%swap3A] {strides = array<i32>} : memref<400xi32, #tpu.memory_space<vmem>>, vector<16xi32>,
      tpu.vector_store %arg17[%swap3A], %add3A_40 {strides = array<i32>} : memref<400xi32, #tpu.memory_space<vmem>>, vector<16xi32>,
    }
    %scan3A_10 = arith.constant 25 : i32
    %dma_start3A = arith.constant 0 : i32
    %dma_start3A_11 = arith.constant 0 : i32
    %dma_start3A_12 = tpu.memref_slice %arg5[%dma_start3A, %dma_start3A_11] : memref<400000x32xf32, #tpu.memory_space<hbm>> -> memref<400000x32xf32, #tpu.memory_space<hbm>>
    tpu.enqueue_indirect_dma source(%dma_start3A_12 : memref<400000x32xf32, #tpu.memory_space<hbm>>) target(%arg21 : memref<400x32xf32, #tpu.memory_space<vmem>>) offsets(%arg17 : memref<400xi32, #tpu.memory_space<vmem>>) semaphore(%arg24 : memref<!tpu.dma_semaphore, #tpu.memory_space<semaphore_mem>>)
    %scan3A_13 = arith.constant 0 : i32
    %scan3A_14 = arith.constant 32 : i32
    %scan3A_15 = arith.addi %scan3A_13, %scan3A_14 : i32
    %scan3A_16 = arith.constant 1 : i32
    scf.for %scan3A_26 = %scan3A_13 to %scan3A_15 step %scan3A_16  : i32 {
      %mul3A_27 = arith.constant 1 : i32
      %mul3A_28 = arith.muli %scan3A_26, %mul3A_27 : i32
      %add3A_29 = arith.constant 0 : i32
      %add3A_30 = arith.addi %add3A_29, %mul3A_28 : i32
      %mul3A_31 = arith.constant 2 : i32
      %mul3A_32 = arith.muli %add3A_30, %mul3A_31 : i32
      %add3A_33 = arith.constant 1 : i32
      %add3A_34 = arith.addi %mul3A_32, %add3A_33 : i32
      %mul3A_35 = arith.constant 400 : i32
      %mul3A_36 = arith.muli %add3A_34, %mul3A_35 : i32
      %add3A_37 = arith.addi %mul3A_4, %mul3A_36 : i32
      "tpu.region"() ({
        %run_scoped3A = tpu.sem_alloc : memref<!tpu.dma_semaphore, #tpu.memory_space<semaphore_mem>>
        %dma_start3A_67 = tpu.memref_slice %arg2[%add3A_37] : memref<819200xi32, #tpu.memory_space<hbm>> -> memref<400xi32, #tpu.memory_space<hbm>>
        %dma_start3A_68 = tpu.memref_slice %arg2[%add3A_37] : memref<819200xi32, #tpu.memory_space<hbm>> -> memref<400xi32, #tpu.memory_space<hbm>>
        tpu.enqueue_dma source(%dma_start3A_68 : memref<400xi32, #tpu.memory_space<hbm>>) target(%arg12 : memref<400xi32, #tpu.memory_space<vmem>>) target_semaphore(%run_scoped3A : memref<!tpu.dma_semaphore, #tpu.memory_space<semaphore_mem>>)
        %dma_wait3A_69 = tpu.memref_slice %arg2[%add3A_37] : memref<819200xi32, #tpu.memory_space<hbm>> -> memref<400xi32, #tpu.memory_space<hbm>>
        %dma_wait3A_70 = tpu.memref_slice %arg2[%add3A_37] : memref<819200xi32, #tpu.memory_space<hbm>> -> memref<400xi32, #tpu.memory_space<hbm>>
        tpu.wait_dma2 semaphore(%run_scoped3A : memref<!tpu.dma_semaphore, #tpu.memory_space<semaphore_mem>>) src(%dma_wait3A_70 : memref<400xi32, #tpu.memory_space<hbm>>) dst(%arg12 : memref<400xi32, #tpu.memory_space<vmem>>)
        tpu.yield
      }) : () -> ()
      "tpu.region"() ({
        %run_scoped3A = tpu.sem_alloc : memref<!tpu.dma_semaphore, #tpu.memory_space<semaphore_mem>>
        %dma_start3A_67 = tpu.memref_slice %arg3[%add3A_37] : memref<819200xi32, #tpu.memory_space<hbm>> -> memref<400xi32, #tpu.memory_space<hbm>>
        %dma_start3A_68 = tpu.memref_slice %arg3[%add3A_37] : memref<819200xi32, #tpu.memory_space<hbm>> -> memref<400xi32, #tpu.memory_space<hbm>>
        tpu.enqueue_dma source(%dma_start3A_68 : memref<400xi32, #tpu.memory_space<hbm>>) target(%arg14 : memref<400xi32, #tpu.memory_space<vmem>>) target_semaphore(%run_scoped3A : memref<!tpu.dma_semaphore, #tpu.memory_space<semaphore_mem>>)
        %dma_wait3A_69 = tpu.memref_slice %arg3[%add3A_37] : memref<819200xi32, #tpu.memory_space<hbm>> -> memref<400xi32, #tpu.memory_space<hbm>>
        %dma_wait3A_70 = tpu.memref_slice %arg3[%add3A_37] : memref<819200xi32, #tpu.memory_space<hbm>> -> memref<400xi32, #tpu.memory_space<hbm>>
        tpu.wait_dma2 semaphore(%run_scoped3A : memref<!tpu.dma_semaphore, #tpu.memory_space<semaphore_mem>>) src(%dma_wait3A_70 : memref<400xi32, #tpu.memory_space<hbm>>) dst(%arg14 : memref<400xi32, #tpu.memory_space<vmem>>)
        tpu.yield
      }) : () -> ()
      "tpu.region"() ({
        %run_scoped3A = tpu.sem_alloc : memref<!tpu.dma_semaphore, #tpu.memory_space<semaphore_mem>>
        %dma_start3A_67 = tpu.memref_slice %arg4[%add3A_37] : memref<819200xi32, #tpu.memory_space<hbm>> -> memref<400xi32, #tpu.memory_space<hbm>>
        %dma_start3A_68 = tpu.memref_slice %arg4[%add3A_37] : memref<819200xi32, #tpu.memory_space<hbm>> -> memref<400xi32, #tpu.memory_space<hbm>>
        tpu.enqueue_dma source(%dma_start3A_68 : memref<400xi32, #tpu.memory_space<hbm>>) target(%arg16 : memref<400xi32, #tpu.memory_space<vmem>>) target_semaphore(%run_scoped3A : memref<!tpu.dma_semaphore, #tpu.memory_space<semaphore_mem>>)
        %dma_wait3A_69 = tpu.memref_slice %arg4[%add3A_37] : memref<819200xi32, #tpu.memory_space<hbm>> -> memref<400xi32, #tpu.memory_space<hbm>>
        %dma_wait3A_70 = tpu.memref_slice %arg4[%add3A_37] : memref<819200xi32, #tpu.memory_space<hbm>> -> memref<400xi32, #tpu.memory_space<hbm>>
        tpu.wait_dma2 semaphore(%run_scoped3A : memref<!tpu.dma_semaphore, #tpu.memory_space<semaphore_mem>>) src(%dma_wait3A_70 : memref<400xi32, #tpu.memory_space<hbm>>) dst(%arg16 : memref<400xi32, #tpu.memory_space<vmem>>)
        tpu.yield
      }) : () -> ()
      "tpu.region"() ({
        %run_scoped3A = tpu.sem_alloc : memref<!tpu.dma_semaphore, #tpu.memory_space<semaphore_mem>>
        %dma_start3A_67 = tpu.memref_slice %arg7[%add3A_37] : memref<819200xf32, #tpu.memory_space<hbm>> -> memref<400xf32, #tpu.memory_space<hbm>>
        %dma_start3A_68 = tpu.memref_slice %arg7[%add3A_37] : memref<819200xf32, #tpu.memory_space<hbm>> -> memref<400xf32, #tpu.memory_space<hbm>>
        tpu.enqueue_dma source(%dma_start3A_68 : memref<400xf32, #tpu.memory_space<hbm>>) target(%arg20 : memref<400xf32, #tpu.memory_space<vmem>>) target_semaphore(%run_scoped3A : memref<!tpu.dma_semaphore, #tpu.memory_space<semaphore_mem>>)
        %dma_wait3A_69 = tpu.memref_slice %arg7[%add3A_37] : memref<819200xf32, #tpu.memory_space<hbm>> -> memref<400xf32, #tpu.memory_space<hbm>>
        %dma_wait3A_70 = tpu.memref_slice %arg7[%add3A_37] : memref<819200xf32, #tpu.memory_space<hbm>> -> memref<400xf32, #tpu.memory_space<hbm>>
        tpu.wait_dma2 semaphore(%run_scoped3A : memref<!tpu.dma_semaphore, #tpu.memory_space<semaphore_mem>>) src(%dma_wait3A_70 : memref<400xf32, #tpu.memory_space<hbm>>) dst(%arg20 : memref<400xf32, #tpu.memory_space<vmem>>)
        tpu.yield
      }) : () -> ()
      %scan3A_38 = arith.constant 0 : i32
      %scan3A_39 = arith.constant 25 : i32
      %scan3A_40 = arith.addi %scan3A_38, %scan3A_39 : i32
      %scan3A_41 = arith.constant 1 : i32
      scf.for %scan3A_67 = %scan3A_38 to %scan3A_40 step %scan3A_41  : i32 {
        %mul3A_68 = arith.constant 1 : i32
        %mul3A_69 = arith.muli %scan3A_67, %mul3A_68 : i32
        %add3A_70 = arith.constant 0 : i32
        %add3A_71 = arith.addi %add3A_70, %mul3A_69 : i32
        %mul3A_72 = arith.constant 16 : i32
        %mul3A_73 = arith.muli %add3A_71, %mul3A_72 : i32
        %multiple_of3A_74 = tpu.assume_multiple %mul3A_73, 16 : i32
        %get3A = arith.index_cast %multiple_of3A_74 : i32 to index
        %get3A_75 = tpu.vector_load %arg16[%get3A] {strides = array<i32>} : memref<400xi32, #tpu.memory_space<vmem>>, vector<16xi32>,
        %mul3A_76 = arith.constant 50000 : i32
        %mul3A_77 = vector.broadcast %mul3A_76 : i32 to vector<16xi32>
        %mul3A_78 = arith.muli %get3A_75, %mul3A_77 : vector<16xi32>
        %get3A_79 = arith.index_cast %multiple_of3A_74 : i32 to index
        %get3A_80 = tpu.vector_load %arg12[%get3A_79] {strides = array<i32>} : memref<400xi32, #tpu.memory_space<vmem>>, vector<16xi32>,
        %add3A_81 = arith.addi %mul3A_78, %get3A_80 : vector<16xi32>
        %swap3A = arith.index_cast %multiple_of3A_74 : i32 to index
        %swap3A_82 = tpu.vector_load %arg18[%swap3A] {strides = array<i32>} : memref<400xi32, #tpu.memory_space<vmem>>, vector<16xi32>,
        tpu.vector_store %arg18[%swap3A], %add3A_81 {strides = array<i32>} : memref<400xi32, #tpu.memory_space<vmem>>, vector<16xi32>,
      }
      %scan3A_42 = arith.constant 25 : i32
      %dma_wait3A = arith.constant 0 : i32
      %dma_wait3A_43 = arith.constant 0 : i32
      %dma_wait3A_44 = tpu.memref_slice %arg5[%dma_wait3A, %dma_wait3A_43] : memref<400000x32xf32, #tpu.memory_space<hbm>> -> memref<400000x32xf32, #tpu.memory_space<hbm>>
      tpu.wait_indirect_dma semaphore(%arg24 : memref<!tpu.dma_semaphore, #tpu.memory_space<semaphore_mem>>) src(%dma_wait3A_44 : memref<400000x32xf32, #tpu.memory_space<hbm>>) dst(%arg21 : memref<400x32xf32, #tpu.memory_space<vmem>>)
      %dma_start3A_45 = arith.constant 0 : i32
      %dma_start3A_46 = arith.constant 0 : i32
      %dma_start3A_47 = tpu.memref_slice %arg5[%dma_start3A_45, %dma_start3A_46] : memref<400000x32xf32, #tpu.memory_space<hbm>> -> memref<400000x32xf32, #tpu.memory_space<hbm>>
      tpu.enqueue_indirect_dma source(%dma_start3A_47 : memref<400000x32xf32, #tpu.memory_space<hbm>>) target(%arg22 : memref<400x32xf32, #tpu.memory_space<vmem>>) offsets(%arg18 : memref<400xi32, #tpu.memory_space<vmem>>) semaphore(%arg25 : memref<!tpu.dma_semaphore, #tpu.memory_space<semaphore_mem>>)
      %scan3A_48 = arith.constant 0 : i32
      %scan3A_49 = arith.constant 25 : i32
      %scan3A_50 = arith.addi %scan3A_48, %scan3A_49 : i32
      %scan3A_51 = arith.constant 1 : i32
      scf.for %scan3A_67 = %scan3A_48 to %scan3A_50 step %scan3A_51  : i32 {
        %mul3A_68 = arith.constant 1 : i32
        %mul3A_69 = arith.muli %scan3A_67, %mul3A_68 : i32
        %add3A_70 = arith.constant 0 : i32
        %add3A_71 = arith.addi %add3A_70, %mul3A_69 : i32
        %mul3A_72 = arith.constant 16 : i32
        %mul3A_73 = arith.muli %add3A_71, %mul3A_72 : i32
        %multiple_of3A_74 = tpu.assume_multiple %mul3A_73, 16 : i32
        %get3A = arith.index_cast %multiple_of3A_74 : i32 to index
        %get3A_75 = tpu.vector_load %arg19[%get3A] {strides = array<i32>} : memref<400xf32, #tpu.memory_space<vmem>>, vector<16xf32>,
        %broadcast_in_dim3A = arith.constant 0 : i32
        %broadcast_in_dim3A_76 = vector.broadcast %broadcast_in_dim3A : i32 to vector<16xi32>
        %lt3A_77 = arith.constant 0 : i32
        %lt3A_78 = vector.broadcast %lt3A_77 : i32 to vector<16xi32>
        %lt3A_79 = arith.cmpi slt, %broadcast_in_dim3A_76, %lt3A_78 : vector<16xi32>
        %add3A_80 = arith.constant 16 : i32
        %add3A_81 = vector.broadcast %add3A_80 : i32 to vector<16xi32>
        %add3A_82 = arith.addi %broadcast_in_dim3A_76, %add3A_81 : vector<16xi32>
        %select_n3A = arith.select %lt3A_79, %add3A_82, %broadcast_in_dim3A_76 : vector<16xi1>, vector<16xi32>
        %broadcast_in_dim3A_83 = vector.shape_cast %select_n3A : vector<16xi32> to vector<16x1xi32>
        %gather3A = vector.shape_cast %broadcast_in_dim3A_83 : vector<16x1xi32> to vector<16xi32>
        %gather3A_84 = tpu.dynamic_gather %get3A_75[%gather3A] in [0] : vector<16xf32>, vector<16xi32> -> vector<16xf32>
        %add3A_85 = arith.constant 0 : i32
        %add3A_86 = arith.addi %multiple_of3A_74, %add3A_85 : i32
        %get3A_87 = arith.index_cast %add3A_86 : i32 to index
        %get3A_88 = arith.constant 0 : index
        %get3A_89 = tpu.vector_load %arg21[%get3A_87, %get3A_88] {strides = array<i32>} : memref<400x32xf32, #tpu.memory_space<vmem>>, vector<16xf32>,
        %mul3A_90 = arith.mulf %get3A_89, %gather3A_84 : vector<16xf32>
        %add3A_91 = arith.constant 0 : i32
        %add3A_92 = arith.addi %multiple_of3A_74, %add3A_91 : i32
        %swap3A = arith.index_cast %add3A_92 : i32 to index
        %swap3A_93 = arith.constant 0 : index
        %swap3A_94 = tpu.vector_load %arg21[%swap3A, %swap3A_93] {strides = array<i32>} : memref<400x32xf32, #tpu.memory_space<vmem>>, vector<16xf32>,
        tpu.vector_store %arg21[%swap3A, %swap3A_93], %mul3A_90 {strides = array<i32>} : memref<400x32xf32, #tpu.memory_space<vmem>>, vector<16xf32>,
        %add3A_95 = arith.constant 0 : i32
        %add3A_96 = arith.addi %multiple_of3A_74, %add3A_95 : i32
        %get3A_97 = arith.index_cast %add3A_96 : i32 to index
        %get3A_98 = arith.constant 16 : index
        %get3A_99 = tpu.vector_load %arg21[%get3A_97, %get3A_98] {strides = array<i32>} : memref<400x32xf32, #tpu.memory_space<vmem>>, vector<16xf32>,
        %mul3A_100 = arith.mulf %get3A_99, %gather3A_84 : vector<16xf32>
        %add3A_101 = arith.constant 0 : i32
        %add3A_102 = arith.addi %multiple_of3A_74, %add3A_101 : i32
        %swap3A_103 = arith.index_cast %add3A_102 : i32 to index
        %swap3A_104 = arith.constant 16 : index
        %swap3A_105 = tpu.vector_load %arg21[%swap3A_103, %swap3A_104] {strides = array<i32>} : memref<400x32xf32, #tpu.memory_space<vmem>>, vector<16xf32>,
        tpu.vector_store %arg21[%swap3A_103, %swap3A_104], %mul3A_100 {strides = array<i32>} : memref<400x32xf32, #tpu.memory_space<vmem>>, vector<16xf32>,
        %broadcast_in_dim3A_106 = arith.constant 1 : i32
        %broadcast_in_dim3A_107 = vector.broadcast %broadcast_in_dim3A_106 : i32 to vector<16xi32>
        %lt3A_108 = arith.constant 0 : i32
        %lt3A_109 = vector.broadcast %lt3A_108 : i32 to vector<16xi32>
        %lt3A_110 = arith.cmpi slt, %broadcast_in_dim3A_107, %lt3A_109 : vector<16xi32>
        %add3A_111 = arith.constant 16 : i32
        %add3A_112 = vector.broadcast %add3A_111 : i32 to vector<16xi32>
        %add3A_113 = arith.addi %broadcast_in_dim3A_107, %add3A_112 : vector<16xi32>
        %select_n3A_114 = arith.select %lt3A_110, %add3A_113, %broadcast_in_dim3A_107 : vector<16xi1>, vector<16xi32>
        %broadcast_in_dim3A_115 = vector.shape_cast %select_n3A_114 : vector<16xi32> to vector<16x1xi32>
        %gather3A_116 = vector.shape_cast %broadcast_in_dim3A_115 : vector<16x1xi32> to vector<16xi32>
        %gather3A_117 = tpu.dynamic_gather %get3A_75[%gather3A_116] in [0] : vector<16xf32>, vector<16xi32> -> vector<16xf32>
        %add3A_118 = arith.constant 1 : i32
        %add3A_119 = arith.addi %multiple_of3A_74, %add3A_118 : i32
        %get3A_120 = arith.index_cast %add3A_119 : i32 to index
        %get3A_121 = arith.constant 0 : index
        %get3A_122 = tpu.vector_load %arg21[%get3A_120, %get3A_121] {strides = array<i32>} : memref<400x32xf32, #tpu.memory_space<vmem>>, vector<16xf32>,
        %mul3A_123 = arith.mulf %get3A_122, %gather3A_117 : vector<16xf32>
        %add3A_124 = arith.constant 1 : i32
        %add3A_125 = arith.addi %multiple_of3A_74, %add3A_124 : i32
        %swap3A_126 = arith.index_cast %add3A_125 : i32 to index
        %swap3A_127 = arith.constant 0 : index
        %swap3A_128 = tpu.vector_load %arg21[%swap3A_126, %swap3A_127] {strides = array<i32>} : memref<400x32xf32, #tpu.memory_space<vmem>>, vector<16xf32>,
        tpu.vector_store %arg21[%swap3A_126, %swap3A_127], %mul3A_123 {strides = array<i32>} : memref<400x32xf32, #tpu.memory_space<vmem>>, vector<16xf32>,
        %add3A_129 = arith.constant 1 : i32
        %add3A_130 = arith.addi %multiple_of3A_74, %add3A_129 : i32
        %get3A_131 = arith.index_cast %add3A_130 : i32 to index
        %get3A_132 = arith.constant 16 : index
        %get3A_133 = tpu.vector_load %arg21[%get3A_131, %get3A_132] {strides = array<i32>} : memref<400x32xf32, #tpu.memory_space<vmem>>, vector<16xf32>,
        %mul3A_134 = arith.mulf %get3A_133, %gather3A_117 : vector<16xf32>
        %add3A_135 = arith.constant 1 : i32
        %add3A_136 = arith.addi %multiple_of3A_74, %add3A_135 : i32
        %swap3A_137 = arith.index_cast %add3A_136 : i32 to index
        %swap3A_138 = arith.constant 16 : index
        %swap3A_139 = tpu.vector_load %arg21[%swap3A_137, %swap3A_138] {strides = array<i32>} : memref<400x32xf32, #tpu.memory_space<vmem>>, vector<16xf32>,
        tpu.vector_store %arg21[%swap3A_137, %swap3A_138], %mul3A_134 {strides = array<i32>} : memref<400x32xf32, #tpu.memory_space<vmem>>, vector<16xf32>,
        %broadcast_in_dim3A_140 = arith.constant 2 : i32
        %broadcast_in_dim3A_141 = vector.broadcast %broadcast_in_dim3A_140 : i32 to vector<16xi32>
        %lt3A_142 = arith.constant 0 : i32
        %lt3A_143 = vector.broadcast %lt3A_142 : i32 to vector<16xi32>
        %lt3A_144 = arith.cmpi slt, %broadcast_in_dim3A_141, %lt3A_143 : vector<16xi32>
        %add3A_145 = arith.constant 16 : i32
        %add3A_146 = vector.broadcast %add3A_145 : i32 to vector<16xi32>
        %add3A_147 = arith.addi %broadcast_in_dim3A_141, %add3A_146 : vector<16xi32>
        %select_n3A_148 = arith.select %lt3A_144, %add3A_147, %broadcast_in_dim3A_141 : vector<16xi1>, vector<16xi32>
        %broadcast_in_dim3A_149 = vector.shape_cast %select_n3A_148 : vector<16xi32> to vector<16x1xi32>
        %gather3A_150 = vector.shape_cast %broadcast_in_dim3A_149 : vector<16x1xi32> to vector<16xi32>
        %gather3A_151 = tpu.dynamic_gather %get3A_75[%gather3A_150] in [0] : vector<16xf32>, vector<16xi32> -> vector<16xf32>
        %add3A_152 = arith.constant 2 : i32
        %add3A_153 = arith.addi %multiple_of3A_74, %add3A_152 : i32
        %get3A_154 = arith.index_cast %add3A_153 : i32 to index
        %get3A_155 = arith.constant 0 : index
        %get3A_156 = tpu.vector_load %arg21[%get3A_154, %get3A_155] {strides = array<i32>} : memref<400x32xf32, #tpu.memory_space<vmem>>, vector<16xf32>,
        %mul3A_157 = arith.mulf %get3A_156, %gather3A_151 : vector<16xf32>
        %add3A_158 = arith.constant 2 : i32
        %add3A_159 = arith.addi %multiple_of3A_74, %add3A_158 : i32
        %swap3A_160 = arith.index_cast %add3A_159 : i32 to index
        %swap3A_161 = arith.constant 0 : index
        %swap3A_162 = tpu.vector_load %arg21[%swap3A_160, %swap3A_161] {strides = array<i32>} : memref<400x32xf32, #tpu.memory_space<vmem>>, vector<16xf32>,
        tpu.vector_store %arg21[%swap3A_160, %swap3A_161], %mul3A_157 {strides = array<i32>} : memref<400x32xf32, #tpu.memory_space<vmem>>, vector<16xf32>,
        %add3A_163 = arith.constant 2 : i32
        %add3A_164 = arith.addi %multiple_of3A_74, %add3A_163 : i32
        %get3A_165 = arith.index_cast %add3A_164 : i32 to index
        %get3A_166 = arith.constant 16 : index
        %get3A_167 = tpu.vector_load %arg21[%get3A_165, %get3A_166] {strides = array<i32>} : memref<400x32xf32, #tpu.memory_space<vmem>>, vector<16xf32>,
        %mul3A_168 = arith.mulf %get3A_167, %gather3A_151 : vector<16xf32>
        %add3A_169 = arith.constant 2 : i32
        %add3A_170 = arith.addi %multiple_of3A_74, %add3A_169 : i32
        %swap3A_171 = arith.index_cast %add3A_170 : i32 to index
        %swap3A_172 = arith.constant 16 : index
        %swap3A_173 = tpu.vector_load %arg21[%swap3A_171, %swap3A_172] {strides = array<i32>} : memref<400x32xf32, #tpu.memory_space<vmem>>, vector<16xf32>,
        tpu.vector_store %arg21[%swap3A_171, %swap3A_172], %mul3A_168 {strides = array<i32>} : memref<400x32xf32, #tpu.memory_space<vmem>>, vector<16xf32>,
        %broadcast_in_dim3A_174 = arith.constant 3 : i32
        %broadcast_in_dim3A_175 = vector.broadcast %broadcast_in_dim3A_174 : i32 to vector<16xi32>
        %lt3A_176 = arith.constant 0 : i32
        %lt3A_177 = vector.broadcast %lt3A_176 : i32 to vector<16xi32>
        %lt3A_178 = arith.cmpi slt, %broadcast_in_dim3A_175, %lt3A_177 : vector<16xi32>
        %add3A_179 = arith.constant 16 : i32
        %add3A_180 = vector.broadcast %add3A_179 : i32 to vector<16xi32>
        %add3A_181 = arith.addi %broadcast_in_dim3A_175, %add3A_180 : vector<16xi32>
        %select_n3A_182 = arith.select %lt3A_178, %add3A_181, %broadcast_in_dim3A_175 : vector<16xi1>, vector<16xi32>
        %broadcast_in_dim3A_183 = vector.shape_cast %select_n3A_182 : vector<16xi32> to vector<16x1xi32>
        %gather3A_184 = vector.shape_cast %broadcast_in_dim3A_183 : vector<16x1xi32> to vector<16xi32>
        %gather3A_185 = tpu.dynamic_gather %get3A_75[%gather3A_184] in [0] : vector<16xf32>, vector<16xi32> -> vector<16xf32>
        %add3A_186 = arith.constant 3 : i32
        %add3A_187 = arith.addi %multiple_of3A_74, %add3A_186 : i32
        %get3A_188 = arith.index_cast %add3A_187 : i32 to index
        %get3A_189 = arith.constant 0 : index
        %get3A_190 = tpu.vector_load %arg21[%get3A_188, %get3A_189] {strides = array<i32>} : memref<400x32xf32, #tpu.memory_space<vmem>>, vector<16xf32>,
        %mul3A_191 = arith.mulf %get3A_190, %gather3A_185 : vector<16xf32>
        %add3A_192 = arith.constant 3 : i32
        %add3A_193 = arith.addi %multiple_of3A_74, %add3A_192 : i32
        %swap3A_194 = arith.index_cast %add3A_193 : i32 to index
        %swap3A_195 = arith.constant 0 : index
        %swap3A_196 = tpu.vector_load %arg21[%swap3A_194, %swap3A_195] {strides = array<i32>} : memref<400x32xf32, #tpu.memory_space<vmem>>, vector<16xf32>,
        tpu.vector_store %arg21[%swap3A_194, %swap3A_195], %mul3A_191 {strides = array<i32>} : memref<400x32xf32, #tpu.memory_space<vmem>>, vector<16xf32>,
        %add3A_197 = arith.constant 3 : i32
        %add3A_198 = arith.addi %multiple_of3A_74, %add3A_197 : i32
        %get3A_199 = arith.index_cast %add3A_198 : i32 to index
        %get3A_200 = arith.constant 16 : index
        %get3A_201 = tpu.vector_load %arg21[%get3A_199, %get3A_200] {strides = array<i32>} : memref<400x32xf32, #tpu.memory_space<vmem>>, vector<16xf32>,
        %mul3A_202 = arith.mulf %get3A_201, %gather3A_185 : vector<16xf32>
        %add3A_203 = arith.constant 3 : i32
        %add3A_204 = arith.addi %multiple_of3A_74, %add3A_203 : i32
        %swap3A_205 = arith.index_cast %add3A_204 : i32 to index
        %swap3A_206 = arith.constant 16 : index
        %swap3A_207 = tpu.vector_load %arg21[%swap3A_205, %swap3A_206] {strides = array<i32>} : memref<400x32xf32, #tpu.memory_space<vmem>>, vector<16xf32>,
        tpu.vector_store %arg21[%swap3A_205, %swap3A_206], %mul3A_202 {strides = array<i32>} : memref<400x32xf32, #tpu.memory_space<vmem>>, vector<16xf32>,
        %broadcast_in_dim3A_208 = arith.constant 4 : i32
        %broadcast_in_dim3A_209 = vector.broadcast %broadcast_in_dim3A_208 : i32 to vector<16xi32>
        %lt3A_210 = arith.constant 0 : i32
        %lt3A_211 = vector.broadcast %lt3A_210 : i32 to vector<16xi32>
        %lt3A_212 = arith.cmpi slt, %broadcast_in_dim3A_209, %lt3A_211 : vector<16xi32>
        %add3A_213 = arith.constant 16 : i32
        %add3A_214 = vector.broadcast %add3A_213 : i32 to vector<16xi32>
        %add3A_215 = arith.addi %broadcast_in_dim3A_209, %add3A_214 : vector<16xi32>
        %select_n3A_216 = arith.select %lt3A_212, %add3A_215, %broadcast_in_dim3A_209 : vector<16xi1>, vector<16xi32>
        %broadcast_in_dim3A_217 = vector.shape_cast %select_n3A_216 : vector<16xi32> to vector<16x1xi32>
        %gather3A_218 = vector.shape_cast %broadcast_in_dim3A_217 : vector<16x1xi32> to vector<16xi32>
        %gather3A_219 = tpu.dynamic_gather %get3A_75[%gather3A_218] in [0] : vector<16xf32>, vector<16xi32> -> vector<16xf32>
        %add3A_220 = arith.constant 4 : i32
        %add3A_221 = arith.addi %multiple_of3A_74, %add3A_220 : i32
        %get3A_222 = arith.index_cast %add3A_221 : i32 to index
        %get3A_223 = arith.constant 0 : index
        %get3A_224 = tpu.vector_load %arg21[%get3A_222, %get3A_223] {strides = array<i32>} : memref<400x32xf32, #tpu.memory_space<vmem>>, vector<16xf32>,
        %mul3A_225 = arith.mulf %get3A_224, %gather3A_219 : vector<16xf32>
        %add3A_226 = arith.constant 4 : i32
        %add3A_227 = arith.addi %multiple_of3A_74, %add3A_226 : i32
        %swap3A_228 = arith.index_cast %add3A_227 : i32 to index
        %swap3A_229 = arith.constant 0 : index
        %swap3A_230 = tpu.vector_load %arg21[%swap3A_228, %swap3A_229] {strides = array<i32>} : memref<400x32xf32, #tpu.memory_space<vmem>>, vector<16xf32>,
        tpu.vector_store %arg21[%swap3A_228, %swap3A_229], %mul3A_225 {strides = array<i32>} : memref<400x32xf32, #tpu.memory_space<vmem>>, vector<16xf32>,
        %add3A_231 = arith.constant 4 : i32
        %add3A_232 = arith.addi %multiple_of3A_74, %add3A_231 : i32
        %get3A_233 = arith.index_cast %add3A_232 : i32 to index
        %get3A_234 = arith.constant 16 : index
        %get3A_235 = tpu.vector_load %arg21[%get3A_233, %get3A_234] {strides = array<i32>} : memref<400x32xf32, #tpu.memory_space<vmem>>, vector<16xf32>,
        %mul3A_236 = arith.mulf %get3A_235, %gather3A_219 : vector<16xf32>
        %add3A_237 = arith.constant 4 : i32
        %add3A_238 = arith.addi %multiple_of3A_74, %add3A_237 : i32
        %swap3A_239 = arith.index_cast %add3A_238 : i32 to index
        %swap3A_240 = arith.constant 16 : index
        %swap3A_241 = tpu.vector_load %arg21[%swap3A_239, %swap3A_240] {strides = array<i32>} : memref<400x32xf32, #tpu.memory_space<vmem>>, vector<16xf32>,
        tpu.vector_store %arg21[%swap3A_239, %swap3A_240], %mul3A_236 {strides = array<i32>} : memref<400x32xf32, #tpu.memory_space<vmem>>, vector<16xf32>,
        %broadcast_in_dim3A_242 = arith.constant 5 : i32
        %broadcast_in_dim3A_243 = vector.broadcast %broadcast_in_dim3A_242 : i32 to vector<16xi32>
        %lt3A_244 = arith.constant 0 : i32
        %lt3A_245 = vector.broadcast %lt3A_244 : i32 to vector<16xi32>
        %lt3A_246 = arith.cmpi slt, %broadcast_in_dim3A_243, %lt3A_245 : vector<16xi32>
        %add3A_247 = arith.constant 16 : i32
        %add3A_248 = vector.broadcast %add3A_247 : i32 to vector<16xi32>
        %add3A_249 = arith.addi %broadcast_in_dim3A_243, %add3A_248 : vector<16xi32>
        %select_n3A_250 = arith.select %lt3A_246, %add3A_249, %broadcast_in_dim3A_243 : vector<16xi1>, vector<16xi32>
        %broadcast_in_dim3A_251 = vector.shape_cast %select_n3A_250 : vector<16xi32> to vector<16x1xi32>
        %gather3A_252 = vector.shape_cast %broadcast_in_dim3A_251 : vector<16x1xi32> to vector<16xi32>
        %gather3A_253 = tpu.dynamic_gather %get3A_75[%gather3A_252] in [0] : vector<16xf32>, vector<16xi32> -> vector<16xf32>
        %add3A_254 = arith.constant 5 : i32
        %add3A_255 = arith.addi %multiple_of3A_74, %add3A_254 : i32
        %get3A_256 = arith.index_cast %add3A_255 : i32 to index
        %get3A_257 = arith.constant 0 : index
        %get3A_258 = tpu.vector_load %arg21[%get3A_256, %get3A_257] {strides = array<i32>} : memref<400x32xf32, #tpu.memory_space<vmem>>, vector<16xf32>,
        %mul3A_259 = arith.mulf %get3A_258, %gather3A_253 : vector<16xf32>
        %add3A_260 = arith.constant 5 : i32
        %add3A_261 = arith.addi %multiple_of3A_74, %add3A_260 : i32
        %swap3A_262 = arith.index_cast %add3A_261 : i32 to index
        %swap3A_263 = arith.constant 0 : index
        %swap3A_264 = tpu.vector_load %arg21[%swap3A_262, %swap3A_263] {strides = array<i32>} : memref<400x32xf32, #tpu.memory_space<vmem>>, vector<16xf32>,
        tpu.vector_store %arg21[%swap3A_262, %swap3A_263], %mul3A_259 {strides = array<i32>} : memref<400x32xf32, #tpu.memory_space<vmem>>, vector<16xf32>,
        %add3A_265 = arith.constant 5 : i32
        %add3A_266 = arith.addi %multiple_of3A_74, %add3A_265 : i32
        %get3A_267 = arith.index_cast %add3A_266 : i32 to index
        %get3A_268 = arith.constant 16 : index
        %get3A_269 = tpu.vector_load %arg21[%get3A_267, %get3A_268] {strides = array<i32>} : memref<400x32xf32, #tpu.memory_space<vmem>>, vector<16xf32>,
        %mul3A_270 = arith.mulf %get3A_269, %gather3A_253 : vector<16xf32>
        %add3A_271 = arith.constant 5 : i32
        %add3A_272 = arith.addi %multiple_of3A_74, %add3A_271 : i32
        %swap3A_273 = arith.index_cast %add3A_272 : i32 to index
        %swap3A_274 = arith.constant 16 : index
        %swap3A_275 = tpu.vector_load %arg21[%swap3A_273, %swap3A_274] {strides = array<i32>} : memref<400x32xf32, #tpu.memory_space<vmem>>, vector<16xf32>,
        tpu.vector_store %arg21[%swap3A_273, %swap3A_274], %mul3A_270 {strides = array<i32>} : memref<400x32xf32, #tpu.memory_space<vmem>>, vector<16xf32>,
        %broadcast_in_dim3A_276 = arith.constant 6 : i32
        %broadcast_in_dim3A_277 = vector.broadcast %broadcast_in_dim3A_276 : i32 to vector<16xi32>
        %lt3A_278 = arith.constant 0 : i32
        %lt3A_279 = vector.broadcast %lt3A_278 : i32 to vector<16xi32>
        %lt3A_280 = arith.cmpi slt, %broadcast_in_dim3A_277, %lt3A_279 : vector<16xi32>
        %add3A_281 = arith.constant 16 : i32
        %add3A_282 = vector.broadcast %add3A_281 : i32 to vector<16xi32>
        %add3A_283 = arith.addi %broadcast_in_dim3A_277, %add3A_282 : vector<16xi32>
        %select_n3A_284 = arith.select %lt3A_280, %add3A_283, %broadcast_in_dim3A_277 : vector<16xi1>, vector<16xi32>
        %broadcast_in_dim3A_285 = vector.shape_cast %select_n3A_284 : vector<16xi32> to vector<16x1xi32>
        %gather3A_286 = vector.shape_cast %broadcast_in_dim3A_285 : vector<16x1xi32> to vector<16xi32>
        %gather3A_287 = tpu.dynamic_gather %get3A_75[%gather3A_286] in [0] : vector<16xf32>, vector<16xi32> -> vector<16xf32>
        %add3A_288 = arith.constant 6 : i32
        %add3A_289 = arith.addi %multiple_of3A_74, %add3A_288 : i32
        %get3A_290 = arith.index_cast %add3A_289 : i32 to index
        %get3A_291 = arith.constant 0 : index
        %get3A_292 = tpu.vector_load %arg21[%get3A_290, %get3A_291] {strides = array<i32>} : memref<400x32xf32, #tpu.memory_space<vmem>>, vector<16xf32>,
        %mul3A_293 = arith.mulf %get3A_292, %gather3A_287 : vector<16xf32>
        %add3A_294 = arith.constant 6 : i32
        %add3A_295 = arith.addi %multiple_of3A_74, %add3A_294 : i32
        %swap3A_296 = arith.index_cast %add3A_295 : i32 to index
        %swap3A_297 = arith.constant 0 : index
        %swap3A_298 = tpu.vector_load %arg21[%swap3A_296, %swap3A_297] {strides = array<i32>} : memref<400x32xf32, #tpu.memory_space<vmem>>, vector<16xf32>,
        tpu.vector_store %arg21[%swap3A_296, %swap3A_297], %mul3A_293 {strides = array<i32>} : memref<400x32xf32, #tpu.memory_space<vmem>>, vector<16xf32>,
        %add3A_299 = arith.constant 6 : i32
        %add3A_300 = arith.addi %multiple_of3A_74, %add3A_299 : i32
        %get3A_301 = arith.index_cast %add3A_300 : i32 to index
        %get3A_302 = arith.constant 16 : index
        %get3A_303 = tpu.vector_load %arg21[%get3A_301, %get3A_302] {strides = array<i32>} : memref<400x32xf32, #tpu.memory_space<vmem>>, vector<16xf32>,
        %mul3A_304 = arith.mulf %get3A_303, %gather3A_287 : vector<16xf32>
        %add3A_305 = arith.constant 6 : i32
        %add3A_306 = arith.addi %multiple_of3A_74, %add3A_305 : i32
        %swap3A_307 = arith.index_cast %add3A_306 : i32 to index
        %swap3A_308 = arith.constant 16 : index
        %swap3A_309 = tpu.vector_load %arg21[%swap3A_307, %swap3A_308] {strides = array<i32>} : memref<400x32xf32, #tpu.memory_space<vmem>>, vector<16xf32>,
        tpu.vector_store %arg21[%swap3A_307, %swap3A_308], %mul3A_304 {strides = array<i32>} : memref<400x32xf32, #tpu.memory_space<vmem>>, vector<16xf32>,
        %broadcast_in_dim3A_310 = arith.constant 7 : i32
        %broadcast_in_dim3A_311 = vector.broadcast %broadcast_in_dim3A_310 : i32 to vector<16xi32>
        %lt3A_312 = arith.constant 0 : i32
        %lt3A_313 = vector.broadcast %lt3A_312 : i32 to vector<16xi32>
        %lt3A_314 = arith.cmpi slt, %broadcast_in_dim3A_311, %lt3A_313 : vector<16xi32>
        %add3A_315 = arith.constant 16 : i32
        %add3A_316 = vector.broadcast %add3A_315 : i32 to vector<16xi32>
        %add3A_317 = arith.addi %broadcast_in_dim3A_311, %add3A_316 : vector<16xi32>
        %select_n3A_318 = arith.select %lt3A_314, %add3A_317, %broadcast_in_dim3A_311 : vector<16xi1>, vector<16xi32>
        %broadcast_in_dim3A_319 = vector.shape_cast %select_n3A_318 : vector<16xi32> to vector<16x1xi32>
        %gather3A_320 = vector.shape_cast %broadcast_in_dim3A_319 : vector<16x1xi32> to vector<16xi32>
        %gather3A_321 = tpu.dynamic_gather %get3A_75[%gather3A_320] in [0] : vector<16xf32>, vector<16xi32> -> vector<16xf32>
        %add3A_322 = arith.constant 7 : i32
        %add3A_323 = arith.addi %multiple_of3A_74, %add3A_322 : i32
        %get3A_324 = arith.index_cast %add3A_323 : i32 to index
        %get3A_325 = arith.constant 0 : index
        %get3A_326 = tpu.vector_load %arg21[%get3A_324, %get3A_325] {strides = array<i32>} : memref<400x32xf32, #tpu.memory_space<vmem>>, vector<16xf32>,
        %mul3A_327 = arith.mulf %get3A_326, %gather3A_321 : vector<16xf32>
        %add3A_328 = arith.constant 7 : i32
        %add3A_329 = arith.addi %multiple_of3A_74, %add3A_328 : i32
        %swap3A_330 = arith.index_cast %add3A_329 : i32 to index
        %swap3A_331 = arith.constant 0 : index
        %swap3A_332 = tpu.vector_load %arg21[%swap3A_330, %swap3A_331] {strides = array<i32>} : memref<400x32xf32, #tpu.memory_space<vmem>>, vector<16xf32>,
        tpu.vector_store %arg21[%swap3A_330, %swap3A_331], %mul3A_327 {strides = array<i32>} : memref<400x32xf32, #tpu.memory_space<vmem>>, vector<16xf32>,
        %add3A_333 = arith.constant 7 : i32
        %add3A_334 = arith.addi %multiple_of3A_74, %add3A_333 : i32
        %get3A_335 = arith.index_cast %add3A_334 : i32 to index
        %get3A_336 = arith.constant 16 : index
        %get3A_337 = tpu.vector_load %arg21[%get3A_335, %get3A_336] {strides = array<i32>} : memref<400x32xf32, #tpu.memory_space<vmem>>, vector<16xf32>,
        %mul3A_338 = arith.mulf %get3A_337, %gather3A_321 : vector<16xf32>
        %add3A_339 = arith.constant 7 : i32
        %add3A_340 = arith.addi %multiple_of3A_74, %add3A_339 : i32
        %swap3A_341 = arith.index_cast %add3A_340 : i32 to index
        %swap3A_342 = arith.constant 16 : index
        %swap3A_343 = tpu.vector_load %arg21[%swap3A_341, %swap3A_342] {strides = array<i32>} : memref<400x32xf32, #tpu.memory_space<vmem>>, vector<16xf32>,
        tpu.vector_store %arg21[%swap3A_341, %swap3A_342], %mul3A_338 {strides = array<i32>} : memref<400x32xf32, #tpu.memory_space<vmem>>, vector<16xf32>,
        %broadcast_in_dim3A_344 = arith.constant 8 : i32
        %broadcast_in_dim3A_345 = vector.broadcast %broadcast_in_dim3A_344 : i32 to vector<16xi32>
        %lt3A_346 = arith.constant 0 : i32
        %lt3A_347 = vector.broadcast %lt3A_346 : i32 to vector<16xi32>
        %lt3A_348 = arith.cmpi slt, %broadcast_in_dim3A_345, %lt3A_347 : vector<16xi32>
        %add3A_349 = arith.constant 16 : i32
        %add3A_350 = vector.broadcast %add3A_349 : i32 to vector<16xi32>
        %add3A_351 = arith.addi %broadcast_in_dim3A_345, %add3A_350 : vector<16xi32>
        %select_n3A_352 = arith.select %lt3A_348, %add3A_351, %broadcast_in_dim3A_345 : vector<16xi1>, vector<16xi32>
        %broadcast_in_dim3A_353 = vector.shape_cast %select_n3A_352 : vector<16xi32> to vector<16x1xi32>
        %gather3A_354 = vector.shape_cast %broadcast_in_dim3A_353 : vector<16x1xi32> to vector<16xi32>
        %gather3A_355 = tpu.dynamic_gather %get3A_75[%gather3A_354] in [0] : vector<16xf32>, vector<16xi32> -> vector<16xf32>
        %add3A_356 = arith.constant 8 : i32
        %add3A_357 = arith.addi %multiple_of3A_74, %add3A_356 : i32
        %get3A_358 = arith.index_cast %add3A_357 : i32 to index
        %get3A_359 = arith.constant 0 : index
        %get3A_360 = tpu.vector_load %arg21[%get3A_358, %get3A_359] {strides = array<i32>} : memref<400x32xf32, #tpu.memory_space<vmem>>, vector<16xf32>,
        %mul3A_361 = arith.mulf %get3A_360, %gather3A_355 : vector<16xf32>
        %add3A_362 = arith.constant 8 : i32
        %add3A_363 = arith.addi %multiple_of3A_74, %add3A_362 : i32
        %swap3A_364 = arith.index_cast %add3A_363 : i32 to index
        %swap3A_365 = arith.constant 0 : index
        %swap3A_366 = tpu.vector_load %arg21[%swap3A_364, %swap3A_365] {strides = array<i32>} : memref<400x32xf32, #tpu.memory_space<vmem>>, vector<16xf32>,
        tpu.vector_store %arg21[%swap3A_364, %swap3A_365], %mul3A_361 {strides = array<i32>} : memref<400x32xf32, #tpu.memory_space<vmem>>, vector<16xf32>,
        %add3A_367 = arith.constant 8 : i32
        %add3A_368 = arith.addi %multiple_of3A_74, %add3A_367 : i32
        %get3A_369 = arith.index_cast %add3A_368 : i32 to index
        %get3A_370 = arith.constant 16 : index
        %get3A_371 = tpu.vector_load %arg21[%get3A_369, %get3A_370] {strides = array<i32>} : memref<400x32xf32, #tpu.memory_space<vmem>>, vector<16xf32>,
        %mul3A_372 = arith.mulf %get3A_371, %gather3A_355 : vector<16xf32>
        %add3A_373 = arith.constant 8 : i32
        %add3A_374 = arith.addi %multiple_of3A_74, %add3A_373 : i32
        %swap3A_375 = arith.index_cast %add3A_374 : i32 to index
        %swap3A_376 = arith.constant 16 : index
        %swap3A_377 = tpu.vector_load %arg21[%swap3A_375, %swap3A_376] {strides = array<i32>} : memref<400x32xf32, #tpu.memory_space<vmem>>, vector<16xf32>,
        tpu.vector_store %arg21[%swap3A_375, %swap3A_376], %mul3A_372 {strides = array<i32>} : memref<400x32xf32, #tpu.memory_space<vmem>>, vector<16xf32>,
        %broadcast_in_dim3A_378 = arith.constant 9 : i32
        %broadcast_in_dim3A_379 = vector.broadcast %broadcast_in_dim3A_378 : i32 to vector<16xi32>
        %lt3A_380 = arith.constant 0 : i32
        %lt3A_381 = vector.broadcast %lt3A_380 : i32 to vector<16xi32>
        %lt3A_382 = arith.cmpi slt, %broadcast_in_dim3A_379, %lt3A_381 : vector<16xi32>
        %add3A_383 = arith.constant 16 : i32
        %add3A_384 = vector.broadcast %add3A_383 : i32 to vector<16xi32>
        %add3A_385 = arith.addi %broadcast_in_dim3A_379, %add3A_384 : vector<16xi32>
        %select_n3A_386 = arith.select %lt3A_382, %add3A_385, %broadcast_in_dim3A_379 : vector<16xi1>, vector<16xi32>
        %broadcast_in_dim3A_387 = vector.shape_cast %select_n3A_386 : vector<16xi32> to vector<16x1xi32>
        %gather3A_388 = vector.shape_cast %broadcast_in_dim3A_387 : vector<16x1xi32> to vector<16xi32>
        %gather3A_389 = tpu.dynamic_gather %get3A_75[%gather3A_388] in [0] : vector<16xf32>, vector<16xi32> -> vector<16xf32>
        %add3A_390 = arith.constant 9 : i32
        %add3A_391 = arith.addi %multiple_of3A_74, %add3A_390 : i32
        %get3A_392 = arith.index_cast %add3A_391 : i32 to index
        %get3A_393 = arith.constant 0 : index
        %get3A_394 = tpu.vector_load %arg21[%get3A_392, %get3A_393] {strides = array<i32>} : memref<400x32xf32, #tpu.memory_space<vmem>>, vector<16xf32>,
        %mul3A_395 = arith.mulf %get3A_394, %gather3A_389 : vector<16xf32>
        %add3A_396 = arith.constant 9 : i32
        %add3A_397 = arith.addi %multiple_of3A_74, %add3A_396 : i32
        %swap3A_398 = arith.index_cast %add3A_397 : i32 to index
        %swap3A_399 = arith.constant 0 : index
        %swap3A_400 = tpu.vector_load %arg21[%swap3A_398, %swap3A_399] {strides = array<i32>} : memref<400x32xf32, #tpu.memory_space<vmem>>, vector<16xf32>,
        tpu.vector_store %arg21[%swap3A_398, %swap3A_399], %mul3A_395 {strides = array<i32>} : memref<400x32xf32, #tpu.memory_space<vmem>>, vector<16xf32>,
        %add3A_401 = arith.constant 9 : i32
        %add3A_402 = arith.addi %multiple_of3A_74, %add3A_401 : i32
        %get3A_403 = arith.index_cast %add3A_402 : i32 to index
        %get3A_404 = arith.constant 16 : index
        %get3A_405 = tpu.vector_load %arg21[%get3A_403, %get3A_404] {strides = array<i32>} : memref<400x32xf32, #tpu.memory_space<vmem>>, vector<16xf32>,
        %mul3A_406 = arith.mulf %get3A_405, %gather3A_389 : vector<16xf32>
        %add3A_407 = arith.constant 9 : i32
        %add3A_408 = arith.addi %multiple_of3A_74, %add3A_407 : i32
        %swap3A_409 = arith.index_cast %add3A_408 : i32 to index
        %swap3A_410 = arith.constant 16 : index
        %swap3A_411 = tpu.vector_load %arg21[%swap3A_409, %swap3A_410] {strides = array<i32>} : memref<400x32xf32, #tpu.memory_space<vmem>>, vector<16xf32>,
        tpu.vector_store %arg21[%swap3A_409, %swap3A_410], %mul3A_406 {strides = array<i32>} : memref<400x32xf32, #tpu.memory_space<vmem>>, vector<16xf32>,
        %broadcast_in_dim3A_412 = arith.constant 10 : i32
        %broadcast_in_dim3A_413 = vector.broadcast %broadcast_in_dim3A_412 : i32 to vector<16xi32>
        %lt3A_414 = arith.constant 0 : i32
        %lt3A_415 = vector.broadcast %lt3A_414 : i32 to vector<16xi32>
        %lt3A_416 = arith.cmpi slt, %broadcast_in_dim3A_413, %lt3A_415 : vector<16xi32>
        %add3A_417 = arith.constant 16 : i32
        %add3A_418 = vector.broadcast %add3A_417 : i32 to vector<16xi32>
        %add3A_419 = arith.addi %broadcast_in_dim3A_413, %add3A_418 : vector<16xi32>
        %select_n3A_420 = arith.select %lt3A_416, %add3A_419, %broadcast_in_dim3A_413 : vector<16xi1>, vector<16xi32>
        %broadcast_in_dim3A_421 = vector.shape_cast %select_n3A_420 : vector<16xi32> to vector<16x1xi32>
        %gather3A_422 = vector.shape_cast %broadcast_in_dim3A_421 : vector<16x1xi32> to vector<16xi32>
        %gather3A_423 = tpu.dynamic_gather %get3A_75[%gather3A_422] in [0] : vector<16xf32>, vector<16xi32> -> vector<16xf32>
        %add3A_424 = arith.constant 10 : i32
        %add3A_425 = arith.addi %multiple_of3A_74, %add3A_424 : i32
        %get3A_426 = arith.index_cast %add3A_425 : i32 to index
        %get3A_427 = arith.constant 0 : index
        %get3A_428 = tpu.vector_load %arg21[%get3A_426, %get3A_427] {strides = array<i32>} : memref<400x32xf32, #tpu.memory_space<vmem>>, vector<16xf32>,
        %mul3A_429 = arith.mulf %get3A_428, %gather3A_423 : vector<16xf32>
        %add3A_430 = arith.constant 10 : i32
        %add3A_431 = arith.addi %multiple_of3A_74, %add3A_430 : i32
        %swap3A_432 = arith.index_cast %add3A_431 : i32 to index
        %swap3A_433 = arith.constant 0 : index
        %swap3A_434 = tpu.vector_load %arg21[%swap3A_432, %swap3A_433] {strides = array<i32>} : memref<400x32xf32, #tpu.memory_space<vmem>>, vector<16xf32>,
        tpu.vector_store %arg21[%swap3A_432, %swap3A_433], %mul3A_429 {strides = array<i32>} : memref<400x32xf32, #tpu.memory_space<vmem>>, vector<16xf32>,
        %add3A_435 = arith.constant 10 : i32
        %add3A_436 = arith.addi %multiple_of3A_74, %add3A_435 : i32
        %get3A_437 = arith.index_cast %add3A_436 : i32 to index
        %get3A_438 = arith.constant 16 : index
        %get3A_439 = tpu.vector_load %arg21[%get3A_437, %get3A_438] {strides = array<i32>} : memref<400x32xf32, #tpu.memory_space<vmem>>, vector<16xf32>,
        %mul3A_440 = arith.mulf %get3A_439, %gather3A_423 : vector<16xf32>
        %add3A_441 = arith.constant 10 : i32
        %add3A_442 = arith.addi %multiple_of3A_74, %add3A_441 : i32
        %swap3A_443 = arith.index_cast %add3A_442 : i32 to index
        %swap3A_444 = arith.constant 16 : index
        %swap3A_445 = tpu.vector_load %arg21[%swap3A_443, %swap3A_444] {strides = array<i32>} : memref<400x32xf32, #tpu.memory_space<vmem>>, vector<16xf32>,
        tpu.vector_store %arg21[%swap3A_443, %swap3A_444], %mul3A_440 {strides = array<i32>} : memref<400x32xf32, #tpu.memory_space<vmem>>, vector<16xf32>,
        %broadcast_in_dim3A_446 = arith.constant 11 : i32
        %broadcast_in_dim3A_447 = vector.broadcast %broadcast_in_dim3A_446 : i32 to vector<16xi32>
        %lt3A_448 = arith.constant 0 : i32
        %lt3A_449 = vector.broadcast %lt3A_448 : i32 to vector<16xi32>
        %lt3A_450 = arith.cmpi slt, %broadcast_in_dim3A_447, %lt3A_449 : vector<16xi32>
        %add3A_451 = arith.constant 16 : i32
        %add3A_452 = vector.broadcast %add3A_451 : i32 to vector<16xi32>
        %add3A_453 = arith.addi %broadcast_in_dim3A_447, %add3A_452 : vector<16xi32>
        %select_n3A_454 = arith.select %lt3A_450, %add3A_453, %broadcast_in_dim3A_447 : vector<16xi1>, vector<16xi32>
        %broadcast_in_dim3A_455 = vector.shape_cast %select_n3A_454 : vector<16xi32> to vector<16x1xi32>
        %gather3A_456 = vector.shape_cast %broadcast_in_dim3A_455 : vector<16x1xi32> to vector<16xi32>
        %gather3A_457 = tpu.dynamic_gather %get3A_75[%gather3A_456] in [0] : vector<16xf32>, vector<16xi32> -> vector<16xf32>
        %add3A_458 = arith.constant 11 : i32
        %add3A_459 = arith.addi %multiple_of3A_74, %add3A_458 : i32
        %get3A_460 = arith.index_cast %add3A_459 : i32 to index
        %get3A_461 = arith.constant 0 : index
        %get3A_462 = tpu.vector_load %arg21[%get3A_460, %get3A_461] {strides = array<i32>} : memref<400x32xf32, #tpu.memory_space<vmem>>, vector<16xf32>,
        %mul3A_463 = arith.mulf %get3A_462, %gather3A_457 : vector<16xf32>
        %add3A_464 = arith.constant 11 : i32
        %add3A_465 = arith.addi %multiple_of3A_74, %add3A_464 : i32
        %swap3A_466 = arith.index_cast %add3A_465 : i32 to index
        %swap3A_467 = arith.constant 0 : index
        %swap3A_468 = tpu.vector_load %arg21[%swap3A_466, %swap3A_467] {strides = array<i32>} : memref<400x32xf32, #tpu.memory_space<vmem>>, vector<16xf32>,
        tpu.vector_store %arg21[%swap3A_466, %swap3A_467], %mul3A_463 {strides = array<i32>} : memref<400x32xf32, #tpu.memory_space<vmem>>, vector<16xf32>,
        %add3A_469 = arith.constant 11 : i32
        %add3A_470 = arith.addi %multiple_of3A_74, %add3A_469 : i32
        %get3A_471 = arith.index_cast %add3A_470 : i32 to index
        %get3A_472 = arith.constant 16 : index
        %get3A_473 = tpu.vector_load %arg21[%get3A_471, %get3A_472] {strides = array<i32>} : memref<400x32xf32, #tpu.memory_space<vmem>>, vector<16xf32>,
        %mul3A_474 = arith.mulf %get3A_473, %gather3A_457 : vector<16xf32>
        %add3A_475 = arith.constant 11 : i32
        %add3A_476 = arith.addi %multiple_of3A_74, %add3A_475 : i32
        %swap3A_477 = arith.index_cast %add3A_476 : i32 to index
        %swap3A_478 = arith.constant 16 : index
        %swap3A_479 = tpu.vector_load %arg21[%swap3A_477, %swap3A_478] {strides = array<i32>} : memref<400x32xf32, #tpu.memory_space<vmem>>, vector<16xf32>,
        tpu.vector_store %arg21[%swap3A_477, %swap3A_478], %mul3A_474 {strides = array<i32>} : memref<400x32xf32, #tpu.memory_space<vmem>>, vector<16xf32>,
        %broadcast_in_dim3A_480 = arith.constant 12 : i32
        %broadcast_in_dim3A_481 = vector.broadcast %broadcast_in_dim3A_480 : i32 to vector<16xi32>
        %lt3A_482 = arith.constant 0 : i32
        %lt3A_483 = vector.broadcast %lt3A_482 : i32 to vector<16xi32>
        %lt3A_484 = arith.cmpi slt, %broadcast_in_dim3A_481, %lt3A_483 : vector<16xi32>
        %add3A_485 = arith.constant 16 : i32
        %add3A_486 = vector.broadcast %add3A_485 : i32 to vector<16xi32>
        %add3A_487 = arith.addi %broadcast_in_dim3A_481, %add3A_486 : vector<16xi32>
        %select_n3A_488 = arith.select %lt3A_484, %add3A_487, %broadcast_in_dim3A_481 : vector<16xi1>, vector<16xi32>
        %broadcast_in_dim3A_489 = vector.shape_cast %select_n3A_488 : vector<16xi32> to vector<16x1xi32>
        %gather3A_490 = vector.shape_cast %broadcast_in_dim3A_489 : vector<16x1xi32> to vector<16xi32>
        %gather3A_491 = tpu.dynamic_gather %get3A_75[%gather3A_490] in [0] : vector<16xf32>, vector<16xi32> -> vector<16xf32>
        %add3A_492 = arith.constant 12 : i32
        %add3A_493 = arith.addi %multiple_of3A_74, %add3A_492 : i32
        %get3A_494 = arith.index_cast %add3A_493 : i32 to index
        %get3A_495 = arith.constant 0 : index
        %get3A_496 = tpu.vector_load %arg21[%get3A_494, %get3A_495] {strides = array<i32>} : memref<400x32xf32, #tpu.memory_space<vmem>>, vector<16xf32>,
        %mul3A_497 = arith.mulf %get3A_496, %gather3A_491 : vector<16xf32>
        %add3A_498 = arith.constant 12 : i32
        %add3A_499 = arith.addi %multiple_of3A_74, %add3A_498 : i32
        %swap3A_500 = arith.index_cast %add3A_499 : i32 to index
        %swap3A_501 = arith.constant 0 : index
        %swap3A_502 = tpu.vector_load %arg21[%swap3A_500, %swap3A_501] {strides = array<i32>} : memref<400x32xf32, #tpu.memory_space<vmem>>, vector<16xf32>,
        tpu.vector_store %arg21[%swap3A_500, %swap3A_501], %mul3A_497 {strides = array<i32>} : memref<400x32xf32, #tpu.memory_space<vmem>>, vector<16xf32>,
        %add3A_503 = arith.constant 12 : i32
        %add3A_504 = arith.addi %multiple_of3A_74, %add3A_503 : i32
        %get3A_505 = arith.index_cast %add3A_504 : i32 to index
        %get3A_506 = arith.constant 16 : index
        %get3A_507 = tpu.vector_load %arg21[%get3A_505, %get3A_506] {strides = array<i32>} : memref<400x32xf32, #tpu.memory_space<vmem>>, vector<16xf32>,
        %mul3A_508 = arith.mulf %get3A_507, %gather3A_491 : vector<16xf32>
        %add3A_509 = arith.constant 12 : i32
        %add3A_510 = arith.addi %multiple_of3A_74, %add3A_509 : i32
        %swap3A_511 = arith.index_cast %add3A_510 : i32 to index
        %swap3A_512 = arith.constant 16 : index
        %swap3A_513 = tpu.vector_load %arg21[%swap3A_511, %swap3A_512] {strides = array<i32>} : memref<400x32xf32, #tpu.memory_space<vmem>>, vector<16xf32>,
        tpu.vector_store %arg21[%swap3A_511, %swap3A_512], %mul3A_508 {strides = array<i32>} : memref<400x32xf32, #tpu.memory_space<vmem>>, vector<16xf32>,
        %broadcast_in_dim3A_514 = arith.constant 13 : i32
        %broadcast_in_dim3A_515 = vector.broadcast %broadcast_in_dim3A_514 : i32 to vector<16xi32>
        %lt3A_516 = arith.constant 0 : i32
        %lt3A_517 = vector.broadcast %lt3A_516 : i32 to vector<16xi32>
        %lt3A_518 = arith.cmpi slt, %broadcast_in_dim3A_515, %lt3A_517 : vector<16xi32>
        %add3A_519 = arith.constant 16 : i32
        %add3A_520 = vector.broadcast %add3A_519 : i32 to vector<16xi32>
        %add3A_521 = arith.addi %broadcast_in_dim3A_515, %add3A_520 : vector<16xi32>
        %select_n3A_522 = arith.select %lt3A_518, %add3A_521, %broadcast_in_dim3A_515 : vector<16xi1>, vector<16xi32>
        %broadcast_in_dim3A_523 = vector.shape_cast %select_n3A_522 : vector<16xi32> to vector<16x1xi32>
        %gather3A_524 = vector.shape_cast %broadcast_in_dim3A_523 : vector<16x1xi32> to vector<16xi32>
        %gather3A_525 = tpu.dynamic_gather %get3A_75[%gather3A_524] in [0] : vector<16xf32>, vector<16xi32> -> vector<16xf32>
        %add3A_526 = arith.constant 13 : i32
        %add3A_527 = arith.addi %multiple_of3A_74, %add3A_526 : i32
        %get3A_528 = arith.index_cast %add3A_527 : i32 to index
        %get3A_529 = arith.constant 0 : index
        %get3A_530 = tpu.vector_load %arg21[%get3A_528, %get3A_529] {strides = array<i32>} : memref<400x32xf32, #tpu.memory_space<vmem>>, vector<16xf32>,
        %mul3A_531 = arith.mulf %get3A_530, %gather3A_525 : vector<16xf32>
        %add3A_532 = arith.constant 13 : i32
        %add3A_533 = arith.addi %multiple_of3A_74, %add3A_532 : i32
        %swap3A_534 = arith.index_cast %add3A_533 : i32 to index
        %swap3A_535 = arith.constant 0 : index
        %swap3A_536 = tpu.vector_load %arg21[%swap3A_534, %swap3A_535] {strides = array<i32>} : memref<400x32xf32, #tpu.memory_space<vmem>>, vector<16xf32>,
        tpu.vector_store %arg21[%swap3A_534, %swap3A_535], %mul3A_531 {strides = array<i32>} : memref<400x32xf32, #tpu.memory_space<vmem>>, vector<16xf32>,
        %add3A_537 = arith.constant 13 : i32
        %add3A_538 = arith.addi %multiple_of3A_74, %add3A_537 : i32
        %get3A_539 = arith.index_cast %add3A_538 : i32 to index
        %get3A_540 = arith.constant 16 : index
        %get3A_541 = tpu.vector_load %arg21[%get3A_539, %get3A_540] {strides = array<i32>} : memref<400x32xf32, #tpu.memory_space<vmem>>, vector<16xf32>,
        %mul3A_542 = arith.mulf %get3A_541, %gather3A_525 : vector<16xf32>
        %add3A_543 = arith.constant 13 : i32
        %add3A_544 = arith.addi %multiple_of3A_74, %add3A_543 : i32
        %swap3A_545 = arith.index_cast %add3A_544 : i32 to index
        %swap3A_546 = arith.constant 16 : index
        %swap3A_547 = tpu.vector_load %arg21[%swap3A_545, %swap3A_546] {strides = array<i32>} : memref<400x32xf32, #tpu.memory_space<vmem>>, vector<16xf32>,
        tpu.vector_store %arg21[%swap3A_545, %swap3A_546], %mul3A_542 {strides = array<i32>} : memref<400x32xf32, #tpu.memory_space<vmem>>, vector<16xf32>,
        %broadcast_in_dim3A_548 = arith.constant 14 : i32
        %broadcast_in_dim3A_549 = vector.broadcast %broadcast_in_dim3A_548 : i32 to vector<16xi32>
        %lt3A_550 = arith.constant 0 : i32
        %lt3A_551 = vector.broadcast %lt3A_550 : i32 to vector<16xi32>
        %lt3A_552 = arith.cmpi slt, %broadcast_in_dim3A_549, %lt3A_551 : vector<16xi32>
        %add3A_553 = arith.constant 16 : i32
        %add3A_554 = vector.broadcast %add3A_553 : i32 to vector<16xi32>
        %add3A_555 = arith.addi %broadcast_in_dim3A_549, %add3A_554 : vector<16xi32>
        %select_n3A_556 = arith.select %lt3A_552, %add3A_555, %broadcast_in_dim3A_549 : vector<16xi1>, vector<16xi32>
        %broadcast_in_dim3A_557 = vector.shape_cast %select_n3A_556 : vector<16xi32> to vector<16x1xi32>
        %gather3A_558 = vector.shape_cast %broadcast_in_dim3A_557 : vector<16x1xi32> to vector<16xi32>
        %gather3A_559 = tpu.dynamic_gather %get3A_75[%gather3A_558] in [0] : vector<16xf32>, vector<16xi32> -> vector<16xf32>
        %add3A_560 = arith.constant 14 : i32
        %add3A_561 = arith.addi %multiple_of3A_74, %add3A_560 : i32
        %get3A_562 = arith.index_cast %add3A_561 : i32 to index
        %get3A_563 = arith.constant 0 : index
        %get3A_564 = tpu.vector_load %arg21[%get3A_562, %get3A_563] {strides = array<i32>} : memref<400x32xf32, #tpu.memory_space<vmem>>, vector<16xf32>,
        %mul3A_565 = arith.mulf %get3A_564, %gather3A_559 : vector<16xf32>
        %add3A_566 = arith.constant 14 : i32
        %add3A_567 = arith.addi %multiple_of3A_74, %add3A_566 : i32
        %swap3A_568 = arith.index_cast %add3A_567 : i32 to index
        %swap3A_569 = arith.constant 0 : index
        %swap3A_570 = tpu.vector_load %arg21[%swap3A_568, %swap3A_569] {strides = array<i32>} : memref<400x32xf32, #tpu.memory_space<vmem>>, vector<16xf32>,
        tpu.vector_store %arg21[%swap3A_568, %swap3A_569], %mul3A_565 {strides = array<i32>} : memref<400x32xf32, #tpu.memory_space<vmem>>, vector<16xf32>,
        %add3A_571 = arith.constant 14 : i32
        %add3A_572 = arith.addi %multiple_of3A_74, %add3A_571 : i32
        %get3A_573 = arith.index_cast %add3A_572 : i32 to index
        %get3A_574 = arith.constant 16 : index
        %get3A_575 = tpu.vector_load %arg21[%get3A_573, %get3A_574] {strides = array<i32>} : memref<400x32xf32, #tpu.memory_space<vmem>>, vector<16xf32>,
        %mul3A_576 = arith.mulf %get3A_575, %gather3A_559 : vector<16xf32>
        %add3A_577 = arith.constant 14 : i32
        %add3A_578 = arith.addi %multiple_of3A_74, %add3A_577 : i32
        %swap3A_579 = arith.index_cast %add3A_578 : i32 to index
        %swap3A_580 = arith.constant 16 : index
        %swap3A_581 = tpu.vector_load %arg21[%swap3A_579, %swap3A_580] {strides = array<i32>} : memref<400x32xf32, #tpu.memory_space<vmem>>, vector<16xf32>,
        tpu.vector_store %arg21[%swap3A_579, %swap3A_580], %mul3A_576 {strides = array<i32>} : memref<400x32xf32, #tpu.memory_space<vmem>>, vector<16xf32>,
        %broadcast_in_dim3A_582 = arith.constant 15 : i32
        %broadcast_in_dim3A_583 = vector.broadcast %broadcast_in_dim3A_582 : i32 to vector<16xi32>
        %lt3A_584 = arith.constant 0 : i32
        %lt3A_585 = vector.broadcast %lt3A_584 : i32 to vector<16xi32>
        %lt3A_586 = arith.cmpi slt, %broadcast_in_dim3A_583, %lt3A_585 : vector<16xi32>
        %add3A_587 = arith.constant 16 : i32
        %add3A_588 = vector.broadcast %add3A_587 : i32 to vector<16xi32>
        %add3A_589 = arith.addi %broadcast_in_dim3A_583, %add3A_588 : vector<16xi32>
        %select_n3A_590 = arith.select %lt3A_586, %add3A_589, %broadcast_in_dim3A_583 : vector<16xi1>, vector<16xi32>
        %broadcast_in_dim3A_591 = vector.shape_cast %select_n3A_590 : vector<16xi32> to vector<16x1xi32>
        %gather3A_592 = vector.shape_cast %broadcast_in_dim3A_591 : vector<16x1xi32> to vector<16xi32>
        %gather3A_593 = tpu.dynamic_gather %get3A_75[%gather3A_592] in [0] : vector<16xf32>, vector<16xi32> -> vector<16xf32>
        %add3A_594 = arith.constant 15 : i32
        %add3A_595 = arith.addi %multiple_of3A_74, %add3A_594 : i32
        %get3A_596 = arith.index_cast %add3A_595 : i32 to index
        %get3A_597 = arith.constant 0 : index
        %get3A_598 = tpu.vector_load %arg21[%get3A_596, %get3A_597] {strides = array<i32>} : memref<400x32xf32, #tpu.memory_space<vmem>>, vector<16xf32>,
        %mul3A_599 = arith.mulf %get3A_598, %gather3A_593 : vector<16xf32>
        %add3A_600 = arith.constant 15 : i32
        %add3A_601 = arith.addi %multiple_of3A_74, %add3A_600 : i32
        %swap3A_602 = arith.index_cast %add3A_601 : i32 to index
        %swap3A_603 = arith.constant 0 : index
        %swap3A_604 = tpu.vector_load %arg21[%swap3A_602, %swap3A_603] {strides = array<i32>} : memref<400x32xf32, #tpu.memory_space<vmem>>, vector<16xf32>,
        tpu.vector_store %arg21[%swap3A_602, %swap3A_603], %mul3A_599 {strides = array<i32>} : memref<400x32xf32, #tpu.memory_space<vmem>>, vector<16xf32>,
        %add3A_605 = arith.constant 15 : i32
        %add3A_606 = arith.addi %multiple_of3A_74, %add3A_605 : i32
        %get3A_607 = arith.index_cast %add3A_606 : i32 to index
        %get3A_608 = arith.constant 16 : index
        %get3A_609 = tpu.vector_load %arg21[%get3A_607, %get3A_608] {strides = array<i32>} : memref<400x32xf32, #tpu.memory_space<vmem>>, vector<16xf32>,
        %mul3A_610 = arith.mulf %get3A_609, %gather3A_593 : vector<16xf32>
        %add3A_611 = arith.constant 15 : i32
        %add3A_612 = arith.addi %multiple_of3A_74, %add3A_611 : i32
        %swap3A_613 = arith.index_cast %add3A_612 : i32 to index
        %swap3A_614 = arith.constant 16 : index
        %swap3A_615 = tpu.vector_load %arg21[%swap3A_613, %swap3A_614] {strides = array<i32>} : memref<400x32xf32, #tpu.memory_space<vmem>>, vector<16xf32>,
        tpu.vector_store %arg21[%swap3A_613, %swap3A_614], %mul3A_610 {strides = array<i32>} : memref<400x32xf32, #tpu.memory_space<vmem>>, vector<16xf32>,
      }
      %scan3A_52 = arith.constant 25 : i32
      "tpu.region"() ({
        %run_scoped3A = tpu.sem_alloc : memref<!tpu.dma_semaphore, #tpu.memory_space<semaphore_mem>>
        %dma_start3A_67 = arith.constant 0 : i32
        %dma_start3A_68 = arith.constant 0 : i32
        %dma_start3A_69 = tpu.memref_slice %arg23[%dma_start3A_67, %dma_start3A_68] : memref<50048x32xf32, #tpu.memory_space<vmem_shared>> -> memref<50048x32xf32, #tpu.memory_space<vmem_shared>>
        tpu.enqueue_indirect_dma source(%arg21 : memref<400x32xf32, #tpu.memory_space<vmem>>) target(%dma_start3A_69 : memref<50048x32xf32, #tpu.memory_space<vmem_shared>>) offsets(%arg13 : memref<400xi32, #tpu.memory_space<vmem>>) semaphore(%run_scoped3A : memref<!tpu.dma_semaphore, #tpu.memory_space<semaphore_mem>>) {add = true}
        %dma_wait3A_70 = arith.constant 0 : i32
        %dma_wait3A_71 = arith.constant 0 : i32
        %dma_wait3A_72 = tpu.memref_slice %arg23[%dma_wait3A_70, %dma_wait3A_71] : memref<50048x32xf32, #tpu.memory_space<vmem_shared>> -> memref<50048x32xf32, #tpu.memory_space<vmem_shared>>
        tpu.wait_indirect_dma semaphore(%run_scoped3A : memref<!tpu.dma_semaphore, #tpu.memory_space<semaphore_mem>>) src(%arg21 : memref<400x32xf32, #tpu.memory_space<vmem>>) dst(%dma_wait3A_72 : memref<50048x32xf32, #tpu.memory_space<vmem_shared>>)
        tpu.yield
      }) : () -> ()
      %add3A_53 = arith.constant 1 : i32
      %add3A_54 = arith.addi %add3A_30, %add3A_53 : i32
      %lt3A = arith.constant 32 : i32
      %lt3A_55 = arith.cmpi slt, %add3A_54, %lt3A : i32
      %convert_element_type3A_56 = arith.extui %lt3A_55 : i1 to i32
      %cond3A_57 = arith.constant 0 : i32
      %cond3A_58 = arith.cmpi ne, %convert_element_type3A_56, %cond3A_57 : i32
      scf.if %cond3A_58 {
        %add3A_67 = arith.constant 2 : i32
        %add3A_68 = arith.addi %mul3A_32, %add3A_67 : i32
        %mul3A_69 = arith.constant 400 : i32
        %mul3A_70 = arith.muli %add3A_68, %mul3A_69 : i32
        %add3A_71 = arith.addi %mul3A_4, %mul3A_70 : i32
        "tpu.region"() ({
          %run_scoped3A = tpu.sem_alloc : memref<!tpu.dma_semaphore, #tpu.memory_space<semaphore_mem>>
          %dma_start3A_80 = tpu.memref_slice %arg2[%add3A_71] : memref<819200xi32, #tpu.memory_space<hbm>> -> memref<400xi32, #tpu.memory_space<hbm>>
          %dma_start3A_81 = tpu.memref_slice %arg2[%add3A_71] : memref<819200xi32, #tpu.memory_space<hbm>> -> memref<400xi32, #tpu.memory_space<hbm>>
          tpu.enqueue_dma source(%dma_start3A_81 : memref<400xi32, #tpu.memory_space<hbm>>) target(%arg11 : memref<400xi32, #tpu.memory_space<vmem>>) target_semaphore(%run_scoped3A : memref<!tpu.dma_semaphore, #tpu.memory_space<semaphore_mem>>)
          %dma_wait3A_82 = tpu.memref_slice %arg2[%add3A_71] : memref<819200xi32, #tpu.memory_space<hbm>> -> memref<400xi32, #tpu.memory_space<hbm>>
          %dma_wait3A_83 = tpu.memref_slice %arg2[%add3A_71] : memref<819200xi32, #tpu.memory_space<hbm>> -> memref<400xi32, #tpu.memory_space<hbm>>
          tpu.wait_dma2 semaphore(%run_scoped3A : memref<!tpu.dma_semaphore, #tpu.memory_space<semaphore_mem>>) src(%dma_wait3A_83 : memref<400xi32, #tpu.memory_space<hbm>>) dst(%arg11 : memref<400xi32, #tpu.memory_space<vmem>>)
          tpu.yield
        }) : () -> ()
        "tpu.region"() ({
          %run_scoped3A = tpu.sem_alloc : memref<!tpu.dma_semaphore, #tpu.memory_space<semaphore_mem>>
          %dma_start3A_80 = tpu.memref_slice %arg3[%add3A_71] : memref<819200xi32, #tpu.memory_space<hbm>> -> memref<400xi32, #tpu.memory_space<hbm>>
          %dma_start3A_81 = tpu.memref_slice %arg3[%add3A_71] : memref<819200xi32, #tpu.memory_space<hbm>> -> memref<400xi32, #tpu.memory_space<hbm>>
          tpu.enqueue_dma source(%dma_start3A_81 : memref<400xi32, #tpu.memory_space<hbm>>) target(%arg13 : memref<400xi32, #tpu.memory_space<vmem>>) target_semaphore(%run_scoped3A : memref<!tpu.dma_semaphore, #tpu.memory_space<semaphore_mem>>)
          %dma_wait3A_82 = tpu.memref_slice %arg3[%add3A_71] : memref<819200xi32, #tpu.memory_space<hbm>> -> memref<400xi32, #tpu.memory_space<hbm>>
          %dma_wait3A_83 = tpu.memref_slice %arg3[%add3A_71] : memref<819200xi32, #tpu.memory_space<hbm>> -> memref<400xi32, #tpu.memory_space<hbm>>
          tpu.wait_dma2 semaphore(%run_scoped3A : memref<!tpu.dma_semaphore, #tpu.memory_space<semaphore_mem>>) src(%dma_wait3A_83 : memref<400xi32, #tpu.memory_space<hbm>>) dst(%arg13 : memref<400xi32, #tpu.memory_space<vmem>>)
          tpu.yield
        }) : () -> ()
        "tpu.region"() ({
          %run_scoped3A = tpu.sem_alloc : memref<!tpu.dma_semaphore, #tpu.memory_space<semaphore_mem>>
          %dma_start3A_80 = tpu.memref_slice %arg4[%add3A_71] : memref<819200xi32, #tpu.memory_space<hbm>> -> memref<400xi32, #tpu.memory_space<hbm>>
          %dma_start3A_81 = tpu.memref_slice %arg4[%add3A_71] : memref<819200xi32, #tpu.memory_space<hbm>> -> memref<400xi32, #tpu.memory_space<hbm>>
          tpu.enqueue_dma source(%dma_start3A_81 : memref<400xi32, #tpu.memory_space<hbm>>) target(%arg15 : memref<400xi32, #tpu.memory_space<vmem>>) target_semaphore(%run_scoped3A : memref<!tpu.dma_semaphore, #tpu.memory_space<semaphore_mem>>)
          %dma_wait3A_82 = tpu.memref_slice %arg4[%add3A_71] : memref<819200xi32, #tpu.memory_space<hbm>> -> memref<400xi32, #tpu.memory_space<hbm>>
          %dma_wait3A_83 = tpu.memref_slice %arg4[%add3A_71] : memref<819200xi32, #tpu.memory_space<hbm>> -> memref<400xi32, #tpu.memory_space<hbm>>
          tpu.wait_dma2 semaphore(%run_scoped3A : memref<!tpu.dma_semaphore, #tpu.memory_space<semaphore_mem>>) src(%dma_wait3A_83 : memref<400xi32, #tpu.memory_space<hbm>>) dst(%arg15 : memref<400xi32, #tpu.memory_space<vmem>>)
          tpu.yield
        }) : () -> ()
        "tpu.region"() ({
          %run_scoped3A = tpu.sem_alloc : memref<!tpu.dma_semaphore, #tpu.memory_space<semaphore_mem>>
          %dma_start3A_80 = tpu.memref_slice %arg7[%add3A_71] : memref<819200xf32, #tpu.memory_space<hbm>> -> memref<400xf32, #tpu.memory_space<hbm>>
          %dma_start3A_81 = tpu.memref_slice %arg7[%add3A_71] : memref<819200xf32, #tpu.memory_space<hbm>> -> memref<400xf32, #tpu.memory_space<hbm>>
          tpu.enqueue_dma source(%dma_start3A_81 : memref<400xf32, #tpu.memory_space<hbm>>) target(%arg19 : memref<400xf32, #tpu.memory_space<vmem>>) target_semaphore(%run_scoped3A : memref<!tpu.dma_semaphore, #tpu.memory_space<semaphore_mem>>)
          %dma_wait3A_82 = tpu.memref_slice %arg7[%add3A_71] : memref<819200xf32, #tpu.memory_space<hbm>> -> memref<400xf32, #tpu.memory_space<hbm>>
          %dma_wait3A_83 = tpu.memref_slice %arg7[%add3A_71] : memref<819200xf32, #tpu.memory_space<hbm>> -> memref<400xf32, #tpu.memory_space<hbm>>
          tpu.wait_dma2 semaphore(%run_scoped3A : memref<!tpu.dma_semaphore, #tpu.memory_space<semaphore_mem>>) src(%dma_wait3A_83 : memref<400xf32, #tpu.memory_space<hbm>>) dst(%arg19 : memref<400xf32, #tpu.memory_space<vmem>>)
          tpu.yield
        }) : () -> ()
        %scan3A_72 = arith.constant 0 : i32
        %scan3A_73 = arith.constant 25 : i32
        %scan3A_74 = arith.addi %scan3A_72, %scan3A_73 : i32
        %scan3A_75 = arith.constant 1 : i32
        scf.for %scan3A_80 = %scan3A_72 to %scan3A_74 step %scan3A_75  : i32 {
          %mul3A_81 = arith.constant 1 : i32
          %mul3A_82 = arith.muli %scan3A_80, %mul3A_81 : i32
          %add3A_83 = arith.constant 0 : i32
          %add3A_84 = arith.addi %add3A_83, %mul3A_82 : i32
          %mul3A_85 = arith.constant 16 : i32
          %mul3A_86 = arith.muli %add3A_84, %mul3A_85 : i32
          %multiple_of3A_87 = tpu.assume_multiple %mul3A_86, 16 : i32
          %get3A = arith.index_cast %multiple_of3A_87 : i32 to index
          %get3A_88 = tpu.vector_load %arg15[%get3A] {strides = array<i32>} : memref<400xi32, #tpu.memory_space<vmem>>, vector<16xi32>,
          %mul3A_89 = arith.constant 50000 : i32
          %mul3A_90 = vector.broadcast %mul3A_89 : i32 to vector<16xi32>
          %mul3A_91 = arith.muli %get3A_88, %mul3A_90 : vector<16xi32>
          %get3A_92 = arith.index_cast %multiple_of3A_87 : i32 to index
          %get3A_93 = tpu.vector_load %arg11[%get3A_92] {strides = array<i32>} : memref<400xi32, #tpu.memory_space<vmem>>, vector<16xi32>,
          %add3A_94 = arith.addi %mul3A_91, %get3A_93 : vector<16xi32>
          %swap3A = arith.index_cast %multiple_of3A_87 : i32 to index
          %swap3A_95 = tpu.vector_load %arg17[%swap3A] {strides = array<i32>} : memref<400xi32, #tpu.memory_space<vmem>>, vector<16xi32>,
          tpu.vector_store %arg17[%swap3A], %add3A_94 {strides = array<i32>} : memref<400xi32, #tpu.memory_space<vmem>>, vector<16xi32>,
        }
        %scan3A_76 = arith.constant 25 : i32
        %dma_start3A_77 = arith.constant 0 : i32
        %dma_start3A_78 = arith.constant 0 : i32
        %dma_start3A_79 = tpu.memref_slice %arg5[%dma_start3A_77, %dma_start3A_78] : memref<400000x32xf32, #tpu.memory_space<hbm>> -> memref<400000x32xf32, #tpu.memory_space<hbm>>
        tpu.enqueue_indirect_dma source(%dma_start3A_79 : memref<400000x32xf32, #tpu.memory_space<hbm>>) target(%arg21 : memref<400x32xf32, #tpu.memory_space<vmem>>) offsets(%arg17 : memref<400xi32, #tpu.memory_space<vmem>>) semaphore(%arg24 : memref<!tpu.dma_semaphore, #tpu.memory_space<semaphore_mem>>)
      } else {
      }
      %dma_wait3A_59 = arith.constant 0 : i32
      %dma_wait3A_60 = arith.constant 0 : i32
      %dma_wait3A_61 = tpu.memref_slice %arg5[%dma_wait3A_59, %dma_wait3A_60] : memref<400000x32xf32, #tpu.memory_space<hbm>> -> memref<400000x32xf32, #tpu.memory_space<hbm>>
      tpu.wait_indirect_dma semaphore(%arg25 : memref<!tpu.dma_semaphore, #tpu.memory_space<semaphore_mem>>) src(%dma_wait3A_61 : memref<400000x32xf32, #tpu.memory_space<hbm>>) dst(%arg22 : memref<400x32xf32, #tpu.memory_space<vmem>>)
      %scan3A_62 = arith.constant 0 : i32
      %scan3A_63 = arith.constant 25 : i32
      %scan3A_64 = arith.addi %scan3A_62, %scan3A_63 : i32
      %scan3A_65 = arith.constant 1 : i32
      scf.for %scan3A_67 = %scan3A_62 to %scan3A_64 step %scan3A_65  : i32 {
        %mul3A_68 = arith.constant 1 : i32
        %mul3A_69 = arith.muli %scan3A_67, %mul3A_68 : i32
        %add3A_70 = arith.constant 0 : i32
        %add3A_71 = arith.addi %add3A_70, %mul3A_69 : i32
        %mul3A_72 = arith.constant 16 : i32
        %mul3A_73 = arith.muli %add3A_71, %mul3A_72 : i32
        %multiple_of3A_74 = tpu.assume_multiple %mul3A_73, 16 : i32
        %get3A = arith.index_cast %multiple_of3A_74 : i32 to index
        %get3A_75 = tpu.vector_load %arg20[%get3A] {strides = array<i32>} : memref<400xf32, #tpu.memory_space<vmem>>, vector<16xf32>,
        %broadcast_in_dim3A = arith.constant 0 : i32
        %broadcast_in_dim3A_76 = vector.broadcast %broadcast_in_dim3A : i32 to vector<16xi32>
        %lt3A_77 = arith.constant 0 : i32
        %lt3A_78 = vector.broadcast %lt3A_77 : i32 to vector<16xi32>
        %lt3A_79 = arith.cmpi slt, %broadcast_in_dim3A_76, %lt3A_78 : vector<16xi32>
        %add3A_80 = arith.constant 16 : i32
        %add3A_81 = vector.broadcast %add3A_80 : i32 to vector<16xi32>
        %add3A_82 = arith.addi %broadcast_in_dim3A_76, %add3A_81 : vector<16xi32>
        %select_n3A = arith.select %lt3A_79, %add3A_82, %broadcast_in_dim3A_76 : vector<16xi1>, vector<16xi32>
        %broadcast_in_dim3A_83 = vector.shape_cast %select_n3A : vector<16xi32> to vector<16x1xi32>
        %gather3A = vector.shape_cast %broadcast_in_dim3A_83 : vector<16x1xi32> to vector<16xi32>
        %gather3A_84 = tpu.dynamic_gather %get3A_75[%gather3A] in [0] : vector<16xf32>, vector<16xi32> -> vector<16xf32>
        %add3A_85 = arith.constant 0 : i32
        %add3A_86 = arith.addi %multiple_of3A_74, %add3A_85 : i32
        %get3A_87 = arith.index_cast %add3A_86 : i32 to index
        %get3A_88 = arith.constant 0 : index
        %get3A_89 = tpu.vector_load %arg22[%get3A_87, %get3A_88] {strides = array<i32>} : memref<400x32xf32, #tpu.memory_space<vmem>>, vector<16xf32>,
        %mul3A_90 = arith.mulf %get3A_89, %gather3A_84 : vector<16xf32>
        %add3A_91 = arith.constant 0 : i32
        %add3A_92 = arith.addi %multiple_of3A_74, %add3A_91 : i32
        %swap3A = arith.index_cast %add3A_92 : i32 to index
        %swap3A_93 = arith.constant 0 : index
        %swap3A_94 = tpu.vector_load %arg22[%swap3A, %swap3A_93] {strides = array<i32>} : memref<400x32xf32, #tpu.memory_space<vmem>>, vector<16xf32>,
        tpu.vector_store %arg22[%swap3A, %swap3A_93], %mul3A_90 {strides = array<i32>} : memref<400x32xf32, #tpu.memory_space<vmem>>, vector<16xf32>,
        %add3A_95 = arith.constant 0 : i32
        %add3A_96 = arith.addi %multiple_of3A_74, %add3A_95 : i32
        %get3A_97 = arith.index_cast %add3A_96 : i32 to index
        %get3A_98 = arith.constant 16 : index
        %get3A_99 = tpu.vector_load %arg22[%get3A_97, %get3A_98] {strides = array<i32>} : memref<400x32xf32, #tpu.memory_space<vmem>>, vector<16xf32>,
        %mul3A_100 = arith.mulf %get3A_99, %gather3A_84 : vector<16xf32>
        %add3A_101 = arith.constant 0 : i32
        %add3A_102 = arith.addi %multiple_of3A_74, %add3A_101 : i32
        %swap3A_103 = arith.index_cast %add3A_102 : i32 to index
        %swap3A_104 = arith.constant 16 : index
        %swap3A_105 = tpu.vector_load %arg22[%swap3A_103, %swap3A_104] {strides = array<i32>} : memref<400x32xf32, #tpu.memory_space<vmem>>, vector<16xf32>,
        tpu.vector_store %arg22[%swap3A_103, %swap3A_104], %mul3A_100 {strides = array<i32>} : memref<400x32xf32, #tpu.memory_space<vmem>>, vector<16xf32>,
        %broadcast_in_dim3A_106 = arith.constant 1 : i32
        %broadcast_in_dim3A_107 = vector.broadcast %broadcast_in_dim3A_106 : i32 to vector<16xi32>
        %lt3A_108 = arith.constant 0 : i32
        %lt3A_109 = vector.broadcast %lt3A_108 : i32 to vector<16xi32>
        %lt3A_110 = arith.cmpi slt, %broadcast_in_dim3A_107, %lt3A_109 : vector<16xi32>
        %add3A_111 = arith.constant 16 : i32
        %add3A_112 = vector.broadcast %add3A_111 : i32 to vector<16xi32>
        %add3A_113 = arith.addi %broadcast_in_dim3A_107, %add3A_112 : vector<16xi32>
        %select_n3A_114 = arith.select %lt3A_110, %add3A_113, %broadcast_in_dim3A_107 : vector<16xi1>, vector<16xi32>
        %broadcast_in_dim3A_115 = vector.shape_cast %select_n3A_114 : vector<16xi32> to vector<16x1xi32>
        %gather3A_116 = vector.shape_cast %broadcast_in_dim3A_115 : vector<16x1xi32> to vector<16xi32>
        %gather3A_117 = tpu.dynamic_gather %get3A_75[%gather3A_116] in [0] : vector<16xf32>, vector<16xi32> -> vector<16xf32>
        %add3A_118 = arith.constant 1 : i32
        %add3A_119 = arith.addi %multiple_of3A_74, %add3A_118 : i32
        %get3A_120 = arith.index_cast %add3A_119 : i32 to index
        %get3A_121 = arith.constant 0 : index
        %get3A_122 = tpu.vector_load %arg22[%get3A_120, %get3A_121] {strides = array<i32>} : memref<400x32xf32, #tpu.memory_space<vmem>>, vector<16xf32>,
        %mul3A_123 = arith.mulf %get3A_122, %gather3A_117 : vector<16xf32>
        %add3A_124 = arith.constant 1 : i32
        %add3A_125 = arith.addi %multiple_of3A_74, %add3A_124 : i32
        %swap3A_126 = arith.index_cast %add3A_125 : i32 to index
        %swap3A_127 = arith.constant 0 : index
        %swap3A_128 = tpu.vector_load %arg22[%swap3A_126, %swap3A_127] {strides = array<i32>} : memref<400x32xf32, #tpu.memory_space<vmem>>, vector<16xf32>,
        tpu.vector_store %arg22[%swap3A_126, %swap3A_127], %mul3A_123 {strides = array<i32>} : memref<400x32xf32, #tpu.memory_space<vmem>>, vector<16xf32>,
        %add3A_129 = arith.constant 1 : i32
        %add3A_130 = arith.addi %multiple_of3A_74, %add3A_129 : i32
        %get3A_131 = arith.index_cast %add3A_130 : i32 to index
        %get3A_132 = arith.constant 16 : index
        %get3A_133 = tpu.vector_load %arg22[%get3A_131, %get3A_132] {strides = array<i32>} : memref<400x32xf32, #tpu.memory_space<vmem>>, vector<16xf32>,
        %mul3A_134 = arith.mulf %get3A_133, %gather3A_117 : vector<16xf32>
        %add3A_135 = arith.constant 1 : i32
        %add3A_136 = arith.addi %multiple_of3A_74, %add3A_135 : i32
        %swap3A_137 = arith.index_cast %add3A_136 : i32 to index
        %swap3A_138 = arith.constant 16 : index
        %swap3A_139 = tpu.vector_load %arg22[%swap3A_137, %swap3A_138] {strides = array<i32>} : memref<400x32xf32, #tpu.memory_space<vmem>>, vector<16xf32>,
        tpu.vector_store %arg22[%swap3A_137, %swap3A_138], %mul3A_134 {strides = array<i32>} : memref<400x32xf32, #tpu.memory_space<vmem>>, vector<16xf32>,
        %broadcast_in_dim3A_140 = arith.constant 2 : i32
        %broadcast_in_dim3A_141 = vector.broadcast %broadcast_in_dim3A_140 : i32 to vector<16xi32>
        %lt3A_142 = arith.constant 0 : i32
        %lt3A_143 = vector.broadcast %lt3A_142 : i32 to vector<16xi32>
        %lt3A_144 = arith.cmpi slt, %broadcast_in_dim3A_141, %lt3A_143 : vector<16xi32>
        %add3A_145 = arith.constant 16 : i32
        %add3A_146 = vector.broadcast %add3A_145 : i32 to vector<16xi32>
        %add3A_147 = arith.addi %broadcast_in_dim3A_141, %add3A_146 : vector<16xi32>
        %select_n3A_148 = arith.select %lt3A_144, %add3A_147, %broadcast_in_dim3A_141 : vector<16xi1>, vector<16xi32>
        %broadcast_in_dim3A_149 = vector.shape_cast %select_n3A_148 : vector<16xi32> to vector<16x1xi32>
        %gather3A_150 = vector.shape_cast %broadcast_in_dim3A_149 : vector<16x1xi32> to vector<16xi32>
        %gather3A_151 = tpu.dynamic_gather %get3A_75[%gather3A_150] in [0] : vector<16xf32>, vector<16xi32> -> vector<16xf32>
        %add3A_152 = arith.constant 2 : i32
        %add3A_153 = arith.addi %multiple_of3A_74, %add3A_152 : i32
        %get3A_154 = arith.index_cast %add3A_153 : i32 to index
        %get3A_155 = arith.constant 0 : index
        %get3A_156 = tpu.vector_load %arg22[%get3A_154, %get3A_155] {strides = array<i32>} : memref<400x32xf32, #tpu.memory_space<vmem>>, vector<16xf32>,
        %mul3A_157 = arith.mulf %get3A_156, %gather3A_151 : vector<16xf32>
        %add3A_158 = arith.constant 2 : i32
        %add3A_159 = arith.addi %multiple_of3A_74, %add3A_158 : i32
        %swap3A_160 = arith.index_cast %add3A_159 : i32 to index
        %swap3A_161 = arith.constant 0 : index
        %swap3A_162 = tpu.vector_load %arg22[%swap3A_160, %swap3A_161] {strides = array<i32>} : memref<400x32xf32, #tpu.memory_space<vmem>>, vector<16xf32>,
        tpu.vector_store %arg22[%swap3A_160, %swap3A_161], %mul3A_157 {strides = array<i32>} : memref<400x32xf32, #tpu.memory_space<vmem>>, vector<16xf32>,
        %add3A_163 = arith.constant 2 : i32
        %add3A_164 = arith.addi %multiple_of3A_74, %add3A_163 : i32
        %get3A_165 = arith.index_cast %add3A_164 : i32 to index
        %get3A_166 = arith.constant 16 : index
        %get3A_167 = tpu.vector_load %arg22[%get3A_165, %get3A_166] {strides = array<i32>} : memref<400x32xf32, #tpu.memory_space<vmem>>, vector<16xf32>,
        %mul3A_168 = arith.mulf %get3A_167, %gather3A_151 : vector<16xf32>
        %add3A_169 = arith.constant 2 : i32
        %add3A_170 = arith.addi %multiple_of3A_74, %add3A_169 : i32
        %swap3A_171 = arith.index_cast %add3A_170 : i32 to index
        %swap3A_172 = arith.constant 16 : index
        %swap3A_173 = tpu.vector_load %arg22[%swap3A_171, %swap3A_172] {strides = array<i32>} : memref<400x32xf32, #tpu.memory_space<vmem>>, vector<16xf32>,
        tpu.vector_store %arg22[%swap3A_171, %swap3A_172], %mul3A_168 {strides = array<i32>} : memref<400x32xf32, #tpu.memory_space<vmem>>, vector<16xf32>,
        %broadcast_in_dim3A_174 = arith.constant 3 : i32
        %broadcast_in_dim3A_175 = vector.broadcast %broadcast_in_dim3A_174 : i32 to vector<16xi32>
        %lt3A_176 = arith.constant 0 : i32
        %lt3A_177 = vector.broadcast %lt3A_176 : i32 to vector<16xi32>
        %lt3A_178 = arith.cmpi slt, %broadcast_in_dim3A_175, %lt3A_177 : vector<16xi32>
        %add3A_179 = arith.constant 16 : i32
        %add3A_180 = vector.broadcast %add3A_179 : i32 to vector<16xi32>
        %add3A_181 = arith.addi %broadcast_in_dim3A_175, %add3A_180 : vector<16xi32>
        %select_n3A_182 = arith.select %lt3A_178, %add3A_181, %broadcast_in_dim3A_175 : vector<16xi1>, vector<16xi32>
        %broadcast_in_dim3A_183 = vector.shape_cast %select_n3A_182 : vector<16xi32> to vector<16x1xi32>
        %gather3A_184 = vector.shape_cast %broadcast_in_dim3A_183 : vector<16x1xi32> to vector<16xi32>
        %gather3A_185 = tpu.dynamic_gather %get3A_75[%gather3A_184] in [0] : vector<16xf32>, vector<16xi32> -> vector<16xf32>
        %add3A_186 = arith.constant 3 : i32
        %add3A_187 = arith.addi %multiple_of3A_74, %add3A_186 : i32
        %get3A_188 = arith.index_cast %add3A_187 : i32 to index
        %get3A_189 = arith.constant 0 : index
        %get3A_190 = tpu.vector_load %arg22[%get3A_188, %get3A_189] {strides = array<i32>} : memref<400x32xf32, #tpu.memory_space<vmem>>, vector<16xf32>,
        %mul3A_191 = arith.mulf %get3A_190, %gather3A_185 : vector<16xf32>
        %add3A_192 = arith.constant 3 : i32
        %add3A_193 = arith.addi %multiple_of3A_74, %add3A_192 : i32
        %swap3A_194 = arith.index_cast %add3A_193 : i32 to index
        %swap3A_195 = arith.constant 0 : index
        %swap3A_196 = tpu.vector_load %arg22[%swap3A_194, %swap3A_195] {strides = array<i32>} : memref<400x32xf32, #tpu.memory_space<vmem>>, vector<16xf32>,
        tpu.vector_store %arg22[%swap3A_194, %swap3A_195], %mul3A_191 {strides = array<i32>} : memref<400x32xf32, #tpu.memory_space<vmem>>, vector<16xf32>,
        %add3A_197 = arith.constant 3 : i32
        %add3A_198 = arith.addi %multiple_of3A_74, %add3A_197 : i32
        %get3A_199 = arith.index_cast %add3A_198 : i32 to index
        %get3A_200 = arith.constant 16 : index
        %get3A_201 = tpu.vector_load %arg22[%get3A_199, %get3A_200] {strides = array<i32>} : memref<400x32xf32, #tpu.memory_space<vmem>>, vector<16xf32>,
        %mul3A_202 = arith.mulf %get3A_201, %gather3A_185 : vector<16xf32>
        %add3A_203 = arith.constant 3 : i32
        %add3A_204 = arith.addi %multiple_of3A_74, %add3A_203 : i32
        %swap3A_205 = arith.index_cast %add3A_204 : i32 to index
        %swap3A_206 = arith.constant 16 : index
        %swap3A_207 = tpu.vector_load %arg22[%swap3A_205, %swap3A_206] {strides = array<i32>} : memref<400x32xf32, #tpu.memory_space<vmem>>, vector<16xf32>,
        tpu.vector_store %arg22[%swap3A_205, %swap3A_206], %mul3A_202 {strides = array<i32>} : memref<400x32xf32, #tpu.memory_space<vmem>>, vector<16xf32>,
        %broadcast_in_dim3A_208 = arith.constant 4 : i32
        %broadcast_in_dim3A_209 = vector.broadcast %broadcast_in_dim3A_208 : i32 to vector<16xi32>
        %lt3A_210 = arith.constant 0 : i32
        %lt3A_211 = vector.broadcast %lt3A_210 : i32 to vector<16xi32>
        %lt3A_212 = arith.cmpi slt, %broadcast_in_dim3A_209, %lt3A_211 : vector<16xi32>
        %add3A_213 = arith.constant 16 : i32
        %add3A_214 = vector.broadcast %add3A_213 : i32 to vector<16xi32>
        %add3A_215 = arith.addi %broadcast_in_dim3A_209, %add3A_214 : vector<16xi32>
        %select_n3A_216 = arith.select %lt3A_212, %add3A_215, %broadcast_in_dim3A_209 : vector<16xi1>, vector<16xi32>
        %broadcast_in_dim3A_217 = vector.shape_cast %select_n3A_216 : vector<16xi32> to vector<16x1xi32>
        %gather3A_218 = vector.shape_cast %broadcast_in_dim3A_217 : vector<16x1xi32> to vector<16xi32>
        %gather3A_219 = tpu.dynamic_gather %get3A_75[%gather3A_218] in [0] : vector<16xf32>, vector<16xi32> -> vector<16xf32>
        %add3A_220 = arith.constant 4 : i32
        %add3A_221 = arith.addi %multiple_of3A_74, %add3A_220 : i32
        %get3A_222 = arith.index_cast %add3A_221 : i32 to index
        %get3A_223 = arith.constant 0 : index
        %get3A_224 = tpu.vector_load %arg22[%get3A_222, %get3A_223] {strides = array<i32>} : memref<400x32xf32, #tpu.memory_space<vmem>>, vector<16xf32>,
        %mul3A_225 = arith.mulf %get3A_224, %gather3A_219 : vector<16xf32>
        %add3A_226 = arith.constant 4 : i32
        %add3A_227 = arith.addi %multiple_of3A_74, %add3A_226 : i32
        %swap3A_228 = arith.index_cast %add3A_227 : i32 to index
        %swap3A_229 = arith.constant 0 : index
        %swap3A_230 = tpu.vector_load %arg22[%swap3A_228, %swap3A_229] {strides = array<i32>} : memref<400x32xf32, #tpu.memory_space<vmem>>, vector<16xf32>,
        tpu.vector_store %arg22[%swap3A_228, %swap3A_229], %mul3A_225 {strides = array<i32>} : memref<400x32xf32, #tpu.memory_space<vmem>>, vector<16xf32>,
        %add3A_231 = arith.constant 4 : i32
        %add3A_232 = arith.addi %multiple_of3A_74, %add3A_231 : i32
        %get3A_233 = arith.index_cast %add3A_232 : i32 to index
        %get3A_234 = arith.constant 16 : index
        %get3A_235 = tpu.vector_load %arg22[%get3A_233, %get3A_234] {strides = array<i32>} : memref<400x32xf32, #tpu.memory_space<vmem>>, vector<16xf32>,
        %mul3A_236 = arith.mulf %get3A_235, %gather3A_219 : vector<16xf32>
        %add3A_237 = arith.constant 4 : i32
        %add3A_238 = arith.addi %multiple_of3A_74, %add3A_237 : i32
        %swap3A_239 = arith.index_cast %add3A_238 : i32 to index
        %swap3A_240 = arith.constant 16 : index
        %swap3A_241 = tpu.vector_load %arg22[%swap3A_239, %swap3A_240] {strides = array<i32>} : memref<400x32xf32, #tpu.memory_space<vmem>>, vector<16xf32>,
        tpu.vector_store %arg22[%swap3A_239, %swap3A_240], %mul3A_236 {strides = array<i32>} : memref<400x32xf32, #tpu.memory_space<vmem>>, vector<16xf32>,
        %broadcast_in_dim3A_242 = arith.constant 5 : i32
        %broadcast_in_dim3A_243 = vector.broadcast %broadcast_in_dim3A_242 : i32 to vector<16xi32>
        %lt3A_244 = arith.constant 0 : i32
        %lt3A_245 = vector.broadcast %lt3A_244 : i32 to vector<16xi32>
        %lt3A_246 = arith.cmpi slt, %broadcast_in_dim3A_243, %lt3A_245 : vector<16xi32>
        %add3A_247 = arith.constant 16 : i32
        %add3A_248 = vector.broadcast %add3A_247 : i32 to vector<16xi32>
        %add3A_249 = arith.addi %broadcast_in_dim3A_243, %add3A_248 : vector<16xi32>
        %select_n3A_250 = arith.select %lt3A_246, %add3A_249, %broadcast_in_dim3A_243 : vector<16xi1>, vector<16xi32>
        %broadcast_in_dim3A_251 = vector.shape_cast %select_n3A_250 : vector<16xi32> to vector<16x1xi32>
        %gather3A_252 = vector.shape_cast %broadcast_in_dim3A_251 : vector<16x1xi32> to vector<16xi32>
        %gather3A_253 = tpu.dynamic_gather %get3A_75[%gather3A_252] in [0] : vector<16xf32>, vector<16xi32> -> vector<16xf32>
        %add3A_254 = arith.constant 5 : i32
        %add3A_255 = arith.addi %multiple_of3A_74, %add3A_254 : i32
        %get3A_256 = arith.index_cast %add3A_255 : i32 to index
        %get3A_257 = arith.constant 0 : index
        %get3A_258 = tpu.vector_load %arg22[%get3A_256, %get3A_257] {strides = array<i32>} : memref<400x32xf32, #tpu.memory_space<vmem>>, vector<16xf32>,
        %mul3A_259 = arith.mulf %get3A_258, %gather3A_253 : vector<16xf32>
        %add3A_260 = arith.constant 5 : i32
        %add3A_261 = arith.addi %multiple_of3A_74, %add3A_260 : i32
        %swap3A_262 = arith.index_cast %add3A_261 : i32 to index
        %swap3A_263 = arith.constant 0 : index
        %swap3A_264 = tpu.vector_load %arg22[%swap3A_262, %swap3A_263] {strides = array<i32>} : memref<400x32xf32, #tpu.memory_space<vmem>>, vector<16xf32>,
        tpu.vector_store %arg22[%swap3A_262, %swap3A_263], %mul3A_259 {strides = array<i32>} : memref<400x32xf32, #tpu.memory_space<vmem>>, vector<16xf32>,
        %add3A_265 = arith.constant 5 : i32
        %add3A_266 = arith.addi %multiple_of3A_74, %add3A_265 : i32
        %get3A_267 = arith.index_cast %add3A_266 : i32 to index
        %get3A_268 = arith.constant 16 : index
        %get3A_269 = tpu.vector_load %arg22[%get3A_267, %get3A_268] {strides = array<i32>} : memref<400x32xf32, #tpu.memory_space<vmem>>, vector<16xf32>,
        %mul3A_270 = arith.mulf %get3A_269, %gather3A_253 : vector<16xf32>
        %add3A_271 = arith.constant 5 : i32
        %add3A_272 = arith.addi %multiple_of3A_74, %add3A_271 : i32
        %swap3A_273 = arith.index_cast %add3A_272 : i32 to index
        %swap3A_274 = arith.constant 16 : index
        %swap3A_275 = tpu.vector_load %arg22[%swap3A_273, %swap3A_274] {strides = array<i32>} : memref<400x32xf32, #tpu.memory_space<vmem>>, vector<16xf32>,
        tpu.vector_store %arg22[%swap3A_273, %swap3A_274], %mul3A_270 {strides = array<i32>} : memref<400x32xf32, #tpu.memory_space<vmem>>, vector<16xf32>,
        %broadcast_in_dim3A_276 = arith.constant 6 : i32
        %broadcast_in_dim3A_277 = vector.broadcast %broadcast_in_dim3A_276 : i32 to vector<16xi32>
        %lt3A_278 = arith.constant 0 : i32
        %lt3A_279 = vector.broadcast %lt3A_278 : i32 to vector<16xi32>
        %lt3A_280 = arith.cmpi slt, %broadcast_in_dim3A_277, %lt3A_279 : vector<16xi32>
        %add3A_281 = arith.constant 16 : i32
        %add3A_282 = vector.broadcast %add3A_281 : i32 to vector<16xi32>
        %add3A_283 = arith.addi %broadcast_in_dim3A_277, %add3A_282 : vector<16xi32>
        %select_n3A_284 = arith.select %lt3A_280, %add3A_283, %broadcast_in_dim3A_277 : vector<16xi1>, vector<16xi32>
        %broadcast_in_dim3A_285 = vector.shape_cast %select_n3A_284 : vector<16xi32> to vector<16x1xi32>
        %gather3A_286 = vector.shape_cast %broadcast_in_dim3A_285 : vector<16x1xi32> to vector<16xi32>
        %gather3A_287 = tpu.dynamic_gather %get3A_75[%gather3A_286] in [0] : vector<16xf32>, vector<16xi32> -> vector<16xf32>
        %add3A_288 = arith.constant 6 : i32
        %add3A_289 = arith.addi %multiple_of3A_74, %add3A_288 : i32
        %get3A_290 = arith.index_cast %add3A_289 : i32 to index
        %get3A_291 = arith.constant 0 : index
        %get3A_292 = tpu.vector_load %arg22[%get3A_290, %get3A_291] {strides = array<i32>} : memref<400x32xf32, #tpu.memory_space<vmem>>, vector<16xf32>,
        %mul3A_293 = arith.mulf %get3A_292, %gather3A_287 : vector<16xf32>
        %add3A_294 = arith.constant 6 : i32
        %add3A_295 = arith.addi %multiple_of3A_74, %add3A_294 : i32
        %swap3A_296 = arith.index_cast %add3A_295 : i32 to index
        %swap3A_297 = arith.constant 0 : index
        %swap3A_298 = tpu.vector_load %arg22[%swap3A_296, %swap3A_297] {strides = array<i32>} : memref<400x32xf32, #tpu.memory_space<vmem>>, vector<16xf32>,
        tpu.vector_store %arg22[%swap3A_296, %swap3A_297], %mul3A_293 {strides = array<i32>} : memref<400x32xf32, #tpu.memory_space<vmem>>, vector<16xf32>,
        %add3A_299 = arith.constant 6 : i32
        %add3A_300 = arith.addi %multiple_of3A_74, %add3A_299 : i32
        %get3A_301 = arith.index_cast %add3A_300 : i32 to index
        %get3A_302 = arith.constant 16 : index
        %get3A_303 = tpu.vector_load %arg22[%get3A_301, %get3A_302] {strides = array<i32>} : memref<400x32xf32, #tpu.memory_space<vmem>>, vector<16xf32>,
        %mul3A_304 = arith.mulf %get3A_303, %gather3A_287 : vector<16xf32>
        %add3A_305 = arith.constant 6 : i32
        %add3A_306 = arith.addi %multiple_of3A_74, %add3A_305 : i32
        %swap3A_307 = arith.index_cast %add3A_306 : i32 to index
        %swap3A_308 = arith.constant 16 : index
        %swap3A_309 = tpu.vector_load %arg22[%swap3A_307, %swap3A_308] {strides = array<i32>} : memref<400x32xf32, #tpu.memory_space<vmem>>, vector<16xf32>,
        tpu.vector_store %arg22[%swap3A_307, %swap3A_308], %mul3A_304 {strides = array<i32>} : memref<400x32xf32, #tpu.memory_space<vmem>>, vector<16xf32>,
        %broadcast_in_dim3A_310 = arith.constant 7 : i32
        %broadcast_in_dim3A_311 = vector.broadcast %broadcast_in_dim3A_310 : i32 to vector<16xi32>
        %lt3A_312 = arith.constant 0 : i32
        %lt3A_313 = vector.broadcast %lt3A_312 : i32 to vector<16xi32>
        %lt3A_314 = arith.cmpi slt, %broadcast_in_dim3A_311, %lt3A_313 : vector<16xi32>
        %add3A_315 = arith.constant 16 : i32
        %add3A_316 = vector.broadcast %add3A_315 : i32 to vector<16xi32>
        %add3A_317 = arith.addi %broadcast_in_dim3A_311, %add3A_316 : vector<16xi32>
        %select_n3A_318 = arith.select %lt3A_314, %add3A_317, %broadcast_in_dim3A_311 : vector<16xi1>, vector<16xi32>
        %broadcast_in_dim3A_319 = vector.shape_cast %select_n3A_318 : vector<16xi32> to vector<16x1xi32>
        %gather3A_320 = vector.shape_cast %broadcast_in_dim3A_319 : vector<16x1xi32> to vector<16xi32>
        %gather3A_321 = tpu.dynamic_gather %get3A_75[%gather3A_320] in [0] : vector<16xf32>, vector<16xi32> -> vector<16xf32>
        %add3A_322 = arith.constant 7 : i32
        %add3A_323 = arith.addi %multiple_of3A_74, %add3A_322 : i32
        %get3A_324 = arith.index_cast %add3A_323 : i32 to index
        %get3A_325 = arith.constant 0 : index
        %get3A_326 = tpu.vector_load %arg22[%get3A_324, %get3A_325] {strides = array<i32>} : memref<400x32xf32, #tpu.memory_space<vmem>>, vector<16xf32>,
        %mul3A_327 = arith.mulf %get3A_326, %gather3A_321 : vector<16xf32>
        %add3A_328 = arith.constant 7 : i32
        %add3A_329 = arith.addi %multiple_of3A_74, %add3A_328 : i32
        %swap3A_330 = arith.index_cast %add3A_329 : i32 to index
        %swap3A_331 = arith.constant 0 : index
        %swap3A_332 = tpu.vector_load %arg22[%swap3A_330, %swap3A_331] {strides = array<i32>} : memref<400x32xf32, #tpu.memory_space<vmem>>, vector<16xf32>,
        tpu.vector_store %arg22[%swap3A_330, %swap3A_331], %mul3A_327 {strides = array<i32>} : memref<400x32xf32, #tpu.memory_space<vmem>>, vector<16xf32>,
        %add3A_333 = arith.constant 7 : i32
        %add3A_334 = arith.addi %multiple_of3A_74, %add3A_333 : i32
        %get3A_335 = arith.index_cast %add3A_334 : i32 to index
        %get3A_336 = arith.constant 16 : index
        %get3A_337 = tpu.vector_load %arg22[%get3A_335, %get3A_336] {strides = array<i32>} : memref<400x32xf32, #tpu.memory_space<vmem>>, vector<16xf32>,
        %mul3A_338 = arith.mulf %get3A_337, %gather3A_321 : vector<16xf32>
        %add3A_339 = arith.constant 7 : i32
        %add3A_340 = arith.addi %multiple_of3A_74, %add3A_339 : i32
        %swap3A_341 = arith.index_cast %add3A_340 : i32 to index
        %swap3A_342 = arith.constant 16 : index
        %swap3A_343 = tpu.vector_load %arg22[%swap3A_341, %swap3A_342] {strides = array<i32>} : memref<400x32xf32, #tpu.memory_space<vmem>>, vector<16xf32>,
        tpu.vector_store %arg22[%swap3A_341, %swap3A_342], %mul3A_338 {strides = array<i32>} : memref<400x32xf32, #tpu.memory_space<vmem>>, vector<16xf32>,
        %broadcast_in_dim3A_344 = arith.constant 8 : i32
        %broadcast_in_dim3A_345 = vector.broadcast %broadcast_in_dim3A_344 : i32 to vector<16xi32>
        %lt3A_346 = arith.constant 0 : i32
        %lt3A_347 = vector.broadcast %lt3A_346 : i32 to vector<16xi32>
        %lt3A_348 = arith.cmpi slt, %broadcast_in_dim3A_345, %lt3A_347 : vector<16xi32>
        %add3A_349 = arith.constant 16 : i32
        %add3A_350 = vector.broadcast %add3A_349 : i32 to vector<16xi32>
        %add3A_351 = arith.addi %broadcast_in_dim3A_345, %add3A_350 : vector<16xi32>
        %select_n3A_352 = arith.select %lt3A_348, %add3A_351, %broadcast_in_dim3A_345 : vector<16xi1>, vector<16xi32>
        %broadcast_in_dim3A_353 = vector.shape_cast %select_n3A_352 : vector<16xi32> to vector<16x1xi32>
        %gather3A_354 = vector.shape_cast %broadcast_in_dim3A_353 : vector<16x1xi32> to vector<16xi32>
        %gather3A_355 = tpu.dynamic_gather %get3A_75[%gather3A_354] in [0] : vector<16xf32>, vector<16xi32> -> vector<16xf32>
        %add3A_356 = arith.constant 8 : i32
        %add3A_357 = arith.addi %multiple_of3A_74, %add3A_356 : i32
        %get3A_358 = arith.index_cast %add3A_357 : i32 to index
        %get3A_359 = arith.constant 0 : index
        %get3A_360 = tpu.vector_load %arg22[%get3A_358, %get3A_359] {strides = array<i32>} : memref<400x32xf32, #tpu.memory_space<vmem>>, vector<16xf32>,
        %mul3A_361 = arith.mulf %get3A_360, %gather3A_355 : vector<16xf32>
        %add3A_362 = arith.constant 8 : i32
        %add3A_363 = arith.addi %multiple_of3A_74, %add3A_362 : i32
        %swap3A_364 = arith.index_cast %add3A_363 : i32 to index
        %swap3A_365 = arith.constant 0 : index
        %swap3A_366 = tpu.vector_load %arg22[%swap3A_364, %swap3A_365] {strides = array<i32>} : memref<400x32xf32, #tpu.memory_space<vmem>>, vector<16xf32>,
        tpu.vector_store %arg22[%swap3A_364, %swap3A_365], %mul3A_361 {strides = array<i32>} : memref<400x32xf32, #tpu.memory_space<vmem>>, vector<16xf32>,
        %add3A_367 = arith.constant 8 : i32
        %add3A_368 = arith.addi %multiple_of3A_74, %add3A_367 : i32
        %get3A_369 = arith.index_cast %add3A_368 : i32 to index
        %get3A_370 = arith.constant 16 : index
        %get3A_371 = tpu.vector_load %arg22[%get3A_369, %get3A_370] {strides = array<i32>} : memref<400x32xf32, #tpu.memory_space<vmem>>, vector<16xf32>,
        %mul3A_372 = arith.mulf %get3A_371, %gather3A_355 : vector<16xf32>
        %add3A_373 = arith.constant 8 : i32
        %add3A_374 = arith.addi %multiple_of3A_74, %add3A_373 : i32
        %swap3A_375 = arith.index_cast %add3A_374 : i32 to index
        %swap3A_376 = arith.constant 16 : index
        %swap3A_377 = tpu.vector_load %arg22[%swap3A_375, %swap3A_376] {strides = array<i32>} : memref<400x32xf32, #tpu.memory_space<vmem>>, vector<16xf32>,
        tpu.vector_store %arg22[%swap3A_375, %swap3A_376], %mul3A_372 {strides = array<i32>} : memref<400x32xf32, #tpu.memory_space<vmem>>, vector<16xf32>,
        %broadcast_in_dim3A_378 = arith.constant 9 : i32
        %broadcast_in_dim3A_379 = vector.broadcast %broadcast_in_dim3A_378 : i32 to vector<16xi32>
        %lt3A_380 = arith.constant 0 : i32
        %lt3A_381 = vector.broadcast %lt3A_380 : i32 to vector<16xi32>
        %lt3A_382 = arith.cmpi slt, %broadcast_in_dim3A_379, %lt3A_381 : vector<16xi32>
        %add3A_383 = arith.constant 16 : i32
        %add3A_384 = vector.broadcast %add3A_383 : i32 to vector<16xi32>
        %add3A_385 = arith.addi %broadcast_in_dim3A_379, %add3A_384 : vector<16xi32>
        %select_n3A_386 = arith.select %lt3A_382, %add3A_385, %broadcast_in_dim3A_379 : vector<16xi1>, vector<16xi32>
        %broadcast_in_dim3A_387 = vector.shape_cast %select_n3A_386 : vector<16xi32> to vector<16x1xi32>
        %gather3A_388 = vector.shape_cast %broadcast_in_dim3A_387 : vector<16x1xi32> to vector<16xi32>
        %gather3A_389 = tpu.dynamic_gather %get3A_75[%gather3A_388] in [0] : vector<16xf32>, vector<16xi32> -> vector<16xf32>
        %add3A_390 = arith.constant 9 : i32
        %add3A_391 = arith.addi %multiple_of3A_74, %add3A_390 : i32
        %get3A_392 = arith.index_cast %add3A_391 : i32 to index
        %get3A_393 = arith.constant 0 : index
        %get3A_394 = tpu.vector_load %arg22[%get3A_392, %get3A_393] {strides = array<i32>} : memref<400x32xf32, #tpu.memory_space<vmem>>, vector<16xf32>,
        %mul3A_395 = arith.mulf %get3A_394, %gather3A_389 : vector<16xf32>
        %add3A_396 = arith.constant 9 : i32
        %add3A_397 = arith.addi %multiple_of3A_74, %add3A_396 : i32
        %swap3A_398 = arith.index_cast %add3A_397 : i32 to index
        %swap3A_399 = arith.constant 0 : index
        %swap3A_400 = tpu.vector_load %arg22[%swap3A_398, %swap3A_399] {strides = array<i32>} : memref<400x32xf32, #tpu.memory_space<vmem>>, vector<16xf32>,
        tpu.vector_store %arg22[%swap3A_398, %swap3A_399], %mul3A_395 {strides = array<i32>} : memref<400x32xf32, #tpu.memory_space<vmem>>, vector<16xf32>,
        %add3A_401 = arith.constant 9 : i32
        %add3A_402 = arith.addi %multiple_of3A_74, %add3A_401 : i32
        %get3A_403 = arith.index_cast %add3A_402 : i32 to index
        %get3A_404 = arith.constant 16 : index
        %get3A_405 = tpu.vector_load %arg22[%get3A_403, %get3A_404] {strides = array<i32>} : memref<400x32xf32, #tpu.memory_space<vmem>>, vector<16xf32>,
        %mul3A_406 = arith.mulf %get3A_405, %gather3A_389 : vector<16xf32>
        %add3A_407 = arith.constant 9 : i32
        %add3A_408 = arith.addi %multiple_of3A_74, %add3A_407 : i32
        %swap3A_409 = arith.index_cast %add3A_408 : i32 to index
        %swap3A_410 = arith.constant 16 : index
        %swap3A_411 = tpu.vector_load %arg22[%swap3A_409, %swap3A_410] {strides = array<i32>} : memref<400x32xf32, #tpu.memory_space<vmem>>, vector<16xf32>,
        tpu.vector_store %arg22[%swap3A_409, %swap3A_410], %mul3A_406 {strides = array<i32>} : memref<400x32xf32, #tpu.memory_space<vmem>>, vector<16xf32>,
        %broadcast_in_dim3A_412 = arith.constant 10 : i32
        %broadcast_in_dim3A_413 = vector.broadcast %broadcast_in_dim3A_412 : i32 to vector<16xi32>
        %lt3A_414 = arith.constant 0 : i32
        %lt3A_415 = vector.broadcast %lt3A_414 : i32 to vector<16xi32>
        %lt3A_416 = arith.cmpi slt, %broadcast_in_dim3A_413, %lt3A_415 : vector<16xi32>
        %add3A_417 = arith.constant 16 : i32
        %add3A_418 = vector.broadcast %add3A_417 : i32 to vector<16xi32>
        %add3A_419 = arith.addi %broadcast_in_dim3A_413, %add3A_418 : vector<16xi32>
        %select_n3A_420 = arith.select %lt3A_416, %add3A_419, %broadcast_in_dim3A_413 : vector<16xi1>, vector<16xi32>
        %broadcast_in_dim3A_421 = vector.shape_cast %select_n3A_420 : vector<16xi32> to vector<16x1xi32>
        %gather3A_422 = vector.shape_cast %broadcast_in_dim3A_421 : vector<16x1xi32> to vector<16xi32>
        %gather3A_423 = tpu.dynamic_gather %get3A_75[%gather3A_422] in [0] : vector<16xf32>, vector<16xi32> -> vector<16xf32>
        %add3A_424 = arith.constant 10 : i32
        %add3A_425 = arith.addi %multiple_of3A_74, %add3A_424 : i32
        %get3A_426 = arith.index_cast %add3A_425 : i32 to index
        %get3A_427 = arith.constant 0 : index
        %get3A_428 = tpu.vector_load %arg22[%get3A_426, %get3A_427] {strides = array<i32>} : memref<400x32xf32, #tpu.memory_space<vmem>>, vector<16xf32>,
        %mul3A_429 = arith.mulf %get3A_428, %gather3A_423 : vector<16xf32>
        %add3A_430 = arith.constant 10 : i32
        %add3A_431 = arith.addi %multiple_of3A_74, %add3A_430 : i32
        %swap3A_432 = arith.index_cast %add3A_431 : i32 to index
        %swap3A_433 = arith.constant 0 : index
        %swap3A_434 = tpu.vector_load %arg22[%swap3A_432, %swap3A_433] {strides = array<i32>} : memref<400x32xf32, #tpu.memory_space<vmem>>, vector<16xf32>,
        tpu.vector_store %arg22[%swap3A_432, %swap3A_433], %mul3A_429 {strides = array<i32>} : memref<400x32xf32, #tpu.memory_space<vmem>>, vector<16xf32>,
        %add3A_435 = arith.constant 10 : i32
        %add3A_436 = arith.addi %multiple_of3A_74, %add3A_435 : i32
        %get3A_437 = arith.index_cast %add3A_436 : i32 to index
        %get3A_438 = arith.constant 16 : index
        %get3A_439 = tpu.vector_load %arg22[%get3A_437, %get3A_438] {strides = array<i32>} : memref<400x32xf32, #tpu.memory_space<vmem>>, vector<16xf32>,
        %mul3A_440 = arith.mulf %get3A_439, %gather3A_423 : vector<16xf32>
        %add3A_441 = arith.constant 10 : i32
        %add3A_442 = arith.addi %multiple_of3A_74, %add3A_441 : i32
        %swap3A_443 = arith.index_cast %add3A_442 : i32 to index
        %swap3A_444 = arith.constant 16 : index
        %swap3A_445 = tpu.vector_load %arg22[%swap3A_443, %swap3A_444] {strides = array<i32>} : memref<400x32xf32, #tpu.memory_space<vmem>>, vector<16xf32>,
        tpu.vector_store %arg22[%swap3A_443, %swap3A_444], %mul3A_440 {strides = array<i32>} : memref<400x32xf32, #tpu.memory_space<vmem>>, vector<16xf32>,
        %broadcast_in_dim3A_446 = arith.constant 11 : i32
        %broadcast_in_dim3A_447 = vector.broadcast %broadcast_in_dim3A_446 : i32 to vector<16xi32>
        %lt3A_448 = arith.constant 0 : i32
        %lt3A_449 = vector.broadcast %lt3A_448 : i32 to vector<16xi32>
        %lt3A_450 = arith.cmpi slt, %broadcast_in_dim3A_447, %lt3A_449 : vector<16xi32>
        %add3A_451 = arith.constant 16 : i32
        %add3A_452 = vector.broadcast %add3A_451 : i32 to vector<16xi32>
        %add3A_453 = arith.addi %broadcast_in_dim3A_447, %add3A_452 : vector<16xi32>
        %select_n3A_454 = arith.select %lt3A_450, %add3A_453, %broadcast_in_dim3A_447 : vector<16xi1>, vector<16xi32>
        %broadcast_in_dim3A_455 = vector.shape_cast %select_n3A_454 : vector<16xi32> to vector<16x1xi32>
        %gather3A_456 = vector.shape_cast %broadcast_in_dim3A_455 : vector<16x1xi32> to vector<16xi32>
        %gather3A_457 = tpu.dynamic_gather %get3A_75[%gather3A_456] in [0] : vector<16xf32>, vector<16xi32> -> vector<16xf32>
        %add3A_458 = arith.constant 11 : i32
        %add3A_459 = arith.addi %multiple_of3A_74, %add3A_458 : i32
        %get3A_460 = arith.index_cast %add3A_459 : i32 to index
        %get3A_461 = arith.constant 0 : index
        %get3A_462 = tpu.vector_load %arg22[%get3A_460, %get3A_461] {strides = array<i32>} : memref<400x32xf32, #tpu.memory_space<vmem>>, vector<16xf32>,
        %mul3A_463 = arith.mulf %get3A_462, %gather3A_457 : vector<16xf32>
        %add3A_464 = arith.constant 11 : i32
        %add3A_465 = arith.addi %multiple_of3A_74, %add3A_464 : i32
        %swap3A_466 = arith.index_cast %add3A_465 : i32 to index
        %swap3A_467 = arith.constant 0 : index
        %swap3A_468 = tpu.vector_load %arg22[%swap3A_466, %swap3A_467] {strides = array<i32>} : memref<400x32xf32, #tpu.memory_space<vmem>>, vector<16xf32>,
        tpu.vector_store %arg22[%swap3A_466, %swap3A_467], %mul3A_463 {strides = array<i32>} : memref<400x32xf32, #tpu.memory_space<vmem>>, vector<16xf32>,
        %add3A_469 = arith.constant 11 : i32
        %add3A_470 = arith.addi %multiple_of3A_74, %add3A_469 : i32
        %get3A_471 = arith.index_cast %add3A_470 : i32 to index
        %get3A_472 = arith.constant 16 : index
        %get3A_473 = tpu.vector_load %arg22[%get3A_471, %get3A_472] {strides = array<i32>} : memref<400x32xf32, #tpu.memory_space<vmem>>, vector<16xf32>,
        %mul3A_474 = arith.mulf %get3A_473, %gather3A_457 : vector<16xf32>
        %add3A_475 = arith.constant 11 : i32
        %add3A_476 = arith.addi %multiple_of3A_74, %add3A_475 : i32
        %swap3A_477 = arith.index_cast %add3A_476 : i32 to index
        %swap3A_478 = arith.constant 16 : index
        %swap3A_479 = tpu.vector_load %arg22[%swap3A_477, %swap3A_478] {strides = array<i32>} : memref<400x32xf32, #tpu.memory_space<vmem>>, vector<16xf32>,
        tpu.vector_store %arg22[%swap3A_477, %swap3A_478], %mul3A_474 {strides = array<i32>} : memref<400x32xf32, #tpu.memory_space<vmem>>, vector<16xf32>,
        %broadcast_in_dim3A_480 = arith.constant 12 : i32
        %broadcast_in_dim3A_481 = vector.broadcast %broadcast_in_dim3A_480 : i32 to vector<16xi32>
        %lt3A_482 = arith.constant 0 : i32
        %lt3A_483 = vector.broadcast %lt3A_482 : i32 to vector<16xi32>
        %lt3A_484 = arith.cmpi slt, %broadcast_in_dim3A_481, %lt3A_483 : vector<16xi32>
        %add3A_485 = arith.constant 16 : i32
        %add3A_486 = vector.broadcast %add3A_485 : i32 to vector<16xi32>
        %add3A_487 = arith.addi %broadcast_in_dim3A_481, %add3A_486 : vector<16xi32>
        %select_n3A_488 = arith.select %lt3A_484, %add3A_487, %broadcast_in_dim3A_481 : vector<16xi1>, vector<16xi32>
        %broadcast_in_dim3A_489 = vector.shape_cast %select_n3A_488 : vector<16xi32> to vector<16x1xi32>
        %gather3A_490 = vector.shape_cast %broadcast_in_dim3A_489 : vector<16x1xi32> to vector<16xi32>
        %gather3A_491 = tpu.dynamic_gather %get3A_75[%gather3A_490] in [0] : vector<16xf32>, vector<16xi32> -> vector<16xf32>
        %add3A_492 = arith.constant 12 : i32
        %add3A_493 = arith.addi %multiple_of3A_74, %add3A_492 : i32
        %get3A_494 = arith.index_cast %add3A_493 : i32 to index
        %get3A_495 = arith.constant 0 : index
        %get3A_496 = tpu.vector_load %arg22[%get3A_494, %get3A_495] {strides = array<i32>} : memref<400x32xf32, #tpu.memory_space<vmem>>, vector<16xf32>,
        %mul3A_497 = arith.mulf %get3A_496, %gather3A_491 : vector<16xf32>
        %add3A_498 = arith.constant 12 : i32
        %add3A_499 = arith.addi %multiple_of3A_74, %add3A_498 : i32
        %swap3A_500 = arith.index_cast %add3A_499 : i32 to index
        %swap3A_501 = arith.constant 0 : index
        %swap3A_502 = tpu.vector_load %arg22[%swap3A_500, %swap3A_501] {strides = array<i32>} : memref<400x32xf32, #tpu.memory_space<vmem>>, vector<16xf32>,
        tpu.vector_store %arg22[%swap3A_500, %swap3A_501], %mul3A_497 {strides = array<i32>} : memref<400x32xf32, #tpu.memory_space<vmem>>, vector<16xf32>,
        %add3A_503 = arith.constant 12 : i32
        %add3A_504 = arith.addi %multiple_of3A_74, %add3A_503 : i32
        %get3A_505 = arith.index_cast %add3A_504 : i32 to index
        %get3A_506 = arith.constant 16 : index
        %get3A_507 = tpu.vector_load %arg22[%get3A_505, %get3A_506] {strides = array<i32>} : memref<400x32xf32, #tpu.memory_space<vmem>>, vector<16xf32>,
        %mul3A_508 = arith.mulf %get3A_507, %gather3A_491 : vector<16xf32>
        %add3A_509 = arith.constant 12 : i32
        %add3A_510 = arith.addi %multiple_of3A_74, %add3A_509 : i32
        %swap3A_511 = arith.index_cast %add3A_510 : i32 to index
        %swap3A_512 = arith.constant 16 : index
        %swap3A_513 = tpu.vector_load %arg22[%swap3A_511, %swap3A_512] {strides = array<i32>} : memref<400x32xf32, #tpu.memory_space<vmem>>, vector<16xf32>,
        tpu.vector_store %arg22[%swap3A_511, %swap3A_512], %mul3A_508 {strides = array<i32>} : memref<400x32xf32, #tpu.memory_space<vmem>>, vector<16xf32>,
        %broadcast_in_dim3A_514 = arith.constant 13 : i32
        %broadcast_in_dim3A_515 = vector.broadcast %broadcast_in_dim3A_514 : i32 to vector<16xi32>
        %lt3A_516 = arith.constant 0 : i32
        %lt3A_517 = vector.broadcast %lt3A_516 : i32 to vector<16xi32>
        %lt3A_518 = arith.cmpi slt, %broadcast_in_dim3A_515, %lt3A_517 : vector<16xi32>
        %add3A_519 = arith.constant 16 : i32
        %add3A_520 = vector.broadcast %add3A_519 : i32 to vector<16xi32>
        %add3A_521 = arith.addi %broadcast_in_dim3A_515, %add3A_520 : vector<16xi32>
        %select_n3A_522 = arith.select %lt3A_518, %add3A_521, %broadcast_in_dim3A_515 : vector<16xi1>, vector<16xi32>
        %broadcast_in_dim3A_523 = vector.shape_cast %select_n3A_522 : vector<16xi32> to vector<16x1xi32>
        %gather3A_524 = vector.shape_cast %broadcast_in_dim3A_523 : vector<16x1xi32> to vector<16xi32>
        %gather3A_525 = tpu.dynamic_gather %get3A_75[%gather3A_524] in [0] : vector<16xf32>, vector<16xi32> -> vector<16xf32>
        %add3A_526 = arith.constant 13 : i32
        %add3A_527 = arith.addi %multiple_of3A_74, %add3A_526 : i32
        %get3A_528 = arith.index_cast %add3A_527 : i32 to index
        %get3A_529 = arith.constant 0 : index
        %get3A_530 = tpu.vector_load %arg22[%get3A_528, %get3A_529] {strides = array<i32>} : memref<400x32xf32, #tpu.memory_space<vmem>>, vector<16xf32>,
        %mul3A_531 = arith.mulf %get3A_530, %gather3A_525 : vector<16xf32>
        %add3A_532 = arith.constant 13 : i32
        %add3A_533 = arith.addi %multiple_of3A_74, %add3A_532 : i32
        %swap3A_534 = arith.index_cast %add3A_533 : i32 to index
        %swap3A_535 = arith.constant 0 : index
        %swap3A_536 = tpu.vector_load %arg22[%swap3A_534, %swap3A_535] {strides = array<i32>} : memref<400x32xf32, #tpu.memory_space<vmem>>, vector<16xf32>,
        tpu.vector_store %arg22[%swap3A_534, %swap3A_535], %mul3A_531 {strides = array<i32>} : memref<400x32xf32, #tpu.memory_space<vmem>>, vector<16xf32>,
        %add3A_537 = arith.constant 13 : i32
        %add3A_538 = arith.addi %multiple_of3A_74, %add3A_537 : i32
        %get3A_539 = arith.index_cast %add3A_538 : i32 to index
        %get3A_540 = arith.constant 16 : index
        %get3A_541 = tpu.vector_load %arg22[%get3A_539, %get3A_540] {strides = array<i32>} : memref<400x32xf32, #tpu.memory_space<vmem>>, vector<16xf32>,
        %mul3A_542 = arith.mulf %get3A_541, %gather3A_525 : vector<16xf32>
        %add3A_543 = arith.constant 13 : i32
        %add3A_544 = arith.addi %multiple_of3A_74, %add3A_543 : i32
        %swap3A_545 = arith.index_cast %add3A_544 : i32 to index
        %swap3A_546 = arith.constant 16 : index
        %swap3A_547 = tpu.vector_load %arg22[%swap3A_545, %swap3A_546] {strides = array<i32>} : memref<400x32xf32, #tpu.memory_space<vmem>>, vector<16xf32>,
        tpu.vector_store %arg22[%swap3A_545, %swap3A_546], %mul3A_542 {strides = array<i32>} : memref<400x32xf32, #tpu.memory_space<vmem>>, vector<16xf32>,
        %broadcast_in_dim3A_548 = arith.constant 14 : i32
        %broadcast_in_dim3A_549 = vector.broadcast %broadcast_in_dim3A_548 : i32 to vector<16xi32>
        %lt3A_550 = arith.constant 0 : i32
        %lt3A_551 = vector.broadcast %lt3A_550 : i32 to vector<16xi32>
        %lt3A_552 = arith.cmpi slt, %broadcast_in_dim3A_549, %lt3A_551 : vector<16xi32>
        %add3A_553 = arith.constant 16 : i32
        %add3A_554 = vector.broadcast %add3A_553 : i32 to vector<16xi32>
        %add3A_555 = arith.addi %broadcast_in_dim3A_549, %add3A_554 : vector<16xi32>
        %select_n3A_556 = arith.select %lt3A_552, %add3A_555, %broadcast_in_dim3A_549 : vector<16xi1>, vector<16xi32>
        %broadcast_in_dim3A_557 = vector.shape_cast %select_n3A_556 : vector<16xi32> to vector<16x1xi32>
        %gather3A_558 = vector.shape_cast %broadcast_in_dim3A_557 : vector<16x1xi32> to vector<16xi32>
        %gather3A_559 = tpu.dynamic_gather %get3A_75[%gather3A_558] in [0] : vector<16xf32>, vector<16xi32> -> vector<16xf32>
        %add3A_560 = arith.constant 14 : i32
        %add3A_561 = arith.addi %multiple_of3A_74, %add3A_560 : i32
        %get3A_562 = arith.index_cast %add3A_561 : i32 to index
        %get3A_563 = arith.constant 0 : index
        %get3A_564 = tpu.vector_load %arg22[%get3A_562, %get3A_563] {strides = array<i32>} : memref<400x32xf32, #tpu.memory_space<vmem>>, vector<16xf32>,
        %mul3A_565 = arith.mulf %get3A_564, %gather3A_559 : vector<16xf32>
        %add3A_566 = arith.constant 14 : i32
        %add3A_567 = arith.addi %multiple_of3A_74, %add3A_566 : i32
        %swap3A_568 = arith.index_cast %add3A_567 : i32 to index
        %swap3A_569 = arith.constant 0 : index
        %swap3A_570 = tpu.vector_load %arg22[%swap3A_568, %swap3A_569] {strides = array<i32>} : memref<400x32xf32, #tpu.memory_space<vmem>>, vector<16xf32>,
        tpu.vector_store %arg22[%swap3A_568, %swap3A_569], %mul3A_565 {strides = array<i32>} : memref<400x32xf32, #tpu.memory_space<vmem>>, vector<16xf32>,
        %add3A_571 = arith.constant 14 : i32
        %add3A_572 = arith.addi %multiple_of3A_74, %add3A_571 : i32
        %get3A_573 = arith.index_cast %add3A_572 : i32 to index
        %get3A_574 = arith.constant 16 : index
        %get3A_575 = tpu.vector_load %arg22[%get3A_573, %get3A_574] {strides = array<i32>} : memref<400x32xf32, #tpu.memory_space<vmem>>, vector<16xf32>,
        %mul3A_576 = arith.mulf %get3A_575, %gather3A_559 : vector<16xf32>
        %add3A_577 = arith.constant 14 : i32
        %add3A_578 = arith.addi %multiple_of3A_74, %add3A_577 : i32
        %swap3A_579 = arith.index_cast %add3A_578 : i32 to index
        %swap3A_580 = arith.constant 16 : index
        %swap3A_581 = tpu.vector_load %arg22[%swap3A_579, %swap3A_580] {strides = array<i32>} : memref<400x32xf32, #tpu.memory_space<vmem>>, vector<16xf32>,
        tpu.vector_store %arg22[%swap3A_579, %swap3A_580], %mul3A_576 {strides = array<i32>} : memref<400x32xf32, #tpu.memory_space<vmem>>, vector<16xf32>,
        %broadcast_in_dim3A_582 = arith.constant 15 : i32
        %broadcast_in_dim3A_583 = vector.broadcast %broadcast_in_dim3A_582 : i32 to vector<16xi32>
        %lt3A_584 = arith.constant 0 : i32
        %lt3A_585 = vector.broadcast %lt3A_584 : i32 to vector<16xi32>
        %lt3A_586 = arith.cmpi slt, %broadcast_in_dim3A_583, %lt3A_585 : vector<16xi32>
        %add3A_587 = arith.constant 16 : i32
        %add3A_588 = vector.broadcast %add3A_587 : i32 to vector<16xi32>
        %add3A_589 = arith.addi %broadcast_in_dim3A_583, %add3A_588 : vector<16xi32>
        %select_n3A_590 = arith.select %lt3A_586, %add3A_589, %broadcast_in_dim3A_583 : vector<16xi1>, vector<16xi32>
        %broadcast_in_dim3A_591 = vector.shape_cast %select_n3A_590 : vector<16xi32> to vector<16x1xi32>
        %gather3A_592 = vector.shape_cast %broadcast_in_dim3A_591 : vector<16x1xi32> to vector<16xi32>
        %gather3A_593 = tpu.dynamic_gather %get3A_75[%gather3A_592] in [0] : vector<16xf32>, vector<16xi32> -> vector<16xf32>
        %add3A_594 = arith.constant 15 : i32
        %add3A_595 = arith.addi %multiple_of3A_74, %add3A_594 : i32
        %get3A_596 = arith.index_cast %add3A_595 : i32 to index
        %get3A_597 = arith.constant 0 : index
        %get3A_598 = tpu.vector_load %arg22[%get3A_596, %get3A_597] {strides = array<i32>} : memref<400x32xf32, #tpu.memory_space<vmem>>, vector<16xf32>,
        %mul3A_599 = arith.mulf %get3A_598, %gather3A_593 : vector<16xf32>
        %add3A_600 = arith.constant 15 : i32
        %add3A_601 = arith.addi %multiple_of3A_74, %add3A_600 : i32
        %swap3A_602 = arith.index_cast %add3A_601 : i32 to index
        %swap3A_603 = arith.constant 0 : index
        %swap3A_604 = tpu.vector_load %arg22[%swap3A_602, %swap3A_603] {strides = array<i32>} : memref<400x32xf32, #tpu.memory_space<vmem>>, vector<16xf32>,
        tpu.vector_store %arg22[%swap3A_602, %swap3A_603], %mul3A_599 {strides = array<i32>} : memref<400x32xf32, #tpu.memory_space<vmem>>, vector<16xf32>,
        %add3A_605 = arith.constant 15 : i32
        %add3A_606 = arith.addi %multiple_of3A_74, %add3A_605 : i32
        %get3A_607 = arith.index_cast %add3A_606 : i32 to index
        %get3A_608 = arith.constant 16 : index
        %get3A_609 = tpu.vector_load %arg22[%get3A_607, %get3A_608] {strides = array<i32>} : memref<400x32xf32, #tpu.memory_space<vmem>>, vector<16xf32>,
        %mul3A_610 = arith.mulf %get3A_609, %gather3A_593 : vector<16xf32>
        %add3A_611 = arith.constant 15 : i32
        %add3A_612 = arith.addi %multiple_of3A_74, %add3A_611 : i32
        %swap3A_613 = arith.index_cast %add3A_612 : i32 to index
        %swap3A_614 = arith.constant 16 : index
        %swap3A_615 = tpu.vector_load %arg22[%swap3A_613, %swap3A_614] {strides = array<i32>} : memref<400x32xf32, #tpu.memory_space<vmem>>, vector<16xf32>,
        tpu.vector_store %arg22[%swap3A_613, %swap3A_614], %mul3A_610 {strides = array<i32>} : memref<400x32xf32, #tpu.memory_space<vmem>>, vector<16xf32>,
      }
      %scan3A_66 = arith.constant 25 : i32
      "tpu.region"() ({
        %run_scoped3A = tpu.sem_alloc : memref<!tpu.dma_semaphore, #tpu.memory_space<semaphore_mem>>
        %dma_start3A_67 = arith.constant 0 : i32
        %dma_start3A_68 = arith.constant 0 : i32
        %dma_start3A_69 = tpu.memref_slice %arg23[%dma_start3A_67, %dma_start3A_68] : memref<50048x32xf32, #tpu.memory_space<vmem_shared>> -> memref<50048x32xf32, #tpu.memory_space<vmem_shared>>
        tpu.enqueue_indirect_dma source(%arg22 : memref<400x32xf32, #tpu.memory_space<vmem>>) target(%dma_start3A_69 : memref<50048x32xf32, #tpu.memory_space<vmem_shared>>) offsets(%arg14 : memref<400xi32, #tpu.memory_space<vmem>>) semaphore(%run_scoped3A : memref<!tpu.dma_semaphore, #tpu.memory_space<semaphore_mem>>) {add = true}
        %dma_wait3A_70 = arith.constant 0 : i32
        %dma_wait3A_71 = arith.constant 0 : i32
        %dma_wait3A_72 = tpu.memref_slice %arg23[%dma_wait3A_70, %dma_wait3A_71] : memref<50048x32xf32, #tpu.memory_space<vmem_shared>> -> memref<50048x32xf32, #tpu.memory_space<vmem_shared>>
        tpu.wait_indirect_dma semaphore(%run_scoped3A : memref<!tpu.dma_semaphore, #tpu.memory_space<semaphore_mem>>) src(%arg22 : memref<400x32xf32, #tpu.memory_space<vmem>>) dst(%dma_wait3A_72 : memref<50048x32xf32, #tpu.memory_space<vmem_shared>>)
        tpu.yield
      }) : () -> ()
    }
    %scan3A_17 = arith.constant 32 : i32
    %barrier3A_18 = arith.constant 0 : index
    tpu.barrier barrier_id(%barrier3A_18)
    %eq3A = arith.constant 0 : i32
    %eq3A_19 = arith.cmpi eq, %arg0, %eq3A : i32
    %convert_element_type3A = arith.extui %eq3A_19 : i1 to i32
    %cond3A = arith.constant 0 : i32
    %cond3A_20 = arith.cmpi ne, %convert_element_type3A, %cond3A : i32
    scf.if %cond3A_20 {
      "tpu.region"() ({
        %run_scoped3A = tpu.sem_alloc : memref<!tpu.dma_semaphore, #tpu.memory_space<semaphore_mem>>
        %dma_start3A_26 = arith.constant 0 : i32
        %dma_start3A_27 = tpu.memref_slice %arg9[%multiple_of3A, %dma_start3A_26] : memref<50048x32xf32, #tpu.memory_space<hbm>> -> memref<3128x32xf32, #tpu.memory_space<hbm>>
        %dma_start3A_28 = arith.constant 0 : i32
        %dma_start3A_29 = tpu.memref_slice %arg23[%multiple_of3A, %dma_start3A_28] : memref<50048x32xf32, #tpu.memory_space<vmem_shared>> -> memref<3128x32xf32, #tpu.memory_space<vmem_shared>>
        tpu.enqueue_dma source(%dma_start3A_29 : memref<3128x32xf32, #tpu.memory_space<vmem_shared>>) target(%dma_start3A_27 : memref<3128x32xf32, #tpu.memory_space<hbm>>) target_semaphore(%run_scoped3A : memref<!tpu.dma_semaphore, #tpu.memory_space<semaphore_mem>>)
        %dma_wait3A = arith.constant 0 : i32
        %dma_wait3A_30 = tpu.memref_slice %arg9[%multiple_of3A, %dma_wait3A] : memref<50048x32xf32, #tpu.memory_space<hbm>> -> memref<3128x32xf32, #tpu.memory_space<hbm>>
        %dma_wait3A_31 = arith.constant 0 : i32
        %dma_wait3A_32 = tpu.memref_slice %arg23[%multiple_of3A, %dma_wait3A_31] : memref<50048x32xf32, #tpu.memory_space<vmem_shared>> -> memref<3128x32xf32, #tpu.memory_space<vmem_shared>>
        tpu.wait_dma2 semaphore(%run_scoped3A : memref<!tpu.dma_semaphore, #tpu.memory_space<semaphore_mem>>) src(%dma_wait3A_32 : memref<3128x32xf32, #tpu.memory_space<vmem_shared>>) dst(%dma_wait3A_30 : memref<3128x32xf32, #tpu.memory_space<hbm>>)
        tpu.yield
      }) : () -> ()
    } else {
    }
    %eq3A_21 = arith.constant 1 : i32
    %eq3A_22 = arith.cmpi eq, %arg0, %eq3A_21 : i32
    %convert_element_type3A_23 = arith.extui %eq3A_22 : i1 to i32
    %cond3A_24 = arith.constant 0 : i32
    %cond3A_25 = arith.cmpi ne, %convert_element_type3A_23, %cond3A_24 : i32
    scf.if %cond3A_25 {
      "tpu.region"() ({
        %run_scoped3A = tpu.sem_alloc : memref<!tpu.dma_semaphore, #tpu.memory_space<semaphore_mem>>
        %dma_start3A_26 = arith.constant 0 : i32
        %dma_start3A_27 = tpu.memref_slice %arg10[%multiple_of3A, %dma_start3A_26] : memref<50048x32xf32, #tpu.memory_space<hbm>> -> memref<3128x32xf32, #tpu.memory_space<hbm>>
        %dma_start3A_28 = arith.constant 0 : i32
        %dma_start3A_29 = tpu.memref_slice %arg23[%multiple_of3A, %dma_start3A_28] : memref<50048x32xf32, #tpu.memory_space<vmem_shared>> -> memref<3128x32xf32, #tpu.memory_space<vmem_shared>>
        tpu.enqueue_dma source(%dma_start3A_29 : memref<3128x32xf32, #tpu.memory_space<vmem_shared>>) target(%dma_start3A_27 : memref<3128x32xf32, #tpu.memory_space<hbm>>) target_semaphore(%run_scoped3A : memref<!tpu.dma_semaphore, #tpu.memory_space<semaphore_mem>>)
        %dma_wait3A = arith.constant 0 : i32
        %dma_wait3A_30 = tpu.memref_slice %arg10[%multiple_of3A, %dma_wait3A] : memref<50048x32xf32, #tpu.memory_space<hbm>> -> memref<3128x32xf32, #tpu.memory_space<hbm>>
        %dma_wait3A_31 = arith.constant 0 : i32
        %dma_wait3A_32 = tpu.memref_slice %arg23[%multiple_of3A, %dma_wait3A_31] : memref<50048x32xf32, #tpu.memory_space<vmem_shared>> -> memref<3128x32xf32, #tpu.memory_space<vmem_shared>>
        tpu.wait_dma2 semaphore(%run_scoped3A : memref<!tpu.dma_semaphore, #tpu.memory_space<semaphore_mem>>) src(%dma_wait3A_32 : memref<3128x32xf32, #tpu.memory_space<vmem_shared>>) dst(%dma_wait3A_30 : memref<3128x32xf32, #tpu.memory_space<hbm>>)
        tpu.yield
      }) : () -> ()
    } else {
    }
    return
  }
}

#map = affine_map<(d0, d1) -> (0)>
#map1 = affine_map<(d0, d1) -> (0, 0)>
module attributes {stable_mosaic.version = 14 : i64} {
  func.func @_count_body(%arg0: i32, %arg1: i32, %arg2: memref<819200xi32, #tpu.memory_space<hbm>>, %arg3: memref<819200xi32, #tpu.memory_space<hbm>>, %arg4: memref<50048x16xf32, #tpu.memory_space<hbm>>, %arg5: memref<50048x16xf32, #tpu.memory_space<hbm>>, %arg6: memref<50048x16xf32, #tpu.memory_space<hbm>>, %arg7: memref<400xi32, #tpu.memory_space<vmem>>, %arg8: memref<400xi32, #tpu.memory_space<vmem>>, %arg9: memref<400x16xf32, #tpu.memory_space<vmem>>, %arg10: memref<50048x16xf32, #tpu.memory_space<vmem_shared>>) attributes {dimension_semantics = [#tpu.dimension_semantics<core_parallel>, #tpu.dimension_semantics<subcore_parallel>], iteration_bounds = array<i64: 2, 16>, scalar_prefetch = 0 : i64, scratch_operands = 4 : i64, tpu.core_type = #tpu.core_type<sc_vector_subcore>, window_params = [{transform_indices = #map}, {transform_indices = #map}, {transform_indices = #map1}, {transform_indices = #map1}, {transform_indices = #map1}]} {
    %mul3A = arith.constant 3128 : i32
    %mul3A_0 = arith.muli %arg1, %mul3A : i32
    %multiple_of3A = tpu.assume_multiple %mul3A_0, 8 : i32
    "tpu.region"() ({
      %run_scoped3A = tpu.sem_alloc : memref<!tpu.dma_semaphore, #tpu.memory_space<semaphore_mem>>
      %dma_start3A = arith.constant 0 : i32
      %dma_start3A_17 = tpu.memref_slice %arg10[%multiple_of3A, %dma_start3A] : memref<50048x16xf32, #tpu.memory_space<vmem_shared>> -> memref<3128x16xf32, #tpu.memory_space<vmem_shared>>
      %dma_start3A_18 = arith.constant 0 : i32
      %dma_start3A_19 = tpu.memref_slice %arg4[%multiple_of3A, %dma_start3A_18] : memref<50048x16xf32, #tpu.memory_space<hbm>> -> memref<3128x16xf32, #tpu.memory_space<hbm>>
      tpu.enqueue_dma source(%dma_start3A_19 : memref<3128x16xf32, #tpu.memory_space<hbm>>) target(%dma_start3A_17 : memref<3128x16xf32, #tpu.memory_space<vmem_shared>>) target_semaphore(%run_scoped3A : memref<!tpu.dma_semaphore, #tpu.memory_space<semaphore_mem>>)
      %dma_wait3A = arith.constant 0 : i32
      %dma_wait3A_20 = tpu.memref_slice %arg10[%multiple_of3A, %dma_wait3A] : memref<50048x16xf32, #tpu.memory_space<vmem_shared>> -> memref<3128x16xf32, #tpu.memory_space<vmem_shared>>
      %dma_wait3A_21 = arith.constant 0 : i32
      %dma_wait3A_22 = tpu.memref_slice %arg4[%multiple_of3A, %dma_wait3A_21] : memref<50048x16xf32, #tpu.memory_space<hbm>> -> memref<3128x16xf32, #tpu.memory_space<hbm>>
      tpu.wait_dma2 semaphore(%run_scoped3A : memref<!tpu.dma_semaphore, #tpu.memory_space<semaphore_mem>>) src(%dma_wait3A_22 : memref<3128x16xf32, #tpu.memory_space<hbm>>) dst(%dma_wait3A_20 : memref<3128x16xf32, #tpu.memory_space<vmem_shared>>)
      tpu.yield
    }) : () -> ()
    %barrier3A = arith.constant 0 : index
    tpu.barrier barrier_id(%barrier3A)
    %mul3A_1 = arith.constant 16 : i32
    %mul3A_2 = arith.muli %arg0, %mul3A_1 : i32
    %add3A = arith.addi %mul3A_2, %arg1 : i32
    %mul3A_3 = arith.constant 25600 : i32
    %mul3A_4 = arith.muli %add3A, %mul3A_3 : i32
    %iota3A = tpu.iota {dimensions = array<i32: 0>} : vector<16xi32>
    %scan3A = arith.constant 0 : i32
    %scan3A_5 = arith.constant 64 : i32
    %scan3A_6 = arith.addi %scan3A, %scan3A_5 : i32
    %scan3A_7 = arith.constant 1 : i32
    scf.for %scan3A_17 = %scan3A to %scan3A_6 step %scan3A_7  : i32 {
      %mul3A_18 = arith.constant 1 : i32
      %mul3A_19 = arith.muli %scan3A_17, %mul3A_18 : i32
      %add3A_20 = arith.constant 0 : i32
      %add3A_21 = arith.addi %add3A_20, %mul3A_19 : i32
      %mul3A_22 = arith.constant 400 : i32
      %mul3A_23 = arith.muli %add3A_21, %mul3A_22 : i32
      %add3A_24 = arith.addi %mul3A_4, %mul3A_23 : i32
      "tpu.region"() ({
        %run_scoped3A = tpu.sem_alloc : memref<!tpu.dma_semaphore, #tpu.memory_space<semaphore_mem>>
        %dma_start3A = tpu.memref_slice %arg2[%add3A_24] : memref<819200xi32, #tpu.memory_space<hbm>> -> memref<400xi32, #tpu.memory_space<hbm>>
        %dma_start3A_30 = tpu.memref_slice %arg2[%add3A_24] : memref<819200xi32, #tpu.memory_space<hbm>> -> memref<400xi32, #tpu.memory_space<hbm>>
        tpu.enqueue_dma source(%dma_start3A_30 : memref<400xi32, #tpu.memory_space<hbm>>) target(%arg7 : memref<400xi32, #tpu.memory_space<vmem>>) target_semaphore(%run_scoped3A : memref<!tpu.dma_semaphore, #tpu.memory_space<semaphore_mem>>)
        %dma_wait3A = tpu.memref_slice %arg2[%add3A_24] : memref<819200xi32, #tpu.memory_space<hbm>> -> memref<400xi32, #tpu.memory_space<hbm>>
        %dma_wait3A_31 = tpu.memref_slice %arg2[%add3A_24] : memref<819200xi32, #tpu.memory_space<hbm>> -> memref<400xi32, #tpu.memory_space<hbm>>
        tpu.wait_dma2 semaphore(%run_scoped3A : memref<!tpu.dma_semaphore, #tpu.memory_space<semaphore_mem>>) src(%dma_wait3A_31 : memref<400xi32, #tpu.memory_space<hbm>>) dst(%arg7 : memref<400xi32, #tpu.memory_space<vmem>>)
        tpu.yield
      }) : () -> ()
      "tpu.region"() ({
        %run_scoped3A = tpu.sem_alloc : memref<!tpu.dma_semaphore, #tpu.memory_space<semaphore_mem>>
        %dma_start3A = tpu.memref_slice %arg3[%add3A_24] : memref<819200xi32, #tpu.memory_space<hbm>> -> memref<400xi32, #tpu.memory_space<hbm>>
        %dma_start3A_30 = tpu.memref_slice %arg3[%add3A_24] : memref<819200xi32, #tpu.memory_space<hbm>> -> memref<400xi32, #tpu.memory_space<hbm>>
        tpu.enqueue_dma source(%dma_start3A_30 : memref<400xi32, #tpu.memory_space<hbm>>) target(%arg8 : memref<400xi32, #tpu.memory_space<vmem>>) target_semaphore(%run_scoped3A : memref<!tpu.dma_semaphore, #tpu.memory_space<semaphore_mem>>)
        %dma_wait3A = tpu.memref_slice %arg3[%add3A_24] : memref<819200xi32, #tpu.memory_space<hbm>> -> memref<400xi32, #tpu.memory_space<hbm>>
        %dma_wait3A_31 = tpu.memref_slice %arg3[%add3A_24] : memref<819200xi32, #tpu.memory_space<hbm>> -> memref<400xi32, #tpu.memory_space<hbm>>
        tpu.wait_dma2 semaphore(%run_scoped3A : memref<!tpu.dma_semaphore, #tpu.memory_space<semaphore_mem>>) src(%dma_wait3A_31 : memref<400xi32, #tpu.memory_space<hbm>>) dst(%arg8 : memref<400xi32, #tpu.memory_space<vmem>>)
        tpu.yield
      }) : () -> ()
      %scan3A_25 = arith.constant 0 : i32
      %scan3A_26 = arith.constant 25 : i32
      %scan3A_27 = arith.addi %scan3A_25, %scan3A_26 : i32
      %scan3A_28 = arith.constant 1 : i32
      scf.for %scan3A_30 = %scan3A_25 to %scan3A_27 step %scan3A_28  : i32 {
        %mul3A_31 = arith.constant 1 : i32
        %mul3A_32 = arith.muli %scan3A_30, %mul3A_31 : i32
        %add3A_33 = arith.constant 0 : i32
        %add3A_34 = arith.addi %add3A_33, %mul3A_32 : i32
        %mul3A_35 = arith.constant 16 : i32
        %mul3A_36 = arith.muli %add3A_34, %mul3A_35 : i32
        %multiple_of3A_37 = tpu.assume_multiple %mul3A_36, 16 : i32
        %get3A = arith.index_cast %multiple_of3A_37 : i32 to index
        %get3A_38 = tpu.vector_load %arg8[%get3A] {strides = array<i32>} : memref<400xi32, #tpu.memory_space<vmem>>, vector<16xi32>,
        %broadcast_in_dim3A = arith.constant 0 : i32
        %broadcast_in_dim3A_39 = vector.broadcast %broadcast_in_dim3A : i32 to vector<16xi32>
        %lt3A = arith.constant 0 : i32
        %lt3A_40 = vector.broadcast %lt3A : i32 to vector<16xi32>
        %lt3A_41 = arith.cmpi slt, %broadcast_in_dim3A_39, %lt3A_40 : vector<16xi32>
        %add3A_42 = arith.constant 16 : i32
        %add3A_43 = vector.broadcast %add3A_42 : i32 to vector<16xi32>
        %add3A_44 = arith.addi %broadcast_in_dim3A_39, %add3A_43 : vector<16xi32>
        %select_n3A = arith.select %lt3A_41, %add3A_44, %broadcast_in_dim3A_39 : vector<16xi1>, vector<16xi32>
        %broadcast_in_dim3A_45 = vector.shape_cast %select_n3A : vector<16xi32> to vector<16x1xi32>
        %gather3A = vector.shape_cast %broadcast_in_dim3A_45 : vector<16x1xi32> to vector<16xi32>
        %gather3A_46 = tpu.dynamic_gather %get3A_38[%gather3A] in [0] : vector<16xi32>, vector<16xi32> -> vector<16xi32>
        %eq3A_47 = arith.cmpi eq, %iota3A, %gather3A_46 : vector<16xi32>
        %jit3A = arith.constant 1.000000e+00 : f32
        %jit3A_48 = arith.constant 0.000000e+00 : f32
        %broadcast_in_dim3A_49 = vector.broadcast %jit3A : f32 to vector<16xf32>
        %broadcast_in_dim3A_50 = vector.broadcast %jit3A_48 : f32 to vector<16xf32>
        %select_n3A_51 = arith.select %eq3A_47, %broadcast_in_dim3A_49, %broadcast_in_dim3A_50 : vector<16xi1>, vector<16xf32>
        %add3A_52 = arith.constant 0 : i32
        %add3A_53 = arith.addi %multiple_of3A_37, %add3A_52 : i32
        %swap3A = arith.index_cast %add3A_53 : i32 to index
        %swap3A_54 = arith.constant 0 : index
        %swap3A_55 = tpu.vector_load %arg9[%swap3A, %swap3A_54] {strides = array<i32>} : memref<400x16xf32, #tpu.memory_space<vmem>>, vector<16xf32>,
        tpu.vector_store %arg9[%swap3A, %swap3A_54], %select_n3A_51 {strides = array<i32>} : memref<400x16xf32, #tpu.memory_space<vmem>>, vector<16xf32>,
        %broadcast_in_dim3A_56 = arith.constant 1 : i32
        %broadcast_in_dim3A_57 = vector.broadcast %broadcast_in_dim3A_56 : i32 to vector<16xi32>
        %lt3A_58 = arith.constant 0 : i32
        %lt3A_59 = vector.broadcast %lt3A_58 : i32 to vector<16xi32>
        %lt3A_60 = arith.cmpi slt, %broadcast_in_dim3A_57, %lt3A_59 : vector<16xi32>
        %add3A_61 = arith.constant 16 : i32
        %add3A_62 = vector.broadcast %add3A_61 : i32 to vector<16xi32>
        %add3A_63 = arith.addi %broadcast_in_dim3A_57, %add3A_62 : vector<16xi32>
        %select_n3A_64 = arith.select %lt3A_60, %add3A_63, %broadcast_in_dim3A_57 : vector<16xi1>, vector<16xi32>
        %broadcast_in_dim3A_65 = vector.shape_cast %select_n3A_64 : vector<16xi32> to vector<16x1xi32>
        %gather3A_66 = vector.shape_cast %broadcast_in_dim3A_65 : vector<16x1xi32> to vector<16xi32>
        %gather3A_67 = tpu.dynamic_gather %get3A_38[%gather3A_66] in [0] : vector<16xi32>, vector<16xi32> -> vector<16xi32>
        %eq3A_68 = arith.cmpi eq, %iota3A, %gather3A_67 : vector<16xi32>
        %jit3A_69 = arith.constant 1.000000e+00 : f32
        %jit3A_70 = arith.constant 0.000000e+00 : f32
        %broadcast_in_dim3A_71 = vector.broadcast %jit3A_69 : f32 to vector<16xf32>
        %broadcast_in_dim3A_72 = vector.broadcast %jit3A_70 : f32 to vector<16xf32>
        %select_n3A_73 = arith.select %eq3A_68, %broadcast_in_dim3A_71, %broadcast_in_dim3A_72 : vector<16xi1>, vector<16xf32>
        %add3A_74 = arith.constant 1 : i32
        %add3A_75 = arith.addi %multiple_of3A_37, %add3A_74 : i32
        %swap3A_76 = arith.index_cast %add3A_75 : i32 to index
        %swap3A_77 = arith.constant 0 : index
        %swap3A_78 = tpu.vector_load %arg9[%swap3A_76, %swap3A_77] {strides = array<i32>} : memref<400x16xf32, #tpu.memory_space<vmem>>, vector<16xf32>,
        tpu.vector_store %arg9[%swap3A_76, %swap3A_77], %select_n3A_73 {strides = array<i32>} : memref<400x16xf32, #tpu.memory_space<vmem>>, vector<16xf32>,
        %broadcast_in_dim3A_79 = arith.constant 2 : i32
        %broadcast_in_dim3A_80 = vector.broadcast %broadcast_in_dim3A_79 : i32 to vector<16xi32>
        %lt3A_81 = arith.constant 0 : i32
        %lt3A_82 = vector.broadcast %lt3A_81 : i32 to vector<16xi32>
        %lt3A_83 = arith.cmpi slt, %broadcast_in_dim3A_80, %lt3A_82 : vector<16xi32>
        %add3A_84 = arith.constant 16 : i32
        %add3A_85 = vector.broadcast %add3A_84 : i32 to vector<16xi32>
        %add3A_86 = arith.addi %broadcast_in_dim3A_80, %add3A_85 : vector<16xi32>
        %select_n3A_87 = arith.select %lt3A_83, %add3A_86, %broadcast_in_dim3A_80 : vector<16xi1>, vector<16xi32>
        %broadcast_in_dim3A_88 = vector.shape_cast %select_n3A_87 : vector<16xi32> to vector<16x1xi32>
        %gather3A_89 = vector.shape_cast %broadcast_in_dim3A_88 : vector<16x1xi32> to vector<16xi32>
        %gather3A_90 = tpu.dynamic_gather %get3A_38[%gather3A_89] in [0] : vector<16xi32>, vector<16xi32> -> vector<16xi32>
        %eq3A_91 = arith.cmpi eq, %iota3A, %gather3A_90 : vector<16xi32>
        %jit3A_92 = arith.constant 1.000000e+00 : f32
        %jit3A_93 = arith.constant 0.000000e+00 : f32
        %broadcast_in_dim3A_94 = vector.broadcast %jit3A_92 : f32 to vector<16xf32>
        %broadcast_in_dim3A_95 = vector.broadcast %jit3A_93 : f32 to vector<16xf32>
        %select_n3A_96 = arith.select %eq3A_91, %broadcast_in_dim3A_94, %broadcast_in_dim3A_95 : vector<16xi1>, vector<16xf32>
        %add3A_97 = arith.constant 2 : i32
        %add3A_98 = arith.addi %multiple_of3A_37, %add3A_97 : i32
        %swap3A_99 = arith.index_cast %add3A_98 : i32 to index
        %swap3A_100 = arith.constant 0 : index
        %swap3A_101 = tpu.vector_load %arg9[%swap3A_99, %swap3A_100] {strides = array<i32>} : memref<400x16xf32, #tpu.memory_space<vmem>>, vector<16xf32>,
        tpu.vector_store %arg9[%swap3A_99, %swap3A_100], %select_n3A_96 {strides = array<i32>} : memref<400x16xf32, #tpu.memory_space<vmem>>, vector<16xf32>,
        %broadcast_in_dim3A_102 = arith.constant 3 : i32
        %broadcast_in_dim3A_103 = vector.broadcast %broadcast_in_dim3A_102 : i32 to vector<16xi32>
        %lt3A_104 = arith.constant 0 : i32
        %lt3A_105 = vector.broadcast %lt3A_104 : i32 to vector<16xi32>
        %lt3A_106 = arith.cmpi slt, %broadcast_in_dim3A_103, %lt3A_105 : vector<16xi32>
        %add3A_107 = arith.constant 16 : i32
        %add3A_108 = vector.broadcast %add3A_107 : i32 to vector<16xi32>
        %add3A_109 = arith.addi %broadcast_in_dim3A_103, %add3A_108 : vector<16xi32>
        %select_n3A_110 = arith.select %lt3A_106, %add3A_109, %broadcast_in_dim3A_103 : vector<16xi1>, vector<16xi32>
        %broadcast_in_dim3A_111 = vector.shape_cast %select_n3A_110 : vector<16xi32> to vector<16x1xi32>
        %gather3A_112 = vector.shape_cast %broadcast_in_dim3A_111 : vector<16x1xi32> to vector<16xi32>
        %gather3A_113 = tpu.dynamic_gather %get3A_38[%gather3A_112] in [0] : vector<16xi32>, vector<16xi32> -> vector<16xi32>
        %eq3A_114 = arith.cmpi eq, %iota3A, %gather3A_113 : vector<16xi32>
        %jit3A_115 = arith.constant 1.000000e+00 : f32
        %jit3A_116 = arith.constant 0.000000e+00 : f32
        %broadcast_in_dim3A_117 = vector.broadcast %jit3A_115 : f32 to vector<16xf32>
        %broadcast_in_dim3A_118 = vector.broadcast %jit3A_116 : f32 to vector<16xf32>
        %select_n3A_119 = arith.select %eq3A_114, %broadcast_in_dim3A_117, %broadcast_in_dim3A_118 : vector<16xi1>, vector<16xf32>
        %add3A_120 = arith.constant 3 : i32
        %add3A_121 = arith.addi %multiple_of3A_37, %add3A_120 : i32
        %swap3A_122 = arith.index_cast %add3A_121 : i32 to index
        %swap3A_123 = arith.constant 0 : index
        %swap3A_124 = tpu.vector_load %arg9[%swap3A_122, %swap3A_123] {strides = array<i32>} : memref<400x16xf32, #tpu.memory_space<vmem>>, vector<16xf32>,
        tpu.vector_store %arg9[%swap3A_122, %swap3A_123], %select_n3A_119 {strides = array<i32>} : memref<400x16xf32, #tpu.memory_space<vmem>>, vector<16xf32>,
        %broadcast_in_dim3A_125 = arith.constant 4 : i32
        %broadcast_in_dim3A_126 = vector.broadcast %broadcast_in_dim3A_125 : i32 to vector<16xi32>
        %lt3A_127 = arith.constant 0 : i32
        %lt3A_128 = vector.broadcast %lt3A_127 : i32 to vector<16xi32>
        %lt3A_129 = arith.cmpi slt, %broadcast_in_dim3A_126, %lt3A_128 : vector<16xi32>
        %add3A_130 = arith.constant 16 : i32
        %add3A_131 = vector.broadcast %add3A_130 : i32 to vector<16xi32>
        %add3A_132 = arith.addi %broadcast_in_dim3A_126, %add3A_131 : vector<16xi32>
        %select_n3A_133 = arith.select %lt3A_129, %add3A_132, %broadcast_in_dim3A_126 : vector<16xi1>, vector<16xi32>
        %broadcast_in_dim3A_134 = vector.shape_cast %select_n3A_133 : vector<16xi32> to vector<16x1xi32>
        %gather3A_135 = vector.shape_cast %broadcast_in_dim3A_134 : vector<16x1xi32> to vector<16xi32>
        %gather3A_136 = tpu.dynamic_gather %get3A_38[%gather3A_135] in [0] : vector<16xi32>, vector<16xi32> -> vector<16xi32>
        %eq3A_137 = arith.cmpi eq, %iota3A, %gather3A_136 : vector<16xi32>
        %jit3A_138 = arith.constant 1.000000e+00 : f32
        %jit3A_139 = arith.constant 0.000000e+00 : f32
        %broadcast_in_dim3A_140 = vector.broadcast %jit3A_138 : f32 to vector<16xf32>
        %broadcast_in_dim3A_141 = vector.broadcast %jit3A_139 : f32 to vector<16xf32>
        %select_n3A_142 = arith.select %eq3A_137, %broadcast_in_dim3A_140, %broadcast_in_dim3A_141 : vector<16xi1>, vector<16xf32>
        %add3A_143 = arith.constant 4 : i32
        %add3A_144 = arith.addi %multiple_of3A_37, %add3A_143 : i32
        %swap3A_145 = arith.index_cast %add3A_144 : i32 to index
        %swap3A_146 = arith.constant 0 : index
        %swap3A_147 = tpu.vector_load %arg9[%swap3A_145, %swap3A_146] {strides = array<i32>} : memref<400x16xf32, #tpu.memory_space<vmem>>, vector<16xf32>,
        tpu.vector_store %arg9[%swap3A_145, %swap3A_146], %select_n3A_142 {strides = array<i32>} : memref<400x16xf32, #tpu.memory_space<vmem>>, vector<16xf32>,
        %broadcast_in_dim3A_148 = arith.constant 5 : i32
        %broadcast_in_dim3A_149 = vector.broadcast %broadcast_in_dim3A_148 : i32 to vector<16xi32>
        %lt3A_150 = arith.constant 0 : i32
        %lt3A_151 = vector.broadcast %lt3A_150 : i32 to vector<16xi32>
        %lt3A_152 = arith.cmpi slt, %broadcast_in_dim3A_149, %lt3A_151 : vector<16xi32>
        %add3A_153 = arith.constant 16 : i32
        %add3A_154 = vector.broadcast %add3A_153 : i32 to vector<16xi32>
        %add3A_155 = arith.addi %broadcast_in_dim3A_149, %add3A_154 : vector<16xi32>
        %select_n3A_156 = arith.select %lt3A_152, %add3A_155, %broadcast_in_dim3A_149 : vector<16xi1>, vector<16xi32>
        %broadcast_in_dim3A_157 = vector.shape_cast %select_n3A_156 : vector<16xi32> to vector<16x1xi32>
        %gather3A_158 = vector.shape_cast %broadcast_in_dim3A_157 : vector<16x1xi32> to vector<16xi32>
        %gather3A_159 = tpu.dynamic_gather %get3A_38[%gather3A_158] in [0] : vector<16xi32>, vector<16xi32> -> vector<16xi32>
        %eq3A_160 = arith.cmpi eq, %iota3A, %gather3A_159 : vector<16xi32>
        %jit3A_161 = arith.constant 1.000000e+00 : f32
        %jit3A_162 = arith.constant 0.000000e+00 : f32
        %broadcast_in_dim3A_163 = vector.broadcast %jit3A_161 : f32 to vector<16xf32>
        %broadcast_in_dim3A_164 = vector.broadcast %jit3A_162 : f32 to vector<16xf32>
        %select_n3A_165 = arith.select %eq3A_160, %broadcast_in_dim3A_163, %broadcast_in_dim3A_164 : vector<16xi1>, vector<16xf32>
        %add3A_166 = arith.constant 5 : i32
        %add3A_167 = arith.addi %multiple_of3A_37, %add3A_166 : i32
        %swap3A_168 = arith.index_cast %add3A_167 : i32 to index
        %swap3A_169 = arith.constant 0 : index
        %swap3A_170 = tpu.vector_load %arg9[%swap3A_168, %swap3A_169] {strides = array<i32>} : memref<400x16xf32, #tpu.memory_space<vmem>>, vector<16xf32>,
        tpu.vector_store %arg9[%swap3A_168, %swap3A_169], %select_n3A_165 {strides = array<i32>} : memref<400x16xf32, #tpu.memory_space<vmem>>, vector<16xf32>,
        %broadcast_in_dim3A_171 = arith.constant 6 : i32
        %broadcast_in_dim3A_172 = vector.broadcast %broadcast_in_dim3A_171 : i32 to vector<16xi32>
        %lt3A_173 = arith.constant 0 : i32
        %lt3A_174 = vector.broadcast %lt3A_173 : i32 to vector<16xi32>
        %lt3A_175 = arith.cmpi slt, %broadcast_in_dim3A_172, %lt3A_174 : vector<16xi32>
        %add3A_176 = arith.constant 16 : i32
        %add3A_177 = vector.broadcast %add3A_176 : i32 to vector<16xi32>
        %add3A_178 = arith.addi %broadcast_in_dim3A_172, %add3A_177 : vector<16xi32>
        %select_n3A_179 = arith.select %lt3A_175, %add3A_178, %broadcast_in_dim3A_172 : vector<16xi1>, vector<16xi32>
        %broadcast_in_dim3A_180 = vector.shape_cast %select_n3A_179 : vector<16xi32> to vector<16x1xi32>
        %gather3A_181 = vector.shape_cast %broadcast_in_dim3A_180 : vector<16x1xi32> to vector<16xi32>
        %gather3A_182 = tpu.dynamic_gather %get3A_38[%gather3A_181] in [0] : vector<16xi32>, vector<16xi32> -> vector<16xi32>
        %eq3A_183 = arith.cmpi eq, %iota3A, %gather3A_182 : vector<16xi32>
        %jit3A_184 = arith.constant 1.000000e+00 : f32
        %jit3A_185 = arith.constant 0.000000e+00 : f32
        %broadcast_in_dim3A_186 = vector.broadcast %jit3A_184 : f32 to vector<16xf32>
        %broadcast_in_dim3A_187 = vector.broadcast %jit3A_185 : f32 to vector<16xf32>
        %select_n3A_188 = arith.select %eq3A_183, %broadcast_in_dim3A_186, %broadcast_in_dim3A_187 : vector<16xi1>, vector<16xf32>
        %add3A_189 = arith.constant 6 : i32
        %add3A_190 = arith.addi %multiple_of3A_37, %add3A_189 : i32
        %swap3A_191 = arith.index_cast %add3A_190 : i32 to index
        %swap3A_192 = arith.constant 0 : index
        %swap3A_193 = tpu.vector_load %arg9[%swap3A_191, %swap3A_192] {strides = array<i32>} : memref<400x16xf32, #tpu.memory_space<vmem>>, vector<16xf32>,
        tpu.vector_store %arg9[%swap3A_191, %swap3A_192], %select_n3A_188 {strides = array<i32>} : memref<400x16xf32, #tpu.memory_space<vmem>>, vector<16xf32>,
        %broadcast_in_dim3A_194 = arith.constant 7 : i32
        %broadcast_in_dim3A_195 = vector.broadcast %broadcast_in_dim3A_194 : i32 to vector<16xi32>
        %lt3A_196 = arith.constant 0 : i32
        %lt3A_197 = vector.broadcast %lt3A_196 : i32 to vector<16xi32>
        %lt3A_198 = arith.cmpi slt, %broadcast_in_dim3A_195, %lt3A_197 : vector<16xi32>
        %add3A_199 = arith.constant 16 : i32
        %add3A_200 = vector.broadcast %add3A_199 : i32 to vector<16xi32>
        %add3A_201 = arith.addi %broadcast_in_dim3A_195, %add3A_200 : vector<16xi32>
        %select_n3A_202 = arith.select %lt3A_198, %add3A_201, %broadcast_in_dim3A_195 : vector<16xi1>, vector<16xi32>
        %broadcast_in_dim3A_203 = vector.shape_cast %select_n3A_202 : vector<16xi32> to vector<16x1xi32>
        %gather3A_204 = vector.shape_cast %broadcast_in_dim3A_203 : vector<16x1xi32> to vector<16xi32>
        %gather3A_205 = tpu.dynamic_gather %get3A_38[%gather3A_204] in [0] : vector<16xi32>, vector<16xi32> -> vector<16xi32>
        %eq3A_206 = arith.cmpi eq, %iota3A, %gather3A_205 : vector<16xi32>
        %jit3A_207 = arith.constant 1.000000e+00 : f32
        %jit3A_208 = arith.constant 0.000000e+00 : f32
        %broadcast_in_dim3A_209 = vector.broadcast %jit3A_207 : f32 to vector<16xf32>
        %broadcast_in_dim3A_210 = vector.broadcast %jit3A_208 : f32 to vector<16xf32>
        %select_n3A_211 = arith.select %eq3A_206, %broadcast_in_dim3A_209, %broadcast_in_dim3A_210 : vector<16xi1>, vector<16xf32>
        %add3A_212 = arith.constant 7 : i32
        %add3A_213 = arith.addi %multiple_of3A_37, %add3A_212 : i32
        %swap3A_214 = arith.index_cast %add3A_213 : i32 to index
        %swap3A_215 = arith.constant 0 : index
        %swap3A_216 = tpu.vector_load %arg9[%swap3A_214, %swap3A_215] {strides = array<i32>} : memref<400x16xf32, #tpu.memory_space<vmem>>, vector<16xf32>,
        tpu.vector_store %arg9[%swap3A_214, %swap3A_215], %select_n3A_211 {strides = array<i32>} : memref<400x16xf32, #tpu.memory_space<vmem>>, vector<16xf32>,
        %broadcast_in_dim3A_217 = arith.constant 8 : i32
        %broadcast_in_dim3A_218 = vector.broadcast %broadcast_in_dim3A_217 : i32 to vector<16xi32>
        %lt3A_219 = arith.constant 0 : i32
        %lt3A_220 = vector.broadcast %lt3A_219 : i32 to vector<16xi32>
        %lt3A_221 = arith.cmpi slt, %broadcast_in_dim3A_218, %lt3A_220 : vector<16xi32>
        %add3A_222 = arith.constant 16 : i32
        %add3A_223 = vector.broadcast %add3A_222 : i32 to vector<16xi32>
        %add3A_224 = arith.addi %broadcast_in_dim3A_218, %add3A_223 : vector<16xi32>
        %select_n3A_225 = arith.select %lt3A_221, %add3A_224, %broadcast_in_dim3A_218 : vector<16xi1>, vector<16xi32>
        %broadcast_in_dim3A_226 = vector.shape_cast %select_n3A_225 : vector<16xi32> to vector<16x1xi32>
        %gather3A_227 = vector.shape_cast %broadcast_in_dim3A_226 : vector<16x1xi32> to vector<16xi32>
        %gather3A_228 = tpu.dynamic_gather %get3A_38[%gather3A_227] in [0] : vector<16xi32>, vector<16xi32> -> vector<16xi32>
        %eq3A_229 = arith.cmpi eq, %iota3A, %gather3A_228 : vector<16xi32>
        %jit3A_230 = arith.constant 1.000000e+00 : f32
        %jit3A_231 = arith.constant 0.000000e+00 : f32
        %broadcast_in_dim3A_232 = vector.broadcast %jit3A_230 : f32 to vector<16xf32>
        %broadcast_in_dim3A_233 = vector.broadcast %jit3A_231 : f32 to vector<16xf32>
        %select_n3A_234 = arith.select %eq3A_229, %broadcast_in_dim3A_232, %broadcast_in_dim3A_233 : vector<16xi1>, vector<16xf32>
        %add3A_235 = arith.constant 8 : i32
        %add3A_236 = arith.addi %multiple_of3A_37, %add3A_235 : i32
        %swap3A_237 = arith.index_cast %add3A_236 : i32 to index
        %swap3A_238 = arith.constant 0 : index
        %swap3A_239 = tpu.vector_load %arg9[%swap3A_237, %swap3A_238] {strides = array<i32>} : memref<400x16xf32, #tpu.memory_space<vmem>>, vector<16xf32>,
        tpu.vector_store %arg9[%swap3A_237, %swap3A_238], %select_n3A_234 {strides = array<i32>} : memref<400x16xf32, #tpu.memory_space<vmem>>, vector<16xf32>,
        %broadcast_in_dim3A_240 = arith.constant 9 : i32
        %broadcast_in_dim3A_241 = vector.broadcast %broadcast_in_dim3A_240 : i32 to vector<16xi32>
        %lt3A_242 = arith.constant 0 : i32
        %lt3A_243 = vector.broadcast %lt3A_242 : i32 to vector<16xi32>
        %lt3A_244 = arith.cmpi slt, %broadcast_in_dim3A_241, %lt3A_243 : vector<16xi32>
        %add3A_245 = arith.constant 16 : i32
        %add3A_246 = vector.broadcast %add3A_245 : i32 to vector<16xi32>
        %add3A_247 = arith.addi %broadcast_in_dim3A_241, %add3A_246 : vector<16xi32>
        %select_n3A_248 = arith.select %lt3A_244, %add3A_247, %broadcast_in_dim3A_241 : vector<16xi1>, vector<16xi32>
        %broadcast_in_dim3A_249 = vector.shape_cast %select_n3A_248 : vector<16xi32> to vector<16x1xi32>
        %gather3A_250 = vector.shape_cast %broadcast_in_dim3A_249 : vector<16x1xi32> to vector<16xi32>
        %gather3A_251 = tpu.dynamic_gather %get3A_38[%gather3A_250] in [0] : vector<16xi32>, vector<16xi32> -> vector<16xi32>
        %eq3A_252 = arith.cmpi eq, %iota3A, %gather3A_251 : vector<16xi32>
        %jit3A_253 = arith.constant 1.000000e+00 : f32
        %jit3A_254 = arith.constant 0.000000e+00 : f32
        %broadcast_in_dim3A_255 = vector.broadcast %jit3A_253 : f32 to vector<16xf32>
        %broadcast_in_dim3A_256 = vector.broadcast %jit3A_254 : f32 to vector<16xf32>
        %select_n3A_257 = arith.select %eq3A_252, %broadcast_in_dim3A_255, %broadcast_in_dim3A_256 : vector<16xi1>, vector<16xf32>
        %add3A_258 = arith.constant 9 : i32
        %add3A_259 = arith.addi %multiple_of3A_37, %add3A_258 : i32
        %swap3A_260 = arith.index_cast %add3A_259 : i32 to index
        %swap3A_261 = arith.constant 0 : index
        %swap3A_262 = tpu.vector_load %arg9[%swap3A_260, %swap3A_261] {strides = array<i32>} : memref<400x16xf32, #tpu.memory_space<vmem>>, vector<16xf32>,
        tpu.vector_store %arg9[%swap3A_260, %swap3A_261], %select_n3A_257 {strides = array<i32>} : memref<400x16xf32, #tpu.memory_space<vmem>>, vector<16xf32>,
        %broadcast_in_dim3A_263 = arith.constant 10 : i32
        %broadcast_in_dim3A_264 = vector.broadcast %broadcast_in_dim3A_263 : i32 to vector<16xi32>
        %lt3A_265 = arith.constant 0 : i32
        %lt3A_266 = vector.broadcast %lt3A_265 : i32 to vector<16xi32>
        %lt3A_267 = arith.cmpi slt, %broadcast_in_dim3A_264, %lt3A_266 : vector<16xi32>
        %add3A_268 = arith.constant 16 : i32
        %add3A_269 = vector.broadcast %add3A_268 : i32 to vector<16xi32>
        %add3A_270 = arith.addi %broadcast_in_dim3A_264, %add3A_269 : vector<16xi32>
        %select_n3A_271 = arith.select %lt3A_267, %add3A_270, %broadcast_in_dim3A_264 : vector<16xi1>, vector<16xi32>
        %broadcast_in_dim3A_272 = vector.shape_cast %select_n3A_271 : vector<16xi32> to vector<16x1xi32>
        %gather3A_273 = vector.shape_cast %broadcast_in_dim3A_272 : vector<16x1xi32> to vector<16xi32>
        %gather3A_274 = tpu.dynamic_gather %get3A_38[%gather3A_273] in [0] : vector<16xi32>, vector<16xi32> -> vector<16xi32>
        %eq3A_275 = arith.cmpi eq, %iota3A, %gather3A_274 : vector<16xi32>
        %jit3A_276 = arith.constant 1.000000e+00 : f32
        %jit3A_277 = arith.constant 0.000000e+00 : f32
        %broadcast_in_dim3A_278 = vector.broadcast %jit3A_276 : f32 to vector<16xf32>
        %broadcast_in_dim3A_279 = vector.broadcast %jit3A_277 : f32 to vector<16xf32>
        %select_n3A_280 = arith.select %eq3A_275, %broadcast_in_dim3A_278, %broadcast_in_dim3A_279 : vector<16xi1>, vector<16xf32>
        %add3A_281 = arith.constant 10 : i32
        %add3A_282 = arith.addi %multiple_of3A_37, %add3A_281 : i32
        %swap3A_283 = arith.index_cast %add3A_282 : i32 to index
        %swap3A_284 = arith.constant 0 : index
        %swap3A_285 = tpu.vector_load %arg9[%swap3A_283, %swap3A_284] {strides = array<i32>} : memref<400x16xf32, #tpu.memory_space<vmem>>, vector<16xf32>,
        tpu.vector_store %arg9[%swap3A_283, %swap3A_284], %select_n3A_280 {strides = array<i32>} : memref<400x16xf32, #tpu.memory_space<vmem>>, vector<16xf32>,
        %broadcast_in_dim3A_286 = arith.constant 11 : i32
        %broadcast_in_dim3A_287 = vector.broadcast %broadcast_in_dim3A_286 : i32 to vector<16xi32>
        %lt3A_288 = arith.constant 0 : i32
        %lt3A_289 = vector.broadcast %lt3A_288 : i32 to vector<16xi32>
        %lt3A_290 = arith.cmpi slt, %broadcast_in_dim3A_287, %lt3A_289 : vector<16xi32>
        %add3A_291 = arith.constant 16 : i32
        %add3A_292 = vector.broadcast %add3A_291 : i32 to vector<16xi32>
        %add3A_293 = arith.addi %broadcast_in_dim3A_287, %add3A_292 : vector<16xi32>
        %select_n3A_294 = arith.select %lt3A_290, %add3A_293, %broadcast_in_dim3A_287 : vector<16xi1>, vector<16xi32>
        %broadcast_in_dim3A_295 = vector.shape_cast %select_n3A_294 : vector<16xi32> to vector<16x1xi32>
        %gather3A_296 = vector.shape_cast %broadcast_in_dim3A_295 : vector<16x1xi32> to vector<16xi32>
        %gather3A_297 = tpu.dynamic_gather %get3A_38[%gather3A_296] in [0] : vector<16xi32>, vector<16xi32> -> vector<16xi32>
        %eq3A_298 = arith.cmpi eq, %iota3A, %gather3A_297 : vector<16xi32>
        %jit3A_299 = arith.constant 1.000000e+00 : f32
        %jit3A_300 = arith.constant 0.000000e+00 : f32
        %broadcast_in_dim3A_301 = vector.broadcast %jit3A_299 : f32 to vector<16xf32>
        %broadcast_in_dim3A_302 = vector.broadcast %jit3A_300 : f32 to vector<16xf32>
        %select_n3A_303 = arith.select %eq3A_298, %broadcast_in_dim3A_301, %broadcast_in_dim3A_302 : vector<16xi1>, vector<16xf32>
        %add3A_304 = arith.constant 11 : i32
        %add3A_305 = arith.addi %multiple_of3A_37, %add3A_304 : i32
        %swap3A_306 = arith.index_cast %add3A_305 : i32 to index
        %swap3A_307 = arith.constant 0 : index
        %swap3A_308 = tpu.vector_load %arg9[%swap3A_306, %swap3A_307] {strides = array<i32>} : memref<400x16xf32, #tpu.memory_space<vmem>>, vector<16xf32>,
        tpu.vector_store %arg9[%swap3A_306, %swap3A_307], %select_n3A_303 {strides = array<i32>} : memref<400x16xf32, #tpu.memory_space<vmem>>, vector<16xf32>,
        %broadcast_in_dim3A_309 = arith.constant 12 : i32
        %broadcast_in_dim3A_310 = vector.broadcast %broadcast_in_dim3A_309 : i32 to vector<16xi32>
        %lt3A_311 = arith.constant 0 : i32
        %lt3A_312 = vector.broadcast %lt3A_311 : i32 to vector<16xi32>
        %lt3A_313 = arith.cmpi slt, %broadcast_in_dim3A_310, %lt3A_312 : vector<16xi32>
        %add3A_314 = arith.constant 16 : i32
        %add3A_315 = vector.broadcast %add3A_314 : i32 to vector<16xi32>
        %add3A_316 = arith.addi %broadcast_in_dim3A_310, %add3A_315 : vector<16xi32>
        %select_n3A_317 = arith.select %lt3A_313, %add3A_316, %broadcast_in_dim3A_310 : vector<16xi1>, vector<16xi32>
        %broadcast_in_dim3A_318 = vector.shape_cast %select_n3A_317 : vector<16xi32> to vector<16x1xi32>
        %gather3A_319 = vector.shape_cast %broadcast_in_dim3A_318 : vector<16x1xi32> to vector<16xi32>
        %gather3A_320 = tpu.dynamic_gather %get3A_38[%gather3A_319] in [0] : vector<16xi32>, vector<16xi32> -> vector<16xi32>
        %eq3A_321 = arith.cmpi eq, %iota3A, %gather3A_320 : vector<16xi32>
        %jit3A_322 = arith.constant 1.000000e+00 : f32
        %jit3A_323 = arith.constant 0.000000e+00 : f32
        %broadcast_in_dim3A_324 = vector.broadcast %jit3A_322 : f32 to vector<16xf32>
        %broadcast_in_dim3A_325 = vector.broadcast %jit3A_323 : f32 to vector<16xf32>
        %select_n3A_326 = arith.select %eq3A_321, %broadcast_in_dim3A_324, %broadcast_in_dim3A_325 : vector<16xi1>, vector<16xf32>
        %add3A_327 = arith.constant 12 : i32
        %add3A_328 = arith.addi %multiple_of3A_37, %add3A_327 : i32
        %swap3A_329 = arith.index_cast %add3A_328 : i32 to index
        %swap3A_330 = arith.constant 0 : index
        %swap3A_331 = tpu.vector_load %arg9[%swap3A_329, %swap3A_330] {strides = array<i32>} : memref<400x16xf32, #tpu.memory_space<vmem>>, vector<16xf32>,
        tpu.vector_store %arg9[%swap3A_329, %swap3A_330], %select_n3A_326 {strides = array<i32>} : memref<400x16xf32, #tpu.memory_space<vmem>>, vector<16xf32>,
        %broadcast_in_dim3A_332 = arith.constant 13 : i32
        %broadcast_in_dim3A_333 = vector.broadcast %broadcast_in_dim3A_332 : i32 to vector<16xi32>
        %lt3A_334 = arith.constant 0 : i32
        %lt3A_335 = vector.broadcast %lt3A_334 : i32 to vector<16xi32>
        %lt3A_336 = arith.cmpi slt, %broadcast_in_dim3A_333, %lt3A_335 : vector<16xi32>
        %add3A_337 = arith.constant 16 : i32
        %add3A_338 = vector.broadcast %add3A_337 : i32 to vector<16xi32>
        %add3A_339 = arith.addi %broadcast_in_dim3A_333, %add3A_338 : vector<16xi32>
        %select_n3A_340 = arith.select %lt3A_336, %add3A_339, %broadcast_in_dim3A_333 : vector<16xi1>, vector<16xi32>
        %broadcast_in_dim3A_341 = vector.shape_cast %select_n3A_340 : vector<16xi32> to vector<16x1xi32>
        %gather3A_342 = vector.shape_cast %broadcast_in_dim3A_341 : vector<16x1xi32> to vector<16xi32>
        %gather3A_343 = tpu.dynamic_gather %get3A_38[%gather3A_342] in [0] : vector<16xi32>, vector<16xi32> -> vector<16xi32>
        %eq3A_344 = arith.cmpi eq, %iota3A, %gather3A_343 : vector<16xi32>
        %jit3A_345 = arith.constant 1.000000e+00 : f32
        %jit3A_346 = arith.constant 0.000000e+00 : f32
        %broadcast_in_dim3A_347 = vector.broadcast %jit3A_345 : f32 to vector<16xf32>
        %broadcast_in_dim3A_348 = vector.broadcast %jit3A_346 : f32 to vector<16xf32>
        %select_n3A_349 = arith.select %eq3A_344, %broadcast_in_dim3A_347, %broadcast_in_dim3A_348 : vector<16xi1>, vector<16xf32>
        %add3A_350 = arith.constant 13 : i32
        %add3A_351 = arith.addi %multiple_of3A_37, %add3A_350 : i32
        %swap3A_352 = arith.index_cast %add3A_351 : i32 to index
        %swap3A_353 = arith.constant 0 : index
        %swap3A_354 = tpu.vector_load %arg9[%swap3A_352, %swap3A_353] {strides = array<i32>} : memref<400x16xf32, #tpu.memory_space<vmem>>, vector<16xf32>,
        tpu.vector_store %arg9[%swap3A_352, %swap3A_353], %select_n3A_349 {strides = array<i32>} : memref<400x16xf32, #tpu.memory_space<vmem>>, vector<16xf32>,
        %broadcast_in_dim3A_355 = arith.constant 14 : i32
        %broadcast_in_dim3A_356 = vector.broadcast %broadcast_in_dim3A_355 : i32 to vector<16xi32>
        %lt3A_357 = arith.constant 0 : i32
        %lt3A_358 = vector.broadcast %lt3A_357 : i32 to vector<16xi32>
        %lt3A_359 = arith.cmpi slt, %broadcast_in_dim3A_356, %lt3A_358 : vector<16xi32>
        %add3A_360 = arith.constant 16 : i32
        %add3A_361 = vector.broadcast %add3A_360 : i32 to vector<16xi32>
        %add3A_362 = arith.addi %broadcast_in_dim3A_356, %add3A_361 : vector<16xi32>
        %select_n3A_363 = arith.select %lt3A_359, %add3A_362, %broadcast_in_dim3A_356 : vector<16xi1>, vector<16xi32>
        %broadcast_in_dim3A_364 = vector.shape_cast %select_n3A_363 : vector<16xi32> to vector<16x1xi32>
        %gather3A_365 = vector.shape_cast %broadcast_in_dim3A_364 : vector<16x1xi32> to vector<16xi32>
        %gather3A_366 = tpu.dynamic_gather %get3A_38[%gather3A_365] in [0] : vector<16xi32>, vector<16xi32> -> vector<16xi32>
        %eq3A_367 = arith.cmpi eq, %iota3A, %gather3A_366 : vector<16xi32>
        %jit3A_368 = arith.constant 1.000000e+00 : f32
        %jit3A_369 = arith.constant 0.000000e+00 : f32
        %broadcast_in_dim3A_370 = vector.broadcast %jit3A_368 : f32 to vector<16xf32>
        %broadcast_in_dim3A_371 = vector.broadcast %jit3A_369 : f32 to vector<16xf32>
        %select_n3A_372 = arith.select %eq3A_367, %broadcast_in_dim3A_370, %broadcast_in_dim3A_371 : vector<16xi1>, vector<16xf32>
        %add3A_373 = arith.constant 14 : i32
        %add3A_374 = arith.addi %multiple_of3A_37, %add3A_373 : i32
        %swap3A_375 = arith.index_cast %add3A_374 : i32 to index
        %swap3A_376 = arith.constant 0 : index
        %swap3A_377 = tpu.vector_load %arg9[%swap3A_375, %swap3A_376] {strides = array<i32>} : memref<400x16xf32, #tpu.memory_space<vmem>>, vector<16xf32>,
        tpu.vector_store %arg9[%swap3A_375, %swap3A_376], %select_n3A_372 {strides = array<i32>} : memref<400x16xf32, #tpu.memory_space<vmem>>, vector<16xf32>,
        %broadcast_in_dim3A_378 = arith.constant 15 : i32
        %broadcast_in_dim3A_379 = vector.broadcast %broadcast_in_dim3A_378 : i32 to vector<16xi32>
        %lt3A_380 = arith.constant 0 : i32
        %lt3A_381 = vector.broadcast %lt3A_380 : i32 to vector<16xi32>
        %lt3A_382 = arith.cmpi slt, %broadcast_in_dim3A_379, %lt3A_381 : vector<16xi32>
        %add3A_383 = arith.constant 16 : i32
        %add3A_384 = vector.broadcast %add3A_383 : i32 to vector<16xi32>
        %add3A_385 = arith.addi %broadcast_in_dim3A_379, %add3A_384 : vector<16xi32>
        %select_n3A_386 = arith.select %lt3A_382, %add3A_385, %broadcast_in_dim3A_379 : vector<16xi1>, vector<16xi32>
        %broadcast_in_dim3A_387 = vector.shape_cast %select_n3A_386 : vector<16xi32> to vector<16x1xi32>
        %gather3A_388 = vector.shape_cast %broadcast_in_dim3A_387 : vector<16x1xi32> to vector<16xi32>
        %gather3A_389 = tpu.dynamic_gather %get3A_38[%gather3A_388] in [0] : vector<16xi32>, vector<16xi32> -> vector<16xi32>
        %eq3A_390 = arith.cmpi eq, %iota3A, %gather3A_389 : vector<16xi32>
        %jit3A_391 = arith.constant 1.000000e+00 : f32
        %jit3A_392 = arith.constant 0.000000e+00 : f32
        %broadcast_in_dim3A_393 = vector.broadcast %jit3A_391 : f32 to vector<16xf32>
        %broadcast_in_dim3A_394 = vector.broadcast %jit3A_392 : f32 to vector<16xf32>
        %select_n3A_395 = arith.select %eq3A_390, %broadcast_in_dim3A_393, %broadcast_in_dim3A_394 : vector<16xi1>, vector<16xf32>
        %add3A_396 = arith.constant 15 : i32
        %add3A_397 = arith.addi %multiple_of3A_37, %add3A_396 : i32
        %swap3A_398 = arith.index_cast %add3A_397 : i32 to index
        %swap3A_399 = arith.constant 0 : index
        %swap3A_400 = tpu.vector_load %arg9[%swap3A_398, %swap3A_399] {strides = array<i32>} : memref<400x16xf32, #tpu.memory_space<vmem>>, vector<16xf32>,
        tpu.vector_store %arg9[%swap3A_398, %swap3A_399], %select_n3A_395 {strides = array<i32>} : memref<400x16xf32, #tpu.memory_space<vmem>>, vector<16xf32>,
      }
      %scan3A_29 = arith.constant 25 : i32
      "tpu.region"() ({
        %run_scoped3A = tpu.sem_alloc : memref<!tpu.dma_semaphore, #tpu.memory_space<semaphore_mem>>
        %dma_start3A = arith.constant 0 : i32
        %dma_start3A_30 = arith.constant 0 : i32
        %dma_start3A_31 = tpu.memref_slice %arg10[%dma_start3A, %dma_start3A_30] : memref<50048x16xf32, #tpu.memory_space<vmem_shared>> -> memref<50048x16xf32, #tpu.memory_space<vmem_shared>>
        tpu.enqueue_indirect_dma source(%arg9 : memref<400x16xf32, #tpu.memory_space<vmem>>) target(%dma_start3A_31 : memref<50048x16xf32, #tpu.memory_space<vmem_shared>>) offsets(%arg7 : memref<400xi32, #tpu.memory_space<vmem>>) semaphore(%run_scoped3A : memref<!tpu.dma_semaphore, #tpu.memory_space<semaphore_mem>>) {add = true}
        %dma_wait3A = arith.constant 0 : i32
        %dma_wait3A_32 = arith.constant 0 : i32
        %dma_wait3A_33 = tpu.memref_slice %arg10[%dma_wait3A, %dma_wait3A_32] : memref<50048x16xf32, #tpu.memory_space<vmem_shared>> -> memref<50048x16xf32, #tpu.memory_space<vmem_shared>>
        tpu.wait_indirect_dma semaphore(%run_scoped3A : memref<!tpu.dma_semaphore, #tpu.memory_space<semaphore_mem>>) src(%arg9 : memref<400x16xf32, #tpu.memory_space<vmem>>) dst(%dma_wait3A_33 : memref<50048x16xf32, #tpu.memory_space<vmem_shared>>)
        tpu.yield
      }) : () -> ()
    }
    %scan3A_8 = arith.constant 64 : i32
    %barrier3A_9 = arith.constant 0 : index
    tpu.barrier barrier_id(%barrier3A_9)
    %eq3A = arith.constant 0 : i32
    %eq3A_10 = arith.cmpi eq, %arg0, %eq3A : i32
    %convert_element_type3A = arith.extui %eq3A_10 : i1 to i32
    %cond3A = arith.constant 0 : i32
    %cond3A_11 = arith.cmpi ne, %convert_element_type3A, %cond3A : i32
    scf.if %cond3A_11 {
      "tpu.region"() ({
        %run_scoped3A = tpu.sem_alloc : memref<!tpu.dma_semaphore, #tpu.memory_space<semaphore_mem>>
        %dma_start3A = arith.constant 0 : i32
        %dma_start3A_17 = tpu.memref_slice %arg5[%multiple_of3A, %dma_start3A] : memref<50048x16xf32, #tpu.memory_space<hbm>> -> memref<3128x16xf32, #tpu.memory_space<hbm>>
        %dma_start3A_18 = arith.constant 0 : i32
        %dma_start3A_19 = tpu.memref_slice %arg10[%multiple_of3A, %dma_start3A_18] : memref<50048x16xf32, #tpu.memory_space<vmem_shared>> -> memref<3128x16xf32, #tpu.memory_space<vmem_shared>>
        tpu.enqueue_dma source(%dma_start3A_19 : memref<3128x16xf32, #tpu.memory_space<vmem_shared>>) target(%dma_start3A_17 : memref<3128x16xf32, #tpu.memory_space<hbm>>) target_semaphore(%run_scoped3A : memref<!tpu.dma_semaphore, #tpu.memory_space<semaphore_mem>>)
        %dma_wait3A = arith.constant 0 : i32
        %dma_wait3A_20 = tpu.memref_slice %arg5[%multiple_of3A, %dma_wait3A] : memref<50048x16xf32, #tpu.memory_space<hbm>> -> memref<3128x16xf32, #tpu.memory_space<hbm>>
        %dma_wait3A_21 = arith.constant 0 : i32
        %dma_wait3A_22 = tpu.memref_slice %arg10[%multiple_of3A, %dma_wait3A_21] : memref<50048x16xf32, #tpu.memory_space<vmem_shared>> -> memref<3128x16xf32, #tpu.memory_space<vmem_shared>>
        tpu.wait_dma2 semaphore(%run_scoped3A : memref<!tpu.dma_semaphore, #tpu.memory_space<semaphore_mem>>) src(%dma_wait3A_22 : memref<3128x16xf32, #tpu.memory_space<vmem_shared>>) dst(%dma_wait3A_20 : memref<3128x16xf32, #tpu.memory_space<hbm>>)
        tpu.yield
      }) : () -> ()
    } else {
    }
    %eq3A_12 = arith.constant 1 : i32
    %eq3A_13 = arith.cmpi eq, %arg0, %eq3A_12 : i32
    %convert_element_type3A_14 = arith.extui %eq3A_13 : i1 to i32
    %cond3A_15 = arith.constant 0 : i32
    %cond3A_16 = arith.cmpi ne, %convert_element_type3A_14, %cond3A_15 : i32
    scf.if %cond3A_16 {
      "tpu.region"() ({
        %run_scoped3A = tpu.sem_alloc : memref<!tpu.dma_semaphore, #tpu.memory_space<semaphore_mem>>
        %dma_start3A = arith.constant 0 : i32
        %dma_start3A_17 = tpu.memref_slice %arg6[%multiple_of3A, %dma_start3A] : memref<50048x16xf32, #tpu.memory_space<hbm>> -> memref<3128x16xf32, #tpu.memory_space<hbm>>
        %dma_start3A_18 = arith.constant 0 : i32
        %dma_start3A_19 = tpu.memref_slice %arg10[%multiple_of3A, %dma_start3A_18] : memref<50048x16xf32, #tpu.memory_space<vmem_shared>> -> memref<3128x16xf32, #tpu.memory_space<vmem_shared>>
        tpu.enqueue_dma source(%dma_start3A_19 : memref<3128x16xf32, #tpu.memory_space<vmem_shared>>) target(%dma_start3A_17 : memref<3128x16xf32, #tpu.memory_space<hbm>>) target_semaphore(%run_scoped3A : memref<!tpu.dma_semaphore, #tpu.memory_space<semaphore_mem>>)
        %dma_wait3A = arith.constant 0 : i32
        %dma_wait3A_20 = tpu.memref_slice %arg6[%multiple_of3A, %dma_wait3A] : memref<50048x16xf32, #tpu.memory_space<hbm>> -> memref<3128x16xf32, #tpu.memory_space<hbm>>
        %dma_wait3A_21 = arith.constant 0 : i32
        %dma_wait3A_22 = tpu.memref_slice %arg10[%multiple_of3A, %dma_wait3A_21] : memref<50048x16xf32, #tpu.memory_space<vmem_shared>> -> memref<3128x16xf32, #tpu.memory_space<vmem_shared>>
        tpu.wait_dma2 semaphore(%run_scoped3A : memref<!tpu.dma_semaphore, #tpu.memory_space<semaphore_mem>>) src(%dma_wait3A_22 : memref<3128x16xf32, #tpu.memory_space<vmem_shared>>) dst(%dma_wait3A_20 : memref<3128x16xf32, #tpu.memory_space<hbm>>)
        tpu.yield
      }) : () -> ()
    } else {
    }
    return
  }
}

#map = affine_map<(d0, d1) -> (0)>
#map1 = affine_map<(d0, d1) -> (0, 0)>
module attributes {stable_mosaic.version = 14 : i64} {
  func.func @_sedge_body(%arg0: i32, %arg1: i32, %arg2: memref<819200xi32, #tpu.memory_space<hbm>>, %arg3: memref<819200xi32, #tpu.memory_space<hbm>>, %arg4: memref<50048x16xf32, #tpu.memory_space<hbm>>, %arg5: memref<819200xf32, #tpu.memory_space<hbm>>, %arg6: memref<400xi32, #tpu.memory_space<vmem>>, %arg7: memref<400xi32, #tpu.memory_space<vmem>>, %arg8: memref<400xi32, #tpu.memory_space<vmem>>, %arg9: memref<400xi32, #tpu.memory_space<vmem>>, %arg10: memref<400x16xf32, #tpu.memory_space<vmem>>, %arg11: memref<400x16xf32, #tpu.memory_space<vmem>>, %arg12: memref<400xf32, #tpu.memory_space<vmem>>, %arg13: memref<400xf32, #tpu.memory_space<vmem>>, %arg14: memref<!tpu.dma_semaphore, #tpu.memory_space<semaphore_mem>>, %arg15: memref<!tpu.dma_semaphore, #tpu.memory_space<semaphore_mem>>) attributes {dimension_semantics = [#tpu.dimension_semantics<core_parallel>, #tpu.dimension_semantics<subcore_parallel>], iteration_bounds = array<i64: 2, 16>, scalar_prefetch = 0 : i64, scratch_operands = 10 : i64, tpu.core_type = #tpu.core_type<sc_vector_subcore>, window_params = [{transform_indices = #map}, {transform_indices = #map}, {transform_indices = #map1}, {transform_indices = #map}]} {
    %mul3A = arith.constant 16 : i32
    %mul3A_0 = arith.muli %arg0, %mul3A : i32
    %add3A = arith.addi %mul3A_0, %arg1 : i32
    %mul3A_1 = arith.constant 25600 : i32
    %mul3A_2 = arith.muli %add3A, %mul3A_1 : i32
    %iota3A = tpu.iota {dimensions = array<i32: 0>} : vector<16xi32>
    %scan3A = arith.constant 0 : i32
    %scan3A_3 = arith.constant 32 : i32
    %scan3A_4 = arith.addi %scan3A, %scan3A_3 : i32
    %scan3A_5 = arith.constant 1 : i32
    scf.for %scan3A_7 = %scan3A to %scan3A_4 step %scan3A_5  : i32 {
      %mul3A_8 = arith.constant 1 : i32
      %mul3A_9 = arith.muli %scan3A_7, %mul3A_8 : i32
      %add3A_10 = arith.constant 0 : i32
      %add3A_11 = arith.addi %add3A_10, %mul3A_9 : i32
      %mul3A_12 = arith.constant 2 : i32
      %mul3A_13 = arith.muli %add3A_11, %mul3A_12 : i32
      %mul3A_14 = arith.constant 400 : i32
      %mul3A_15 = arith.muli %mul3A_13, %mul3A_14 : i32
      %add3A_16 = arith.addi %mul3A_2, %mul3A_15 : i32
      "tpu.region"() ({
        %run_scoped3A = tpu.sem_alloc : memref<!tpu.dma_semaphore, #tpu.memory_space<semaphore_mem>>
        %dma_start3A_50 = tpu.memref_slice %arg2[%add3A_16] : memref<819200xi32, #tpu.memory_space<hbm>> -> memref<400xi32, #tpu.memory_space<hbm>>
        %dma_start3A_51 = tpu.memref_slice %arg2[%add3A_16] : memref<819200xi32, #tpu.memory_space<hbm>> -> memref<400xi32, #tpu.memory_space<hbm>>
        tpu.enqueue_dma source(%dma_start3A_51 : memref<400xi32, #tpu.memory_space<hbm>>) target(%arg6 : memref<400xi32, #tpu.memory_space<vmem>>) target_semaphore(%run_scoped3A : memref<!tpu.dma_semaphore, #tpu.memory_space<semaphore_mem>>)
        %dma_wait3A_52 = tpu.memref_slice %arg2[%add3A_16] : memref<819200xi32, #tpu.memory_space<hbm>> -> memref<400xi32, #tpu.memory_space<hbm>>
        %dma_wait3A_53 = tpu.memref_slice %arg2[%add3A_16] : memref<819200xi32, #tpu.memory_space<hbm>> -> memref<400xi32, #tpu.memory_space<hbm>>
        tpu.wait_dma2 semaphore(%run_scoped3A : memref<!tpu.dma_semaphore, #tpu.memory_space<semaphore_mem>>) src(%dma_wait3A_53 : memref<400xi32, #tpu.memory_space<hbm>>) dst(%arg6 : memref<400xi32, #tpu.memory_space<vmem>>)
        tpu.yield
      }) : () -> ()
      "tpu.region"() ({
        %run_scoped3A = tpu.sem_alloc : memref<!tpu.dma_semaphore, #tpu.memory_space<semaphore_mem>>
        %dma_start3A_50 = tpu.memref_slice %arg3[%add3A_16] : memref<819200xi32, #tpu.memory_space<hbm>> -> memref<400xi32, #tpu.memory_space<hbm>>
        %dma_start3A_51 = tpu.memref_slice %arg3[%add3A_16] : memref<819200xi32, #tpu.memory_space<hbm>> -> memref<400xi32, #tpu.memory_space<hbm>>
        tpu.enqueue_dma source(%dma_start3A_51 : memref<400xi32, #tpu.memory_space<hbm>>) target(%arg8 : memref<400xi32, #tpu.memory_space<vmem>>) target_semaphore(%run_scoped3A : memref<!tpu.dma_semaphore, #tpu.memory_space<semaphore_mem>>)
        %dma_wait3A_52 = tpu.memref_slice %arg3[%add3A_16] : memref<819200xi32, #tpu.memory_space<hbm>> -> memref<400xi32, #tpu.memory_space<hbm>>
        %dma_wait3A_53 = tpu.memref_slice %arg3[%add3A_16] : memref<819200xi32, #tpu.memory_space<hbm>> -> memref<400xi32, #tpu.memory_space<hbm>>
        tpu.wait_dma2 semaphore(%run_scoped3A : memref<!tpu.dma_semaphore, #tpu.memory_space<semaphore_mem>>) src(%dma_wait3A_53 : memref<400xi32, #tpu.memory_space<hbm>>) dst(%arg8 : memref<400xi32, #tpu.memory_space<vmem>>)
        tpu.yield
      }) : () -> ()
      %dma_start3A = arith.constant 0 : i32
      %dma_start3A_17 = arith.constant 0 : i32
      %dma_start3A_18 = tpu.memref_slice %arg4[%dma_start3A, %dma_start3A_17] : memref<50048x16xf32, #tpu.memory_space<hbm>> -> memref<50048x16xf32, #tpu.memory_space<hbm>>
      tpu.enqueue_indirect_dma source(%dma_start3A_18 : memref<50048x16xf32, #tpu.memory_space<hbm>>) target(%arg10 : memref<400x16xf32, #tpu.memory_space<vmem>>) offsets(%arg6 : memref<400xi32, #tpu.memory_space<vmem>>) semaphore(%arg14 : memref<!tpu.dma_semaphore, #tpu.memory_space<semaphore_mem>>)
      %add3A_19 = arith.constant 1 : i32
      %add3A_20 = arith.addi %mul3A_13, %add3A_19 : i32
      %mul3A_21 = arith.constant 400 : i32
      %mul3A_22 = arith.muli %add3A_20, %mul3A_21 : i32
      %add3A_23 = arith.addi %mul3A_2, %mul3A_22 : i32
      "tpu.region"() ({
        %run_scoped3A = tpu.sem_alloc : memref<!tpu.dma_semaphore, #tpu.memory_space<semaphore_mem>>
        %dma_start3A_50 = tpu.memref_slice %arg2[%add3A_23] : memref<819200xi32, #tpu.memory_space<hbm>> -> memref<400xi32, #tpu.memory_space<hbm>>
        %dma_start3A_51 = tpu.memref_slice %arg2[%add3A_23] : memref<819200xi32, #tpu.memory_space<hbm>> -> memref<400xi32, #tpu.memory_space<hbm>>
        tpu.enqueue_dma source(%dma_start3A_51 : memref<400xi32, #tpu.memory_space<hbm>>) target(%arg7 : memref<400xi32, #tpu.memory_space<vmem>>) target_semaphore(%run_scoped3A : memref<!tpu.dma_semaphore, #tpu.memory_space<semaphore_mem>>)
        %dma_wait3A_52 = tpu.memref_slice %arg2[%add3A_23] : memref<819200xi32, #tpu.memory_space<hbm>> -> memref<400xi32, #tpu.memory_space<hbm>>
        %dma_wait3A_53 = tpu.memref_slice %arg2[%add3A_23] : memref<819200xi32, #tpu.memory_space<hbm>> -> memref<400xi32, #tpu.memory_space<hbm>>
        tpu.wait_dma2 semaphore(%run_scoped3A : memref<!tpu.dma_semaphore, #tpu.memory_space<semaphore_mem>>) src(%dma_wait3A_53 : memref<400xi32, #tpu.memory_space<hbm>>) dst(%arg7 : memref<400xi32, #tpu.memory_space<vmem>>)
        tpu.yield
      }) : () -> ()
      "tpu.region"() ({
        %run_scoped3A = tpu.sem_alloc : memref<!tpu.dma_semaphore, #tpu.memory_space<semaphore_mem>>
        %dma_start3A_50 = tpu.memref_slice %arg3[%add3A_23] : memref<819200xi32, #tpu.memory_space<hbm>> -> memref<400xi32, #tpu.memory_space<hbm>>
        %dma_start3A_51 = tpu.memref_slice %arg3[%add3A_23] : memref<819200xi32, #tpu.memory_space<hbm>> -> memref<400xi32, #tpu.memory_space<hbm>>
        tpu.enqueue_dma source(%dma_start3A_51 : memref<400xi32, #tpu.memory_space<hbm>>) target(%arg9 : memref<400xi32, #tpu.memory_space<vmem>>) target_semaphore(%run_scoped3A : memref<!tpu.dma_semaphore, #tpu.memory_space<semaphore_mem>>)
        %dma_wait3A_52 = tpu.memref_slice %arg3[%add3A_23] : memref<819200xi32, #tpu.memory_space<hbm>> -> memref<400xi32, #tpu.memory_space<hbm>>
        %dma_wait3A_53 = tpu.memref_slice %arg3[%add3A_23] : memref<819200xi32, #tpu.memory_space<hbm>> -> memref<400xi32, #tpu.memory_space<hbm>>
        tpu.wait_dma2 semaphore(%run_scoped3A : memref<!tpu.dma_semaphore, #tpu.memory_space<semaphore_mem>>) src(%dma_wait3A_53 : memref<400xi32, #tpu.memory_space<hbm>>) dst(%arg9 : memref<400xi32, #tpu.memory_space<vmem>>)
        tpu.yield
      }) : () -> ()
      %dma_start3A_24 = arith.constant 0 : i32
      %dma_start3A_25 = arith.constant 0 : i32
      %dma_start3A_26 = tpu.memref_slice %arg4[%dma_start3A_24, %dma_start3A_25] : memref<50048x16xf32, #tpu.memory_space<hbm>> -> memref<50048x16xf32, #tpu.memory_space<hbm>>
      tpu.enqueue_indirect_dma source(%dma_start3A_26 : memref<50048x16xf32, #tpu.memory_space<hbm>>) target(%arg11 : memref<400x16xf32, #tpu.memory_space<vmem>>) offsets(%arg7 : memref<400xi32, #tpu.memory_space<vmem>>) semaphore(%arg15 : memref<!tpu.dma_semaphore, #tpu.memory_space<semaphore_mem>>)
      %dma_wait3A = arith.constant 0 : i32
      %dma_wait3A_27 = arith.constant 0 : i32
      %dma_wait3A_28 = tpu.memref_slice %arg4[%dma_wait3A, %dma_wait3A_27] : memref<50048x16xf32, #tpu.memory_space<hbm>> -> memref<50048x16xf32, #tpu.memory_space<hbm>>
      tpu.wait_indirect_dma semaphore(%arg14 : memref<!tpu.dma_semaphore, #tpu.memory_space<semaphore_mem>>) src(%dma_wait3A_28 : memref<50048x16xf32, #tpu.memory_space<hbm>>) dst(%arg10 : memref<400x16xf32, #tpu.memory_space<vmem>>)
      %scan3A_29 = arith.constant 0 : i32
      %scan3A_30 = arith.constant 25 : i32
      %scan3A_31 = arith.addi %scan3A_29, %scan3A_30 : i32
      %scan3A_32 = arith.constant 1 : i32
      scf.for %scan3A_50 = %scan3A_29 to %scan3A_31 step %scan3A_32  : i32 {
        %mul3A_51 = arith.constant 1 : i32
        %mul3A_52 = arith.muli %scan3A_50, %mul3A_51 : i32
        %add3A_53 = arith.constant 0 : i32
        %add3A_54 = arith.addi %add3A_53, %mul3A_52 : i32
        %mul3A_55 = arith.constant 16 : i32
        %mul3A_56 = arith.muli %add3A_54, %mul3A_55 : i32
        %multiple_of3A = tpu.assume_multiple %mul3A_56, 16 : i32
        %get3A = arith.index_cast %multiple_of3A : i32 to index
        %get3A_57 = tpu.vector_load %arg8[%get3A] {strides = array<i32>} : memref<400xi32, #tpu.memory_space<vmem>>, vector<16xi32>,
        %add3A_58 = vector.broadcast %multiple_of3A : i32 to vector<16xi32>
        %add3A_59 = arith.addi %add3A_58, %iota3A : vector<16xi32>
        %gather3A = tpu.vector_load_idx %arg10[%add3A_59, %get3A_57] : memref<400x16xf32, #tpu.memory_space<vmem>>[vector<16xi32>, vector<16xi32>], vector<16xf32>,
        %swap3A = arith.index_cast %multiple_of3A : i32 to index
        %swap3A_60 = tpu.vector_load %arg12[%swap3A] {strides = array<i32>} : memref<400xf32, #tpu.memory_space<vmem>>, vector<16xf32>,
        tpu.vector_store %arg12[%swap3A], %gather3A {strides = array<i32>} : memref<400xf32, #tpu.memory_space<vmem>>, vector<16xf32>,
      }
      %scan3A_33 = arith.constant 25 : i32
      %mul3A_34 = arith.constant 400 : i32
      %mul3A_35 = arith.muli %mul3A_13, %mul3A_34 : i32
      %add3A_36 = arith.addi %mul3A_2, %mul3A_35 : i32
      "tpu.region"() ({
        %run_scoped3A = tpu.sem_alloc : memref<!tpu.dma_semaphore, #tpu.memory_space<semaphore_mem>>
        %dma_start3A_50 = tpu.memref_slice %arg5[%add3A_36] : memref<819200xf32, #tpu.memory_space<hbm>> -> memref<400xf32, #tpu.memory_space<hbm>>
        %dma_start3A_51 = tpu.memref_slice %arg5[%add3A_36] : memref<819200xf32, #tpu.memory_space<hbm>> -> memref<400xf32, #tpu.memory_space<hbm>>
        tpu.enqueue_dma source(%arg12 : memref<400xf32, #tpu.memory_space<vmem>>) target(%dma_start3A_51 : memref<400xf32, #tpu.memory_space<hbm>>) target_semaphore(%run_scoped3A : memref<!tpu.dma_semaphore, #tpu.memory_space<semaphore_mem>>)
        %dma_wait3A_52 = tpu.memref_slice %arg5[%add3A_36] : memref<819200xf32, #tpu.memory_space<hbm>> -> memref<400xf32, #tpu.memory_space<hbm>>
        %dma_wait3A_53 = tpu.memref_slice %arg5[%add3A_36] : memref<819200xf32, #tpu.memory_space<hbm>> -> memref<400xf32, #tpu.memory_space<hbm>>
        tpu.wait_dma2 semaphore(%run_scoped3A : memref<!tpu.dma_semaphore, #tpu.memory_space<semaphore_mem>>) src(%arg12 : memref<400xf32, #tpu.memory_space<vmem>>) dst(%dma_wait3A_53 : memref<400xf32, #tpu.memory_space<hbm>>)
        tpu.yield
      }) : () -> ()
      %add3A_37 = arith.constant 1 : i32
      %add3A_38 = arith.addi %mul3A_13, %add3A_37 : i32
      %dma_wait3A_39 = arith.constant 0 : i32
      %dma_wait3A_40 = arith.constant 0 : i32
      %dma_wait3A_41 = tpu.memref_slice %arg4[%dma_wait3A_39, %dma_wait3A_40] : memref<50048x16xf32, #tpu.memory_space<hbm>> -> memref<50048x16xf32, #tpu.memory_space<hbm>>
      tpu.wait_indirect_dma semaphore(%arg15 : memref<!tpu.dma_semaphore, #tpu.memory_space<semaphore_mem>>) src(%dma_wait3A_41 : memref<50048x16xf32, #tpu.memory_space<hbm>>) dst(%arg11 : memref<400x16xf32, #tpu.memory_space<vmem>>)
      %scan3A_42 = arith.constant 0 : i32
      %scan3A_43 = arith.constant 25 : i32
      %scan3A_44 = arith.addi %scan3A_42, %scan3A_43 : i32
      %scan3A_45 = arith.constant 1 : i32
      scf.for %scan3A_50 = %scan3A_42 to %scan3A_44 step %scan3A_45  : i32 {
        %mul3A_51 = arith.constant 1 : i32
        %mul3A_52 = arith.muli %scan3A_50, %mul3A_51 : i32
        %add3A_53 = arith.constant 0 : i32
        %add3A_54 = arith.addi %add3A_53, %mul3A_52 : i32
        %mul3A_55 = arith.constant 16 : i32
        %mul3A_56 = arith.muli %add3A_54, %mul3A_55 : i32
        %multiple_of3A = tpu.assume_multiple %mul3A_56, 16 : i32
        %get3A = arith.index_cast %multiple_of3A : i32 to index
        %get3A_57 = tpu.vector_load %arg9[%get3A] {strides = array<i32>} : memref<400xi32, #tpu.memory_space<vmem>>, vector<16xi32>,
        %add3A_58 = vector.broadcast %multiple_of3A : i32 to vector<16xi32>
        %add3A_59 = arith.addi %add3A_58, %iota3A : vector<16xi32>
        %gather3A = tpu.vector_load_idx %arg11[%add3A_59, %get3A_57] : memref<400x16xf32, #tpu.memory_space<vmem>>[vector<16xi32>, vector<16xi32>], vector<16xf32>,
        %swap3A = arith.index_cast %multiple_of3A : i32 to index
        %swap3A_60 = tpu.vector_load %arg13[%swap3A] {strides = array<i32>} : memref<400xf32, #tpu.memory_space<vmem>>, vector<16xf32>,
        tpu.vector_store %arg13[%swap3A], %gather3A {strides = array<i32>} : memref<400xf32, #tpu.memory_space<vmem>>, vector<16xf32>,
      }
      %scan3A_46 = arith.constant 25 : i32
      %mul3A_47 = arith.constant 400 : i32
      %mul3A_48 = arith.muli %add3A_38, %mul3A_47 : i32
      %add3A_49 = arith.addi %mul3A_2, %mul3A_48 : i32
      "tpu.region"() ({
        %run_scoped3A = tpu.sem_alloc : memref<!tpu.dma_semaphore, #tpu.memory_space<semaphore_mem>>
        %dma_start3A_50 = tpu.memref_slice %arg5[%add3A_49] : memref<819200xf32, #tpu.memory_space<hbm>> -> memref<400xf32, #tpu.memory_space<hbm>>
        %dma_start3A_51 = tpu.memref_slice %arg5[%add3A_49] : memref<819200xf32, #tpu.memory_space<hbm>> -> memref<400xf32, #tpu.memory_space<hbm>>
        tpu.enqueue_dma source(%arg13 : memref<400xf32, #tpu.memory_space<vmem>>) target(%dma_start3A_51 : memref<400xf32, #tpu.memory_space<hbm>>) target_semaphore(%run_scoped3A : memref<!tpu.dma_semaphore, #tpu.memory_space<semaphore_mem>>)
        %dma_wait3A_52 = tpu.memref_slice %arg5[%add3A_49] : memref<819200xf32, #tpu.memory_space<hbm>> -> memref<400xf32, #tpu.memory_space<hbm>>
        %dma_wait3A_53 = tpu.memref_slice %arg5[%add3A_49] : memref<819200xf32, #tpu.memory_space<hbm>> -> memref<400xf32, #tpu.memory_space<hbm>>
        tpu.wait_dma2 semaphore(%run_scoped3A : memref<!tpu.dma_semaphore, #tpu.memory_space<semaphore_mem>>) src(%arg13 : memref<400xf32, #tpu.memory_space<vmem>>) dst(%dma_wait3A_53 : memref<400xf32, #tpu.memory_space<hbm>>)
        tpu.yield
      }) : () -> ()
    }
    %scan3A_6 = arith.constant 32 : i32
    return
  }
}

#map = affine_map<(d0, d1) -> (0)>
#map1 = affine_map<(d0, d1) -> (0, 0)>
module attributes {stable_mosaic.version = 14 : i64} {
  func.func @_agg_body(%arg0: i32, %arg1: i32, %arg2: memref<819200xi32, #tpu.memory_space<hbm>>, %arg3: memref<819200xi32, #tpu.memory_space<hbm>>, %arg4: memref<819200xi32, #tpu.memory_space<hbm>>, %arg5: memref<400000x32xf32, #tpu.memory_space<hbm>>, %arg6: memref<400000x32xf32, #tpu.memory_space<hbm>>, %arg7: memref<819200xf32, #tpu.memory_space<hbm>>, %arg8: memref<50048x32xf32, #tpu.memory_space<hbm>>, %arg9: memref<50048x32xf32, #tpu.memory_space<hbm>>, %arg10: memref<50048x32xf32, #tpu.memory_space<hbm>>, %arg11: memref<400xi32, #tpu.memory_space<vmem>>, %arg12: memref<400xi32, #tpu.memory_space<vmem>>, %arg13: memref<400xi32, #tpu.memory_space<vmem>>, %arg14: memref<400xi32, #tpu.memory_space<vmem>>, %arg15: memref<400xi32, #tpu.memory_space<vmem>>, %arg16: memref<400xi32, #tpu.memory_space<vmem>>, %arg17: memref<400xi32, #tpu.memory_space<vmem>>, %arg18: memref<400xi32, #tpu.memory_space<vmem>>, %arg19: memref<400xf32, #tpu.memory_space<vmem>>, %arg20: memref<400xf32, #tpu.memory_space<vmem>>, %arg21: memref<400x32xf32, #tpu.memory_space<vmem>>, %arg22: memref<400x32xf32, #tpu.memory_space<vmem>>, %arg23: memref<50048x32xf32, #tpu.memory_space<vmem_shared>>, %arg24: memref<!tpu.dma_semaphore, #tpu.memory_space<semaphore_mem>>, %arg25: memref<!tpu.dma_semaphore, #tpu.memory_space<semaphore_mem>>) attributes {dimension_semantics = [#tpu.dimension_semantics<core_parallel>, #tpu.dimension_semantics<subcore_parallel>], iteration_bounds = array<i64: 2, 16>, scalar_prefetch = 0 : i64, scratch_operands = 15 : i64, tpu.core_type = #tpu.core_type<sc_vector_subcore>, window_params = [{transform_indices = #map}, {transform_indices = #map}, {transform_indices = #map}, {transform_indices = #map1}, {transform_indices = #map1}, {transform_indices = #map}, {transform_indices = #map1}, {transform_indices = #map1}, {transform_indices = #map1}]} {
    %mul3A = arith.constant 3128 : i32
    %mul3A_0 = arith.muli %arg1, %mul3A : i32
    %multiple_of3A = tpu.assume_multiple %mul3A_0, 8 : i32
    "tpu.region"() ({
      %run_scoped3A = tpu.sem_alloc : memref<!tpu.dma_semaphore, #tpu.memory_space<semaphore_mem>>
      %dma_start3A = arith.constant 0 : i32
      %dma_start3A_31 = tpu.memref_slice %arg23[%multiple_of3A, %dma_start3A] : memref<50048x32xf32, #tpu.memory_space<vmem_shared>> -> memref<3128x32xf32, #tpu.memory_space<vmem_shared>>
      %dma_start3A_32 = arith.constant 0 : i32
      %dma_start3A_33 = tpu.memref_slice %arg8[%multiple_of3A, %dma_start3A_32] : memref<50048x32xf32, #tpu.memory_space<hbm>> -> memref<3128x32xf32, #tpu.memory_space<hbm>>
      tpu.enqueue_dma source(%dma_start3A_33 : memref<3128x32xf32, #tpu.memory_space<hbm>>) target(%dma_start3A_31 : memref<3128x32xf32, #tpu.memory_space<vmem_shared>>) target_semaphore(%run_scoped3A : memref<!tpu.dma_semaphore, #tpu.memory_space<semaphore_mem>>)
      %dma_wait3A = arith.constant 0 : i32
      %dma_wait3A_34 = tpu.memref_slice %arg23[%multiple_of3A, %dma_wait3A] : memref<50048x32xf32, #tpu.memory_space<vmem_shared>> -> memref<3128x32xf32, #tpu.memory_space<vmem_shared>>
      %dma_wait3A_35 = arith.constant 0 : i32
      %dma_wait3A_36 = tpu.memref_slice %arg8[%multiple_of3A, %dma_wait3A_35] : memref<50048x32xf32, #tpu.memory_space<hbm>> -> memref<3128x32xf32, #tpu.memory_space<hbm>>
      tpu.wait_dma2 semaphore(%run_scoped3A : memref<!tpu.dma_semaphore, #tpu.memory_space<semaphore_mem>>) src(%dma_wait3A_36 : memref<3128x32xf32, #tpu.memory_space<hbm>>) dst(%dma_wait3A_34 : memref<3128x32xf32, #tpu.memory_space<vmem_shared>>)
      tpu.yield
    }) : () -> ()
    %barrier3A = arith.constant 0 : index
    tpu.barrier barrier_id(%barrier3A)
    %mul3A_1 = arith.constant 51200 : i32
    %mul3A_2 = arith.muli %arg1, %mul3A_1 : i32
    %iota3A = tpu.iota {dimensions = array<i32: 0>} : vector<16xi32>
    %add3A = arith.constant 0 : i32
    %add3A_3 = arith.addi %mul3A_2, %add3A : i32
    "tpu.region"() ({
      %run_scoped3A = tpu.sem_alloc : memref<!tpu.dma_semaphore, #tpu.memory_space<semaphore_mem>>
      %dma_start3A = tpu.memref_slice %arg2[%add3A_3] : memref<819200xi32, #tpu.memory_space<hbm>> -> memref<400xi32, #tpu.memory_space<hbm>>
      %dma_start3A_31 = tpu.memref_slice %arg2[%add3A_3] : memref<819200xi32, #tpu.memory_space<hbm>> -> memref<400xi32, #tpu.memory_space<hbm>>
      tpu.enqueue_dma source(%dma_start3A_31 : memref<400xi32, #tpu.memory_space<hbm>>) target(%arg11 : memref<400xi32, #tpu.memory_space<vmem>>) target_semaphore(%run_scoped3A : memref<!tpu.dma_semaphore, #tpu.memory_space<semaphore_mem>>)
      %dma_wait3A = tpu.memref_slice %arg2[%add3A_3] : memref<819200xi32, #tpu.memory_space<hbm>> -> memref<400xi32, #tpu.memory_space<hbm>>
      %dma_wait3A_32 = tpu.memref_slice %arg2[%add3A_3] : memref<819200xi32, #tpu.memory_space<hbm>> -> memref<400xi32, #tpu.memory_space<hbm>>
      tpu.wait_dma2 semaphore(%run_scoped3A : memref<!tpu.dma_semaphore, #tpu.memory_space<semaphore_mem>>) src(%dma_wait3A_32 : memref<400xi32, #tpu.memory_space<hbm>>) dst(%arg11 : memref<400xi32, #tpu.memory_space<vmem>>)
      tpu.yield
    }) : () -> ()
    "tpu.region"() ({
      %run_scoped3A = tpu.sem_alloc : memref<!tpu.dma_semaphore, #tpu.memory_space<semaphore_mem>>
      %dma_start3A = tpu.memref_slice %arg3[%add3A_3] : memref<819200xi32, #tpu.memory_space<hbm>> -> memref<400xi32, #tpu.memory_space<hbm>>
      %dma_start3A_31 = tpu.memref_slice %arg3[%add3A_3] : memref<819200xi32, #tpu.memory_space<hbm>> -> memref<400xi32, #tpu.memory_space<hbm>>
      tpu.enqueue_dma source(%dma_start3A_31 : memref<400xi32, #tpu.memory_space<hbm>>) target(%arg13 : memref<400xi32, #tpu.memory_space<vmem>>) target_semaphore(%run_scoped3A : memref<!tpu.dma_semaphore, #tpu.memory_space<semaphore_mem>>)
      %dma_wait3A = tpu.memref_slice %arg3[%add3A_3] : memref<819200xi32, #tpu.memory_space<hbm>> -> memref<400xi32, #tpu.memory_space<hbm>>
      %dma_wait3A_32 = tpu.memref_slice %arg3[%add3A_3] : memref<819200xi32, #tpu.memory_space<hbm>> -> memref<400xi32, #tpu.memory_space<hbm>>
      tpu.wait_dma2 semaphore(%run_scoped3A : memref<!tpu.dma_semaphore, #tpu.memory_space<semaphore_mem>>) src(%dma_wait3A_32 : memref<400xi32, #tpu.memory_space<hbm>>) dst(%arg13 : memref<400xi32, #tpu.memory_space<vmem>>)
      tpu.yield
    }) : () -> ()
    "tpu.region"() ({
      %run_scoped3A = tpu.sem_alloc : memref<!tpu.dma_semaphore, #tpu.memory_space<semaphore_mem>>
      %dma_start3A = tpu.memref_slice %arg4[%add3A_3] : memref<819200xi32, #tpu.memory_space<hbm>> -> memref<400xi32, #tpu.memory_space<hbm>>
      %dma_start3A_31 = tpu.memref_slice %arg4[%add3A_3] : memref<819200xi32, #tpu.memory_space<hbm>> -> memref<400xi32, #tpu.memory_space<hbm>>
      tpu.enqueue_dma source(%dma_start3A_31 : memref<400xi32, #tpu.memory_space<hbm>>) target(%arg15 : memref<400xi32, #tpu.memory_space<vmem>>) target_semaphore(%run_scoped3A : memref<!tpu.dma_semaphore, #tpu.memory_space<semaphore_mem>>)
      %dma_wait3A = tpu.memref_slice %arg4[%add3A_3] : memref<819200xi32, #tpu.memory_space<hbm>> -> memref<400xi32, #tpu.memory_space<hbm>>
      %dma_wait3A_32 = tpu.memref_slice %arg4[%add3A_3] : memref<819200xi32, #tpu.memory_space<hbm>> -> memref<400xi32, #tpu.memory_space<hbm>>
      tpu.wait_dma2 semaphore(%run_scoped3A : memref<!tpu.dma_semaphore, #tpu.memory_space<semaphore_mem>>) src(%dma_wait3A_32 : memref<400xi32, #tpu.memory_space<hbm>>) dst(%arg15 : memref<400xi32, #tpu.memory_space<vmem>>)
      tpu.yield
    }) : () -> ()
    "tpu.region"() ({
      %run_scoped3A = tpu.sem_alloc : memref<!tpu.dma_semaphore, #tpu.memory_space<semaphore_mem>>
      %dma_start3A = tpu.memref_slice %arg7[%add3A_3] : memref<819200xf32, #tpu.memory_space<hbm>> -> memref<400xf32, #tpu.memory_space<hbm>>
      %dma_start3A_31 = tpu.memref_slice %arg7[%add3A_3] : memref<819200xf32, #tpu.memory_space<hbm>> -> memref<400xf32, #tpu.memory_space<hbm>>
      tpu.enqueue_dma source(%dma_start3A_31 : memref<400xf32, #tpu.memory_space<hbm>>) target(%arg19 : memref<400xf32, #tpu.memory_space<vmem>>) target_semaphore(%run_scoped3A : memref<!tpu.dma_semaphore, #tpu.memory_space<semaphore_mem>>)
      %dma_wait3A = tpu.memref_slice %arg7[%add3A_3] : memref<819200xf32, #tpu.memory_space<hbm>> -> memref<400xf32, #tpu.memory_space<hbm>>
      %dma_wait3A_32 = tpu.memref_slice %arg7[%add3A_3] : memref<819200xf32, #tpu.memory_space<hbm>> -> memref<400xf32, #tpu.memory_space<hbm>>
      tpu.wait_dma2 semaphore(%run_scoped3A : memref<!tpu.dma_semaphore, #tpu.memory_space<semaphore_mem>>) src(%dma_wait3A_32 : memref<400xf32, #tpu.memory_space<hbm>>) dst(%arg19 : memref<400xf32, #tpu.memory_space<vmem>>)
      tpu.yield
    }) : () -> ()
    %scan3A = arith.constant 0 : i32
    %scan3A_4 = arith.constant 25 : i32
    %scan3A_5 = arith.addi %scan3A, %scan3A_4 : i32
    %scan3A_6 = arith.constant 1 : i32
    scf.for %scan3A_31 = %scan3A to %scan3A_5 step %scan3A_6  : i32 {
      %mul3A_32 = arith.constant 1 : i32
      %mul3A_33 = arith.muli %scan3A_31, %mul3A_32 : i32
      %add3A_34 = arith.constant 0 : i32
      %add3A_35 = arith.addi %add3A_34, %mul3A_33 : i32
      %mul3A_36 = arith.constant 16 : i32
      %mul3A_37 = arith.muli %add3A_35, %mul3A_36 : i32
      %multiple_of3A_38 = tpu.assume_multiple %mul3A_37, 16 : i32
      %get3A = arith.index_cast %multiple_of3A_38 : i32 to index
      %get3A_39 = tpu.vector_load %arg15[%get3A] {strides = array<i32>} : memref<400xi32, #tpu.memory_space<vmem>>, vector<16xi32>,
      %mul3A_40 = arith.constant 50000 : i32
      %mul3A_41 = vector.broadcast %mul3A_40 : i32 to vector<16xi32>
      %mul3A_42 = arith.muli %get3A_39, %mul3A_41 : vector<16xi32>
      %get3A_43 = arith.index_cast %multiple_of3A_38 : i32 to index
      %get3A_44 = tpu.vector_load %arg11[%get3A_43] {strides = array<i32>} : memref<400xi32, #tpu.memory_space<vmem>>, vector<16xi32>,
      %add3A_45 = arith.addi %mul3A_42, %get3A_44 : vector<16xi32>
      %swap3A = arith.index_cast %multiple_of3A_38 : i32 to index
      %swap3A_46 = tpu.vector_load %arg17[%swap3A] {strides = array<i32>} : memref<400xi32, #tpu.memory_space<vmem>>, vector<16xi32>,
      tpu.vector_store %arg17[%swap3A], %add3A_45 {strides = array<i32>} : memref<400xi32, #tpu.memory_space<vmem>>, vector<16xi32>,
    }
    %scan3A_7 = arith.constant 25 : i32
    %eq3A = arith.constant 0 : i32
    %eq3A_8 = arith.cmpi eq, %arg0, %eq3A : i32
    %convert_element_type3A = arith.extui %eq3A_8 : i1 to i32
    %cond3A = arith.constant 0 : i32
    %cond3A_9 = arith.cmpi ne, %convert_element_type3A, %cond3A : i32
    scf.if %cond3A_9 {
      %dma_start3A = arith.constant 0 : i32
      %dma_start3A_31 = arith.constant 0 : i32
      %dma_start3A_32 = tpu.memref_slice %arg5[%dma_start3A, %dma_start3A_31] : memref<400000x32xf32, #tpu.memory_space<hbm>> -> memref<400000x32xf32, #tpu.memory_space<hbm>>
      tpu.enqueue_indirect_dma source(%dma_start3A_32 : memref<400000x32xf32, #tpu.memory_space<hbm>>) target(%arg21 : memref<400x32xf32, #tpu.memory_space<vmem>>) offsets(%arg17 : memref<400xi32, #tpu.memory_space<vmem>>) semaphore(%arg24 : memref<!tpu.dma_semaphore, #tpu.memory_space<semaphore_mem>>)
    } else {
    }
    %eq3A_10 = arith.constant 1 : i32
    %eq3A_11 = arith.cmpi eq, %arg0, %eq3A_10 : i32
    %convert_element_type3A_12 = arith.extui %eq3A_11 : i1 to i32
    %cond3A_13 = arith.constant 0 : i32
    %cond3A_14 = arith.cmpi ne, %convert_element_type3A_12, %cond3A_13 : i32
    scf.if %cond3A_14 {
      %dma_start3A = arith.constant 0 : i32
      %dma_start3A_31 = arith.constant 0 : i32
      %dma_start3A_32 = tpu.memref_slice %arg6[%dma_start3A, %dma_start3A_31] : memref<400000x32xf32, #tpu.memory_space<hbm>> -> memref<400000x32xf32, #tpu.memory_space<hbm>>
      tpu.enqueue_indirect_dma source(%dma_start3A_32 : memref<400000x32xf32, #tpu.memory_space<hbm>>) target(%arg21 : memref<400x32xf32, #tpu.memory_space<vmem>>) offsets(%arg17 : memref<400xi32, #tpu.memory_space<vmem>>) semaphore(%arg24 : memref<!tpu.dma_semaphore, #tpu.memory_space<semaphore_mem>>)
    } else {
    }
    %scan3A_15 = arith.constant 0 : i32
    %scan3A_16 = arith.constant 64 : i32
    %scan3A_17 = arith.addi %scan3A_15, %scan3A_16 : i32
    %scan3A_18 = arith.constant 1 : i32
    scf.for %scan3A_31 = %scan3A_15 to %scan3A_17 step %scan3A_18  : i32 {
      %mul3A_32 = arith.constant 1 : i32
      %mul3A_33 = arith.muli %scan3A_31, %mul3A_32 : i32
      %add3A_34 = arith.constant 0 : i32
      %add3A_35 = arith.addi %add3A_34, %mul3A_33 : i32
      %mul3A_36 = arith.constant 2 : i32
      %mul3A_37 = arith.muli %add3A_35, %mul3A_36 : i32
      %add3A_38 = arith.constant 1 : i32
      %add3A_39 = arith.addi %mul3A_37, %add3A_38 : i32
      %mul3A_40 = arith.constant 400 : i32
      %mul3A_41 = arith.muli %add3A_39, %mul3A_40 : i32
      %add3A_42 = arith.addi %mul3A_2, %mul3A_41 : i32
      "tpu.region"() ({
        %run_scoped3A = tpu.sem_alloc : memref<!tpu.dma_semaphore, #tpu.memory_space<semaphore_mem>>
        %dma_start3A = tpu.memref_slice %arg2[%add3A_42] : memref<819200xi32, #tpu.memory_space<hbm>> -> memref<400xi32, #tpu.memory_space<hbm>>
        %dma_start3A_79 = tpu.memref_slice %arg2[%add3A_42] : memref<819200xi32, #tpu.memory_space<hbm>> -> memref<400xi32, #tpu.memory_space<hbm>>
        tpu.enqueue_dma source(%dma_start3A_79 : memref<400xi32, #tpu.memory_space<hbm>>) target(%arg12 : memref<400xi32, #tpu.memory_space<vmem>>) target_semaphore(%run_scoped3A : memref<!tpu.dma_semaphore, #tpu.memory_space<semaphore_mem>>)
        %dma_wait3A_80 = tpu.memref_slice %arg2[%add3A_42] : memref<819200xi32, #tpu.memory_space<hbm>> -> memref<400xi32, #tpu.memory_space<hbm>>
        %dma_wait3A_81 = tpu.memref_slice %arg2[%add3A_42] : memref<819200xi32, #tpu.memory_space<hbm>> -> memref<400xi32, #tpu.memory_space<hbm>>
        tpu.wait_dma2 semaphore(%run_scoped3A : memref<!tpu.dma_semaphore, #tpu.memory_space<semaphore_mem>>) src(%dma_wait3A_81 : memref<400xi32, #tpu.memory_space<hbm>>) dst(%arg12 : memref<400xi32, #tpu.memory_space<vmem>>)
        tpu.yield
      }) : () -> ()
      "tpu.region"() ({
        %run_scoped3A = tpu.sem_alloc : memref<!tpu.dma_semaphore, #tpu.memory_space<semaphore_mem>>
        %dma_start3A = tpu.memref_slice %arg3[%add3A_42] : memref<819200xi32, #tpu.memory_space<hbm>> -> memref<400xi32, #tpu.memory_space<hbm>>
        %dma_start3A_79 = tpu.memref_slice %arg3[%add3A_42] : memref<819200xi32, #tpu.memory_space<hbm>> -> memref<400xi32, #tpu.memory_space<hbm>>
        tpu.enqueue_dma source(%dma_start3A_79 : memref<400xi32, #tpu.memory_space<hbm>>) target(%arg14 : memref<400xi32, #tpu.memory_space<vmem>>) target_semaphore(%run_scoped3A : memref<!tpu.dma_semaphore, #tpu.memory_space<semaphore_mem>>)
        %dma_wait3A_80 = tpu.memref_slice %arg3[%add3A_42] : memref<819200xi32, #tpu.memory_space<hbm>> -> memref<400xi32, #tpu.memory_space<hbm>>
        %dma_wait3A_81 = tpu.memref_slice %arg3[%add3A_42] : memref<819200xi32, #tpu.memory_space<hbm>> -> memref<400xi32, #tpu.memory_space<hbm>>
        tpu.wait_dma2 semaphore(%run_scoped3A : memref<!tpu.dma_semaphore, #tpu.memory_space<semaphore_mem>>) src(%dma_wait3A_81 : memref<400xi32, #tpu.memory_space<hbm>>) dst(%arg14 : memref<400xi32, #tpu.memory_space<vmem>>)
        tpu.yield
      }) : () -> ()
      "tpu.region"() ({
        %run_scoped3A = tpu.sem_alloc : memref<!tpu.dma_semaphore, #tpu.memory_space<semaphore_mem>>
        %dma_start3A = tpu.memref_slice %arg4[%add3A_42] : memref<819200xi32, #tpu.memory_space<hbm>> -> memref<400xi32, #tpu.memory_space<hbm>>
        %dma_start3A_79 = tpu.memref_slice %arg4[%add3A_42] : memref<819200xi32, #tpu.memory_space<hbm>> -> memref<400xi32, #tpu.memory_space<hbm>>
        tpu.enqueue_dma source(%dma_start3A_79 : memref<400xi32, #tpu.memory_space<hbm>>) target(%arg16 : memref<400xi32, #tpu.memory_space<vmem>>) target_semaphore(%run_scoped3A : memref<!tpu.dma_semaphore, #tpu.memory_space<semaphore_mem>>)
        %dma_wait3A_80 = tpu.memref_slice %arg4[%add3A_42] : memref<819200xi32, #tpu.memory_space<hbm>> -> memref<400xi32, #tpu.memory_space<hbm>>
        %dma_wait3A_81 = tpu.memref_slice %arg4[%add3A_42] : memref<819200xi32, #tpu.memory_space<hbm>> -> memref<400xi32, #tpu.memory_space<hbm>>
        tpu.wait_dma2 semaphore(%run_scoped3A : memref<!tpu.dma_semaphore, #tpu.memory_space<semaphore_mem>>) src(%dma_wait3A_81 : memref<400xi32, #tpu.memory_space<hbm>>) dst(%arg16 : memref<400xi32, #tpu.memory_space<vmem>>)
        tpu.yield
      }) : () -> ()
      "tpu.region"() ({
        %run_scoped3A = tpu.sem_alloc : memref<!tpu.dma_semaphore, #tpu.memory_space<semaphore_mem>>
        %dma_start3A = tpu.memref_slice %arg7[%add3A_42] : memref<819200xf32, #tpu.memory_space<hbm>> -> memref<400xf32, #tpu.memory_space<hbm>>
        %dma_start3A_79 = tpu.memref_slice %arg7[%add3A_42] : memref<819200xf32, #tpu.memory_space<hbm>> -> memref<400xf32, #tpu.memory_space<hbm>>
        tpu.enqueue_dma source(%dma_start3A_79 : memref<400xf32, #tpu.memory_space<hbm>>) target(%arg20 : memref<400xf32, #tpu.memory_space<vmem>>) target_semaphore(%run_scoped3A : memref<!tpu.dma_semaphore, #tpu.memory_space<semaphore_mem>>)
        %dma_wait3A_80 = tpu.memref_slice %arg7[%add3A_42] : memref<819200xf32, #tpu.memory_space<hbm>> -> memref<400xf32, #tpu.memory_space<hbm>>
        %dma_wait3A_81 = tpu.memref_slice %arg7[%add3A_42] : memref<819200xf32, #tpu.memory_space<hbm>> -> memref<400xf32, #tpu.memory_space<hbm>>
        tpu.wait_dma2 semaphore(%run_scoped3A : memref<!tpu.dma_semaphore, #tpu.memory_space<semaphore_mem>>) src(%dma_wait3A_81 : memref<400xf32, #tpu.memory_space<hbm>>) dst(%arg20 : memref<400xf32, #tpu.memory_space<vmem>>)
        tpu.yield
      }) : () -> ()
      %scan3A_43 = arith.constant 0 : i32
      %scan3A_44 = arith.constant 25 : i32
      %scan3A_45 = arith.addi %scan3A_43, %scan3A_44 : i32
      %scan3A_46 = arith.constant 1 : i32
      scf.for %scan3A_79 = %scan3A_43 to %scan3A_45 step %scan3A_46  : i32 {
        %mul3A_80 = arith.constant 1 : i32
        %mul3A_81 = arith.muli %scan3A_79, %mul3A_80 : i32
        %add3A_82 = arith.constant 0 : i32
        %add3A_83 = arith.addi %add3A_82, %mul3A_81 : i32
        %mul3A_84 = arith.constant 16 : i32
        %mul3A_85 = arith.muli %add3A_83, %mul3A_84 : i32
        %multiple_of3A_86 = tpu.assume_multiple %mul3A_85, 16 : i32
        %get3A = arith.index_cast %multiple_of3A_86 : i32 to index
        %get3A_87 = tpu.vector_load %arg16[%get3A] {strides = array<i32>} : memref<400xi32, #tpu.memory_space<vmem>>, vector<16xi32>,
        %mul3A_88 = arith.constant 50000 : i32
        %mul3A_89 = vector.broadcast %mul3A_88 : i32 to vector<16xi32>
        %mul3A_90 = arith.muli %get3A_87, %mul3A_89 : vector<16xi32>
        %get3A_91 = arith.index_cast %multiple_of3A_86 : i32 to index
        %get3A_92 = tpu.vector_load %arg12[%get3A_91] {strides = array<i32>} : memref<400xi32, #tpu.memory_space<vmem>>, vector<16xi32>,
        %add3A_93 = arith.addi %mul3A_90, %get3A_92 : vector<16xi32>
        %swap3A = arith.index_cast %multiple_of3A_86 : i32 to index
        %swap3A_94 = tpu.vector_load %arg18[%swap3A] {strides = array<i32>} : memref<400xi32, #tpu.memory_space<vmem>>, vector<16xi32>,
        tpu.vector_store %arg18[%swap3A], %add3A_93 {strides = array<i32>} : memref<400xi32, #tpu.memory_space<vmem>>, vector<16xi32>,
      }
      %scan3A_47 = arith.constant 25 : i32
      %dma_wait3A = arith.constant 0 : i32
      %dma_wait3A_48 = arith.constant 0 : i32
      %dma_wait3A_49 = tpu.memref_slice %arg5[%dma_wait3A, %dma_wait3A_48] : memref<400000x32xf32, #tpu.memory_space<hbm>> -> memref<400000x32xf32, #tpu.memory_space<hbm>>
      tpu.wait_indirect_dma semaphore(%arg24 : memref<!tpu.dma_semaphore, #tpu.memory_space<semaphore_mem>>) src(%dma_wait3A_49 : memref<400000x32xf32, #tpu.memory_space<hbm>>) dst(%arg21 : memref<400x32xf32, #tpu.memory_space<vmem>>)
      %eq3A_50 = arith.constant 0 : i32
      %eq3A_51 = arith.cmpi eq, %arg0, %eq3A_50 : i32
      %convert_element_type3A_52 = arith.extui %eq3A_51 : i1 to i32
      %cond3A_53 = arith.constant 0 : i32
      %cond3A_54 = arith.cmpi ne, %convert_element_type3A_52, %cond3A_53 : i32
      scf.if %cond3A_54 {
        %dma_start3A = arith.constant 0 : i32
        %dma_start3A_79 = arith.constant 0 : i32
        %dma_start3A_80 = tpu.memref_slice %arg5[%dma_start3A, %dma_start3A_79] : memref<400000x32xf32, #tpu.memory_space<hbm>> -> memref<400000x32xf32, #tpu.memory_space<hbm>>
        tpu.enqueue_indirect_dma source(%dma_start3A_80 : memref<400000x32xf32, #tpu.memory_space<hbm>>) target(%arg22 : memref<400x32xf32, #tpu.memory_space<vmem>>) offsets(%arg18 : memref<400xi32, #tpu.memory_space<vmem>>) semaphore(%arg25 : memref<!tpu.dma_semaphore, #tpu.memory_space<semaphore_mem>>)
      } else {
      }
      %eq3A_55 = arith.constant 1 : i32
      %eq3A_56 = arith.cmpi eq, %arg0, %eq3A_55 : i32
      %convert_element_type3A_57 = arith.extui %eq3A_56 : i1 to i32
      %cond3A_58 = arith.constant 0 : i32
      %cond3A_59 = arith.cmpi ne, %convert_element_type3A_57, %cond3A_58 : i32
      scf.if %cond3A_59 {
        %dma_start3A = arith.constant 0 : i32
        %dma_start3A_79 = arith.constant 0 : i32
        %dma_start3A_80 = tpu.memref_slice %arg6[%dma_start3A, %dma_start3A_79] : memref<400000x32xf32, #tpu.memory_space<hbm>> -> memref<400000x32xf32, #tpu.memory_space<hbm>>
        tpu.enqueue_indirect_dma source(%dma_start3A_80 : memref<400000x32xf32, #tpu.memory_space<hbm>>) target(%arg22 : memref<400x32xf32, #tpu.memory_space<vmem>>) offsets(%arg18 : memref<400xi32, #tpu.memory_space<vmem>>) semaphore(%arg25 : memref<!tpu.dma_semaphore, #tpu.memory_space<semaphore_mem>>)
      } else {
      }
      %scan3A_60 = arith.constant 0 : i32
      %scan3A_61 = arith.constant 25 : i32
      %scan3A_62 = arith.addi %scan3A_60, %scan3A_61 : i32
      %scan3A_63 = arith.constant 1 : i32
      scf.for %scan3A_79 = %scan3A_60 to %scan3A_62 step %scan3A_63  : i32 {
        %mul3A_80 = arith.constant 1 : i32
        %mul3A_81 = arith.muli %scan3A_79, %mul3A_80 : i32
        %add3A_82 = arith.constant 0 : i32
        %add3A_83 = arith.addi %add3A_82, %mul3A_81 : i32
        %mul3A_84 = arith.constant 16 : i32
        %mul3A_85 = arith.muli %add3A_83, %mul3A_84 : i32
        %multiple_of3A_86 = tpu.assume_multiple %mul3A_85, 16 : i32
        %get3A = arith.index_cast %multiple_of3A_86 : i32 to index
        %get3A_87 = tpu.vector_load %arg19[%get3A] {strides = array<i32>} : memref<400xf32, #tpu.memory_space<vmem>>, vector<16xf32>,
        %broadcast_in_dim3A = arith.constant 0 : i32
        %broadcast_in_dim3A_88 = vector.broadcast %broadcast_in_dim3A : i32 to vector<16xi32>
        %lt3A_89 = arith.constant 0 : i32
        %lt3A_90 = vector.broadcast %lt3A_89 : i32 to vector<16xi32>
        %lt3A_91 = arith.cmpi slt, %broadcast_in_dim3A_88, %lt3A_90 : vector<16xi32>
        %add3A_92 = arith.constant 16 : i32
        %add3A_93 = vector.broadcast %add3A_92 : i32 to vector<16xi32>
        %add3A_94 = arith.addi %broadcast_in_dim3A_88, %add3A_93 : vector<16xi32>
        %select_n3A = arith.select %lt3A_91, %add3A_94, %broadcast_in_dim3A_88 : vector<16xi1>, vector<16xi32>
        %broadcast_in_dim3A_95 = vector.shape_cast %select_n3A : vector<16xi32> to vector<16x1xi32>
        %gather3A = vector.shape_cast %broadcast_in_dim3A_95 : vector<16x1xi32> to vector<16xi32>
        %gather3A_96 = tpu.dynamic_gather %get3A_87[%gather3A] in [0] : vector<16xf32>, vector<16xi32> -> vector<16xf32>
        %add3A_97 = arith.constant 0 : i32
        %add3A_98 = arith.addi %multiple_of3A_86, %add3A_97 : i32
        %get3A_99 = arith.index_cast %add3A_98 : i32 to index
        %get3A_100 = arith.constant 0 : index
        %get3A_101 = tpu.vector_load %arg21[%get3A_99, %get3A_100] {strides = array<i32>} : memref<400x32xf32, #tpu.memory_space<vmem>>, vector<16xf32>,
        %mul3A_102 = arith.mulf %get3A_101, %gather3A_96 : vector<16xf32>
        %add3A_103 = arith.constant 0 : i32
        %add3A_104 = arith.addi %multiple_of3A_86, %add3A_103 : i32
        %swap3A = arith.index_cast %add3A_104 : i32 to index
        %swap3A_105 = arith.constant 0 : index
        %swap3A_106 = tpu.vector_load %arg21[%swap3A, %swap3A_105] {strides = array<i32>} : memref<400x32xf32, #tpu.memory_space<vmem>>, vector<16xf32>,
        tpu.vector_store %arg21[%swap3A, %swap3A_105], %mul3A_102 {strides = array<i32>} : memref<400x32xf32, #tpu.memory_space<vmem>>, vector<16xf32>,
        %add3A_107 = arith.constant 0 : i32
        %add3A_108 = arith.addi %multiple_of3A_86, %add3A_107 : i32
        %get3A_109 = arith.index_cast %add3A_108 : i32 to index
        %get3A_110 = arith.constant 16 : index
        %get3A_111 = tpu.vector_load %arg21[%get3A_109, %get3A_110] {strides = array<i32>} : memref<400x32xf32, #tpu.memory_space<vmem>>, vector<16xf32>,
        %mul3A_112 = arith.mulf %get3A_111, %gather3A_96 : vector<16xf32>
        %add3A_113 = arith.constant 0 : i32
        %add3A_114 = arith.addi %multiple_of3A_86, %add3A_113 : i32
        %swap3A_115 = arith.index_cast %add3A_114 : i32 to index
        %swap3A_116 = arith.constant 16 : index
        %swap3A_117 = tpu.vector_load %arg21[%swap3A_115, %swap3A_116] {strides = array<i32>} : memref<400x32xf32, #tpu.memory_space<vmem>>, vector<16xf32>,
        tpu.vector_store %arg21[%swap3A_115, %swap3A_116], %mul3A_112 {strides = array<i32>} : memref<400x32xf32, #tpu.memory_space<vmem>>, vector<16xf32>,
        %broadcast_in_dim3A_118 = arith.constant 1 : i32
        %broadcast_in_dim3A_119 = vector.broadcast %broadcast_in_dim3A_118 : i32 to vector<16xi32>
        %lt3A_120 = arith.constant 0 : i32
        %lt3A_121 = vector.broadcast %lt3A_120 : i32 to vector<16xi32>
        %lt3A_122 = arith.cmpi slt, %broadcast_in_dim3A_119, %lt3A_121 : vector<16xi32>
        %add3A_123 = arith.constant 16 : i32
        %add3A_124 = vector.broadcast %add3A_123 : i32 to vector<16xi32>
        %add3A_125 = arith.addi %broadcast_in_dim3A_119, %add3A_124 : vector<16xi32>
        %select_n3A_126 = arith.select %lt3A_122, %add3A_125, %broadcast_in_dim3A_119 : vector<16xi1>, vector<16xi32>
        %broadcast_in_dim3A_127 = vector.shape_cast %select_n3A_126 : vector<16xi32> to vector<16x1xi32>
        %gather3A_128 = vector.shape_cast %broadcast_in_dim3A_127 : vector<16x1xi32> to vector<16xi32>
        %gather3A_129 = tpu.dynamic_gather %get3A_87[%gather3A_128] in [0] : vector<16xf32>, vector<16xi32> -> vector<16xf32>
        %add3A_130 = arith.constant 1 : i32
        %add3A_131 = arith.addi %multiple_of3A_86, %add3A_130 : i32
        %get3A_132 = arith.index_cast %add3A_131 : i32 to index
        %get3A_133 = arith.constant 0 : index
        %get3A_134 = tpu.vector_load %arg21[%get3A_132, %get3A_133] {strides = array<i32>} : memref<400x32xf32, #tpu.memory_space<vmem>>, vector<16xf32>,
        %mul3A_135 = arith.mulf %get3A_134, %gather3A_129 : vector<16xf32>
        %add3A_136 = arith.constant 1 : i32
        %add3A_137 = arith.addi %multiple_of3A_86, %add3A_136 : i32
        %swap3A_138 = arith.index_cast %add3A_137 : i32 to index
        %swap3A_139 = arith.constant 0 : index
        %swap3A_140 = tpu.vector_load %arg21[%swap3A_138, %swap3A_139] {strides = array<i32>} : memref<400x32xf32, #tpu.memory_space<vmem>>, vector<16xf32>,
        tpu.vector_store %arg21[%swap3A_138, %swap3A_139], %mul3A_135 {strides = array<i32>} : memref<400x32xf32, #tpu.memory_space<vmem>>, vector<16xf32>,
        %add3A_141 = arith.constant 1 : i32
        %add3A_142 = arith.addi %multiple_of3A_86, %add3A_141 : i32
        %get3A_143 = arith.index_cast %add3A_142 : i32 to index
        %get3A_144 = arith.constant 16 : index
        %get3A_145 = tpu.vector_load %arg21[%get3A_143, %get3A_144] {strides = array<i32>} : memref<400x32xf32, #tpu.memory_space<vmem>>, vector<16xf32>,
        %mul3A_146 = arith.mulf %get3A_145, %gather3A_129 : vector<16xf32>
        %add3A_147 = arith.constant 1 : i32
        %add3A_148 = arith.addi %multiple_of3A_86, %add3A_147 : i32
        %swap3A_149 = arith.index_cast %add3A_148 : i32 to index
        %swap3A_150 = arith.constant 16 : index
        %swap3A_151 = tpu.vector_load %arg21[%swap3A_149, %swap3A_150] {strides = array<i32>} : memref<400x32xf32, #tpu.memory_space<vmem>>, vector<16xf32>,
        tpu.vector_store %arg21[%swap3A_149, %swap3A_150], %mul3A_146 {strides = array<i32>} : memref<400x32xf32, #tpu.memory_space<vmem>>, vector<16xf32>,
        %broadcast_in_dim3A_152 = arith.constant 2 : i32
        %broadcast_in_dim3A_153 = vector.broadcast %broadcast_in_dim3A_152 : i32 to vector<16xi32>
        %lt3A_154 = arith.constant 0 : i32
        %lt3A_155 = vector.broadcast %lt3A_154 : i32 to vector<16xi32>
        %lt3A_156 = arith.cmpi slt, %broadcast_in_dim3A_153, %lt3A_155 : vector<16xi32>
        %add3A_157 = arith.constant 16 : i32
        %add3A_158 = vector.broadcast %add3A_157 : i32 to vector<16xi32>
        %add3A_159 = arith.addi %broadcast_in_dim3A_153, %add3A_158 : vector<16xi32>
        %select_n3A_160 = arith.select %lt3A_156, %add3A_159, %broadcast_in_dim3A_153 : vector<16xi1>, vector<16xi32>
        %broadcast_in_dim3A_161 = vector.shape_cast %select_n3A_160 : vector<16xi32> to vector<16x1xi32>
        %gather3A_162 = vector.shape_cast %broadcast_in_dim3A_161 : vector<16x1xi32> to vector<16xi32>
        %gather3A_163 = tpu.dynamic_gather %get3A_87[%gather3A_162] in [0] : vector<16xf32>, vector<16xi32> -> vector<16xf32>
        %add3A_164 = arith.constant 2 : i32
        %add3A_165 = arith.addi %multiple_of3A_86, %add3A_164 : i32
        %get3A_166 = arith.index_cast %add3A_165 : i32 to index
        %get3A_167 = arith.constant 0 : index
        %get3A_168 = tpu.vector_load %arg21[%get3A_166, %get3A_167] {strides = array<i32>} : memref<400x32xf32, #tpu.memory_space<vmem>>, vector<16xf32>,
        %mul3A_169 = arith.mulf %get3A_168, %gather3A_163 : vector<16xf32>
        %add3A_170 = arith.constant 2 : i32
        %add3A_171 = arith.addi %multiple_of3A_86, %add3A_170 : i32
        %swap3A_172 = arith.index_cast %add3A_171 : i32 to index
        %swap3A_173 = arith.constant 0 : index
        %swap3A_174 = tpu.vector_load %arg21[%swap3A_172, %swap3A_173] {strides = array<i32>} : memref<400x32xf32, #tpu.memory_space<vmem>>, vector<16xf32>,
        tpu.vector_store %arg21[%swap3A_172, %swap3A_173], %mul3A_169 {strides = array<i32>} : memref<400x32xf32, #tpu.memory_space<vmem>>, vector<16xf32>,
        %add3A_175 = arith.constant 2 : i32
        %add3A_176 = arith.addi %multiple_of3A_86, %add3A_175 : i32
        %get3A_177 = arith.index_cast %add3A_176 : i32 to index
        %get3A_178 = arith.constant 16 : index
        %get3A_179 = tpu.vector_load %arg21[%get3A_177, %get3A_178] {strides = array<i32>} : memref<400x32xf32, #tpu.memory_space<vmem>>, vector<16xf32>,
        %mul3A_180 = arith.mulf %get3A_179, %gather3A_163 : vector<16xf32>
        %add3A_181 = arith.constant 2 : i32
        %add3A_182 = arith.addi %multiple_of3A_86, %add3A_181 : i32
        %swap3A_183 = arith.index_cast %add3A_182 : i32 to index
        %swap3A_184 = arith.constant 16 : index
        %swap3A_185 = tpu.vector_load %arg21[%swap3A_183, %swap3A_184] {strides = array<i32>} : memref<400x32xf32, #tpu.memory_space<vmem>>, vector<16xf32>,
        tpu.vector_store %arg21[%swap3A_183, %swap3A_184], %mul3A_180 {strides = array<i32>} : memref<400x32xf32, #tpu.memory_space<vmem>>, vector<16xf32>,
        %broadcast_in_dim3A_186 = arith.constant 3 : i32
        %broadcast_in_dim3A_187 = vector.broadcast %broadcast_in_dim3A_186 : i32 to vector<16xi32>
        %lt3A_188 = arith.constant 0 : i32
        %lt3A_189 = vector.broadcast %lt3A_188 : i32 to vector<16xi32>
        %lt3A_190 = arith.cmpi slt, %broadcast_in_dim3A_187, %lt3A_189 : vector<16xi32>
        %add3A_191 = arith.constant 16 : i32
        %add3A_192 = vector.broadcast %add3A_191 : i32 to vector<16xi32>
        %add3A_193 = arith.addi %broadcast_in_dim3A_187, %add3A_192 : vector<16xi32>
        %select_n3A_194 = arith.select %lt3A_190, %add3A_193, %broadcast_in_dim3A_187 : vector<16xi1>, vector<16xi32>
        %broadcast_in_dim3A_195 = vector.shape_cast %select_n3A_194 : vector<16xi32> to vector<16x1xi32>
        %gather3A_196 = vector.shape_cast %broadcast_in_dim3A_195 : vector<16x1xi32> to vector<16xi32>
        %gather3A_197 = tpu.dynamic_gather %get3A_87[%gather3A_196] in [0] : vector<16xf32>, vector<16xi32> -> vector<16xf32>
        %add3A_198 = arith.constant 3 : i32
        %add3A_199 = arith.addi %multiple_of3A_86, %add3A_198 : i32
        %get3A_200 = arith.index_cast %add3A_199 : i32 to index
        %get3A_201 = arith.constant 0 : index
        %get3A_202 = tpu.vector_load %arg21[%get3A_200, %get3A_201] {strides = array<i32>} : memref<400x32xf32, #tpu.memory_space<vmem>>, vector<16xf32>,
        %mul3A_203 = arith.mulf %get3A_202, %gather3A_197 : vector<16xf32>
        %add3A_204 = arith.constant 3 : i32
        %add3A_205 = arith.addi %multiple_of3A_86, %add3A_204 : i32
        %swap3A_206 = arith.index_cast %add3A_205 : i32 to index
        %swap3A_207 = arith.constant 0 : index
        %swap3A_208 = tpu.vector_load %arg21[%swap3A_206, %swap3A_207] {strides = array<i32>} : memref<400x32xf32, #tpu.memory_space<vmem>>, vector<16xf32>,
        tpu.vector_store %arg21[%swap3A_206, %swap3A_207], %mul3A_203 {strides = array<i32>} : memref<400x32xf32, #tpu.memory_space<vmem>>, vector<16xf32>,
        %add3A_209 = arith.constant 3 : i32
        %add3A_210 = arith.addi %multiple_of3A_86, %add3A_209 : i32
        %get3A_211 = arith.index_cast %add3A_210 : i32 to index
        %get3A_212 = arith.constant 16 : index
        %get3A_213 = tpu.vector_load %arg21[%get3A_211, %get3A_212] {strides = array<i32>} : memref<400x32xf32, #tpu.memory_space<vmem>>, vector<16xf32>,
        %mul3A_214 = arith.mulf %get3A_213, %gather3A_197 : vector<16xf32>
        %add3A_215 = arith.constant 3 : i32
        %add3A_216 = arith.addi %multiple_of3A_86, %add3A_215 : i32
        %swap3A_217 = arith.index_cast %add3A_216 : i32 to index
        %swap3A_218 = arith.constant 16 : index
        %swap3A_219 = tpu.vector_load %arg21[%swap3A_217, %swap3A_218] {strides = array<i32>} : memref<400x32xf32, #tpu.memory_space<vmem>>, vector<16xf32>,
        tpu.vector_store %arg21[%swap3A_217, %swap3A_218], %mul3A_214 {strides = array<i32>} : memref<400x32xf32, #tpu.memory_space<vmem>>, vector<16xf32>,
        %broadcast_in_dim3A_220 = arith.constant 4 : i32
        %broadcast_in_dim3A_221 = vector.broadcast %broadcast_in_dim3A_220 : i32 to vector<16xi32>
        %lt3A_222 = arith.constant 0 : i32
        %lt3A_223 = vector.broadcast %lt3A_222 : i32 to vector<16xi32>
        %lt3A_224 = arith.cmpi slt, %broadcast_in_dim3A_221, %lt3A_223 : vector<16xi32>
        %add3A_225 = arith.constant 16 : i32
        %add3A_226 = vector.broadcast %add3A_225 : i32 to vector<16xi32>
        %add3A_227 = arith.addi %broadcast_in_dim3A_221, %add3A_226 : vector<16xi32>
        %select_n3A_228 = arith.select %lt3A_224, %add3A_227, %broadcast_in_dim3A_221 : vector<16xi1>, vector<16xi32>
        %broadcast_in_dim3A_229 = vector.shape_cast %select_n3A_228 : vector<16xi32> to vector<16x1xi32>
        %gather3A_230 = vector.shape_cast %broadcast_in_dim3A_229 : vector<16x1xi32> to vector<16xi32>
        %gather3A_231 = tpu.dynamic_gather %get3A_87[%gather3A_230] in [0] : vector<16xf32>, vector<16xi32> -> vector<16xf32>
        %add3A_232 = arith.constant 4 : i32
        %add3A_233 = arith.addi %multiple_of3A_86, %add3A_232 : i32
        %get3A_234 = arith.index_cast %add3A_233 : i32 to index
        %get3A_235 = arith.constant 0 : index
        %get3A_236 = tpu.vector_load %arg21[%get3A_234, %get3A_235] {strides = array<i32>} : memref<400x32xf32, #tpu.memory_space<vmem>>, vector<16xf32>,
        %mul3A_237 = arith.mulf %get3A_236, %gather3A_231 : vector<16xf32>
        %add3A_238 = arith.constant 4 : i32
        %add3A_239 = arith.addi %multiple_of3A_86, %add3A_238 : i32
        %swap3A_240 = arith.index_cast %add3A_239 : i32 to index
        %swap3A_241 = arith.constant 0 : index
        %swap3A_242 = tpu.vector_load %arg21[%swap3A_240, %swap3A_241] {strides = array<i32>} : memref<400x32xf32, #tpu.memory_space<vmem>>, vector<16xf32>,
        tpu.vector_store %arg21[%swap3A_240, %swap3A_241], %mul3A_237 {strides = array<i32>} : memref<400x32xf32, #tpu.memory_space<vmem>>, vector<16xf32>,
        %add3A_243 = arith.constant 4 : i32
        %add3A_244 = arith.addi %multiple_of3A_86, %add3A_243 : i32
        %get3A_245 = arith.index_cast %add3A_244 : i32 to index
        %get3A_246 = arith.constant 16 : index
        %get3A_247 = tpu.vector_load %arg21[%get3A_245, %get3A_246] {strides = array<i32>} : memref<400x32xf32, #tpu.memory_space<vmem>>, vector<16xf32>,
        %mul3A_248 = arith.mulf %get3A_247, %gather3A_231 : vector<16xf32>
        %add3A_249 = arith.constant 4 : i32
        %add3A_250 = arith.addi %multiple_of3A_86, %add3A_249 : i32
        %swap3A_251 = arith.index_cast %add3A_250 : i32 to index
        %swap3A_252 = arith.constant 16 : index
        %swap3A_253 = tpu.vector_load %arg21[%swap3A_251, %swap3A_252] {strides = array<i32>} : memref<400x32xf32, #tpu.memory_space<vmem>>, vector<16xf32>,
        tpu.vector_store %arg21[%swap3A_251, %swap3A_252], %mul3A_248 {strides = array<i32>} : memref<400x32xf32, #tpu.memory_space<vmem>>, vector<16xf32>,
        %broadcast_in_dim3A_254 = arith.constant 5 : i32
        %broadcast_in_dim3A_255 = vector.broadcast %broadcast_in_dim3A_254 : i32 to vector<16xi32>
        %lt3A_256 = arith.constant 0 : i32
        %lt3A_257 = vector.broadcast %lt3A_256 : i32 to vector<16xi32>
        %lt3A_258 = arith.cmpi slt, %broadcast_in_dim3A_255, %lt3A_257 : vector<16xi32>
        %add3A_259 = arith.constant 16 : i32
        %add3A_260 = vector.broadcast %add3A_259 : i32 to vector<16xi32>
        %add3A_261 = arith.addi %broadcast_in_dim3A_255, %add3A_260 : vector<16xi32>
        %select_n3A_262 = arith.select %lt3A_258, %add3A_261, %broadcast_in_dim3A_255 : vector<16xi1>, vector<16xi32>
        %broadcast_in_dim3A_263 = vector.shape_cast %select_n3A_262 : vector<16xi32> to vector<16x1xi32>
        %gather3A_264 = vector.shape_cast %broadcast_in_dim3A_263 : vector<16x1xi32> to vector<16xi32>
        %gather3A_265 = tpu.dynamic_gather %get3A_87[%gather3A_264] in [0] : vector<16xf32>, vector<16xi32> -> vector<16xf32>
        %add3A_266 = arith.constant 5 : i32
        %add3A_267 = arith.addi %multiple_of3A_86, %add3A_266 : i32
        %get3A_268 = arith.index_cast %add3A_267 : i32 to index
        %get3A_269 = arith.constant 0 : index
        %get3A_270 = tpu.vector_load %arg21[%get3A_268, %get3A_269] {strides = array<i32>} : memref<400x32xf32, #tpu.memory_space<vmem>>, vector<16xf32>,
        %mul3A_271 = arith.mulf %get3A_270, %gather3A_265 : vector<16xf32>
        %add3A_272 = arith.constant 5 : i32
        %add3A_273 = arith.addi %multiple_of3A_86, %add3A_272 : i32
        %swap3A_274 = arith.index_cast %add3A_273 : i32 to index
        %swap3A_275 = arith.constant 0 : index
        %swap3A_276 = tpu.vector_load %arg21[%swap3A_274, %swap3A_275] {strides = array<i32>} : memref<400x32xf32, #tpu.memory_space<vmem>>, vector<16xf32>,
        tpu.vector_store %arg21[%swap3A_274, %swap3A_275], %mul3A_271 {strides = array<i32>} : memref<400x32xf32, #tpu.memory_space<vmem>>, vector<16xf32>,
        %add3A_277 = arith.constant 5 : i32
        %add3A_278 = arith.addi %multiple_of3A_86, %add3A_277 : i32
        %get3A_279 = arith.index_cast %add3A_278 : i32 to index
        %get3A_280 = arith.constant 16 : index
        %get3A_281 = tpu.vector_load %arg21[%get3A_279, %get3A_280] {strides = array<i32>} : memref<400x32xf32, #tpu.memory_space<vmem>>, vector<16xf32>,
        %mul3A_282 = arith.mulf %get3A_281, %gather3A_265 : vector<16xf32>
        %add3A_283 = arith.constant 5 : i32
        %add3A_284 = arith.addi %multiple_of3A_86, %add3A_283 : i32
        %swap3A_285 = arith.index_cast %add3A_284 : i32 to index
        %swap3A_286 = arith.constant 16 : index
        %swap3A_287 = tpu.vector_load %arg21[%swap3A_285, %swap3A_286] {strides = array<i32>} : memref<400x32xf32, #tpu.memory_space<vmem>>, vector<16xf32>,
        tpu.vector_store %arg21[%swap3A_285, %swap3A_286], %mul3A_282 {strides = array<i32>} : memref<400x32xf32, #tpu.memory_space<vmem>>, vector<16xf32>,
        %broadcast_in_dim3A_288 = arith.constant 6 : i32
        %broadcast_in_dim3A_289 = vector.broadcast %broadcast_in_dim3A_288 : i32 to vector<16xi32>
        %lt3A_290 = arith.constant 0 : i32
        %lt3A_291 = vector.broadcast %lt3A_290 : i32 to vector<16xi32>
        %lt3A_292 = arith.cmpi slt, %broadcast_in_dim3A_289, %lt3A_291 : vector<16xi32>
        %add3A_293 = arith.constant 16 : i32
        %add3A_294 = vector.broadcast %add3A_293 : i32 to vector<16xi32>
        %add3A_295 = arith.addi %broadcast_in_dim3A_289, %add3A_294 : vector<16xi32>
        %select_n3A_296 = arith.select %lt3A_292, %add3A_295, %broadcast_in_dim3A_289 : vector<16xi1>, vector<16xi32>
        %broadcast_in_dim3A_297 = vector.shape_cast %select_n3A_296 : vector<16xi32> to vector<16x1xi32>
        %gather3A_298 = vector.shape_cast %broadcast_in_dim3A_297 : vector<16x1xi32> to vector<16xi32>
        %gather3A_299 = tpu.dynamic_gather %get3A_87[%gather3A_298] in [0] : vector<16xf32>, vector<16xi32> -> vector<16xf32>
        %add3A_300 = arith.constant 6 : i32
        %add3A_301 = arith.addi %multiple_of3A_86, %add3A_300 : i32
        %get3A_302 = arith.index_cast %add3A_301 : i32 to index
        %get3A_303 = arith.constant 0 : index
        %get3A_304 = tpu.vector_load %arg21[%get3A_302, %get3A_303] {strides = array<i32>} : memref<400x32xf32, #tpu.memory_space<vmem>>, vector<16xf32>,
        %mul3A_305 = arith.mulf %get3A_304, %gather3A_299 : vector<16xf32>
        %add3A_306 = arith.constant 6 : i32
        %add3A_307 = arith.addi %multiple_of3A_86, %add3A_306 : i32
        %swap3A_308 = arith.index_cast %add3A_307 : i32 to index
        %swap3A_309 = arith.constant 0 : index
        %swap3A_310 = tpu.vector_load %arg21[%swap3A_308, %swap3A_309] {strides = array<i32>} : memref<400x32xf32, #tpu.memory_space<vmem>>, vector<16xf32>,
        tpu.vector_store %arg21[%swap3A_308, %swap3A_309], %mul3A_305 {strides = array<i32>} : memref<400x32xf32, #tpu.memory_space<vmem>>, vector<16xf32>,
        %add3A_311 = arith.constant 6 : i32
        %add3A_312 = arith.addi %multiple_of3A_86, %add3A_311 : i32
        %get3A_313 = arith.index_cast %add3A_312 : i32 to index
        %get3A_314 = arith.constant 16 : index
        %get3A_315 = tpu.vector_load %arg21[%get3A_313, %get3A_314] {strides = array<i32>} : memref<400x32xf32, #tpu.memory_space<vmem>>, vector<16xf32>,
        %mul3A_316 = arith.mulf %get3A_315, %gather3A_299 : vector<16xf32>
        %add3A_317 = arith.constant 6 : i32
        %add3A_318 = arith.addi %multiple_of3A_86, %add3A_317 : i32
        %swap3A_319 = arith.index_cast %add3A_318 : i32 to index
        %swap3A_320 = arith.constant 16 : index
        %swap3A_321 = tpu.vector_load %arg21[%swap3A_319, %swap3A_320] {strides = array<i32>} : memref<400x32xf32, #tpu.memory_space<vmem>>, vector<16xf32>,
        tpu.vector_store %arg21[%swap3A_319, %swap3A_320], %mul3A_316 {strides = array<i32>} : memref<400x32xf32, #tpu.memory_space<vmem>>, vector<16xf32>,
        %broadcast_in_dim3A_322 = arith.constant 7 : i32
        %broadcast_in_dim3A_323 = vector.broadcast %broadcast_in_dim3A_322 : i32 to vector<16xi32>
        %lt3A_324 = arith.constant 0 : i32
        %lt3A_325 = vector.broadcast %lt3A_324 : i32 to vector<16xi32>
        %lt3A_326 = arith.cmpi slt, %broadcast_in_dim3A_323, %lt3A_325 : vector<16xi32>
        %add3A_327 = arith.constant 16 : i32
        %add3A_328 = vector.broadcast %add3A_327 : i32 to vector<16xi32>
        %add3A_329 = arith.addi %broadcast_in_dim3A_323, %add3A_328 : vector<16xi32>
        %select_n3A_330 = arith.select %lt3A_326, %add3A_329, %broadcast_in_dim3A_323 : vector<16xi1>, vector<16xi32>
        %broadcast_in_dim3A_331 = vector.shape_cast %select_n3A_330 : vector<16xi32> to vector<16x1xi32>
        %gather3A_332 = vector.shape_cast %broadcast_in_dim3A_331 : vector<16x1xi32> to vector<16xi32>
        %gather3A_333 = tpu.dynamic_gather %get3A_87[%gather3A_332] in [0] : vector<16xf32>, vector<16xi32> -> vector<16xf32>
        %add3A_334 = arith.constant 7 : i32
        %add3A_335 = arith.addi %multiple_of3A_86, %add3A_334 : i32
        %get3A_336 = arith.index_cast %add3A_335 : i32 to index
        %get3A_337 = arith.constant 0 : index
        %get3A_338 = tpu.vector_load %arg21[%get3A_336, %get3A_337] {strides = array<i32>} : memref<400x32xf32, #tpu.memory_space<vmem>>, vector<16xf32>,
        %mul3A_339 = arith.mulf %get3A_338, %gather3A_333 : vector<16xf32>
        %add3A_340 = arith.constant 7 : i32
        %add3A_341 = arith.addi %multiple_of3A_86, %add3A_340 : i32
        %swap3A_342 = arith.index_cast %add3A_341 : i32 to index
        %swap3A_343 = arith.constant 0 : index
        %swap3A_344 = tpu.vector_load %arg21[%swap3A_342, %swap3A_343] {strides = array<i32>} : memref<400x32xf32, #tpu.memory_space<vmem>>, vector<16xf32>,
        tpu.vector_store %arg21[%swap3A_342, %swap3A_343], %mul3A_339 {strides = array<i32>} : memref<400x32xf32, #tpu.memory_space<vmem>>, vector<16xf32>,
        %add3A_345 = arith.constant 7 : i32
        %add3A_346 = arith.addi %multiple_of3A_86, %add3A_345 : i32
        %get3A_347 = arith.index_cast %add3A_346 : i32 to index
        %get3A_348 = arith.constant 16 : index
        %get3A_349 = tpu.vector_load %arg21[%get3A_347, %get3A_348] {strides = array<i32>} : memref<400x32xf32, #tpu.memory_space<vmem>>, vector<16xf32>,
        %mul3A_350 = arith.mulf %get3A_349, %gather3A_333 : vector<16xf32>
        %add3A_351 = arith.constant 7 : i32
        %add3A_352 = arith.addi %multiple_of3A_86, %add3A_351 : i32
        %swap3A_353 = arith.index_cast %add3A_352 : i32 to index
        %swap3A_354 = arith.constant 16 : index
        %swap3A_355 = tpu.vector_load %arg21[%swap3A_353, %swap3A_354] {strides = array<i32>} : memref<400x32xf32, #tpu.memory_space<vmem>>, vector<16xf32>,
        tpu.vector_store %arg21[%swap3A_353, %swap3A_354], %mul3A_350 {strides = array<i32>} : memref<400x32xf32, #tpu.memory_space<vmem>>, vector<16xf32>,
        %broadcast_in_dim3A_356 = arith.constant 8 : i32
        %broadcast_in_dim3A_357 = vector.broadcast %broadcast_in_dim3A_356 : i32 to vector<16xi32>
        %lt3A_358 = arith.constant 0 : i32
        %lt3A_359 = vector.broadcast %lt3A_358 : i32 to vector<16xi32>
        %lt3A_360 = arith.cmpi slt, %broadcast_in_dim3A_357, %lt3A_359 : vector<16xi32>
        %add3A_361 = arith.constant 16 : i32
        %add3A_362 = vector.broadcast %add3A_361 : i32 to vector<16xi32>
        %add3A_363 = arith.addi %broadcast_in_dim3A_357, %add3A_362 : vector<16xi32>
        %select_n3A_364 = arith.select %lt3A_360, %add3A_363, %broadcast_in_dim3A_357 : vector<16xi1>, vector<16xi32>
        %broadcast_in_dim3A_365 = vector.shape_cast %select_n3A_364 : vector<16xi32> to vector<16x1xi32>
        %gather3A_366 = vector.shape_cast %broadcast_in_dim3A_365 : vector<16x1xi32> to vector<16xi32>
        %gather3A_367 = tpu.dynamic_gather %get3A_87[%gather3A_366] in [0] : vector<16xf32>, vector<16xi32> -> vector<16xf32>
        %add3A_368 = arith.constant 8 : i32
        %add3A_369 = arith.addi %multiple_of3A_86, %add3A_368 : i32
        %get3A_370 = arith.index_cast %add3A_369 : i32 to index
        %get3A_371 = arith.constant 0 : index
        %get3A_372 = tpu.vector_load %arg21[%get3A_370, %get3A_371] {strides = array<i32>} : memref<400x32xf32, #tpu.memory_space<vmem>>, vector<16xf32>,
        %mul3A_373 = arith.mulf %get3A_372, %gather3A_367 : vector<16xf32>
        %add3A_374 = arith.constant 8 : i32
        %add3A_375 = arith.addi %multiple_of3A_86, %add3A_374 : i32
        %swap3A_376 = arith.index_cast %add3A_375 : i32 to index
        %swap3A_377 = arith.constant 0 : index
        %swap3A_378 = tpu.vector_load %arg21[%swap3A_376, %swap3A_377] {strides = array<i32>} : memref<400x32xf32, #tpu.memory_space<vmem>>, vector<16xf32>,
        tpu.vector_store %arg21[%swap3A_376, %swap3A_377], %mul3A_373 {strides = array<i32>} : memref<400x32xf32, #tpu.memory_space<vmem>>, vector<16xf32>,
        %add3A_379 = arith.constant 8 : i32
        %add3A_380 = arith.addi %multiple_of3A_86, %add3A_379 : i32
        %get3A_381 = arith.index_cast %add3A_380 : i32 to index
        %get3A_382 = arith.constant 16 : index
        %get3A_383 = tpu.vector_load %arg21[%get3A_381, %get3A_382] {strides = array<i32>} : memref<400x32xf32, #tpu.memory_space<vmem>>, vector<16xf32>,
        %mul3A_384 = arith.mulf %get3A_383, %gather3A_367 : vector<16xf32>
        %add3A_385 = arith.constant 8 : i32
        %add3A_386 = arith.addi %multiple_of3A_86, %add3A_385 : i32
        %swap3A_387 = arith.index_cast %add3A_386 : i32 to index
        %swap3A_388 = arith.constant 16 : index
        %swap3A_389 = tpu.vector_load %arg21[%swap3A_387, %swap3A_388] {strides = array<i32>} : memref<400x32xf32, #tpu.memory_space<vmem>>, vector<16xf32>,
        tpu.vector_store %arg21[%swap3A_387, %swap3A_388], %mul3A_384 {strides = array<i32>} : memref<400x32xf32, #tpu.memory_space<vmem>>, vector<16xf32>,
        %broadcast_in_dim3A_390 = arith.constant 9 : i32
        %broadcast_in_dim3A_391 = vector.broadcast %broadcast_in_dim3A_390 : i32 to vector<16xi32>
        %lt3A_392 = arith.constant 0 : i32
        %lt3A_393 = vector.broadcast %lt3A_392 : i32 to vector<16xi32>
        %lt3A_394 = arith.cmpi slt, %broadcast_in_dim3A_391, %lt3A_393 : vector<16xi32>
        %add3A_395 = arith.constant 16 : i32
        %add3A_396 = vector.broadcast %add3A_395 : i32 to vector<16xi32>
        %add3A_397 = arith.addi %broadcast_in_dim3A_391, %add3A_396 : vector<16xi32>
        %select_n3A_398 = arith.select %lt3A_394, %add3A_397, %broadcast_in_dim3A_391 : vector<16xi1>, vector<16xi32>
        %broadcast_in_dim3A_399 = vector.shape_cast %select_n3A_398 : vector<16xi32> to vector<16x1xi32>
        %gather3A_400 = vector.shape_cast %broadcast_in_dim3A_399 : vector<16x1xi32> to vector<16xi32>
        %gather3A_401 = tpu.dynamic_gather %get3A_87[%gather3A_400] in [0] : vector<16xf32>, vector<16xi32> -> vector<16xf32>
        %add3A_402 = arith.constant 9 : i32
        %add3A_403 = arith.addi %multiple_of3A_86, %add3A_402 : i32
        %get3A_404 = arith.index_cast %add3A_403 : i32 to index
        %get3A_405 = arith.constant 0 : index
        %get3A_406 = tpu.vector_load %arg21[%get3A_404, %get3A_405] {strides = array<i32>} : memref<400x32xf32, #tpu.memory_space<vmem>>, vector<16xf32>,
        %mul3A_407 = arith.mulf %get3A_406, %gather3A_401 : vector<16xf32>
        %add3A_408 = arith.constant 9 : i32
        %add3A_409 = arith.addi %multiple_of3A_86, %add3A_408 : i32
        %swap3A_410 = arith.index_cast %add3A_409 : i32 to index
        %swap3A_411 = arith.constant 0 : index
        %swap3A_412 = tpu.vector_load %arg21[%swap3A_410, %swap3A_411] {strides = array<i32>} : memref<400x32xf32, #tpu.memory_space<vmem>>, vector<16xf32>,
        tpu.vector_store %arg21[%swap3A_410, %swap3A_411], %mul3A_407 {strides = array<i32>} : memref<400x32xf32, #tpu.memory_space<vmem>>, vector<16xf32>,
        %add3A_413 = arith.constant 9 : i32
        %add3A_414 = arith.addi %multiple_of3A_86, %add3A_413 : i32
        %get3A_415 = arith.index_cast %add3A_414 : i32 to index
        %get3A_416 = arith.constant 16 : index
        %get3A_417 = tpu.vector_load %arg21[%get3A_415, %get3A_416] {strides = array<i32>} : memref<400x32xf32, #tpu.memory_space<vmem>>, vector<16xf32>,
        %mul3A_418 = arith.mulf %get3A_417, %gather3A_401 : vector<16xf32>
        %add3A_419 = arith.constant 9 : i32
        %add3A_420 = arith.addi %multiple_of3A_86, %add3A_419 : i32
        %swap3A_421 = arith.index_cast %add3A_420 : i32 to index
        %swap3A_422 = arith.constant 16 : index
        %swap3A_423 = tpu.vector_load %arg21[%swap3A_421, %swap3A_422] {strides = array<i32>} : memref<400x32xf32, #tpu.memory_space<vmem>>, vector<16xf32>,
        tpu.vector_store %arg21[%swap3A_421, %swap3A_422], %mul3A_418 {strides = array<i32>} : memref<400x32xf32, #tpu.memory_space<vmem>>, vector<16xf32>,
        %broadcast_in_dim3A_424 = arith.constant 10 : i32
        %broadcast_in_dim3A_425 = vector.broadcast %broadcast_in_dim3A_424 : i32 to vector<16xi32>
        %lt3A_426 = arith.constant 0 : i32
        %lt3A_427 = vector.broadcast %lt3A_426 : i32 to vector<16xi32>
        %lt3A_428 = arith.cmpi slt, %broadcast_in_dim3A_425, %lt3A_427 : vector<16xi32>
        %add3A_429 = arith.constant 16 : i32
        %add3A_430 = vector.broadcast %add3A_429 : i32 to vector<16xi32>
        %add3A_431 = arith.addi %broadcast_in_dim3A_425, %add3A_430 : vector<16xi32>
        %select_n3A_432 = arith.select %lt3A_428, %add3A_431, %broadcast_in_dim3A_425 : vector<16xi1>, vector<16xi32>
        %broadcast_in_dim3A_433 = vector.shape_cast %select_n3A_432 : vector<16xi32> to vector<16x1xi32>
        %gather3A_434 = vector.shape_cast %broadcast_in_dim3A_433 : vector<16x1xi32> to vector<16xi32>
        %gather3A_435 = tpu.dynamic_gather %get3A_87[%gather3A_434] in [0] : vector<16xf32>, vector<16xi32> -> vector<16xf32>
        %add3A_436 = arith.constant 10 : i32
        %add3A_437 = arith.addi %multiple_of3A_86, %add3A_436 : i32
        %get3A_438 = arith.index_cast %add3A_437 : i32 to index
        %get3A_439 = arith.constant 0 : index
        %get3A_440 = tpu.vector_load %arg21[%get3A_438, %get3A_439] {strides = array<i32>} : memref<400x32xf32, #tpu.memory_space<vmem>>, vector<16xf32>,
        %mul3A_441 = arith.mulf %get3A_440, %gather3A_435 : vector<16xf32>
        %add3A_442 = arith.constant 10 : i32
        %add3A_443 = arith.addi %multiple_of3A_86, %add3A_442 : i32
        %swap3A_444 = arith.index_cast %add3A_443 : i32 to index
        %swap3A_445 = arith.constant 0 : index
        %swap3A_446 = tpu.vector_load %arg21[%swap3A_444, %swap3A_445] {strides = array<i32>} : memref<400x32xf32, #tpu.memory_space<vmem>>, vector<16xf32>,
        tpu.vector_store %arg21[%swap3A_444, %swap3A_445], %mul3A_441 {strides = array<i32>} : memref<400x32xf32, #tpu.memory_space<vmem>>, vector<16xf32>,
        %add3A_447 = arith.constant 10 : i32
        %add3A_448 = arith.addi %multiple_of3A_86, %add3A_447 : i32
        %get3A_449 = arith.index_cast %add3A_448 : i32 to index
        %get3A_450 = arith.constant 16 : index
        %get3A_451 = tpu.vector_load %arg21[%get3A_449, %get3A_450] {strides = array<i32>} : memref<400x32xf32, #tpu.memory_space<vmem>>, vector<16xf32>,
        %mul3A_452 = arith.mulf %get3A_451, %gather3A_435 : vector<16xf32>
        %add3A_453 = arith.constant 10 : i32
        %add3A_454 = arith.addi %multiple_of3A_86, %add3A_453 : i32
        %swap3A_455 = arith.index_cast %add3A_454 : i32 to index
        %swap3A_456 = arith.constant 16 : index
        %swap3A_457 = tpu.vector_load %arg21[%swap3A_455, %swap3A_456] {strides = array<i32>} : memref<400x32xf32, #tpu.memory_space<vmem>>, vector<16xf32>,
        tpu.vector_store %arg21[%swap3A_455, %swap3A_456], %mul3A_452 {strides = array<i32>} : memref<400x32xf32, #tpu.memory_space<vmem>>, vector<16xf32>,
        %broadcast_in_dim3A_458 = arith.constant 11 : i32
        %broadcast_in_dim3A_459 = vector.broadcast %broadcast_in_dim3A_458 : i32 to vector<16xi32>
        %lt3A_460 = arith.constant 0 : i32
        %lt3A_461 = vector.broadcast %lt3A_460 : i32 to vector<16xi32>
        %lt3A_462 = arith.cmpi slt, %broadcast_in_dim3A_459, %lt3A_461 : vector<16xi32>
        %add3A_463 = arith.constant 16 : i32
        %add3A_464 = vector.broadcast %add3A_463 : i32 to vector<16xi32>
        %add3A_465 = arith.addi %broadcast_in_dim3A_459, %add3A_464 : vector<16xi32>
        %select_n3A_466 = arith.select %lt3A_462, %add3A_465, %broadcast_in_dim3A_459 : vector<16xi1>, vector<16xi32>
        %broadcast_in_dim3A_467 = vector.shape_cast %select_n3A_466 : vector<16xi32> to vector<16x1xi32>
        %gather3A_468 = vector.shape_cast %broadcast_in_dim3A_467 : vector<16x1xi32> to vector<16xi32>
        %gather3A_469 = tpu.dynamic_gather %get3A_87[%gather3A_468] in [0] : vector<16xf32>, vector<16xi32> -> vector<16xf32>
        %add3A_470 = arith.constant 11 : i32
        %add3A_471 = arith.addi %multiple_of3A_86, %add3A_470 : i32
        %get3A_472 = arith.index_cast %add3A_471 : i32 to index
        %get3A_473 = arith.constant 0 : index
        %get3A_474 = tpu.vector_load %arg21[%get3A_472, %get3A_473] {strides = array<i32>} : memref<400x32xf32, #tpu.memory_space<vmem>>, vector<16xf32>,
        %mul3A_475 = arith.mulf %get3A_474, %gather3A_469 : vector<16xf32>
        %add3A_476 = arith.constant 11 : i32
        %add3A_477 = arith.addi %multiple_of3A_86, %add3A_476 : i32
        %swap3A_478 = arith.index_cast %add3A_477 : i32 to index
        %swap3A_479 = arith.constant 0 : index
        %swap3A_480 = tpu.vector_load %arg21[%swap3A_478, %swap3A_479] {strides = array<i32>} : memref<400x32xf32, #tpu.memory_space<vmem>>, vector<16xf32>,
        tpu.vector_store %arg21[%swap3A_478, %swap3A_479], %mul3A_475 {strides = array<i32>} : memref<400x32xf32, #tpu.memory_space<vmem>>, vector<16xf32>,
        %add3A_481 = arith.constant 11 : i32
        %add3A_482 = arith.addi %multiple_of3A_86, %add3A_481 : i32
        %get3A_483 = arith.index_cast %add3A_482 : i32 to index
        %get3A_484 = arith.constant 16 : index
        %get3A_485 = tpu.vector_load %arg21[%get3A_483, %get3A_484] {strides = array<i32>} : memref<400x32xf32, #tpu.memory_space<vmem>>, vector<16xf32>,
        %mul3A_486 = arith.mulf %get3A_485, %gather3A_469 : vector<16xf32>
        %add3A_487 = arith.constant 11 : i32
        %add3A_488 = arith.addi %multiple_of3A_86, %add3A_487 : i32
        %swap3A_489 = arith.index_cast %add3A_488 : i32 to index
        %swap3A_490 = arith.constant 16 : index
        %swap3A_491 = tpu.vector_load %arg21[%swap3A_489, %swap3A_490] {strides = array<i32>} : memref<400x32xf32, #tpu.memory_space<vmem>>, vector<16xf32>,
        tpu.vector_store %arg21[%swap3A_489, %swap3A_490], %mul3A_486 {strides = array<i32>} : memref<400x32xf32, #tpu.memory_space<vmem>>, vector<16xf32>,
        %broadcast_in_dim3A_492 = arith.constant 12 : i32
        %broadcast_in_dim3A_493 = vector.broadcast %broadcast_in_dim3A_492 : i32 to vector<16xi32>
        %lt3A_494 = arith.constant 0 : i32
        %lt3A_495 = vector.broadcast %lt3A_494 : i32 to vector<16xi32>
        %lt3A_496 = arith.cmpi slt, %broadcast_in_dim3A_493, %lt3A_495 : vector<16xi32>
        %add3A_497 = arith.constant 16 : i32
        %add3A_498 = vector.broadcast %add3A_497 : i32 to vector<16xi32>
        %add3A_499 = arith.addi %broadcast_in_dim3A_493, %add3A_498 : vector<16xi32>
        %select_n3A_500 = arith.select %lt3A_496, %add3A_499, %broadcast_in_dim3A_493 : vector<16xi1>, vector<16xi32>
        %broadcast_in_dim3A_501 = vector.shape_cast %select_n3A_500 : vector<16xi32> to vector<16x1xi32>
        %gather3A_502 = vector.shape_cast %broadcast_in_dim3A_501 : vector<16x1xi32> to vector<16xi32>
        %gather3A_503 = tpu.dynamic_gather %get3A_87[%gather3A_502] in [0] : vector<16xf32>, vector<16xi32> -> vector<16xf32>
        %add3A_504 = arith.constant 12 : i32
        %add3A_505 = arith.addi %multiple_of3A_86, %add3A_504 : i32
        %get3A_506 = arith.index_cast %add3A_505 : i32 to index
        %get3A_507 = arith.constant 0 : index
        %get3A_508 = tpu.vector_load %arg21[%get3A_506, %get3A_507] {strides = array<i32>} : memref<400x32xf32, #tpu.memory_space<vmem>>, vector<16xf32>,
        %mul3A_509 = arith.mulf %get3A_508, %gather3A_503 : vector<16xf32>
        %add3A_510 = arith.constant 12 : i32
        %add3A_511 = arith.addi %multiple_of3A_86, %add3A_510 : i32
        %swap3A_512 = arith.index_cast %add3A_511 : i32 to index
        %swap3A_513 = arith.constant 0 : index
        %swap3A_514 = tpu.vector_load %arg21[%swap3A_512, %swap3A_513] {strides = array<i32>} : memref<400x32xf32, #tpu.memory_space<vmem>>, vector<16xf32>,
        tpu.vector_store %arg21[%swap3A_512, %swap3A_513], %mul3A_509 {strides = array<i32>} : memref<400x32xf32, #tpu.memory_space<vmem>>, vector<16xf32>,
        %add3A_515 = arith.constant 12 : i32
        %add3A_516 = arith.addi %multiple_of3A_86, %add3A_515 : i32
        %get3A_517 = arith.index_cast %add3A_516 : i32 to index
        %get3A_518 = arith.constant 16 : index
        %get3A_519 = tpu.vector_load %arg21[%get3A_517, %get3A_518] {strides = array<i32>} : memref<400x32xf32, #tpu.memory_space<vmem>>, vector<16xf32>,
        %mul3A_520 = arith.mulf %get3A_519, %gather3A_503 : vector<16xf32>
        %add3A_521 = arith.constant 12 : i32
        %add3A_522 = arith.addi %multiple_of3A_86, %add3A_521 : i32
        %swap3A_523 = arith.index_cast %add3A_522 : i32 to index
        %swap3A_524 = arith.constant 16 : index
        %swap3A_525 = tpu.vector_load %arg21[%swap3A_523, %swap3A_524] {strides = array<i32>} : memref<400x32xf32, #tpu.memory_space<vmem>>, vector<16xf32>,
        tpu.vector_store %arg21[%swap3A_523, %swap3A_524], %mul3A_520 {strides = array<i32>} : memref<400x32xf32, #tpu.memory_space<vmem>>, vector<16xf32>,
        %broadcast_in_dim3A_526 = arith.constant 13 : i32
        %broadcast_in_dim3A_527 = vector.broadcast %broadcast_in_dim3A_526 : i32 to vector<16xi32>
        %lt3A_528 = arith.constant 0 : i32
        %lt3A_529 = vector.broadcast %lt3A_528 : i32 to vector<16xi32>
        %lt3A_530 = arith.cmpi slt, %broadcast_in_dim3A_527, %lt3A_529 : vector<16xi32>
        %add3A_531 = arith.constant 16 : i32
        %add3A_532 = vector.broadcast %add3A_531 : i32 to vector<16xi32>
        %add3A_533 = arith.addi %broadcast_in_dim3A_527, %add3A_532 : vector<16xi32>
        %select_n3A_534 = arith.select %lt3A_530, %add3A_533, %broadcast_in_dim3A_527 : vector<16xi1>, vector<16xi32>
        %broadcast_in_dim3A_535 = vector.shape_cast %select_n3A_534 : vector<16xi32> to vector<16x1xi32>
        %gather3A_536 = vector.shape_cast %broadcast_in_dim3A_535 : vector<16x1xi32> to vector<16xi32>
        %gather3A_537 = tpu.dynamic_gather %get3A_87[%gather3A_536] in [0] : vector<16xf32>, vector<16xi32> -> vector<16xf32>
        %add3A_538 = arith.constant 13 : i32
        %add3A_539 = arith.addi %multiple_of3A_86, %add3A_538 : i32
        %get3A_540 = arith.index_cast %add3A_539 : i32 to index
        %get3A_541 = arith.constant 0 : index
        %get3A_542 = tpu.vector_load %arg21[%get3A_540, %get3A_541] {strides = array<i32>} : memref<400x32xf32, #tpu.memory_space<vmem>>, vector<16xf32>,
        %mul3A_543 = arith.mulf %get3A_542, %gather3A_537 : vector<16xf32>
        %add3A_544 = arith.constant 13 : i32
        %add3A_545 = arith.addi %multiple_of3A_86, %add3A_544 : i32
        %swap3A_546 = arith.index_cast %add3A_545 : i32 to index
        %swap3A_547 = arith.constant 0 : index
        %swap3A_548 = tpu.vector_load %arg21[%swap3A_546, %swap3A_547] {strides = array<i32>} : memref<400x32xf32, #tpu.memory_space<vmem>>, vector<16xf32>,
        tpu.vector_store %arg21[%swap3A_546, %swap3A_547], %mul3A_543 {strides = array<i32>} : memref<400x32xf32, #tpu.memory_space<vmem>>, vector<16xf32>,
        %add3A_549 = arith.constant 13 : i32
        %add3A_550 = arith.addi %multiple_of3A_86, %add3A_549 : i32
        %get3A_551 = arith.index_cast %add3A_550 : i32 to index
        %get3A_552 = arith.constant 16 : index
        %get3A_553 = tpu.vector_load %arg21[%get3A_551, %get3A_552] {strides = array<i32>} : memref<400x32xf32, #tpu.memory_space<vmem>>, vector<16xf32>,
        %mul3A_554 = arith.mulf %get3A_553, %gather3A_537 : vector<16xf32>
        %add3A_555 = arith.constant 13 : i32
        %add3A_556 = arith.addi %multiple_of3A_86, %add3A_555 : i32
        %swap3A_557 = arith.index_cast %add3A_556 : i32 to index
        %swap3A_558 = arith.constant 16 : index
        %swap3A_559 = tpu.vector_load %arg21[%swap3A_557, %swap3A_558] {strides = array<i32>} : memref<400x32xf32, #tpu.memory_space<vmem>>, vector<16xf32>,
        tpu.vector_store %arg21[%swap3A_557, %swap3A_558], %mul3A_554 {strides = array<i32>} : memref<400x32xf32, #tpu.memory_space<vmem>>, vector<16xf32>,
        %broadcast_in_dim3A_560 = arith.constant 14 : i32
        %broadcast_in_dim3A_561 = vector.broadcast %broadcast_in_dim3A_560 : i32 to vector<16xi32>
        %lt3A_562 = arith.constant 0 : i32
        %lt3A_563 = vector.broadcast %lt3A_562 : i32 to vector<16xi32>
        %lt3A_564 = arith.cmpi slt, %broadcast_in_dim3A_561, %lt3A_563 : vector<16xi32>
        %add3A_565 = arith.constant 16 : i32
        %add3A_566 = vector.broadcast %add3A_565 : i32 to vector<16xi32>
        %add3A_567 = arith.addi %broadcast_in_dim3A_561, %add3A_566 : vector<16xi32>
        %select_n3A_568 = arith.select %lt3A_564, %add3A_567, %broadcast_in_dim3A_561 : vector<16xi1>, vector<16xi32>
        %broadcast_in_dim3A_569 = vector.shape_cast %select_n3A_568 : vector<16xi32> to vector<16x1xi32>
        %gather3A_570 = vector.shape_cast %broadcast_in_dim3A_569 : vector<16x1xi32> to vector<16xi32>
        %gather3A_571 = tpu.dynamic_gather %get3A_87[%gather3A_570] in [0] : vector<16xf32>, vector<16xi32> -> vector<16xf32>
        %add3A_572 = arith.constant 14 : i32
        %add3A_573 = arith.addi %multiple_of3A_86, %add3A_572 : i32
        %get3A_574 = arith.index_cast %add3A_573 : i32 to index
        %get3A_575 = arith.constant 0 : index
        %get3A_576 = tpu.vector_load %arg21[%get3A_574, %get3A_575] {strides = array<i32>} : memref<400x32xf32, #tpu.memory_space<vmem>>, vector<16xf32>,
        %mul3A_577 = arith.mulf %get3A_576, %gather3A_571 : vector<16xf32>
        %add3A_578 = arith.constant 14 : i32
        %add3A_579 = arith.addi %multiple_of3A_86, %add3A_578 : i32
        %swap3A_580 = arith.index_cast %add3A_579 : i32 to index
        %swap3A_581 = arith.constant 0 : index
        %swap3A_582 = tpu.vector_load %arg21[%swap3A_580, %swap3A_581] {strides = array<i32>} : memref<400x32xf32, #tpu.memory_space<vmem>>, vector<16xf32>,
        tpu.vector_store %arg21[%swap3A_580, %swap3A_581], %mul3A_577 {strides = array<i32>} : memref<400x32xf32, #tpu.memory_space<vmem>>, vector<16xf32>,
        %add3A_583 = arith.constant 14 : i32
        %add3A_584 = arith.addi %multiple_of3A_86, %add3A_583 : i32
        %get3A_585 = arith.index_cast %add3A_584 : i32 to index
        %get3A_586 = arith.constant 16 : index
        %get3A_587 = tpu.vector_load %arg21[%get3A_585, %get3A_586] {strides = array<i32>} : memref<400x32xf32, #tpu.memory_space<vmem>>, vector<16xf32>,
        %mul3A_588 = arith.mulf %get3A_587, %gather3A_571 : vector<16xf32>
        %add3A_589 = arith.constant 14 : i32
        %add3A_590 = arith.addi %multiple_of3A_86, %add3A_589 : i32
        %swap3A_591 = arith.index_cast %add3A_590 : i32 to index
        %swap3A_592 = arith.constant 16 : index
        %swap3A_593 = tpu.vector_load %arg21[%swap3A_591, %swap3A_592] {strides = array<i32>} : memref<400x32xf32, #tpu.memory_space<vmem>>, vector<16xf32>,
        tpu.vector_store %arg21[%swap3A_591, %swap3A_592], %mul3A_588 {strides = array<i32>} : memref<400x32xf32, #tpu.memory_space<vmem>>, vector<16xf32>,
        %broadcast_in_dim3A_594 = arith.constant 15 : i32
        %broadcast_in_dim3A_595 = vector.broadcast %broadcast_in_dim3A_594 : i32 to vector<16xi32>
        %lt3A_596 = arith.constant 0 : i32
        %lt3A_597 = vector.broadcast %lt3A_596 : i32 to vector<16xi32>
        %lt3A_598 = arith.cmpi slt, %broadcast_in_dim3A_595, %lt3A_597 : vector<16xi32>
        %add3A_599 = arith.constant 16 : i32
        %add3A_600 = vector.broadcast %add3A_599 : i32 to vector<16xi32>
        %add3A_601 = arith.addi %broadcast_in_dim3A_595, %add3A_600 : vector<16xi32>
        %select_n3A_602 = arith.select %lt3A_598, %add3A_601, %broadcast_in_dim3A_595 : vector<16xi1>, vector<16xi32>
        %broadcast_in_dim3A_603 = vector.shape_cast %select_n3A_602 : vector<16xi32> to vector<16x1xi32>
        %gather3A_604 = vector.shape_cast %broadcast_in_dim3A_603 : vector<16x1xi32> to vector<16xi32>
        %gather3A_605 = tpu.dynamic_gather %get3A_87[%gather3A_604] in [0] : vector<16xf32>, vector<16xi32> -> vector<16xf32>
        %add3A_606 = arith.constant 15 : i32
        %add3A_607 = arith.addi %multiple_of3A_86, %add3A_606 : i32
        %get3A_608 = arith.index_cast %add3A_607 : i32 to index
        %get3A_609 = arith.constant 0 : index
        %get3A_610 = tpu.vector_load %arg21[%get3A_608, %get3A_609] {strides = array<i32>} : memref<400x32xf32, #tpu.memory_space<vmem>>, vector<16xf32>,
        %mul3A_611 = arith.mulf %get3A_610, %gather3A_605 : vector<16xf32>
        %add3A_612 = arith.constant 15 : i32
        %add3A_613 = arith.addi %multiple_of3A_86, %add3A_612 : i32
        %swap3A_614 = arith.index_cast %add3A_613 : i32 to index
        %swap3A_615 = arith.constant 0 : index
        %swap3A_616 = tpu.vector_load %arg21[%swap3A_614, %swap3A_615] {strides = array<i32>} : memref<400x32xf32, #tpu.memory_space<vmem>>, vector<16xf32>,
        tpu.vector_store %arg21[%swap3A_614, %swap3A_615], %mul3A_611 {strides = array<i32>} : memref<400x32xf32, #tpu.memory_space<vmem>>, vector<16xf32>,
        %add3A_617 = arith.constant 15 : i32
        %add3A_618 = arith.addi %multiple_of3A_86, %add3A_617 : i32
        %get3A_619 = arith.index_cast %add3A_618 : i32 to index
        %get3A_620 = arith.constant 16 : index
        %get3A_621 = tpu.vector_load %arg21[%get3A_619, %get3A_620] {strides = array<i32>} : memref<400x32xf32, #tpu.memory_space<vmem>>, vector<16xf32>,
        %mul3A_622 = arith.mulf %get3A_621, %gather3A_605 : vector<16xf32>
        %add3A_623 = arith.constant 15 : i32
        %add3A_624 = arith.addi %multiple_of3A_86, %add3A_623 : i32
        %swap3A_625 = arith.index_cast %add3A_624 : i32 to index
        %swap3A_626 = arith.constant 16 : index
        %swap3A_627 = tpu.vector_load %arg21[%swap3A_625, %swap3A_626] {strides = array<i32>} : memref<400x32xf32, #tpu.memory_space<vmem>>, vector<16xf32>,
        tpu.vector_store %arg21[%swap3A_625, %swap3A_626], %mul3A_622 {strides = array<i32>} : memref<400x32xf32, #tpu.memory_space<vmem>>, vector<16xf32>,
      }
      %scan3A_64 = arith.constant 25 : i32
      "tpu.region"() ({
        %run_scoped3A = tpu.sem_alloc : memref<!tpu.dma_semaphore, #tpu.memory_space<semaphore_mem>>
        %dma_start3A = arith.constant 0 : i32
        %dma_start3A_79 = arith.constant 0 : i32
        %dma_start3A_80 = tpu.memref_slice %arg23[%dma_start3A, %dma_start3A_79] : memref<50048x32xf32, #tpu.memory_space<vmem_shared>> -> memref<50048x32xf32, #tpu.memory_space<vmem_shared>>
        tpu.enqueue_indirect_dma source(%arg21 : memref<400x32xf32, #tpu.memory_space<vmem>>) target(%dma_start3A_80 : memref<50048x32xf32, #tpu.memory_space<vmem_shared>>) offsets(%arg13 : memref<400xi32, #tpu.memory_space<vmem>>) semaphore(%run_scoped3A : memref<!tpu.dma_semaphore, #tpu.memory_space<semaphore_mem>>) {add = true}
        %dma_wait3A_81 = arith.constant 0 : i32
        %dma_wait3A_82 = arith.constant 0 : i32
        %dma_wait3A_83 = tpu.memref_slice %arg23[%dma_wait3A_81, %dma_wait3A_82] : memref<50048x32xf32, #tpu.memory_space<vmem_shared>> -> memref<50048x32xf32, #tpu.memory_space<vmem_shared>>
        tpu.wait_indirect_dma semaphore(%run_scoped3A : memref<!tpu.dma_semaphore, #tpu.memory_space<semaphore_mem>>) src(%arg21 : memref<400x32xf32, #tpu.memory_space<vmem>>) dst(%dma_wait3A_83 : memref<50048x32xf32, #tpu.memory_space<vmem_shared>>)
        tpu.yield
      }) : () -> ()
      %add3A_65 = arith.constant 1 : i32
      %add3A_66 = arith.addi %add3A_35, %add3A_65 : i32
      %lt3A = arith.constant 64 : i32
      %lt3A_67 = arith.cmpi slt, %add3A_66, %lt3A : i32
      %convert_element_type3A_68 = arith.extui %lt3A_67 : i1 to i32
      %cond3A_69 = arith.constant 0 : i32
      %cond3A_70 = arith.cmpi ne, %convert_element_type3A_68, %cond3A_69 : i32
      scf.if %cond3A_70 {
        %add3A_79 = arith.constant 2 : i32
        %add3A_80 = arith.addi %mul3A_37, %add3A_79 : i32
        %mul3A_81 = arith.constant 400 : i32
        %mul3A_82 = arith.muli %add3A_80, %mul3A_81 : i32
        %add3A_83 = arith.addi %mul3A_2, %mul3A_82 : i32
        "tpu.region"() ({
          %run_scoped3A = tpu.sem_alloc : memref<!tpu.dma_semaphore, #tpu.memory_space<semaphore_mem>>
          %dma_start3A = tpu.memref_slice %arg2[%add3A_83] : memref<819200xi32, #tpu.memory_space<hbm>> -> memref<400xi32, #tpu.memory_space<hbm>>
          %dma_start3A_99 = tpu.memref_slice %arg2[%add3A_83] : memref<819200xi32, #tpu.memory_space<hbm>> -> memref<400xi32, #tpu.memory_space<hbm>>
          tpu.enqueue_dma source(%dma_start3A_99 : memref<400xi32, #tpu.memory_space<hbm>>) target(%arg11 : memref<400xi32, #tpu.memory_space<vmem>>) target_semaphore(%run_scoped3A : memref<!tpu.dma_semaphore, #tpu.memory_space<semaphore_mem>>)
          %dma_wait3A_100 = tpu.memref_slice %arg2[%add3A_83] : memref<819200xi32, #tpu.memory_space<hbm>> -> memref<400xi32, #tpu.memory_space<hbm>>
          %dma_wait3A_101 = tpu.memref_slice %arg2[%add3A_83] : memref<819200xi32, #tpu.memory_space<hbm>> -> memref<400xi32, #tpu.memory_space<hbm>>
          tpu.wait_dma2 semaphore(%run_scoped3A : memref<!tpu.dma_semaphore, #tpu.memory_space<semaphore_mem>>) src(%dma_wait3A_101 : memref<400xi32, #tpu.memory_space<hbm>>) dst(%arg11 : memref<400xi32, #tpu.memory_space<vmem>>)
          tpu.yield
        }) : () -> ()
        "tpu.region"() ({
          %run_scoped3A = tpu.sem_alloc : memref<!tpu.dma_semaphore, #tpu.memory_space<semaphore_mem>>
          %dma_start3A = tpu.memref_slice %arg3[%add3A_83] : memref<819200xi32, #tpu.memory_space<hbm>> -> memref<400xi32, #tpu.memory_space<hbm>>
          %dma_start3A_99 = tpu.memref_slice %arg3[%add3A_83] : memref<819200xi32, #tpu.memory_space<hbm>> -> memref<400xi32, #tpu.memory_space<hbm>>
          tpu.enqueue_dma source(%dma_start3A_99 : memref<400xi32, #tpu.memory_space<hbm>>) target(%arg13 : memref<400xi32, #tpu.memory_space<vmem>>) target_semaphore(%run_scoped3A : memref<!tpu.dma_semaphore, #tpu.memory_space<semaphore_mem>>)
          %dma_wait3A_100 = tpu.memref_slice %arg3[%add3A_83] : memref<819200xi32, #tpu.memory_space<hbm>> -> memref<400xi32, #tpu.memory_space<hbm>>
          %dma_wait3A_101 = tpu.memref_slice %arg3[%add3A_83] : memref<819200xi32, #tpu.memory_space<hbm>> -> memref<400xi32, #tpu.memory_space<hbm>>
          tpu.wait_dma2 semaphore(%run_scoped3A : memref<!tpu.dma_semaphore, #tpu.memory_space<semaphore_mem>>) src(%dma_wait3A_101 : memref<400xi32, #tpu.memory_space<hbm>>) dst(%arg13 : memref<400xi32, #tpu.memory_space<vmem>>)
          tpu.yield
        }) : () -> ()
        "tpu.region"() ({
          %run_scoped3A = tpu.sem_alloc : memref<!tpu.dma_semaphore, #tpu.memory_space<semaphore_mem>>
          %dma_start3A = tpu.memref_slice %arg4[%add3A_83] : memref<819200xi32, #tpu.memory_space<hbm>> -> memref<400xi32, #tpu.memory_space<hbm>>
          %dma_start3A_99 = tpu.memref_slice %arg4[%add3A_83] : memref<819200xi32, #tpu.memory_space<hbm>> -> memref<400xi32, #tpu.memory_space<hbm>>
          tpu.enqueue_dma source(%dma_start3A_99 : memref<400xi32, #tpu.memory_space<hbm>>) target(%arg15 : memref<400xi32, #tpu.memory_space<vmem>>) target_semaphore(%run_scoped3A : memref<!tpu.dma_semaphore, #tpu.memory_space<semaphore_mem>>)
          %dma_wait3A_100 = tpu.memref_slice %arg4[%add3A_83] : memref<819200xi32, #tpu.memory_space<hbm>> -> memref<400xi32, #tpu.memory_space<hbm>>
          %dma_wait3A_101 = tpu.memref_slice %arg4[%add3A_83] : memref<819200xi32, #tpu.memory_space<hbm>> -> memref<400xi32, #tpu.memory_space<hbm>>
          tpu.wait_dma2 semaphore(%run_scoped3A : memref<!tpu.dma_semaphore, #tpu.memory_space<semaphore_mem>>) src(%dma_wait3A_101 : memref<400xi32, #tpu.memory_space<hbm>>) dst(%arg15 : memref<400xi32, #tpu.memory_space<vmem>>)
          tpu.yield
        }) : () -> ()
        "tpu.region"() ({
          %run_scoped3A = tpu.sem_alloc : memref<!tpu.dma_semaphore, #tpu.memory_space<semaphore_mem>>
          %dma_start3A = tpu.memref_slice %arg7[%add3A_83] : memref<819200xf32, #tpu.memory_space<hbm>> -> memref<400xf32, #tpu.memory_space<hbm>>
          %dma_start3A_99 = tpu.memref_slice %arg7[%add3A_83] : memref<819200xf32, #tpu.memory_space<hbm>> -> memref<400xf32, #tpu.memory_space<hbm>>
          tpu.enqueue_dma source(%dma_start3A_99 : memref<400xf32, #tpu.memory_space<hbm>>) target(%arg19 : memref<400xf32, #tpu.memory_space<vmem>>) target_semaphore(%run_scoped3A : memref<!tpu.dma_semaphore, #tpu.memory_space<semaphore_mem>>)
          %dma_wait3A_100 = tpu.memref_slice %arg7[%add3A_83] : memref<819200xf32, #tpu.memory_space<hbm>> -> memref<400xf32, #tpu.memory_space<hbm>>
          %dma_wait3A_101 = tpu.memref_slice %arg7[%add3A_83] : memref<819200xf32, #tpu.memory_space<hbm>> -> memref<400xf32, #tpu.memory_space<hbm>>
          tpu.wait_dma2 semaphore(%run_scoped3A : memref<!tpu.dma_semaphore, #tpu.memory_space<semaphore_mem>>) src(%dma_wait3A_101 : memref<400xf32, #tpu.memory_space<hbm>>) dst(%arg19 : memref<400xf32, #tpu.memory_space<vmem>>)
          tpu.yield
        }) : () -> ()
        %scan3A_84 = arith.constant 0 : i32
        %scan3A_85 = arith.constant 25 : i32
        %scan3A_86 = arith.addi %scan3A_84, %scan3A_85 : i32
        %scan3A_87 = arith.constant 1 : i32
        scf.for %scan3A_99 = %scan3A_84 to %scan3A_86 step %scan3A_87  : i32 {
          %mul3A_100 = arith.constant 1 : i32
          %mul3A_101 = arith.muli %scan3A_99, %mul3A_100 : i32
          %add3A_102 = arith.constant 0 : i32
          %add3A_103 = arith.addi %add3A_102, %mul3A_101 : i32
          %mul3A_104 = arith.constant 16 : i32
          %mul3A_105 = arith.muli %add3A_103, %mul3A_104 : i32
          %multiple_of3A_106 = tpu.assume_multiple %mul3A_105, 16 : i32
          %get3A = arith.index_cast %multiple_of3A_106 : i32 to index
          %get3A_107 = tpu.vector_load %arg15[%get3A] {strides = array<i32>} : memref<400xi32, #tpu.memory_space<vmem>>, vector<16xi32>,
          %mul3A_108 = arith.constant 50000 : i32
          %mul3A_109 = vector.broadcast %mul3A_108 : i32 to vector<16xi32>
          %mul3A_110 = arith.muli %get3A_107, %mul3A_109 : vector<16xi32>
          %get3A_111 = arith.index_cast %multiple_of3A_106 : i32 to index
          %get3A_112 = tpu.vector_load %arg11[%get3A_111] {strides = array<i32>} : memref<400xi32, #tpu.memory_space<vmem>>, vector<16xi32>,
          %add3A_113 = arith.addi %mul3A_110, %get3A_112 : vector<16xi32>
          %swap3A = arith.index_cast %multiple_of3A_106 : i32 to index
          %swap3A_114 = tpu.vector_load %arg17[%swap3A] {strides = array<i32>} : memref<400xi32, #tpu.memory_space<vmem>>, vector<16xi32>,
          tpu.vector_store %arg17[%swap3A], %add3A_113 {strides = array<i32>} : memref<400xi32, #tpu.memory_space<vmem>>, vector<16xi32>,
        }
        %scan3A_88 = arith.constant 25 : i32
        %eq3A_89 = arith.constant 0 : i32
        %eq3A_90 = arith.cmpi eq, %arg0, %eq3A_89 : i32
        %convert_element_type3A_91 = arith.extui %eq3A_90 : i1 to i32
        %cond3A_92 = arith.constant 0 : i32
        %cond3A_93 = arith.cmpi ne, %convert_element_type3A_91, %cond3A_92 : i32
        scf.if %cond3A_93 {
          %dma_start3A = arith.constant 0 : i32
          %dma_start3A_99 = arith.constant 0 : i32
          %dma_start3A_100 = tpu.memref_slice %arg5[%dma_start3A, %dma_start3A_99] : memref<400000x32xf32, #tpu.memory_space<hbm>> -> memref<400000x32xf32, #tpu.memory_space<hbm>>
          tpu.enqueue_indirect_dma source(%dma_start3A_100 : memref<400000x32xf32, #tpu.memory_space<hbm>>) target(%arg21 : memref<400x32xf32, #tpu.memory_space<vmem>>) offsets(%arg17 : memref<400xi32, #tpu.memory_space<vmem>>) semaphore(%arg24 : memref<!tpu.dma_semaphore, #tpu.memory_space<semaphore_mem>>)
        } else {
        }
        %eq3A_94 = arith.constant 1 : i32
        %eq3A_95 = arith.cmpi eq, %arg0, %eq3A_94 : i32
        %convert_element_type3A_96 = arith.extui %eq3A_95 : i1 to i32
        %cond3A_97 = arith.constant 0 : i32
        %cond3A_98 = arith.cmpi ne, %convert_element_type3A_96, %cond3A_97 : i32
        scf.if %cond3A_98 {
          %dma_start3A = arith.constant 0 : i32
          %dma_start3A_99 = arith.constant 0 : i32
          %dma_start3A_100 = tpu.memref_slice %arg6[%dma_start3A, %dma_start3A_99] : memref<400000x32xf32, #tpu.memory_space<hbm>> -> memref<400000x32xf32, #tpu.memory_space<hbm>>
          tpu.enqueue_indirect_dma source(%dma_start3A_100 : memref<400000x32xf32, #tpu.memory_space<hbm>>) target(%arg21 : memref<400x32xf32, #tpu.memory_space<vmem>>) offsets(%arg17 : memref<400xi32, #tpu.memory_space<vmem>>) semaphore(%arg24 : memref<!tpu.dma_semaphore, #tpu.memory_space<semaphore_mem>>)
        } else {
        }
      } else {
      }
      %dma_wait3A_71 = arith.constant 0 : i32
      %dma_wait3A_72 = arith.constant 0 : i32
      %dma_wait3A_73 = tpu.memref_slice %arg5[%dma_wait3A_71, %dma_wait3A_72] : memref<400000x32xf32, #tpu.memory_space<hbm>> -> memref<400000x32xf32, #tpu.memory_space<hbm>>
      tpu.wait_indirect_dma semaphore(%arg25 : memref<!tpu.dma_semaphore, #tpu.memory_space<semaphore_mem>>) src(%dma_wait3A_73 : memref<400000x32xf32, #tpu.memory_space<hbm>>) dst(%arg22 : memref<400x32xf32, #tpu.memory_space<vmem>>)
      %scan3A_74 = arith.constant 0 : i32
      %scan3A_75 = arith.constant 25 : i32
      %scan3A_76 = arith.addi %scan3A_74, %scan3A_75 : i32
      %scan3A_77 = arith.constant 1 : i32
      scf.for %scan3A_79 = %scan3A_74 to %scan3A_76 step %scan3A_77  : i32 {
        %mul3A_80 = arith.constant 1 : i32
        %mul3A_81 = arith.muli %scan3A_79, %mul3A_80 : i32
        %add3A_82 = arith.constant 0 : i32
        %add3A_83 = arith.addi %add3A_82, %mul3A_81 : i32
        %mul3A_84 = arith.constant 16 : i32
        %mul3A_85 = arith.muli %add3A_83, %mul3A_84 : i32
        %multiple_of3A_86 = tpu.assume_multiple %mul3A_85, 16 : i32
        %get3A = arith.index_cast %multiple_of3A_86 : i32 to index
        %get3A_87 = tpu.vector_load %arg20[%get3A] {strides = array<i32>} : memref<400xf32, #tpu.memory_space<vmem>>, vector<16xf32>,
        %broadcast_in_dim3A = arith.constant 0 : i32
        %broadcast_in_dim3A_88 = vector.broadcast %broadcast_in_dim3A : i32 to vector<16xi32>
        %lt3A_89 = arith.constant 0 : i32
        %lt3A_90 = vector.broadcast %lt3A_89 : i32 to vector<16xi32>
        %lt3A_91 = arith.cmpi slt, %broadcast_in_dim3A_88, %lt3A_90 : vector<16xi32>
        %add3A_92 = arith.constant 16 : i32
        %add3A_93 = vector.broadcast %add3A_92 : i32 to vector<16xi32>
        %add3A_94 = arith.addi %broadcast_in_dim3A_88, %add3A_93 : vector<16xi32>
        %select_n3A = arith.select %lt3A_91, %add3A_94, %broadcast_in_dim3A_88 : vector<16xi1>, vector<16xi32>
        %broadcast_in_dim3A_95 = vector.shape_cast %select_n3A : vector<16xi32> to vector<16x1xi32>
        %gather3A = vector.shape_cast %broadcast_in_dim3A_95 : vector<16x1xi32> to vector<16xi32>
        %gather3A_96 = tpu.dynamic_gather %get3A_87[%gather3A] in [0] : vector<16xf32>, vector<16xi32> -> vector<16xf32>
        %add3A_97 = arith.constant 0 : i32
        %add3A_98 = arith.addi %multiple_of3A_86, %add3A_97 : i32
        %get3A_99 = arith.index_cast %add3A_98 : i32 to index
        %get3A_100 = arith.constant 0 : index
        %get3A_101 = tpu.vector_load %arg22[%get3A_99, %get3A_100] {strides = array<i32>} : memref<400x32xf32, #tpu.memory_space<vmem>>, vector<16xf32>,
        %mul3A_102 = arith.mulf %get3A_101, %gather3A_96 : vector<16xf32>
        %add3A_103 = arith.constant 0 : i32
        %add3A_104 = arith.addi %multiple_of3A_86, %add3A_103 : i32
        %swap3A = arith.index_cast %add3A_104 : i32 to index
        %swap3A_105 = arith.constant 0 : index
        %swap3A_106 = tpu.vector_load %arg22[%swap3A, %swap3A_105] {strides = array<i32>} : memref<400x32xf32, #tpu.memory_space<vmem>>, vector<16xf32>,
        tpu.vector_store %arg22[%swap3A, %swap3A_105], %mul3A_102 {strides = array<i32>} : memref<400x32xf32, #tpu.memory_space<vmem>>, vector<16xf32>,
        %add3A_107 = arith.constant 0 : i32
        %add3A_108 = arith.addi %multiple_of3A_86, %add3A_107 : i32
        %get3A_109 = arith.index_cast %add3A_108 : i32 to index
        %get3A_110 = arith.constant 16 : index
        %get3A_111 = tpu.vector_load %arg22[%get3A_109, %get3A_110] {strides = array<i32>} : memref<400x32xf32, #tpu.memory_space<vmem>>, vector<16xf32>,
        %mul3A_112 = arith.mulf %get3A_111, %gather3A_96 : vector<16xf32>
        %add3A_113 = arith.constant 0 : i32
        %add3A_114 = arith.addi %multiple_of3A_86, %add3A_113 : i32
        %swap3A_115 = arith.index_cast %add3A_114 : i32 to index
        %swap3A_116 = arith.constant 16 : index
        %swap3A_117 = tpu.vector_load %arg22[%swap3A_115, %swap3A_116] {strides = array<i32>} : memref<400x32xf32, #tpu.memory_space<vmem>>, vector<16xf32>,
        tpu.vector_store %arg22[%swap3A_115, %swap3A_116], %mul3A_112 {strides = array<i32>} : memref<400x32xf32, #tpu.memory_space<vmem>>, vector<16xf32>,
        %broadcast_in_dim3A_118 = arith.constant 1 : i32
        %broadcast_in_dim3A_119 = vector.broadcast %broadcast_in_dim3A_118 : i32 to vector<16xi32>
        %lt3A_120 = arith.constant 0 : i32
        %lt3A_121 = vector.broadcast %lt3A_120 : i32 to vector<16xi32>
        %lt3A_122 = arith.cmpi slt, %broadcast_in_dim3A_119, %lt3A_121 : vector<16xi32>
        %add3A_123 = arith.constant 16 : i32
        %add3A_124 = vector.broadcast %add3A_123 : i32 to vector<16xi32>
        %add3A_125 = arith.addi %broadcast_in_dim3A_119, %add3A_124 : vector<16xi32>
        %select_n3A_126 = arith.select %lt3A_122, %add3A_125, %broadcast_in_dim3A_119 : vector<16xi1>, vector<16xi32>
        %broadcast_in_dim3A_127 = vector.shape_cast %select_n3A_126 : vector<16xi32> to vector<16x1xi32>
        %gather3A_128 = vector.shape_cast %broadcast_in_dim3A_127 : vector<16x1xi32> to vector<16xi32>
        %gather3A_129 = tpu.dynamic_gather %get3A_87[%gather3A_128] in [0] : vector<16xf32>, vector<16xi32> -> vector<16xf32>
        %add3A_130 = arith.constant 1 : i32
        %add3A_131 = arith.addi %multiple_of3A_86, %add3A_130 : i32
        %get3A_132 = arith.index_cast %add3A_131 : i32 to index
        %get3A_133 = arith.constant 0 : index
        %get3A_134 = tpu.vector_load %arg22[%get3A_132, %get3A_133] {strides = array<i32>} : memref<400x32xf32, #tpu.memory_space<vmem>>, vector<16xf32>,
        %mul3A_135 = arith.mulf %get3A_134, %gather3A_129 : vector<16xf32>
        %add3A_136 = arith.constant 1 : i32
        %add3A_137 = arith.addi %multiple_of3A_86, %add3A_136 : i32
        %swap3A_138 = arith.index_cast %add3A_137 : i32 to index
        %swap3A_139 = arith.constant 0 : index
        %swap3A_140 = tpu.vector_load %arg22[%swap3A_138, %swap3A_139] {strides = array<i32>} : memref<400x32xf32, #tpu.memory_space<vmem>>, vector<16xf32>,
        tpu.vector_store %arg22[%swap3A_138, %swap3A_139], %mul3A_135 {strides = array<i32>} : memref<400x32xf32, #tpu.memory_space<vmem>>, vector<16xf32>,
        %add3A_141 = arith.constant 1 : i32
        %add3A_142 = arith.addi %multiple_of3A_86, %add3A_141 : i32
        %get3A_143 = arith.index_cast %add3A_142 : i32 to index
        %get3A_144 = arith.constant 16 : index
        %get3A_145 = tpu.vector_load %arg22[%get3A_143, %get3A_144] {strides = array<i32>} : memref<400x32xf32, #tpu.memory_space<vmem>>, vector<16xf32>,
        %mul3A_146 = arith.mulf %get3A_145, %gather3A_129 : vector<16xf32>
        %add3A_147 = arith.constant 1 : i32
        %add3A_148 = arith.addi %multiple_of3A_86, %add3A_147 : i32
        %swap3A_149 = arith.index_cast %add3A_148 : i32 to index
        %swap3A_150 = arith.constant 16 : index
        %swap3A_151 = tpu.vector_load %arg22[%swap3A_149, %swap3A_150] {strides = array<i32>} : memref<400x32xf32, #tpu.memory_space<vmem>>, vector<16xf32>,
        tpu.vector_store %arg22[%swap3A_149, %swap3A_150], %mul3A_146 {strides = array<i32>} : memref<400x32xf32, #tpu.memory_space<vmem>>, vector<16xf32>,
        %broadcast_in_dim3A_152 = arith.constant 2 : i32
        %broadcast_in_dim3A_153 = vector.broadcast %broadcast_in_dim3A_152 : i32 to vector<16xi32>
        %lt3A_154 = arith.constant 0 : i32
        %lt3A_155 = vector.broadcast %lt3A_154 : i32 to vector<16xi32>
        %lt3A_156 = arith.cmpi slt, %broadcast_in_dim3A_153, %lt3A_155 : vector<16xi32>
        %add3A_157 = arith.constant 16 : i32
        %add3A_158 = vector.broadcast %add3A_157 : i32 to vector<16xi32>
        %add3A_159 = arith.addi %broadcast_in_dim3A_153, %add3A_158 : vector<16xi32>
        %select_n3A_160 = arith.select %lt3A_156, %add3A_159, %broadcast_in_dim3A_153 : vector<16xi1>, vector<16xi32>
        %broadcast_in_dim3A_161 = vector.shape_cast %select_n3A_160 : vector<16xi32> to vector<16x1xi32>
        %gather3A_162 = vector.shape_cast %broadcast_in_dim3A_161 : vector<16x1xi32> to vector<16xi32>
        %gather3A_163 = tpu.dynamic_gather %get3A_87[%gather3A_162] in [0] : vector<16xf32>, vector<16xi32> -> vector<16xf32>
        %add3A_164 = arith.constant 2 : i32
        %add3A_165 = arith.addi %multiple_of3A_86, %add3A_164 : i32
        %get3A_166 = arith.index_cast %add3A_165 : i32 to index
        %get3A_167 = arith.constant 0 : index
        %get3A_168 = tpu.vector_load %arg22[%get3A_166, %get3A_167] {strides = array<i32>} : memref<400x32xf32, #tpu.memory_space<vmem>>, vector<16xf32>,
        %mul3A_169 = arith.mulf %get3A_168, %gather3A_163 : vector<16xf32>
        %add3A_170 = arith.constant 2 : i32
        %add3A_171 = arith.addi %multiple_of3A_86, %add3A_170 : i32
        %swap3A_172 = arith.index_cast %add3A_171 : i32 to index
        %swap3A_173 = arith.constant 0 : index
        %swap3A_174 = tpu.vector_load %arg22[%swap3A_172, %swap3A_173] {strides = array<i32>} : memref<400x32xf32, #tpu.memory_space<vmem>>, vector<16xf32>,
        tpu.vector_store %arg22[%swap3A_172, %swap3A_173], %mul3A_169 {strides = array<i32>} : memref<400x32xf32, #tpu.memory_space<vmem>>, vector<16xf32>,
        %add3A_175 = arith.constant 2 : i32
        %add3A_176 = arith.addi %multiple_of3A_86, %add3A_175 : i32
        %get3A_177 = arith.index_cast %add3A_176 : i32 to index
        %get3A_178 = arith.constant 16 : index
        %get3A_179 = tpu.vector_load %arg22[%get3A_177, %get3A_178] {strides = array<i32>} : memref<400x32xf32, #tpu.memory_space<vmem>>, vector<16xf32>,
        %mul3A_180 = arith.mulf %get3A_179, %gather3A_163 : vector<16xf32>
        %add3A_181 = arith.constant 2 : i32
        %add3A_182 = arith.addi %multiple_of3A_86, %add3A_181 : i32
        %swap3A_183 = arith.index_cast %add3A_182 : i32 to index
        %swap3A_184 = arith.constant 16 : index
        %swap3A_185 = tpu.vector_load %arg22[%swap3A_183, %swap3A_184] {strides = array<i32>} : memref<400x32xf32, #tpu.memory_space<vmem>>, vector<16xf32>,
        tpu.vector_store %arg22[%swap3A_183, %swap3A_184], %mul3A_180 {strides = array<i32>} : memref<400x32xf32, #tpu.memory_space<vmem>>, vector<16xf32>,
        %broadcast_in_dim3A_186 = arith.constant 3 : i32
        %broadcast_in_dim3A_187 = vector.broadcast %broadcast_in_dim3A_186 : i32 to vector<16xi32>
        %lt3A_188 = arith.constant 0 : i32
        %lt3A_189 = vector.broadcast %lt3A_188 : i32 to vector<16xi32>
        %lt3A_190 = arith.cmpi slt, %broadcast_in_dim3A_187, %lt3A_189 : vector<16xi32>
        %add3A_191 = arith.constant 16 : i32
        %add3A_192 = vector.broadcast %add3A_191 : i32 to vector<16xi32>
        %add3A_193 = arith.addi %broadcast_in_dim3A_187, %add3A_192 : vector<16xi32>
        %select_n3A_194 = arith.select %lt3A_190, %add3A_193, %broadcast_in_dim3A_187 : vector<16xi1>, vector<16xi32>
        %broadcast_in_dim3A_195 = vector.shape_cast %select_n3A_194 : vector<16xi32> to vector<16x1xi32>
        %gather3A_196 = vector.shape_cast %broadcast_in_dim3A_195 : vector<16x1xi32> to vector<16xi32>
        %gather3A_197 = tpu.dynamic_gather %get3A_87[%gather3A_196] in [0] : vector<16xf32>, vector<16xi32> -> vector<16xf32>
        %add3A_198 = arith.constant 3 : i32
        %add3A_199 = arith.addi %multiple_of3A_86, %add3A_198 : i32
        %get3A_200 = arith.index_cast %add3A_199 : i32 to index
        %get3A_201 = arith.constant 0 : index
        %get3A_202 = tpu.vector_load %arg22[%get3A_200, %get3A_201] {strides = array<i32>} : memref<400x32xf32, #tpu.memory_space<vmem>>, vector<16xf32>,
        %mul3A_203 = arith.mulf %get3A_202, %gather3A_197 : vector<16xf32>
        %add3A_204 = arith.constant 3 : i32
        %add3A_205 = arith.addi %multiple_of3A_86, %add3A_204 : i32
        %swap3A_206 = arith.index_cast %add3A_205 : i32 to index
        %swap3A_207 = arith.constant 0 : index
        %swap3A_208 = tpu.vector_load %arg22[%swap3A_206, %swap3A_207] {strides = array<i32>} : memref<400x32xf32, #tpu.memory_space<vmem>>, vector<16xf32>,
        tpu.vector_store %arg22[%swap3A_206, %swap3A_207], %mul3A_203 {strides = array<i32>} : memref<400x32xf32, #tpu.memory_space<vmem>>, vector<16xf32>,
        %add3A_209 = arith.constant 3 : i32
        %add3A_210 = arith.addi %multiple_of3A_86, %add3A_209 : i32
        %get3A_211 = arith.index_cast %add3A_210 : i32 to index
        %get3A_212 = arith.constant 16 : index
        %get3A_213 = tpu.vector_load %arg22[%get3A_211, %get3A_212] {strides = array<i32>} : memref<400x32xf32, #tpu.memory_space<vmem>>, vector<16xf32>,
        %mul3A_214 = arith.mulf %get3A_213, %gather3A_197 : vector<16xf32>
        %add3A_215 = arith.constant 3 : i32
        %add3A_216 = arith.addi %multiple_of3A_86, %add3A_215 : i32
        %swap3A_217 = arith.index_cast %add3A_216 : i32 to index
        %swap3A_218 = arith.constant 16 : index
        %swap3A_219 = tpu.vector_load %arg22[%swap3A_217, %swap3A_218] {strides = array<i32>} : memref<400x32xf32, #tpu.memory_space<vmem>>, vector<16xf32>,
        tpu.vector_store %arg22[%swap3A_217, %swap3A_218], %mul3A_214 {strides = array<i32>} : memref<400x32xf32, #tpu.memory_space<vmem>>, vector<16xf32>,
        %broadcast_in_dim3A_220 = arith.constant 4 : i32
        %broadcast_in_dim3A_221 = vector.broadcast %broadcast_in_dim3A_220 : i32 to vector<16xi32>
        %lt3A_222 = arith.constant 0 : i32
        %lt3A_223 = vector.broadcast %lt3A_222 : i32 to vector<16xi32>
        %lt3A_224 = arith.cmpi slt, %broadcast_in_dim3A_221, %lt3A_223 : vector<16xi32>
        %add3A_225 = arith.constant 16 : i32
        %add3A_226 = vector.broadcast %add3A_225 : i32 to vector<16xi32>
        %add3A_227 = arith.addi %broadcast_in_dim3A_221, %add3A_226 : vector<16xi32>
        %select_n3A_228 = arith.select %lt3A_224, %add3A_227, %broadcast_in_dim3A_221 : vector<16xi1>, vector<16xi32>
        %broadcast_in_dim3A_229 = vector.shape_cast %select_n3A_228 : vector<16xi32> to vector<16x1xi32>
        %gather3A_230 = vector.shape_cast %broadcast_in_dim3A_229 : vector<16x1xi32> to vector<16xi32>
        %gather3A_231 = tpu.dynamic_gather %get3A_87[%gather3A_230] in [0] : vector<16xf32>, vector<16xi32> -> vector<16xf32>
        %add3A_232 = arith.constant 4 : i32
        %add3A_233 = arith.addi %multiple_of3A_86, %add3A_232 : i32
        %get3A_234 = arith.index_cast %add3A_233 : i32 to index
        %get3A_235 = arith.constant 0 : index
        %get3A_236 = tpu.vector_load %arg22[%get3A_234, %get3A_235] {strides = array<i32>} : memref<400x32xf32, #tpu.memory_space<vmem>>, vector<16xf32>,
        %mul3A_237 = arith.mulf %get3A_236, %gather3A_231 : vector<16xf32>
        %add3A_238 = arith.constant 4 : i32
        %add3A_239 = arith.addi %multiple_of3A_86, %add3A_238 : i32
        %swap3A_240 = arith.index_cast %add3A_239 : i32 to index
        %swap3A_241 = arith.constant 0 : index
        %swap3A_242 = tpu.vector_load %arg22[%swap3A_240, %swap3A_241] {strides = array<i32>} : memref<400x32xf32, #tpu.memory_space<vmem>>, vector<16xf32>,
        tpu.vector_store %arg22[%swap3A_240, %swap3A_241], %mul3A_237 {strides = array<i32>} : memref<400x32xf32, #tpu.memory_space<vmem>>, vector<16xf32>,
        %add3A_243 = arith.constant 4 : i32
        %add3A_244 = arith.addi %multiple_of3A_86, %add3A_243 : i32
        %get3A_245 = arith.index_cast %add3A_244 : i32 to index
        %get3A_246 = arith.constant 16 : index
        %get3A_247 = tpu.vector_load %arg22[%get3A_245, %get3A_246] {strides = array<i32>} : memref<400x32xf32, #tpu.memory_space<vmem>>, vector<16xf32>,
        %mul3A_248 = arith.mulf %get3A_247, %gather3A_231 : vector<16xf32>
        %add3A_249 = arith.constant 4 : i32
        %add3A_250 = arith.addi %multiple_of3A_86, %add3A_249 : i32
        %swap3A_251 = arith.index_cast %add3A_250 : i32 to index
        %swap3A_252 = arith.constant 16 : index
        %swap3A_253 = tpu.vector_load %arg22[%swap3A_251, %swap3A_252] {strides = array<i32>} : memref<400x32xf32, #tpu.memory_space<vmem>>, vector<16xf32>,
        tpu.vector_store %arg22[%swap3A_251, %swap3A_252], %mul3A_248 {strides = array<i32>} : memref<400x32xf32, #tpu.memory_space<vmem>>, vector<16xf32>,
        %broadcast_in_dim3A_254 = arith.constant 5 : i32
        %broadcast_in_dim3A_255 = vector.broadcast %broadcast_in_dim3A_254 : i32 to vector<16xi32>
        %lt3A_256 = arith.constant 0 : i32
        %lt3A_257 = vector.broadcast %lt3A_256 : i32 to vector<16xi32>
        %lt3A_258 = arith.cmpi slt, %broadcast_in_dim3A_255, %lt3A_257 : vector<16xi32>
        %add3A_259 = arith.constant 16 : i32
        %add3A_260 = vector.broadcast %add3A_259 : i32 to vector<16xi32>
        %add3A_261 = arith.addi %broadcast_in_dim3A_255, %add3A_260 : vector<16xi32>
        %select_n3A_262 = arith.select %lt3A_258, %add3A_261, %broadcast_in_dim3A_255 : vector<16xi1>, vector<16xi32>
        %broadcast_in_dim3A_263 = vector.shape_cast %select_n3A_262 : vector<16xi32> to vector<16x1xi32>
        %gather3A_264 = vector.shape_cast %broadcast_in_dim3A_263 : vector<16x1xi32> to vector<16xi32>
        %gather3A_265 = tpu.dynamic_gather %get3A_87[%gather3A_264] in [0] : vector<16xf32>, vector<16xi32> -> vector<16xf32>
        %add3A_266 = arith.constant 5 : i32
        %add3A_267 = arith.addi %multiple_of3A_86, %add3A_266 : i32
        %get3A_268 = arith.index_cast %add3A_267 : i32 to index
        %get3A_269 = arith.constant 0 : index
        %get3A_270 = tpu.vector_load %arg22[%get3A_268, %get3A_269] {strides = array<i32>} : memref<400x32xf32, #tpu.memory_space<vmem>>, vector<16xf32>,
        %mul3A_271 = arith.mulf %get3A_270, %gather3A_265 : vector<16xf32>
        %add3A_272 = arith.constant 5 : i32
        %add3A_273 = arith.addi %multiple_of3A_86, %add3A_272 : i32
        %swap3A_274 = arith.index_cast %add3A_273 : i32 to index
        %swap3A_275 = arith.constant 0 : index
        %swap3A_276 = tpu.vector_load %arg22[%swap3A_274, %swap3A_275] {strides = array<i32>} : memref<400x32xf32, #tpu.memory_space<vmem>>, vector<16xf32>,
        tpu.vector_store %arg22[%swap3A_274, %swap3A_275], %mul3A_271 {strides = array<i32>} : memref<400x32xf32, #tpu.memory_space<vmem>>, vector<16xf32>,
        %add3A_277 = arith.constant 5 : i32
        %add3A_278 = arith.addi %multiple_of3A_86, %add3A_277 : i32
        %get3A_279 = arith.index_cast %add3A_278 : i32 to index
        %get3A_280 = arith.constant 16 : index
        %get3A_281 = tpu.vector_load %arg22[%get3A_279, %get3A_280] {strides = array<i32>} : memref<400x32xf32, #tpu.memory_space<vmem>>, vector<16xf32>,
        %mul3A_282 = arith.mulf %get3A_281, %gather3A_265 : vector<16xf32>
        %add3A_283 = arith.constant 5 : i32
        %add3A_284 = arith.addi %multiple_of3A_86, %add3A_283 : i32
        %swap3A_285 = arith.index_cast %add3A_284 : i32 to index
        %swap3A_286 = arith.constant 16 : index
        %swap3A_287 = tpu.vector_load %arg22[%swap3A_285, %swap3A_286] {strides = array<i32>} : memref<400x32xf32, #tpu.memory_space<vmem>>, vector<16xf32>,
        tpu.vector_store %arg22[%swap3A_285, %swap3A_286], %mul3A_282 {strides = array<i32>} : memref<400x32xf32, #tpu.memory_space<vmem>>, vector<16xf32>,
        %broadcast_in_dim3A_288 = arith.constant 6 : i32
        %broadcast_in_dim3A_289 = vector.broadcast %broadcast_in_dim3A_288 : i32 to vector<16xi32>
        %lt3A_290 = arith.constant 0 : i32
        %lt3A_291 = vector.broadcast %lt3A_290 : i32 to vector<16xi32>
        %lt3A_292 = arith.cmpi slt, %broadcast_in_dim3A_289, %lt3A_291 : vector<16xi32>
        %add3A_293 = arith.constant 16 : i32
        %add3A_294 = vector.broadcast %add3A_293 : i32 to vector<16xi32>
        %add3A_295 = arith.addi %broadcast_in_dim3A_289, %add3A_294 : vector<16xi32>
        %select_n3A_296 = arith.select %lt3A_292, %add3A_295, %broadcast_in_dim3A_289 : vector<16xi1>, vector<16xi32>
        %broadcast_in_dim3A_297 = vector.shape_cast %select_n3A_296 : vector<16xi32> to vector<16x1xi32>
        %gather3A_298 = vector.shape_cast %broadcast_in_dim3A_297 : vector<16x1xi32> to vector<16xi32>
        %gather3A_299 = tpu.dynamic_gather %get3A_87[%gather3A_298] in [0] : vector<16xf32>, vector<16xi32> -> vector<16xf32>
        %add3A_300 = arith.constant 6 : i32
        %add3A_301 = arith.addi %multiple_of3A_86, %add3A_300 : i32
        %get3A_302 = arith.index_cast %add3A_301 : i32 to index
        %get3A_303 = arith.constant 0 : index
        %get3A_304 = tpu.vector_load %arg22[%get3A_302, %get3A_303] {strides = array<i32>} : memref<400x32xf32, #tpu.memory_space<vmem>>, vector<16xf32>,
        %mul3A_305 = arith.mulf %get3A_304, %gather3A_299 : vector<16xf32>
        %add3A_306 = arith.constant 6 : i32
        %add3A_307 = arith.addi %multiple_of3A_86, %add3A_306 : i32
        %swap3A_308 = arith.index_cast %add3A_307 : i32 to index
        %swap3A_309 = arith.constant 0 : index
        %swap3A_310 = tpu.vector_load %arg22[%swap3A_308, %swap3A_309] {strides = array<i32>} : memref<400x32xf32, #tpu.memory_space<vmem>>, vector<16xf32>,
        tpu.vector_store %arg22[%swap3A_308, %swap3A_309], %mul3A_305 {strides = array<i32>} : memref<400x32xf32, #tpu.memory_space<vmem>>, vector<16xf32>,
        %add3A_311 = arith.constant 6 : i32
        %add3A_312 = arith.addi %multiple_of3A_86, %add3A_311 : i32
        %get3A_313 = arith.index_cast %add3A_312 : i32 to index
        %get3A_314 = arith.constant 16 : index
        %get3A_315 = tpu.vector_load %arg22[%get3A_313, %get3A_314] {strides = array<i32>} : memref<400x32xf32, #tpu.memory_space<vmem>>, vector<16xf32>,
        %mul3A_316 = arith.mulf %get3A_315, %gather3A_299 : vector<16xf32>
        %add3A_317 = arith.constant 6 : i32
        %add3A_318 = arith.addi %multiple_of3A_86, %add3A_317 : i32
        %swap3A_319 = arith.index_cast %add3A_318 : i32 to index
        %swap3A_320 = arith.constant 16 : index
        %swap3A_321 = tpu.vector_load %arg22[%swap3A_319, %swap3A_320] {strides = array<i32>} : memref<400x32xf32, #tpu.memory_space<vmem>>, vector<16xf32>,
        tpu.vector_store %arg22[%swap3A_319, %swap3A_320], %mul3A_316 {strides = array<i32>} : memref<400x32xf32, #tpu.memory_space<vmem>>, vector<16xf32>,
        %broadcast_in_dim3A_322 = arith.constant 7 : i32
        %broadcast_in_dim3A_323 = vector.broadcast %broadcast_in_dim3A_322 : i32 to vector<16xi32>
        %lt3A_324 = arith.constant 0 : i32
        %lt3A_325 = vector.broadcast %lt3A_324 : i32 to vector<16xi32>
        %lt3A_326 = arith.cmpi slt, %broadcast_in_dim3A_323, %lt3A_325 : vector<16xi32>
        %add3A_327 = arith.constant 16 : i32
        %add3A_328 = vector.broadcast %add3A_327 : i32 to vector<16xi32>
        %add3A_329 = arith.addi %broadcast_in_dim3A_323, %add3A_328 : vector<16xi32>
        %select_n3A_330 = arith.select %lt3A_326, %add3A_329, %broadcast_in_dim3A_323 : vector<16xi1>, vector<16xi32>
        %broadcast_in_dim3A_331 = vector.shape_cast %select_n3A_330 : vector<16xi32> to vector<16x1xi32>
        %gather3A_332 = vector.shape_cast %broadcast_in_dim3A_331 : vector<16x1xi32> to vector<16xi32>
        %gather3A_333 = tpu.dynamic_gather %get3A_87[%gather3A_332] in [0] : vector<16xf32>, vector<16xi32> -> vector<16xf32>
        %add3A_334 = arith.constant 7 : i32
        %add3A_335 = arith.addi %multiple_of3A_86, %add3A_334 : i32
        %get3A_336 = arith.index_cast %add3A_335 : i32 to index
        %get3A_337 = arith.constant 0 : index
        %get3A_338 = tpu.vector_load %arg22[%get3A_336, %get3A_337] {strides = array<i32>} : memref<400x32xf32, #tpu.memory_space<vmem>>, vector<16xf32>,
        %mul3A_339 = arith.mulf %get3A_338, %gather3A_333 : vector<16xf32>
        %add3A_340 = arith.constant 7 : i32
        %add3A_341 = arith.addi %multiple_of3A_86, %add3A_340 : i32
        %swap3A_342 = arith.index_cast %add3A_341 : i32 to index
        %swap3A_343 = arith.constant 0 : index
        %swap3A_344 = tpu.vector_load %arg22[%swap3A_342, %swap3A_343] {strides = array<i32>} : memref<400x32xf32, #tpu.memory_space<vmem>>, vector<16xf32>,
        tpu.vector_store %arg22[%swap3A_342, %swap3A_343], %mul3A_339 {strides = array<i32>} : memref<400x32xf32, #tpu.memory_space<vmem>>, vector<16xf32>,
        %add3A_345 = arith.constant 7 : i32
        %add3A_346 = arith.addi %multiple_of3A_86, %add3A_345 : i32
        %get3A_347 = arith.index_cast %add3A_346 : i32 to index
        %get3A_348 = arith.constant 16 : index
        %get3A_349 = tpu.vector_load %arg22[%get3A_347, %get3A_348] {strides = array<i32>} : memref<400x32xf32, #tpu.memory_space<vmem>>, vector<16xf32>,
        %mul3A_350 = arith.mulf %get3A_349, %gather3A_333 : vector<16xf32>
        %add3A_351 = arith.constant 7 : i32
        %add3A_352 = arith.addi %multiple_of3A_86, %add3A_351 : i32
        %swap3A_353 = arith.index_cast %add3A_352 : i32 to index
        %swap3A_354 = arith.constant 16 : index
        %swap3A_355 = tpu.vector_load %arg22[%swap3A_353, %swap3A_354] {strides = array<i32>} : memref<400x32xf32, #tpu.memory_space<vmem>>, vector<16xf32>,
        tpu.vector_store %arg22[%swap3A_353, %swap3A_354], %mul3A_350 {strides = array<i32>} : memref<400x32xf32, #tpu.memory_space<vmem>>, vector<16xf32>,
        %broadcast_in_dim3A_356 = arith.constant 8 : i32
        %broadcast_in_dim3A_357 = vector.broadcast %broadcast_in_dim3A_356 : i32 to vector<16xi32>
        %lt3A_358 = arith.constant 0 : i32
        %lt3A_359 = vector.broadcast %lt3A_358 : i32 to vector<16xi32>
        %lt3A_360 = arith.cmpi slt, %broadcast_in_dim3A_357, %lt3A_359 : vector<16xi32>
        %add3A_361 = arith.constant 16 : i32
        %add3A_362 = vector.broadcast %add3A_361 : i32 to vector<16xi32>
        %add3A_363 = arith.addi %broadcast_in_dim3A_357, %add3A_362 : vector<16xi32>
        %select_n3A_364 = arith.select %lt3A_360, %add3A_363, %broadcast_in_dim3A_357 : vector<16xi1>, vector<16xi32>
        %broadcast_in_dim3A_365 = vector.shape_cast %select_n3A_364 : vector<16xi32> to vector<16x1xi32>
        %gather3A_366 = vector.shape_cast %broadcast_in_dim3A_365 : vector<16x1xi32> to vector<16xi32>
        %gather3A_367 = tpu.dynamic_gather %get3A_87[%gather3A_366] in [0] : vector<16xf32>, vector<16xi32> -> vector<16xf32>
        %add3A_368 = arith.constant 8 : i32
        %add3A_369 = arith.addi %multiple_of3A_86, %add3A_368 : i32
        %get3A_370 = arith.index_cast %add3A_369 : i32 to index
        %get3A_371 = arith.constant 0 : index
        %get3A_372 = tpu.vector_load %arg22[%get3A_370, %get3A_371] {strides = array<i32>} : memref<400x32xf32, #tpu.memory_space<vmem>>, vector<16xf32>,
        %mul3A_373 = arith.mulf %get3A_372, %gather3A_367 : vector<16xf32>
        %add3A_374 = arith.constant 8 : i32
        %add3A_375 = arith.addi %multiple_of3A_86, %add3A_374 : i32
        %swap3A_376 = arith.index_cast %add3A_375 : i32 to index
        %swap3A_377 = arith.constant 0 : index
        %swap3A_378 = tpu.vector_load %arg22[%swap3A_376, %swap3A_377] {strides = array<i32>} : memref<400x32xf32, #tpu.memory_space<vmem>>, vector<16xf32>,
        tpu.vector_store %arg22[%swap3A_376, %swap3A_377], %mul3A_373 {strides = array<i32>} : memref<400x32xf32, #tpu.memory_space<vmem>>, vector<16xf32>,
        %add3A_379 = arith.constant 8 : i32
        %add3A_380 = arith.addi %multiple_of3A_86, %add3A_379 : i32
        %get3A_381 = arith.index_cast %add3A_380 : i32 to index
        %get3A_382 = arith.constant 16 : index
        %get3A_383 = tpu.vector_load %arg22[%get3A_381, %get3A_382] {strides = array<i32>} : memref<400x32xf32, #tpu.memory_space<vmem>>, vector<16xf32>,
        %mul3A_384 = arith.mulf %get3A_383, %gather3A_367 : vector<16xf32>
        %add3A_385 = arith.constant 8 : i32
        %add3A_386 = arith.addi %multiple_of3A_86, %add3A_385 : i32
        %swap3A_387 = arith.index_cast %add3A_386 : i32 to index
        %swap3A_388 = arith.constant 16 : index
        %swap3A_389 = tpu.vector_load %arg22[%swap3A_387, %swap3A_388] {strides = array<i32>} : memref<400x32xf32, #tpu.memory_space<vmem>>, vector<16xf32>,
        tpu.vector_store %arg22[%swap3A_387, %swap3A_388], %mul3A_384 {strides = array<i32>} : memref<400x32xf32, #tpu.memory_space<vmem>>, vector<16xf32>,
        %broadcast_in_dim3A_390 = arith.constant 9 : i32
        %broadcast_in_dim3A_391 = vector.broadcast %broadcast_in_dim3A_390 : i32 to vector<16xi32>
        %lt3A_392 = arith.constant 0 : i32
        %lt3A_393 = vector.broadcast %lt3A_392 : i32 to vector<16xi32>
        %lt3A_394 = arith.cmpi slt, %broadcast_in_dim3A_391, %lt3A_393 : vector<16xi32>
        %add3A_395 = arith.constant 16 : i32
        %add3A_396 = vector.broadcast %add3A_395 : i32 to vector<16xi32>
        %add3A_397 = arith.addi %broadcast_in_dim3A_391, %add3A_396 : vector<16xi32>
        %select_n3A_398 = arith.select %lt3A_394, %add3A_397, %broadcast_in_dim3A_391 : vector<16xi1>, vector<16xi32>
        %broadcast_in_dim3A_399 = vector.shape_cast %select_n3A_398 : vector<16xi32> to vector<16x1xi32>
        %gather3A_400 = vector.shape_cast %broadcast_in_dim3A_399 : vector<16x1xi32> to vector<16xi32>
        %gather3A_401 = tpu.dynamic_gather %get3A_87[%gather3A_400] in [0] : vector<16xf32>, vector<16xi32> -> vector<16xf32>
        %add3A_402 = arith.constant 9 : i32
        %add3A_403 = arith.addi %multiple_of3A_86, %add3A_402 : i32
        %get3A_404 = arith.index_cast %add3A_403 : i32 to index
        %get3A_405 = arith.constant 0 : index
        %get3A_406 = tpu.vector_load %arg22[%get3A_404, %get3A_405] {strides = array<i32>} : memref<400x32xf32, #tpu.memory_space<vmem>>, vector<16xf32>,
        %mul3A_407 = arith.mulf %get3A_406, %gather3A_401 : vector<16xf32>
        %add3A_408 = arith.constant 9 : i32
        %add3A_409 = arith.addi %multiple_of3A_86, %add3A_408 : i32
        %swap3A_410 = arith.index_cast %add3A_409 : i32 to index
        %swap3A_411 = arith.constant 0 : index
        %swap3A_412 = tpu.vector_load %arg22[%swap3A_410, %swap3A_411] {strides = array<i32>} : memref<400x32xf32, #tpu.memory_space<vmem>>, vector<16xf32>,
        tpu.vector_store %arg22[%swap3A_410, %swap3A_411], %mul3A_407 {strides = array<i32>} : memref<400x32xf32, #tpu.memory_space<vmem>>, vector<16xf32>,
        %add3A_413 = arith.constant 9 : i32
        %add3A_414 = arith.addi %multiple_of3A_86, %add3A_413 : i32
        %get3A_415 = arith.index_cast %add3A_414 : i32 to index
        %get3A_416 = arith.constant 16 : index
        %get3A_417 = tpu.vector_load %arg22[%get3A_415, %get3A_416] {strides = array<i32>} : memref<400x32xf32, #tpu.memory_space<vmem>>, vector<16xf32>,
        %mul3A_418 = arith.mulf %get3A_417, %gather3A_401 : vector<16xf32>
        %add3A_419 = arith.constant 9 : i32
        %add3A_420 = arith.addi %multiple_of3A_86, %add3A_419 : i32
        %swap3A_421 = arith.index_cast %add3A_420 : i32 to index
        %swap3A_422 = arith.constant 16 : index
        %swap3A_423 = tpu.vector_load %arg22[%swap3A_421, %swap3A_422] {strides = array<i32>} : memref<400x32xf32, #tpu.memory_space<vmem>>, vector<16xf32>,
        tpu.vector_store %arg22[%swap3A_421, %swap3A_422], %mul3A_418 {strides = array<i32>} : memref<400x32xf32, #tpu.memory_space<vmem>>, vector<16xf32>,
        %broadcast_in_dim3A_424 = arith.constant 10 : i32
        %broadcast_in_dim3A_425 = vector.broadcast %broadcast_in_dim3A_424 : i32 to vector<16xi32>
        %lt3A_426 = arith.constant 0 : i32
        %lt3A_427 = vector.broadcast %lt3A_426 : i32 to vector<16xi32>
        %lt3A_428 = arith.cmpi slt, %broadcast_in_dim3A_425, %lt3A_427 : vector<16xi32>
        %add3A_429 = arith.constant 16 : i32
        %add3A_430 = vector.broadcast %add3A_429 : i32 to vector<16xi32>
        %add3A_431 = arith.addi %broadcast_in_dim3A_425, %add3A_430 : vector<16xi32>
        %select_n3A_432 = arith.select %lt3A_428, %add3A_431, %broadcast_in_dim3A_425 : vector<16xi1>, vector<16xi32>
        %broadcast_in_dim3A_433 = vector.shape_cast %select_n3A_432 : vector<16xi32> to vector<16x1xi32>
        %gather3A_434 = vector.shape_cast %broadcast_in_dim3A_433 : vector<16x1xi32> to vector<16xi32>
        %gather3A_435 = tpu.dynamic_gather %get3A_87[%gather3A_434] in [0] : vector<16xf32>, vector<16xi32> -> vector<16xf32>
        %add3A_436 = arith.constant 10 : i32
        %add3A_437 = arith.addi %multiple_of3A_86, %add3A_436 : i32
        %get3A_438 = arith.index_cast %add3A_437 : i32 to index
        %get3A_439 = arith.constant 0 : index
        %get3A_440 = tpu.vector_load %arg22[%get3A_438, %get3A_439] {strides = array<i32>} : memref<400x32xf32, #tpu.memory_space<vmem>>, vector<16xf32>,
        %mul3A_441 = arith.mulf %get3A_440, %gather3A_435 : vector<16xf32>
        %add3A_442 = arith.constant 10 : i32
        %add3A_443 = arith.addi %multiple_of3A_86, %add3A_442 : i32
        %swap3A_444 = arith.index_cast %add3A_443 : i32 to index
        %swap3A_445 = arith.constant 0 : index
        %swap3A_446 = tpu.vector_load %arg22[%swap3A_444, %swap3A_445] {strides = array<i32>} : memref<400x32xf32, #tpu.memory_space<vmem>>, vector<16xf32>,
        tpu.vector_store %arg22[%swap3A_444, %swap3A_445], %mul3A_441 {strides = array<i32>} : memref<400x32xf32, #tpu.memory_space<vmem>>, vector<16xf32>,
        %add3A_447 = arith.constant 10 : i32
        %add3A_448 = arith.addi %multiple_of3A_86, %add3A_447 : i32
        %get3A_449 = arith.index_cast %add3A_448 : i32 to index
        %get3A_450 = arith.constant 16 : index
        %get3A_451 = tpu.vector_load %arg22[%get3A_449, %get3A_450] {strides = array<i32>} : memref<400x32xf32, #tpu.memory_space<vmem>>, vector<16xf32>,
        %mul3A_452 = arith.mulf %get3A_451, %gather3A_435 : vector<16xf32>
        %add3A_453 = arith.constant 10 : i32
        %add3A_454 = arith.addi %multiple_of3A_86, %add3A_453 : i32
        %swap3A_455 = arith.index_cast %add3A_454 : i32 to index
        %swap3A_456 = arith.constant 16 : index
        %swap3A_457 = tpu.vector_load %arg22[%swap3A_455, %swap3A_456] {strides = array<i32>} : memref<400x32xf32, #tpu.memory_space<vmem>>, vector<16xf32>,
        tpu.vector_store %arg22[%swap3A_455, %swap3A_456], %mul3A_452 {strides = array<i32>} : memref<400x32xf32, #tpu.memory_space<vmem>>, vector<16xf32>,
        %broadcast_in_dim3A_458 = arith.constant 11 : i32
        %broadcast_in_dim3A_459 = vector.broadcast %broadcast_in_dim3A_458 : i32 to vector<16xi32>
        %lt3A_460 = arith.constant 0 : i32
        %lt3A_461 = vector.broadcast %lt3A_460 : i32 to vector<16xi32>
        %lt3A_462 = arith.cmpi slt, %broadcast_in_dim3A_459, %lt3A_461 : vector<16xi32>
        %add3A_463 = arith.constant 16 : i32
        %add3A_464 = vector.broadcast %add3A_463 : i32 to vector<16xi32>
        %add3A_465 = arith.addi %broadcast_in_dim3A_459, %add3A_464 : vector<16xi32>
        %select_n3A_466 = arith.select %lt3A_462, %add3A_465, %broadcast_in_dim3A_459 : vector<16xi1>, vector<16xi32>
        %broadcast_in_dim3A_467 = vector.shape_cast %select_n3A_466 : vector<16xi32> to vector<16x1xi32>
        %gather3A_468 = vector.shape_cast %broadcast_in_dim3A_467 : vector<16x1xi32> to vector<16xi32>
        %gather3A_469 = tpu.dynamic_gather %get3A_87[%gather3A_468] in [0] : vector<16xf32>, vector<16xi32> -> vector<16xf32>
        %add3A_470 = arith.constant 11 : i32
        %add3A_471 = arith.addi %multiple_of3A_86, %add3A_470 : i32
        %get3A_472 = arith.index_cast %add3A_471 : i32 to index
        %get3A_473 = arith.constant 0 : index
        %get3A_474 = tpu.vector_load %arg22[%get3A_472, %get3A_473] {strides = array<i32>} : memref<400x32xf32, #tpu.memory_space<vmem>>, vector<16xf32>,
        %mul3A_475 = arith.mulf %get3A_474, %gather3A_469 : vector<16xf32>
        %add3A_476 = arith.constant 11 : i32
        %add3A_477 = arith.addi %multiple_of3A_86, %add3A_476 : i32
        %swap3A_478 = arith.index_cast %add3A_477 : i32 to index
        %swap3A_479 = arith.constant 0 : index
        %swap3A_480 = tpu.vector_load %arg22[%swap3A_478, %swap3A_479] {strides = array<i32>} : memref<400x32xf32, #tpu.memory_space<vmem>>, vector<16xf32>,
        tpu.vector_store %arg22[%swap3A_478, %swap3A_479], %mul3A_475 {strides = array<i32>} : memref<400x32xf32, #tpu.memory_space<vmem>>, vector<16xf32>,
        %add3A_481 = arith.constant 11 : i32
        %add3A_482 = arith.addi %multiple_of3A_86, %add3A_481 : i32
        %get3A_483 = arith.index_cast %add3A_482 : i32 to index
        %get3A_484 = arith.constant 16 : index
        %get3A_485 = tpu.vector_load %arg22[%get3A_483, %get3A_484] {strides = array<i32>} : memref<400x32xf32, #tpu.memory_space<vmem>>, vector<16xf32>,
        %mul3A_486 = arith.mulf %get3A_485, %gather3A_469 : vector<16xf32>
        %add3A_487 = arith.constant 11 : i32
        %add3A_488 = arith.addi %multiple_of3A_86, %add3A_487 : i32
        %swap3A_489 = arith.index_cast %add3A_488 : i32 to index
        %swap3A_490 = arith.constant 16 : index
        %swap3A_491 = tpu.vector_load %arg22[%swap3A_489, %swap3A_490] {strides = array<i32>} : memref<400x32xf32, #tpu.memory_space<vmem>>, vector<16xf32>,
        tpu.vector_store %arg22[%swap3A_489, %swap3A_490], %mul3A_486 {strides = array<i32>} : memref<400x32xf32, #tpu.memory_space<vmem>>, vector<16xf32>,
        %broadcast_in_dim3A_492 = arith.constant 12 : i32
        %broadcast_in_dim3A_493 = vector.broadcast %broadcast_in_dim3A_492 : i32 to vector<16xi32>
        %lt3A_494 = arith.constant 0 : i32
        %lt3A_495 = vector.broadcast %lt3A_494 : i32 to vector<16xi32>
        %lt3A_496 = arith.cmpi slt, %broadcast_in_dim3A_493, %lt3A_495 : vector<16xi32>
        %add3A_497 = arith.constant 16 : i32
        %add3A_498 = vector.broadcast %add3A_497 : i32 to vector<16xi32>
        %add3A_499 = arith.addi %broadcast_in_dim3A_493, %add3A_498 : vector<16xi32>
        %select_n3A_500 = arith.select %lt3A_496, %add3A_499, %broadcast_in_dim3A_493 : vector<16xi1>, vector<16xi32>
        %broadcast_in_dim3A_501 = vector.shape_cast %select_n3A_500 : vector<16xi32> to vector<16x1xi32>
        %gather3A_502 = vector.shape_cast %broadcast_in_dim3A_501 : vector<16x1xi32> to vector<16xi32>
        %gather3A_503 = tpu.dynamic_gather %get3A_87[%gather3A_502] in [0] : vector<16xf32>, vector<16xi32> -> vector<16xf32>
        %add3A_504 = arith.constant 12 : i32
        %add3A_505 = arith.addi %multiple_of3A_86, %add3A_504 : i32
        %get3A_506 = arith.index_cast %add3A_505 : i32 to index
        %get3A_507 = arith.constant 0 : index
        %get3A_508 = tpu.vector_load %arg22[%get3A_506, %get3A_507] {strides = array<i32>} : memref<400x32xf32, #tpu.memory_space<vmem>>, vector<16xf32>,
        %mul3A_509 = arith.mulf %get3A_508, %gather3A_503 : vector<16xf32>
        %add3A_510 = arith.constant 12 : i32
        %add3A_511 = arith.addi %multiple_of3A_86, %add3A_510 : i32
        %swap3A_512 = arith.index_cast %add3A_511 : i32 to index
        %swap3A_513 = arith.constant 0 : index
        %swap3A_514 = tpu.vector_load %arg22[%swap3A_512, %swap3A_513] {strides = array<i32>} : memref<400x32xf32, #tpu.memory_space<vmem>>, vector<16xf32>,
        tpu.vector_store %arg22[%swap3A_512, %swap3A_513], %mul3A_509 {strides = array<i32>} : memref<400x32xf32, #tpu.memory_space<vmem>>, vector<16xf32>,
        %add3A_515 = arith.constant 12 : i32
        %add3A_516 = arith.addi %multiple_of3A_86, %add3A_515 : i32
        %get3A_517 = arith.index_cast %add3A_516 : i32 to index
        %get3A_518 = arith.constant 16 : index
        %get3A_519 = tpu.vector_load %arg22[%get3A_517, %get3A_518] {strides = array<i32>} : memref<400x32xf32, #tpu.memory_space<vmem>>, vector<16xf32>,
        %mul3A_520 = arith.mulf %get3A_519, %gather3A_503 : vector<16xf32>
        %add3A_521 = arith.constant 12 : i32
        %add3A_522 = arith.addi %multiple_of3A_86, %add3A_521 : i32
        %swap3A_523 = arith.index_cast %add3A_522 : i32 to index
        %swap3A_524 = arith.constant 16 : index
        %swap3A_525 = tpu.vector_load %arg22[%swap3A_523, %swap3A_524] {strides = array<i32>} : memref<400x32xf32, #tpu.memory_space<vmem>>, vector<16xf32>,
        tpu.vector_store %arg22[%swap3A_523, %swap3A_524], %mul3A_520 {strides = array<i32>} : memref<400x32xf32, #tpu.memory_space<vmem>>, vector<16xf32>,
        %broadcast_in_dim3A_526 = arith.constant 13 : i32
        %broadcast_in_dim3A_527 = vector.broadcast %broadcast_in_dim3A_526 : i32 to vector<16xi32>
        %lt3A_528 = arith.constant 0 : i32
        %lt3A_529 = vector.broadcast %lt3A_528 : i32 to vector<16xi32>
        %lt3A_530 = arith.cmpi slt, %broadcast_in_dim3A_527, %lt3A_529 : vector<16xi32>
        %add3A_531 = arith.constant 16 : i32
        %add3A_532 = vector.broadcast %add3A_531 : i32 to vector<16xi32>
        %add3A_533 = arith.addi %broadcast_in_dim3A_527, %add3A_532 : vector<16xi32>
        %select_n3A_534 = arith.select %lt3A_530, %add3A_533, %broadcast_in_dim3A_527 : vector<16xi1>, vector<16xi32>
        %broadcast_in_dim3A_535 = vector.shape_cast %select_n3A_534 : vector<16xi32> to vector<16x1xi32>
        %gather3A_536 = vector.shape_cast %broadcast_in_dim3A_535 : vector<16x1xi32> to vector<16xi32>
        %gather3A_537 = tpu.dynamic_gather %get3A_87[%gather3A_536] in [0] : vector<16xf32>, vector<16xi32> -> vector<16xf32>
        %add3A_538 = arith.constant 13 : i32
        %add3A_539 = arith.addi %multiple_of3A_86, %add3A_538 : i32
        %get3A_540 = arith.index_cast %add3A_539 : i32 to index
        %get3A_541 = arith.constant 0 : index
        %get3A_542 = tpu.vector_load %arg22[%get3A_540, %get3A_541] {strides = array<i32>} : memref<400x32xf32, #tpu.memory_space<vmem>>, vector<16xf32>,
        %mul3A_543 = arith.mulf %get3A_542, %gather3A_537 : vector<16xf32>
        %add3A_544 = arith.constant 13 : i32
        %add3A_545 = arith.addi %multiple_of3A_86, %add3A_544 : i32
        %swap3A_546 = arith.index_cast %add3A_545 : i32 to index
        %swap3A_547 = arith.constant 0 : index
        %swap3A_548 = tpu.vector_load %arg22[%swap3A_546, %swap3A_547] {strides = array<i32>} : memref<400x32xf32, #tpu.memory_space<vmem>>, vector<16xf32>,
        tpu.vector_store %arg22[%swap3A_546, %swap3A_547], %mul3A_543 {strides = array<i32>} : memref<400x32xf32, #tpu.memory_space<vmem>>, vector<16xf32>,
        %add3A_549 = arith.constant 13 : i32
        %add3A_550 = arith.addi %multiple_of3A_86, %add3A_549 : i32
        %get3A_551 = arith.index_cast %add3A_550 : i32 to index
        %get3A_552 = arith.constant 16 : index
        %get3A_553 = tpu.vector_load %arg22[%get3A_551, %get3A_552] {strides = array<i32>} : memref<400x32xf32, #tpu.memory_space<vmem>>, vector<16xf32>,
        %mul3A_554 = arith.mulf %get3A_553, %gather3A_537 : vector<16xf32>
        %add3A_555 = arith.constant 13 : i32
        %add3A_556 = arith.addi %multiple_of3A_86, %add3A_555 : i32
        %swap3A_557 = arith.index_cast %add3A_556 : i32 to index
        %swap3A_558 = arith.constant 16 : index
        %swap3A_559 = tpu.vector_load %arg22[%swap3A_557, %swap3A_558] {strides = array<i32>} : memref<400x32xf32, #tpu.memory_space<vmem>>, vector<16xf32>,
        tpu.vector_store %arg22[%swap3A_557, %swap3A_558], %mul3A_554 {strides = array<i32>} : memref<400x32xf32, #tpu.memory_space<vmem>>, vector<16xf32>,
        %broadcast_in_dim3A_560 = arith.constant 14 : i32
        %broadcast_in_dim3A_561 = vector.broadcast %broadcast_in_dim3A_560 : i32 to vector<16xi32>
        %lt3A_562 = arith.constant 0 : i32
        %lt3A_563 = vector.broadcast %lt3A_562 : i32 to vector<16xi32>
        %lt3A_564 = arith.cmpi slt, %broadcast_in_dim3A_561, %lt3A_563 : vector<16xi32>
        %add3A_565 = arith.constant 16 : i32
        %add3A_566 = vector.broadcast %add3A_565 : i32 to vector<16xi32>
        %add3A_567 = arith.addi %broadcast_in_dim3A_561, %add3A_566 : vector<16xi32>
        %select_n3A_568 = arith.select %lt3A_564, %add3A_567, %broadcast_in_dim3A_561 : vector<16xi1>, vector<16xi32>
        %broadcast_in_dim3A_569 = vector.shape_cast %select_n3A_568 : vector<16xi32> to vector<16x1xi32>
        %gather3A_570 = vector.shape_cast %broadcast_in_dim3A_569 : vector<16x1xi32> to vector<16xi32>
        %gather3A_571 = tpu.dynamic_gather %get3A_87[%gather3A_570] in [0] : vector<16xf32>, vector<16xi32> -> vector<16xf32>
        %add3A_572 = arith.constant 14 : i32
        %add3A_573 = arith.addi %multiple_of3A_86, %add3A_572 : i32
        %get3A_574 = arith.index_cast %add3A_573 : i32 to index
        %get3A_575 = arith.constant 0 : index
        %get3A_576 = tpu.vector_load %arg22[%get3A_574, %get3A_575] {strides = array<i32>} : memref<400x32xf32, #tpu.memory_space<vmem>>, vector<16xf32>,
        %mul3A_577 = arith.mulf %get3A_576, %gather3A_571 : vector<16xf32>
        %add3A_578 = arith.constant 14 : i32
        %add3A_579 = arith.addi %multiple_of3A_86, %add3A_578 : i32
        %swap3A_580 = arith.index_cast %add3A_579 : i32 to index
        %swap3A_581 = arith.constant 0 : index
        %swap3A_582 = tpu.vector_load %arg22[%swap3A_580, %swap3A_581] {strides = array<i32>} : memref<400x32xf32, #tpu.memory_space<vmem>>, vector<16xf32>,
        tpu.vector_store %arg22[%swap3A_580, %swap3A_581], %mul3A_577 {strides = array<i32>} : memref<400x32xf32, #tpu.memory_space<vmem>>, vector<16xf32>,
        %add3A_583 = arith.constant 14 : i32
        %add3A_584 = arith.addi %multiple_of3A_86, %add3A_583 : i32
        %get3A_585 = arith.index_cast %add3A_584 : i32 to index
        %get3A_586 = arith.constant 16 : index
        %get3A_587 = tpu.vector_load %arg22[%get3A_585, %get3A_586] {strides = array<i32>} : memref<400x32xf32, #tpu.memory_space<vmem>>, vector<16xf32>,
        %mul3A_588 = arith.mulf %get3A_587, %gather3A_571 : vector<16xf32>
        %add3A_589 = arith.constant 14 : i32
        %add3A_590 = arith.addi %multiple_of3A_86, %add3A_589 : i32
        %swap3A_591 = arith.index_cast %add3A_590 : i32 to index
        %swap3A_592 = arith.constant 16 : index
        %swap3A_593 = tpu.vector_load %arg22[%swap3A_591, %swap3A_592] {strides = array<i32>} : memref<400x32xf32, #tpu.memory_space<vmem>>, vector<16xf32>,
        tpu.vector_store %arg22[%swap3A_591, %swap3A_592], %mul3A_588 {strides = array<i32>} : memref<400x32xf32, #tpu.memory_space<vmem>>, vector<16xf32>,
        %broadcast_in_dim3A_594 = arith.constant 15 : i32
        %broadcast_in_dim3A_595 = vector.broadcast %broadcast_in_dim3A_594 : i32 to vector<16xi32>
        %lt3A_596 = arith.constant 0 : i32
        %lt3A_597 = vector.broadcast %lt3A_596 : i32 to vector<16xi32>
        %lt3A_598 = arith.cmpi slt, %broadcast_in_dim3A_595, %lt3A_597 : vector<16xi32>
        %add3A_599 = arith.constant 16 : i32
        %add3A_600 = vector.broadcast %add3A_599 : i32 to vector<16xi32>
        %add3A_601 = arith.addi %broadcast_in_dim3A_595, %add3A_600 : vector<16xi32>
        %select_n3A_602 = arith.select %lt3A_598, %add3A_601, %broadcast_in_dim3A_595 : vector<16xi1>, vector<16xi32>
        %broadcast_in_dim3A_603 = vector.shape_cast %select_n3A_602 : vector<16xi32> to vector<16x1xi32>
        %gather3A_604 = vector.shape_cast %broadcast_in_dim3A_603 : vector<16x1xi32> to vector<16xi32>
        %gather3A_605 = tpu.dynamic_gather %get3A_87[%gather3A_604] in [0] : vector<16xf32>, vector<16xi32> -> vector<16xf32>
        %add3A_606 = arith.constant 15 : i32
        %add3A_607 = arith.addi %multiple_of3A_86, %add3A_606 : i32
        %get3A_608 = arith.index_cast %add3A_607 : i32 to index
        %get3A_609 = arith.constant 0 : index
        %get3A_610 = tpu.vector_load %arg22[%get3A_608, %get3A_609] {strides = array<i32>} : memref<400x32xf32, #tpu.memory_space<vmem>>, vector<16xf32>,
        %mul3A_611 = arith.mulf %get3A_610, %gather3A_605 : vector<16xf32>
        %add3A_612 = arith.constant 15 : i32
        %add3A_613 = arith.addi %multiple_of3A_86, %add3A_612 : i32
        %swap3A_614 = arith.index_cast %add3A_613 : i32 to index
        %swap3A_615 = arith.constant 0 : index
        %swap3A_616 = tpu.vector_load %arg22[%swap3A_614, %swap3A_615] {strides = array<i32>} : memref<400x32xf32, #tpu.memory_space<vmem>>, vector<16xf32>,
        tpu.vector_store %arg22[%swap3A_614, %swap3A_615], %mul3A_611 {strides = array<i32>} : memref<400x32xf32, #tpu.memory_space<vmem>>, vector<16xf32>,
        %add3A_617 = arith.constant 15 : i32
        %add3A_618 = arith.addi %multiple_of3A_86, %add3A_617 : i32
        %get3A_619 = arith.index_cast %add3A_618 : i32 to index
        %get3A_620 = arith.constant 16 : index
        %get3A_621 = tpu.vector_load %arg22[%get3A_619, %get3A_620] {strides = array<i32>} : memref<400x32xf32, #tpu.memory_space<vmem>>, vector<16xf32>,
        %mul3A_622 = arith.mulf %get3A_621, %gather3A_605 : vector<16xf32>
        %add3A_623 = arith.constant 15 : i32
        %add3A_624 = arith.addi %multiple_of3A_86, %add3A_623 : i32
        %swap3A_625 = arith.index_cast %add3A_624 : i32 to index
        %swap3A_626 = arith.constant 16 : index
        %swap3A_627 = tpu.vector_load %arg22[%swap3A_625, %swap3A_626] {strides = array<i32>} : memref<400x32xf32, #tpu.memory_space<vmem>>, vector<16xf32>,
        tpu.vector_store %arg22[%swap3A_625, %swap3A_626], %mul3A_622 {strides = array<i32>} : memref<400x32xf32, #tpu.memory_space<vmem>>, vector<16xf32>,
      }
      %scan3A_78 = arith.constant 25 : i32
      "tpu.region"() ({
        %run_scoped3A = tpu.sem_alloc : memref<!tpu.dma_semaphore, #tpu.memory_space<semaphore_mem>>
        %dma_start3A = arith.constant 0 : i32
        %dma_start3A_79 = arith.constant 0 : i32
        %dma_start3A_80 = tpu.memref_slice %arg23[%dma_start3A, %dma_start3A_79] : memref<50048x32xf32, #tpu.memory_space<vmem_shared>> -> memref<50048x32xf32, #tpu.memory_space<vmem_shared>>
        tpu.enqueue_indirect_dma source(%arg22 : memref<400x32xf32, #tpu.memory_space<vmem>>) target(%dma_start3A_80 : memref<50048x32xf32, #tpu.memory_space<vmem_shared>>) offsets(%arg14 : memref<400xi32, #tpu.memory_space<vmem>>) semaphore(%run_scoped3A : memref<!tpu.dma_semaphore, #tpu.memory_space<semaphore_mem>>) {add = true}
        %dma_wait3A_81 = arith.constant 0 : i32
        %dma_wait3A_82 = arith.constant 0 : i32
        %dma_wait3A_83 = tpu.memref_slice %arg23[%dma_wait3A_81, %dma_wait3A_82] : memref<50048x32xf32, #tpu.memory_space<vmem_shared>> -> memref<50048x32xf32, #tpu.memory_space<vmem_shared>>
        tpu.wait_indirect_dma semaphore(%run_scoped3A : memref<!tpu.dma_semaphore, #tpu.memory_space<semaphore_mem>>) src(%arg22 : memref<400x32xf32, #tpu.memory_space<vmem>>) dst(%dma_wait3A_83 : memref<50048x32xf32, #tpu.memory_space<vmem_shared>>)
        tpu.yield
      }) : () -> ()
    }
    %scan3A_19 = arith.constant 64 : i32
    %barrier3A_20 = arith.constant 0 : index
    tpu.barrier barrier_id(%barrier3A_20)
    %eq3A_21 = arith.constant 0 : i32
    %eq3A_22 = arith.cmpi eq, %arg0, %eq3A_21 : i32
    %convert_element_type3A_23 = arith.extui %eq3A_22 : i1 to i32
    %cond3A_24 = arith.constant 0 : i32
    %cond3A_25 = arith.cmpi ne, %convert_element_type3A_23, %cond3A_24 : i32
    scf.if %cond3A_25 {
      "tpu.region"() ({
        %run_scoped3A = tpu.sem_alloc : memref<!tpu.dma_semaphore, #tpu.memory_space<semaphore_mem>>
        %dma_start3A = arith.constant 0 : i32
        %dma_start3A_31 = tpu.memref_slice %arg9[%multiple_of3A, %dma_start3A] : memref<50048x32xf32, #tpu.memory_space<hbm>> -> memref<3128x32xf32, #tpu.memory_space<hbm>>
        %dma_start3A_32 = arith.constant 0 : i32
        %dma_start3A_33 = tpu.memref_slice %arg23[%multiple_of3A, %dma_start3A_32] : memref<50048x32xf32, #tpu.memory_space<vmem_shared>> -> memref<3128x32xf32, #tpu.memory_space<vmem_shared>>
        tpu.enqueue_dma source(%dma_start3A_33 : memref<3128x32xf32, #tpu.memory_space<vmem_shared>>) target(%dma_start3A_31 : memref<3128x32xf32, #tpu.memory_space<hbm>>) target_semaphore(%run_scoped3A : memref<!tpu.dma_semaphore, #tpu.memory_space<semaphore_mem>>)
        %dma_wait3A = arith.constant 0 : i32
        %dma_wait3A_34 = tpu.memref_slice %arg9[%multiple_of3A, %dma_wait3A] : memref<50048x32xf32, #tpu.memory_space<hbm>> -> memref<3128x32xf32, #tpu.memory_space<hbm>>
        %dma_wait3A_35 = arith.constant 0 : i32
        %dma_wait3A_36 = tpu.memref_slice %arg23[%multiple_of3A, %dma_wait3A_35] : memref<50048x32xf32, #tpu.memory_space<vmem_shared>> -> memref<3128x32xf32, #tpu.memory_space<vmem_shared>>
        tpu.wait_dma2 semaphore(%run_scoped3A : memref<!tpu.dma_semaphore, #tpu.memory_space<semaphore_mem>>) src(%dma_wait3A_36 : memref<3128x32xf32, #tpu.memory_space<vmem_shared>>) dst(%dma_wait3A_34 : memref<3128x32xf32, #tpu.memory_space<hbm>>)
        tpu.yield
      }) : () -> ()
    } else {
    }
    %eq3A_26 = arith.constant 1 : i32
    %eq3A_27 = arith.cmpi eq, %arg0, %eq3A_26 : i32
    %convert_element_type3A_28 = arith.extui %eq3A_27 : i1 to i32
    %cond3A_29 = arith.constant 0 : i32
    %cond3A_30 = arith.cmpi ne, %convert_element_type3A_28, %cond3A_29 : i32
    scf.if %cond3A_30 {
      "tpu.region"() ({
        %run_scoped3A = tpu.sem_alloc : memref<!tpu.dma_semaphore, #tpu.memory_space<semaphore_mem>>
        %dma_start3A = arith.constant 0 : i32
        %dma_start3A_31 = tpu.memref_slice %arg10[%multiple_of3A, %dma_start3A] : memref<50048x32xf32, #tpu.memory_space<hbm>> -> memref<3128x32xf32, #tpu.memory_space<hbm>>
        %dma_start3A_32 = arith.constant 0 : i32
        %dma_start3A_33 = tpu.memref_slice %arg23[%multiple_of3A, %dma_start3A_32] : memref<50048x32xf32, #tpu.memory_space<vmem_shared>> -> memref<3128x32xf32, #tpu.memory_space<vmem_shared>>
        tpu.enqueue_dma source(%dma_start3A_33 : memref<3128x32xf32, #tpu.memory_space<vmem_shared>>) target(%dma_start3A_31 : memref<3128x32xf32, #tpu.memory_space<hbm>>) target_semaphore(%run_scoped3A : memref<!tpu.dma_semaphore, #tpu.memory_space<semaphore_mem>>)
        %dma_wait3A = arith.constant 0 : i32
        %dma_wait3A_34 = tpu.memref_slice %arg10[%multiple_of3A, %dma_wait3A] : memref<50048x32xf32, #tpu.memory_space<hbm>> -> memref<3128x32xf32, #tpu.memory_space<hbm>>
        %dma_wait3A_35 = arith.constant 0 : i32
        %dma_wait3A_36 = tpu.memref_slice %arg23[%multiple_of3A, %dma_wait3A_35] : memref<50048x32xf32, #tpu.memory_space<vmem_shared>> -> memref<3128x32xf32, #tpu.memory_space<vmem_shared>>
        tpu.wait_dma2 semaphore(%run_scoped3A : memref<!tpu.dma_semaphore, #tpu.memory_space<semaphore_mem>>) src(%dma_wait3A_36 : memref<3128x32xf32, #tpu.memory_space<vmem_shared>>) dst(%dma_wait3A_34 : memref<3128x32xf32, #tpu.memory_space<hbm>>)
        tpu.yield
      }) : () -> ()
    } else {
    }
    return
  }
}

module attributes {stable_mosaic.version = 14 : i64} {
  func.func @_recip_body(%arg0: memref<6256x128xf32, #tpu.memory_space<vmem>>, %arg1: memref<6256x128xf32, #tpu.memory_space<vmem>>, %arg2: memref<6256x128xf32, #tpu.memory_space<vmem>>) attributes {dimension_semantics = [], scalar_prefetch = 0 : i64, scratch_operands = 0 : i64, tpu.core_type = #tpu.core_type<tc>} {
    %get3A = arith.constant 0 : index
    %get3A_0 = arith.constant 0 : index
    %get3A_1 = vector.load %arg0[%get3A, %get3A_0] : memref<6256x128xf32, #tpu.memory_space<vmem>>, vector<6256x128xf32>
    %get3A_2 = arith.constant 0 : index
    %get3A_3 = arith.constant 0 : index
    %get3A_4 = vector.load %arg1[%get3A_2, %get3A_3] : memref<6256x128xf32, #tpu.memory_space<vmem>>, vector<6256x128xf32>
    %add3A = arith.addf %get3A_1, %get3A_4 : vector<6256x128xf32>
    %jit3A = arith.constant 1.000000e+00 : f32
    %max3A = vector.broadcast %jit3A : f32 to vector<6256x128xf32>
    %max3A_5 = arith.maximumf %max3A, %add3A : vector<6256x128xf32>
    %div3A = arith.constant 1.000000e+00 : f32
    %div3A_6 = vector.broadcast %div3A : f32 to vector<6256x128xf32>
    %div3A_7 = arith.divf %div3A_6, %max3A_5 : vector<6256x128xf32>
    %swap3A = arith.constant 0 : index
    %swap3A_8 = arith.constant 0 : index
    %swap3A_9 = vector.load %arg2[%swap3A, %swap3A_8] : memref<6256x128xf32, #tpu.memory_space<vmem>>, vector<6256x128xf32>
    tpu.vector_store %arg2[%swap3A, %swap3A_8], %div3A_7 {strides = array<i32>} : memref<6256x128xf32, #tpu.memory_space<vmem>>, vector<6256x128xf32>,
    return
  }
}

module attributes {stable_mosaic.version = 14 : i64} {
  func.func @_xt2_body(%arg0: i32, %arg1: i32, %arg2: memref<2000x64xf32, #tpu.memory_space<vmem>>, %arg3: memref<1x64x64xf32, #tpu.memory_space<vmem>>, %arg4: memref<2000x32xf32, #tpu.memory_space<vmem>>, %arg5: memref<2000x32xf32, #tpu.memory_space<vmem>>) attributes {dimension_semantics = [#tpu.dimension_semantics<arbitrary>, #tpu.dimension_semantics<arbitrary>], iteration_bounds = array<i64: 8, 25>, scalar_prefetch = 0 : i64, scratch_operands = 0 : i64, tpu.core_type = #tpu.core_type<tc>, window_params = [{transform_indices = @transform_0, window_bounds = array<i64: 2000, 64>}, {transform_indices = @transform_1, window_bounds = array<i64: 1, 64, 64>}, {transform_indices = @transform_2, window_bounds = array<i64: 2000, 32>}, {transform_indices = @transform_3, window_bounds = array<i64: 2000, 32>}]} {
    %get3A = arith.constant 0 : index
    %get3A_0 = arith.constant 0 : index
    %get3A_1 = vector.load %arg2[%get3A, %get3A_0] : memref<2000x64xf32, #tpu.memory_space<vmem>>, vector<2000x64xf32>
    %get3A_2 = arith.constant 0 : index
    %get3A_3 = arith.constant 0 : index
    %get3A_4 = arith.constant 0 : index
    %get3A_5 = vector.load %arg3[%get3A_2, %get3A_3, %get3A_4] : memref<1x64x64xf32, #tpu.memory_space<vmem>>, vector<1x64x64xf32>
    %get3A_6 = vector.shape_cast %get3A_5 : vector<1x64x64xf32> to vector<64x64xf32>
    %dot_general3A = arith.constant dense<0.000000e+00> : vector<2000x64xf32>
    %dot_general3A_7 = tpu.matmul %get3A_1, %get3A_6, %dot_general3A {dimension_numbers = #tpu.dot_dimension_numbers<[1], [0], [0], [1], [0, 0, 1, 1], [], []>, transpose_lhs_hint = false} : vector<2000x64xf32>, vector<64x64xf32>, vector<2000x64xf32> -> vector<2000x64xf32>
    %slice3A = vector.extract_strided_slice %dot_general3A_7 {offsets = [0, 0], sizes = [2000, 32], strides = [1, 1]} : vector<2000x64xf32> to vector<2000x32xf32>
    %swap3A = arith.constant 0 : index
    %swap3A_8 = arith.constant 0 : index
    %swap3A_9 = vector.load %arg4[%swap3A, %swap3A_8] : memref<2000x32xf32, #tpu.memory_space<vmem>>, vector<2000x32xf32>
    tpu.vector_store %arg4[%swap3A, %swap3A_8], %slice3A {strides = array<i32>} : memref<2000x32xf32, #tpu.memory_space<vmem>>, vector<2000x32xf32>,
    %slice3A_10 = vector.extract_strided_slice %dot_general3A_7 {offsets = [0, 32], sizes = [2000, 32], strides = [1, 1]} : vector<2000x64xf32> to vector<2000x32xf32>
    %swap3A_11 = arith.constant 0 : index
    %swap3A_12 = arith.constant 0 : index
    %swap3A_13 = vector.load %arg5[%swap3A_11, %swap3A_12] : memref<2000x32xf32, #tpu.memory_space<vmem>>, vector<2000x32xf32>
    tpu.vector_store %arg5[%swap3A_11, %swap3A_12], %slice3A_10 {strides = array<i32>} : memref<2000x32xf32, #tpu.memory_space<vmem>>, vector<2000x32xf32>,
    return
  }
  func.func @transform_0(%arg0: i32, %arg1: i32) -> (i32, i32) {
    %c0_i32 = arith.constant 0 : i32
    %c0_i32_0 = arith.constant 0 : i32
    return %arg1, %c0_i32 : i32, i32
  }
  func.func @transform_1(%arg0: i32, %arg1: i32) -> (i32, i32, i32) {
    %c0_i32 = arith.constant 0 : i32
    %c0_i32_0 = arith.constant 0 : i32
    %c0_i32_1 = arith.constant 0 : i32
    return %arg0, %c0_i32, %c0_i32_0 : i32, i32, i32
  }
  func.func @transform_2(%arg0: i32, %arg1: i32) -> (i32, i32) {
    %mul3A = arith.constant 25 : i32
    %mul3A_0 = arith.muli %arg0, %mul3A : i32
    %add3A = arith.addi %mul3A_0, %arg1 : i32
    %c0_i32 = arith.constant 0 : i32
    %c0_i32_1 = arith.constant 0 : i32
    return %add3A, %c0_i32 : i32, i32
  }
  func.func @transform_3(%arg0: i32, %arg1: i32) -> (i32, i32) {
    %mul3A = arith.constant 25 : i32
    %mul3A_0 = arith.muli %arg0, %mul3A : i32
    %add3A = arith.addi %mul3A_0, %arg1 : i32
    %c0_i32 = arith.constant 0 : i32
    %c0_i32_1 = arith.constant 0 : i32
    return %add3A, %c0_i32 : i32, i32
  }
}

module attributes {stable_mosaic.version = 14 : i64} {
  func.func @_dense_body(%arg0: i32, %arg1: memref<2000x64xf32, #tpu.memory_space<vmem>>, %arg2: memref<64x64xf32, #tpu.memory_space<vmem>>, %arg3: memref<1x64xf32, #tpu.memory_space<vmem>>, %arg4: memref<2000x32xf32, #tpu.memory_space<vmem>>, %arg5: memref<2000x32xf32, #tpu.memory_space<vmem>>, %arg6: memref<2000x64xf32, #tpu.memory_space<vmem>>) attributes {dimension_semantics = [#tpu.dimension_semantics<arbitrary>], iteration_bounds = array<i64: 25>, scalar_prefetch = 0 : i64, scratch_operands = 0 : i64, tpu.core_type = #tpu.core_type<tc>, window_params = [{transform_indices = @transform_0, window_bounds = array<i64: 2000, 64>}, {pipeline_mode = #tpu.pipeline_mode<synchronous>, transform_indices = @transform_1, window_bounds = array<i64: 64, 64>}, {pipeline_mode = #tpu.pipeline_mode<synchronous>, transform_indices = @transform_2, window_bounds = array<i64: 1, 64>}, {transform_indices = @transform_3, window_bounds = array<i64: 2000, 32>}, {transform_indices = @transform_4, window_bounds = array<i64: 2000, 32>}, {transform_indices = @transform_5, window_bounds = array<i64: 2000, 64>}]} {
    %get3A = arith.constant 0 : index
    %get3A_0 = arith.constant 0 : index
    %get3A_1 = vector.load %arg1[%get3A, %get3A_0] : memref<2000x64xf32, #tpu.memory_space<vmem>>, vector<2000x64xf32>
    %get3A_2 = arith.constant 0 : index
    %get3A_3 = arith.constant 0 : index
    %get3A_4 = vector.load %arg2[%get3A_2, %get3A_3] : memref<64x64xf32, #tpu.memory_space<vmem>>, vector<64x64xf32>
    %dot_general3A = arith.constant dense<0.000000e+00> : vector<2000x64xf32>
    %dot_general3A_5 = tpu.matmul %get3A_1, %get3A_4, %dot_general3A {dimension_numbers = #tpu.dot_dimension_numbers<[1], [0], [0], [1], [0, 0, 1, 1], [], []>, transpose_lhs_hint = false} : vector<2000x64xf32>, vector<64x64xf32>, vector<2000x64xf32> -> vector<2000x64xf32>
    %get3A_6 = arith.constant 0 : index
    %get3A_7 = arith.constant 0 : index
    %get3A_8 = vector.load %arg3[%get3A_6, %get3A_7] : memref<1x64xf32, #tpu.memory_space<vmem>>, vector<1x64xf32>
    %add3A = vector.broadcast %get3A_8 : vector<1x64xf32> to vector<2000x64xf32>
    %add3A_9 = arith.addf %dot_general3A_5, %add3A : vector<2000x64xf32>
    %get3A_10 = arith.constant 0 : index
    %get3A_11 = arith.constant 0 : index
    %get3A_12 = vector.load %arg4[%get3A_10, %get3A_11] : memref<2000x32xf32, #tpu.memory_space<vmem>>, vector<2000x32xf32>
    %get3A_13 = arith.constant 0 : index
    %get3A_14 = arith.constant 0 : index
    %get3A_15 = vector.load %arg5[%get3A_13, %get3A_14] : memref<2000x32xf32, #tpu.memory_space<vmem>>, vector<2000x32xf32>
    %concatenate3A = tpu.concatenate %get3A_12, %get3A_15 in 1 : vector<2000x32xf32>, vector<2000x32xf32> -> vector<2000x64xf32>
    %add3A_16 = arith.addf %add3A_9, %concatenate3A : vector<2000x64xf32>
    %max3A = arith.constant 0.000000e+00 : f32
    %max3A_17 = vector.broadcast %max3A : f32 to vector<2000x64xf32>
    %max3A_18 = arith.maximumf %add3A_16, %max3A_17 : vector<2000x64xf32>
    %swap3A = arith.constant 0 : index
    %swap3A_19 = arith.constant 0 : index
    %swap3A_20 = vector.load %arg6[%swap3A, %swap3A_19] : memref<2000x64xf32, #tpu.memory_space<vmem>>, vector<2000x64xf32>
    tpu.vector_store %arg6[%swap3A, %swap3A_19], %max3A_18 {strides = array<i32>} : memref<2000x64xf32, #tpu.memory_space<vmem>>, vector<2000x64xf32>,
    return
  }
  func.func @transform_0(%arg0: i32) -> (i32, i32) {
    %c0_i32 = arith.constant 0 : i32
    %c0_i32_0 = arith.constant 0 : i32
    return %arg0, %c0_i32 : i32, i32
  }
  func.func @transform_1(%arg0: i32) -> (i32, i32) {
    %c0_i32 = arith.constant 0 : i32
    %c0_i32_0 = arith.constant 0 : i32
    %c0_i32_1 = arith.constant 0 : i32
    return %c0_i32, %c0_i32_0 : i32, i32
  }
  func.func @transform_2(%arg0: i32) -> (i32, i32) {
    %c0_i32 = arith.constant 0 : i32
    %c0_i32_0 = arith.constant 0 : i32
    %c0_i32_1 = arith.constant 0 : i32
    return %c0_i32, %c0_i32_0 : i32, i32
  }
  func.func @transform_3(%arg0: i32) -> (i32, i32) {
    %c0_i32 = arith.constant 0 : i32
    %c0_i32_0 = arith.constant 0 : i32
    return %arg0, %c0_i32 : i32, i32
  }
  func.func @transform_4(%arg0: i32) -> (i32, i32) {
    %c0_i32 = arith.constant 0 : i32
    %c0_i32_0 = arith.constant 0 : i32
    return %arg0, %c0_i32 : i32, i32
  }
  func.func @transform_5(%arg0: i32) -> (i32, i32) {
    %c0_i32 = arith.constant 0 : i32
    %c0_i32_0 = arith.constant 0 : i32
    return %arg0, %c0_i32 : i32, i32
  }
}

module attributes {stable_mosaic.version = 14 : i64} {
  func.func @_xt1_body(%arg0: i32, %arg1: i32, %arg2: memref<2000x64xf32, #tpu.memory_space<vmem>>, %arg3: memref<1x64x32xf32, #tpu.memory_space<vmem>>, %arg4: memref<2000x32xf32, #tpu.memory_space<vmem>>) attributes {dimension_semantics = [#tpu.dimension_semantics<arbitrary>, #tpu.dimension_semantics<arbitrary>], iteration_bounds = array<i64: 8, 25>, scalar_prefetch = 0 : i64, scratch_operands = 0 : i64, tpu.core_type = #tpu.core_type<tc>, window_params = [{transform_indices = @transform_0, window_bounds = array<i64: 2000, 64>}, {transform_indices = @transform_1, window_bounds = array<i64: 1, 64, 32>}, {transform_indices = @transform_2, window_bounds = array<i64: 2000, 32>}]} {
    %get3A = arith.constant 0 : index
    %get3A_0 = arith.constant 0 : index
    %get3A_1 = vector.load %arg2[%get3A, %get3A_0] : memref<2000x64xf32, #tpu.memory_space<vmem>>, vector<2000x64xf32>
    %get3A_2 = arith.constant 0 : index
    %get3A_3 = arith.constant 0 : index
    %get3A_4 = arith.constant 0 : index
    %get3A_5 = vector.load %arg3[%get3A_2, %get3A_3, %get3A_4] : memref<1x64x32xf32, #tpu.memory_space<vmem>>, vector<1x64x32xf32>
    %get3A_6 = vector.shape_cast %get3A_5 : vector<1x64x32xf32> to vector<64x32xf32>
    %dot_general3A = arith.constant dense<0.000000e+00> : vector<2000x32xf32>
    %dot_general3A_7 = tpu.matmul %get3A_1, %get3A_6, %dot_general3A {dimension_numbers = #tpu.dot_dimension_numbers<[1], [0], [0], [1], [0, 0, 1, 1], [], []>, transpose_lhs_hint = false} : vector<2000x64xf32>, vector<64x32xf32>, vector<2000x32xf32> -> vector<2000x32xf32>
    %swap3A = arith.constant 0 : index
    %swap3A_8 = arith.constant 0 : index
    %swap3A_9 = vector.load %arg4[%swap3A, %swap3A_8] : memref<2000x32xf32, #tpu.memory_space<vmem>>, vector<2000x32xf32>
    tpu.vector_store %arg4[%swap3A, %swap3A_8], %dot_general3A_7 {strides = array<i32>} : memref<2000x32xf32, #tpu.memory_space<vmem>>, vector<2000x32xf32>,
    return
  }
  func.func @transform_0(%arg0: i32, %arg1: i32) -> (i32, i32) {
    %c0_i32 = arith.constant 0 : i32
    %c0_i32_0 = arith.constant 0 : i32
    return %arg1, %c0_i32 : i32, i32
  }
  func.func @transform_1(%arg0: i32, %arg1: i32) -> (i32, i32, i32) {
    %c0_i32 = arith.constant 0 : i32
    %c0_i32_0 = arith.constant 0 : i32
    %c0_i32_1 = arith.constant 0 : i32
    return %arg0, %c0_i32, %c0_i32_0 : i32, i32, i32
  }
  func.func @transform_2(%arg0: i32, %arg1: i32) -> (i32, i32) {
    %mul3A = arith.constant 25 : i32
    %mul3A_0 = arith.muli %arg0, %mul3A : i32
    %add3A = arith.addi %mul3A_0, %arg1 : i32
    %c0_i32 = arith.constant 0 : i32
    %c0_i32_1 = arith.constant 0 : i32
    return %add3A, %c0_i32 : i32, i32
  }
}

module attributes {stable_mosaic.version = 14 : i64} {
  func.func @_dense_body(%arg0: i32, %arg1: memref<2000x64xf32, #tpu.memory_space<vmem>>, %arg2: memref<64x32xf32, #tpu.memory_space<vmem>>, %arg3: memref<1x32xf32, #tpu.memory_space<vmem>>, %arg4: memref<2000x32xf32, #tpu.memory_space<vmem>>, %arg5: memref<2000x32xf32, #tpu.memory_space<vmem>>, %arg6: memref<2000x32xf32, #tpu.memory_space<vmem>>) attributes {dimension_semantics = [#tpu.dimension_semantics<arbitrary>], iteration_bounds = array<i64: 25>, scalar_prefetch = 0 : i64, scratch_operands = 0 : i64, tpu.core_type = #tpu.core_type<tc>, window_params = [{transform_indices = @transform_0, window_bounds = array<i64: 2000, 64>}, {pipeline_mode = #tpu.pipeline_mode<synchronous>, transform_indices = @transform_1, window_bounds = array<i64: 64, 32>}, {pipeline_mode = #tpu.pipeline_mode<synchronous>, transform_indices = @transform_2, window_bounds = array<i64: 1, 32>}, {transform_indices = @transform_3, window_bounds = array<i64: 2000, 32>}, {transform_indices = @transform_4, window_bounds = array<i64: 2000, 32>}, {transform_indices = @transform_5, window_bounds = array<i64: 2000, 32>}]} {
    %get3A = arith.constant 0 : index
    %get3A_0 = arith.constant 0 : index
    %get3A_1 = vector.load %arg1[%get3A, %get3A_0] : memref<2000x64xf32, #tpu.memory_space<vmem>>, vector<2000x64xf32>
    %get3A_2 = arith.constant 0 : index
    %get3A_3 = arith.constant 0 : index
    %get3A_4 = vector.load %arg2[%get3A_2, %get3A_3] : memref<64x32xf32, #tpu.memory_space<vmem>>, vector<64x32xf32>
    %dot_general3A = arith.constant dense<0.000000e+00> : vector<2000x32xf32>
    %dot_general3A_5 = tpu.matmul %get3A_1, %get3A_4, %dot_general3A {dimension_numbers = #tpu.dot_dimension_numbers<[1], [0], [0], [1], [0, 0, 1, 1], [], []>, transpose_lhs_hint = false} : vector<2000x64xf32>, vector<64x32xf32>, vector<2000x32xf32> -> vector<2000x32xf32>
    %get3A_6 = arith.constant 0 : index
    %get3A_7 = arith.constant 0 : index
    %get3A_8 = vector.load %arg3[%get3A_6, %get3A_7] : memref<1x32xf32, #tpu.memory_space<vmem>>, vector<1x32xf32>
    %add3A = vector.broadcast %get3A_8 : vector<1x32xf32> to vector<2000x32xf32>
    %add3A_9 = arith.addf %dot_general3A_5, %add3A : vector<2000x32xf32>
    %get3A_10 = arith.constant 0 : index
    %get3A_11 = arith.constant 0 : index
    %get3A_12 = vector.load %arg4[%get3A_10, %get3A_11] : memref<2000x32xf32, #tpu.memory_space<vmem>>, vector<2000x32xf32>
    %add3A_13 = arith.addf %add3A_9, %get3A_12 : vector<2000x32xf32>
    %get3A_14 = arith.constant 0 : index
    %get3A_15 = arith.constant 0 : index
    %get3A_16 = vector.load %arg5[%get3A_14, %get3A_15] : memref<2000x32xf32, #tpu.memory_space<vmem>>, vector<2000x32xf32>
    %add3A_17 = arith.addf %add3A_13, %get3A_16 : vector<2000x32xf32>
    %logistic3A = arith.negf %add3A_17 : vector<2000x32xf32>
    %logistic3A_18 = math.exp %logistic3A : vector<2000x32xf32>
    %logistic3A_19 = arith.constant 1.000000e+00 : f32
    %logistic3A_20 = vector.broadcast %logistic3A_19 : f32 to vector<2000x32xf32>
    %logistic3A_21 = arith.addf %logistic3A_20, %logistic3A_18 : vector<2000x32xf32>
    %logistic3A_22 = arith.divf %logistic3A_20, %logistic3A_21 : vector<2000x32xf32>
    %swap3A = arith.constant 0 : index
    %swap3A_23 = arith.constant 0 : index
    %swap3A_24 = vector.load %arg6[%swap3A, %swap3A_23] : memref<2000x32xf32, #tpu.memory_space<vmem>>, vector<2000x32xf32>
    tpu.vector_store %arg6[%swap3A, %swap3A_23], %logistic3A_22 {strides = array<i32>} : memref<2000x32xf32, #tpu.memory_space<vmem>>, vector<2000x32xf32>,
    return
  }
  func.func @transform_0(%arg0: i32) -> (i32, i32) {
    %c0_i32 = arith.constant 0 : i32
    %c0_i32_0 = arith.constant 0 : i32
    return %arg0, %c0_i32 : i32, i32
  }
  func.func @transform_1(%arg0: i32) -> (i32, i32) {
    %c0_i32 = arith.constant 0 : i32
    %c0_i32_0 = arith.constant 0 : i32
    %c0_i32_1 = arith.constant 0 : i32
    return %c0_i32, %c0_i32_0 : i32, i32
  }
  func.func @transform_2(%arg0: i32) -> (i32, i32) {
    %c0_i32 = arith.constant 0 : i32
    %c0_i32_0 = arith.constant 0 : i32
    %c0_i32_1 = arith.constant 0 : i32
    return %c0_i32, %c0_i32_0 : i32, i32
  }
  func.func @transform_3(%arg0: i32) -> (i32, i32) {
    %c0_i32 = arith.constant 0 : i32
    %c0_i32_0 = arith.constant 0 : i32
    return %arg0, %c0_i32 : i32, i32
  }
  func.func @transform_4(%arg0: i32) -> (i32, i32) {
    %c0_i32 = arith.constant 0 : i32
    %c0_i32_0 = arith.constant 0 : i32
    return %arg0, %c0_i32 : i32, i32
  }
  func.func @transform_5(%arg0: i32) -> (i32, i32) {
    %c0_i32 = arith.constant 0 : i32
    %c0_i32_0 = arith.constant 0 : i32
    return %arg0, %c0_i32 : i32, i32
  }
}

</mosaic_0001>

<sc_bundles>
// kernel: kernel.11.cloned.1.call-start
scs
__scs_entry_jumppad:
0x0: {  	(pc) =	sbr.rel $0x88, $3  }
0x1: {  	(tag) =	ssettag $0x0;
	lr =	simm.s32 $0x1  }
0x2: {  	[smem:$0x3F98] =	sst lr;
	_ =	strace $0xD0000000  }
0x3: {  	_ = 	snop  }
0x4: {  	_ = 	snop  }
0x5: {  	_ = 	snop  }
0x6: {  	_ = 	snop  }
0x7: {  	_ = 	snop  }
__scs_overlays_trampoline_lowered:
0x8: {  	[smem:$0x3FA7] =	sst s0  }
0x9: {  	[smem:$0x3FA8] =	sst s1  }
0xa: {  	[smem:$0x3FA9] =	sst s2  }
0xb: {  	[smem:$0x3FAA] =	sst s3  }
0xc: {  	[smem:$0x3FAB] =	sst s4  }
0xd: {  	[smem:$0x3FAC] =	sst s5  }
0xe: {  	[smem:$0x3FAD] =	sst s6  }
0xf: {  	[smem:$0x3FAE] =	sst s7  }
0x10: {  	[smem:$0x3FAF] =	sst s8  }
0x11: {  	[smem:$0x3FB0] =	sst s9;
	s0 =	simm.s32 @!p0 $0x0  }
0x12: {  	s1 =	sld [smem:$0x3F96];
	s0 =	simm.s32 @p0 $0x1  }
0x13: {  	[smem:$0x3FB1] =	sst s0;
	s0 =	simm.s32 @!p1 $0x0  }
0x14: {  	s2 =	sld [smem:$0x3F95];
	s0 =	simm.s32 @p1 $0x1  }
0x15: {  	[smem:$0x3FB2] =	sst s0;
	s0 =	simm.s32 @!p2 $0x0  }
0x16: {  	s3 =	sld [smem:$0x3FDB];
	s0 =	simm.s32 @p2 $0x1  }
0x17: {  	s4 =	simm.s32 $0x1BF5;
	[smem:$0x3FB4] =	sst s0  }
0x18: {  	s0 =	sld [smem:$0x3F97];
	_ =	swait.ge [sflag:s4], $0x0  }
0x19: {  	s7 =	sld [smem:$0x3F98]  }
0x1a: {  	s8 =	sadd.s32 $0xFFFFE003, lr  }
0x1b: {  	s9 =	sadd.s32 $0xFFFFFEF7, lr;
	s5 =	simm.s32 $0xFFFFFFFF;
	p2 =	slt.u32 s8, $0xFFFFF086  }
0x1c: {  	p1 =	slt.u32 s9, $0xF7A;
	s5 =	simm.s32 @!p2 $0x0  }
0x1d: {  	s5 =	simm.s32 @p1 $0x1;
	p0 =	seq.s32 s7, s2  }
0x1e: {  	s7 =	smul.u32 @!p0 $0xF7A, s2;
	p2 =	seq.s32 @!p0 s5, $0x0  }
0x1f: {  	s9 =	smul.u32 $0xF7A, s1;
	s8 =	simm.s32 @!p0 $0x1BF5;
	p2 =	por !p2, p0  }
0x20: {  	[sflag:s8] =	ssyncset.s32 @!p0 $0xFFFFF086;
	s6 =	sadd.s32 @!p0 s3, s7;
	s7 =	simm.s32 @!p0 $0x108  }
0x21: {  	s3 =	sadd.s32 s3, s9;
	s6 =	sadd.s32 @!p0 $0x88, s6;
	s7 =	simm.s32 @p2 $0x1082  }
0x22: {  	[simem:s7], [sflag:s8] =	dma.local @!p0 [hbm:s6], $0xF7A  }
0x23: {  	s9 =	sor.u32 $0xD0000000, s2;
	s6 =	simm.s32 $0x108;
	_ =	swait.ge @!p0 [sflag:s8], $0x0  }
0x24: {  	s3 =	sadd.s32 $0x88, s3;
	s6 =	simm.s32 @!p1 $0x1082;
	[sflag:s4] =	ssyncset.s32 $0xFFFFF086  }
0x25: {  	[simem:s6], [sflag:s4] =	dma.local [hbm:s3], $0xF7A  }
0x26: {  	[smem:$0x3F98] =	sst s1;
	(tag) =	ssettag s2;
	_ =	strace s9  }
0x27: {  	s1 =	sld [smem:$0x3FA8]  }
0x28: {  	s2 =	sld [smem:$0x3FA9]  }
0x29: {  	s4 =	sld [smem:$0x3FAB]  }
0x2a: {  	p0 =	seq.s32 s5, $0x0;
	s5 =	sld [smem:$0x3FAC]  }
0x2b: {  	s6 =	sld [smem:$0x3FAD]  }
0x2c: {  	s7 =	sld [smem:$0x3FAE]  }
0x2d: {  	s3 =	simm.s32 $0x108;
	s8 =	sld [smem:$0x3FAF]  }
0x2e: {  	s3 =	simm.s32 @!p0 $0x1082;
	s9 =	sld [smem:$0x3FB0]  }
0x2f: {  	lr =	sadd.s32 s0, s3;
	s0 =	sld [smem:$0x3FA7]  }
0x30: {  	s3 =	sld [smem:$0x3FAA]  }
0x31: {  	[smem:$0x3FB3] =	sst s10  }
0x32: {  	s10 =	sld [smem:$0x3FB1];
	_ =	sdelay $0x3  }
0x33: {  	p0 =	seq.s32 s10, $0x1;
	s10 =	sld [smem:$0x3FB3];
	_ =	sdelay $0x3  }
0x34: {  	[smem:$0x3FB3] =	sst s10  }
0x35: {  	s10 =	sld [smem:$0x3FB2];
	_ =	sdelay $0x3  }
0x36: {  	p1 =	seq.s32 s10, $0x1;
	s10 =	sld [smem:$0x3FB3];
	_ =	sdelay $0x3  }
0x37: {  	[smem:$0x3FB3] =	sst s10  }
0x38: {  	s10 =	sld [smem:$0x3FB4]  }
0x39: {  	_ = 	snop;
	(pc) =	sbr.ind lr, $3  }
0x3a: {  	_ = 	snop  }
0x3b: {  	_ = 	snop  }
0x3c: {  	p2 =	seq.s32 s10, $0x1;
	s10 =	sld [smem:$0x3FB3]  }
0x3d: {  	_ =	shalt  }
0x3e: {  	_ =	shalt  }
0x3f: {  	_ =	shalt  }
0x40: {  	_ =	shalt  }
0x41: {  	_ =	shalt  }
0x42: {  	_ =	shalt  }
0x43: {  	_ =	shalt  }
0x44: {  	_ =	shalt  }
0x45: {  	_ =	shalt  }
0x46: {  	_ =	shalt  }
0x47: {  	_ =	shalt  }
0x48: {  	_ =	shalt  }
0x49: {  	_ =	shalt  }
0x4a: {  	_ =	shalt  }
0x4b: {  	_ =	shalt  }
0x4c: {  	_ =	shalt  }
0x4d: {  	_ =	shalt  }
0x4e: {  	_ =	shalt  }
0x4f: {  	_ =	shalt  }
0x50: {  	_ =	shalt  }
0x51: {  	_ =	shalt  }
0x52: {  	_ =	shalt  }
0x53: {  	_ =	shalt  }
0x54: {  	_ =	shalt  }
0x55: {  	_ =	shalt  }
0x56: {  	_ =	shalt  }
0x57: {  	_ =	shalt  }
0x58: {  	_ =	shalt  }
0x59: {  	_ =	shalt  }
0x5a: {  	_ =	shalt  }
0x5b: {  	_ =	shalt  }
0x5c: {  	_ =	shalt  }
0x5d: {  	_ =	shalt  }
0x5e: {  	_ =	shalt  }
0x5f: {  	_ =	shalt  }
0x60: {  	_ =	shalt  }
0x61: {  	_ =	shalt  }
0x62: {  	_ =	shalt  }
0x63: {  	_ =	shalt  }
0x64: {  	_ =	shalt  }
0x65: {  	_ =	shalt  }
0x66: {  	_ =	shalt  }
0x67: {  	_ =	shalt  }
0x68: {  	_ =	shalt  }
0x69: {  	_ =	shalt  }
0x6a: {  	_ =	shalt  }
0x6b: {  	_ =	shalt  }
0x6c: {  	_ =	shalt  }
0x6d: {  	_ =	shalt  }
0x6e: {  	_ =	shalt  }
0x6f: {  	_ =	shalt  }
0x70: {  	_ =	shalt  }
0x71: {  	_ =	shalt  }
0x72: {  	_ =	shalt  }
0x73: {  	_ =	shalt  }
0x74: {  	_ =	shalt  }
0x75: {  	_ =	shalt  }
0x76: {  	_ =	shalt  }
0x77: {  	_ =	shalt  }
0x78: {  	_ =	shalt  }
0x79: {  	_ =	shalt  }
0x7a: {  	_ =	shalt  }
0x7b: {  	_ =	shalt  }
0x7c: {  	_ =	shalt  }
0x7d: {  	_ =	shalt  }
0x7e: {  	_ =	shalt  }
0x7f: {  	_ =	shalt  }
0x80: {  	_ =	shalt  }
0x81: {  	_ =	shalt  }
0x82: {  	_ =	shalt  }
0x83: {  	_ =	shalt  }
0x84: {  	_ =	shalt  }
0x85: {  	_ =	shalt  }
0x86: {  	_ =	shalt  }
0x87: {  	_ =	shalt  }
.Lfunc_end0:
.L_simem_size_0:
called_computation_lowered:
.L_overlay_start_0:
0x88: {  	s2 =	sld [smem:$0x3FD9]  }
0x89: {  	s3 =	sld [smem:$0x3FFE];
	_ =	sdelay $0x1  }
0x8a: {  	s1 =	srdreg.scid  }
0x8b: {  	s0 =	sand.u32 $0x1, s1  }
0x8c: {  	s17 =	sshll.u32 s0, $0xA;
	s2 =	sadd.s32 s3, s2  }
0x8d: {  	s2 =	sadd.s32 s2, s17  }
0x8e: {  	[smem:$0x3FBF] =	sst s2  }
0x8f: {  	_ = 	snop  }
0x90: {  	s2 =	sld [smem:$0x3FD0];
	(tm) =	ssettm $0x1  }
0x91: {  	s18 =	sld [smem:$0x3FFB];
	_ =	sdelay $0x3  }
0x92: {  	_ =	strace s18  }
0x93: {  	s3 =	sld [smem:$0x3FFC];
	_ =	sdelay $0x3  }
0x94: {  	_ =	strace s3  }
0x95: {  	s3 =	sld [smem:$0x3FFD];
	_ =	sdelay $0x3  }
0x96: {  	_ =	strace s3  }
0x97: {  	_ =	strace $0x8FFFFFFF  }
0x98: {  	s19 =	sld [smem:$0x3FDB];
	_ =	sdelay $0x1  }
0x99: {  	s4 =	simm.s32 $_scs_section_size  }
0x9a: {  	s5 =	simm.s32 $_size__tile_overlayer_lowered;
	s6 =	simm.s32 $_tile_overlayer_lowered  }
0x9b: {  	s22 =	simm.s32 $0x1BFF;
	s21 =	sshll.u32 s6, $0x1;
	s3 =	sadd.s32 s4, s19  }
0x9c: {  	s7 =	simm.s32 $0x0;
	s20 =	sshll.u32 s5, $0x1;
	s5 =	sadd.s32 s21, s3  }
0x9d: {  	[timem:s7], [sflag:s22] =	dma.local [hbm:s5], s20  }
0x9e: {  	_ =	swait.ge [sflag:s22], s20  }
0x9f: {  	s4 =	ssub.s32 $0x0, s20;
	[sflag:s22] =	ssyncset.done $0x0  }
0xa0: {  	[sflag:s22] =	ssyncadd.s32 s4;
	_ =	sdelay $0x1  }
0xa1: {  	s23 =	simm.s32 $0x1B8B  }
0xa2: {  	_ =	swait.ge [sflag:s23], $0x1  }
0xa3: {  	[sflag:s23] =	ssyncset.done $0x0  }
0xa4: {  	s25 =	simm.s32 $0x1B8E;
	s24 =	sld [smem:$0x3FFE];
	[sflag:s23] =	ssyncadd.s32 $0xFFFFFFFF  }
0xa5: {  	s26 =	simm.s32 $execute0_lowered;
	[smem:$0x3FD2] =	sst s25  }
0xa6: {  	s5 =	sshll.u32 s26, $0x1;
	_ =	strace $0x80000046;
	[dreg:$0x1] =	wrdreg $0xFFFFFFFF  }
0xa7: {  	s28 =	simm.s32 $_size_execute0_lowered;
	s3 =	sadd.s32 s3, s5;
	[dreg:$0x0] =	wrdreg $0x0  }
0xa8: {  	s5 =	sshll.u32 s28, $0x1;
	[dreg:$0x2] =	wrdreg s3  }
0xa9: {  	[dreg:$0x3] =	wrdreg s5  }
0xaa: {  	[dreg:$0x4] =	wrdreg $0xC0  }
0xab: {  	_ =	task [dreg:s7], $0x5FFFF  }
0xac: {  	[dreg:$0x1] =	wrdreg $0xFFFFFFFF  }
0xad: {  	[dreg:$0x0] =	wrdreg $0x60  }
0xae: {  	[dreg:$0x2] =	wrdreg s24  }
0xaf: {  	[dreg:$0x3] =	wrdreg s2  }
0xb0: {  	[dreg:$0x4] =	wrdreg $0x1C200  }
0xb1: {  	[dreg:$0x5] =	wrdreg $0x9  }
0xb2: {  	_ =	task.clear_ibuf [dreg:s7], $0x6FFFF;
	_ =	strace $0x90000046  }
0xb3: {  	s29 =	simm.s32 $0x9;
	_ =	strace $0x80000048  }
0xb4: {  	_ =	swait.ge [sflag:s29], $0x1  }
0xb5: {  	[sflag:s29] =	ssyncadd.s32 $0xFFFFFFFF  }
0xb6: {  	_ =	strace $0x90000048  }
0xb7: {  	_ =	sfence  }
0xb8: {  	s30 =	sld [smem:$0x0];
	_ =	sdelay $0x2  }
0xb9: {  	s31 =	sshll.u32 s1, $0xD;
	s1 =	sshrl.u32 s1, $0x2  }
0xba: {  	s3 =	sand.u32 $0x4000, s31;
	s1 =	sadd.s32 s1, s30  }
0xbb: {  	s0 =	sor.u32 s3, s0;
	s1 =	sshll.u32 s1, $0x11  }
0xbc: {  	s0 =	sor.u32 s1, s0  }
0xbd: {  	s0 =	sadd.s32 $0x8F2B, s0  }
0xbe: {  	[sflag:s0] =	ssyncadd.remote.s32 $0x1  }
0xbf: {  	_ =	sfence.sel $0xFFFF  }
0xc0: {  	[dreg:$0x0] =	wrdreg $0xFFFFFFFF;
	(pc) =	sbr.abs _section_cstart, $3  }
0xc1: {  	[dreg:$0x1] =	wrdreg $0xFFFFFFFF  }
0xc2: {  	_ =	task.clear_ibuf [dreg:s7], $0x2FFFF;
	_ =	strace $0x9FFFFFFF  }
0xc3: {  	(tm) =	ssettm $0x7FFFFFFF  }
tec
execute0_lowered:
.L_overlay_start_1:
0x0: {  	(tag) =	ssettag $0x1  }
0x1: {  	s10 =	rddreg [dreg:$0x0]  }
0x2: {  	s6 =	rddreg [dreg:$0x1]  }
0x3: {  	s2 =	rddreg [dreg:$0x2]  }
0x4: {  	s0 =	rddreg [dreg:$0x3];
	s4 =	srdreg.scid  }
0x5: {  	s3 =	simm.s32 $0x0;
	s1 =	stileid.u32;
	s14 =	simm.s32 $0x4E600  }
0x6: {  	s15 =	simm.s32 $0x0;
	s7 =	sand.u32 $0x1, s4;
	[smem:$0x7FF] =	sst s3  }
0x7: {  	s9 =	smul.u32 $0xC380, s1;
	s4 =	sadd.s32 $0x3E00, s10;
	s5 =	sadd.s32 $0x1CE00, s10  }
0x8: {  	s29 =	sshll.u32 s1, $0x6;
	s8 =	ssub.s32 $0x2, s7;
	_ =	strace $0x80000047  }
0x9: {  	v0 =	vimm.s32 $0x0;
	v1 =	vlaneseq.u32;
	v2 =	vimm.f32 $0.0e+00;
	s30 =	sshll.u32 s7, $0x4;
	p0 =	seq.s32 s7, $0x1;
	s7 =	sor.u32 $0x1C01, s29  }
0xa: {  	v3 =	vimm.s32 $0x1;
	v4 =	vimm.s32 $0x2;
	v5 =	vimm.s32 $0x3;
	s11 =	sshrl.u32 s8, $0x1;
	s12 =	sshrl.u32 s9, $0x3;
	s13 =	sadd.s32 s9, s2  }
0xb: {  	v6 =	vimm.s32 $0x4;
	v7 =	vimm.s32 $0x5;
	v8 =	vimm.s32 $0x6;
	s31 =	sor.u32 s1, s30;
	s14 =	simm.s32 @!p0 $0x35E00;
	s11 =	ssub.s32 s8, s11  }
0xc: {  	v9 =	vimm.s32 $0x7;
	v10 =	vimm.s32 $0x8;
	v11 =	vimm.s32 $0x9;
	s6 =	sadd.s32 s6, s12;
	s8 =	smul.u32 $0x6400, s31;
	s10 =	sadd.s32 s14, s10  }
0xd: {  	v12 =	vimm.s32 $0xA;
	v13 =	vimm.s32 $0xB;
	v14 =	vimm.s32 $0xC;
	s14 =	simm.s32 $0x320;
	s9 =	smax.u32 s11, $0x1;
	s10 =	sadd.s32 s10, s12  }
0xe: {  	v15 =	vimm.s32 $0xD;
	v16 =	vimm.s32 $0xE;
	v17 =	vimm.s32 $0xF;
	s11 =	sshrl.u32 s13, $0x3;
	s12 =	simm.s32 $0x1;
	s13 =	simm.s32 $0x190  }
.LBB2_1:
0xf: {  	[spmem:s11], [sflag:s7] =	dma.local [hbm:s6], $0x1870  }
0x10: {  	_ =	swait.ge [sflag:s12], $0x1870  }
0x11: {  	[sflag:s12] =	ssyncset.done $0x0  }
0x12: {  	[sflag:s12] =	ssyncadd.s32 $0xFFFFE790  }
0x13: {  	s16 =	simm.s32 $0x0;
	[bflag:$0x0] =	sbarrier.arrive $0xFFFF  }
.LBB2_2:
0x14: {  	s17 =	smul.u32 $0x190, s16;
	_ =	sdelay $0x1  }
0x15: {  	s17 =	sadd.s32 s8, s17  }
0x16: {  	s17 =	sshrl.u32 s17, $0x3  }
0x17: {  	s19 =	simm.s32 $0x0;
	s18 =	sadd.s32 s4, s17  }
0x18: {  	[tilespmem:s19], [sflag:$0x1] =	stream.linear.gather [hbm4b:s18+s19], $0x190, $0x38;
	[tilespmem:$0xDFA0] =	vst v63  }
0x19: {  	_ =	swait.ge [sflag:s12], $0x190  }
0x1a: {  	[sflag:s12] =	ssyncset.done $0x0  }
0x1b: {  	s17 =	sadd.s32 s5, s17;
	[sflag:s12] =	ssyncadd.s32 $0xFFFFFE70  }
0x1c: {  	[tilespmem:s13], [sflag:$0x1] =	stream.linear.gather [hbm4b:s17+s19], $0x190, $0x38;
	[tilespmem:$0xDFA0] =	vst v63  }
0x1d: {  	_ =	swait.ge [sflag:s12], $0x190  }
0x1e: {  	[sflag:s12] =	ssyncset.done $0x0  }
0x1f: {  	s31 =	simm.s32 $0x0;
	[sflag:s12] =	ssyncadd.s32 $0xFFFFFE70  }
0x20: {  	v18 =	vld [tilespmem:s31+$0x190];
	_ =	sdelay $0x4  }
0x21: {  	v19 =	vperm.xlane v18, v0  }
0x22: {  	v20 =	vperm.xlane v18, v3;
	v21 =	vperm.xlane v18, v4  }
0x23: {  	v22 =	vperm.xlane v18, v6;
	v50 =	vperm.xlane v18, v8  }
0x24: {  	v51 =	vperm.xlane v18, v9;
	v53 =	vperm.xlane v18, v11;
	vm0 =	veq.s32 v19, v1  }
0x25: {  	s17 =	simm.s32 $0x3A0;
	v57 =	vperm.xlane v18, v13;
	vm1 =	veq.s32 v20, v1;
	v47 =	vsel vm0, $0x3F800000, v2  }
0x26: {  	v59 =	vperm.xlane v18, v14;
	vm14 =	veq.s32 v21, v1;
	v23 =	vsel vm1, $0x3F800000, v2;
	[tilespmem:s17+$0xFFFFFF80] =	vst v47  }
0x27: {  	v61 =	vperm.xlane v18, v16;
	vm4 =	veq.s32 v22, v1;
	v48 =	vsel vm14, $0x3F800000, v2;
	[tilespmem:s17+$0xFFFFFF90] =	vst v23  }
0x28: {  	v19 =	vperm.xlane v18, v5;
	vm6 =	veq.s32 v50, v1;
	v22 =	vsel vm4, $0x3F800000, v2;
	[tilespmem:s17+$0xFFFFFFA0] =	vst v48  }
0x29: {  	vm7 =	veq.s32 v51, v1;
	vm9 =	veq.s32 v53, v1;
	v54 =	vsel vm6, $0x3F800000, v2;
	[tilespmem:s17+$0xFFFFFFC0] =	vst v22  }
0x2a: {  	v55 =	vsel vm7, $0x3F800000, v2;
	vm15 =	veq.s32 v19, v1;
	v19 =	vperm.xlane v18, v7;
	[tilespmem:s17+$0xFFFFFFE0] =	vst v54  }
0x2b: {  	vm11 =	veq.s32 v57, v1;
	vm12 =	veq.s32 v59, v1;
	v58 =	vsel vm9, $0x3F800000, v2;
	[tilespmem:s17+$0xFFFFFFF0] =	vst v55  }
0x2c: {  	v62 =	vsel vm11, $0x3F800000, v2;
	[tilespmem:s17+$0x10] =	vst v58;
	vm5 =	veq.s32 v19, v1;
	v19 =	vperm.xlane v18, v10  }
0x2d: {  	v63 =	vsel vm12, $0x3F800000, v2;
	vm14 =	veq.s32 v61, v1;
	[tilespmem:s17+$0x30] =	vst v62  }
0x2e: {  	[tilespmem:s17+$0x40] =	vst v63;
	v20 =	vsel vm14, $0x3F800000, v2;
	vm8 =	veq.s32 v19, v1;
	v19 =	vperm.xlane v18, v12  }
0x2f: {  	v49 =	vsel vm15, $0x3F800000, v2;
	[tilespmem:s17+$0x60] =	vst v20  }
0x30: {  	[tilespmem:s17+$0xFFFFFFB0] =	vst v49;
	v52 =	vsel vm5, $0x3F800000, v2;
	vm10 =	veq.s32 v19, v1;
	v19 =	vperm.xlane v18, v15  }
0x31: {  	[tilespmem:s17+$0xFFFFFFD0] =	vst v52;
	v56 =	vsel vm8, $0x3F800000, v2;
	v18 =	vperm.xlane v18, v17  }
0x32: {  	[tilespmem:s17+$0x0] =	vst v56;
	v60 =	vsel vm10, $0x3F800000, v2;
	vm13 =	veq.s32 v19, v1  }
0x33: {  	[tilespmem:s17+$0x20] =	vst v60;
	vm15 =	veq.s32 v18, v1;
	v19 =	vsel vm13, $0x3F800000, v2  }
0x34: {  	v18 =	vsel vm15, $0x3F800000, v2;
	[tilespmem:s17+$0x50] =	vst v19  }
0x35: {  	s18 =	simm.s32 $0x80;
	s19 =	simm.s32 $0x10;
	[tilespmem:s17+$0x70] =	vst v18  }
.LBB2_3:
0x36: {  	p0 =	sne.s32 s18, $0x600;
	v18 =	vld [tilespmem:s19+$0x190];
	_ =	sdelay $0x4  }
0x37: {  	v19 =	vperm.xlane v18, v0;
	v20 =	vperm.xlane v18, v3  }
0x38: {  	v21 =	vperm.xlane v18, v4;
	v22 =	vperm.xlane v18, v5  }
0x39: {  	vm0 =	veq.s32 v19, v1;
	vm1 =	veq.s32 v20, v1;
	v19 =	vperm.xlane v18, v6  }
0x3a: {  	s17 =	sadd.s32 $0x100, s17;
	v20 =	vsel vm0, $0x3F800000, v2;
	v23 =	vsel vm1, $0x3F800000, v2;
	vm0 =	veq.s32 v21, v1  }
0x3b: {  	[tilespmem:s17+$0xFFFFFF80] =	vst v20;
	v20 =	vsel vm0, $0x3F800000, v2;
	vm0 =	veq.s32 v22, v1;
	vm1 =	veq.s32 v19, v1  }
0x3c: {  	v22 =	vperm.xlane v18, v7;
	[tilespmem:s17+$0xFFFFFF90] =	vst v23;
	v19 =	vsel vm0, $0x3F800000, v2;
	v21 =	vsel vm1, $0x3F800000, v2  }
0x3d: {  	v23 =	vperm.xlane v18, v9;
	[tilespmem:s17+$0xFFFFFFA0] =	vst v20;
	v20 =	vperm.xlane v18, v8  }
0x3e: {  	vm0 =	veq.s32 v22, v1;
	v22 =	vperm.xlane v18, v11;
	[tilespmem:s17+$0xFFFFFFB0] =	vst v19;
	v19 =	vperm.xlane v18, v10  }
0x3f: {  	vm1 =	veq.s32 v23, v1;
	[tilespmem:s17+$0xFFFFFFC0] =	vst v21;
	v21 =	vsel vm0, $0x3F800000, v2;
	vm0 =	veq.s32 v20, v1  }
0x40: {  	[tilespmem:s17+$0xFFFFFFD0] =	vst v21;
	v20 =	vsel vm0, $0x3F800000, v2;
	v21 =	vsel vm1, $0x3F800000, v2;
	vm0 =	veq.s32 v19, v1  }
0x41: {  	[tilespmem:s17+$0xFFFFFFE0] =	vst v20;
	v19 =	vsel vm0, $0x3F800000, v2;
	vm0 =	veq.s32 v22, v1;
	v20 =	vperm.xlane v18, v12  }
0x42: {  	v23 =	vperm.xlane v18, v14;
	v22 =	vperm.xlane v18, v13;
	[tilespmem:s17+$0xFFFFFFF0] =	vst v21;
	v21 =	vsel vm0, $0x3F800000, v2  }
0x43: {  	[tilespmem:s17+$0x0] =	vst v19;
	vm0 =	veq.s32 v20, v1;
	v19 =	vperm.xlane v18, v15;
	v20 =	vperm.xlane v18, v16  }
0x44: {  	vm1 =	veq.s32 v23, v1;
	[tilespmem:s17+$0x10] =	vst v21;
	v21 =	vsel vm0, $0x3F800000, v2;
	vm0 =	veq.s32 v22, v1  }
0x45: {  	v22 =	vsel vm1, $0x3F800000, v2;
	[tilespmem:s17+$0x20] =	vst v21;
	v21 =	vsel vm0, $0x3F800000, v2;
	vm0 =	veq.s32 v19, v1  }
.Ltmp0:
0x46: {  	v18 =	vperm.xlane v18, v17;
	[tilespmem:s17+$0x30] =	vst v21;
	v19 =	vsel vm0, $0x3F800000, v2;
	vm0 =	veq.s32 v20, v1;
	(pc) =	sbr.rel @p0 .LBB2_3-.Ltmp0, $4  }
0x47: {  	[tilespmem:s17+$0x40] =	vst v22;
	v20 =	vsel vm0, $0x3F800000, v2  }
0x48: {  	vm0 =	veq.s32 v18, v1;
	[tilespmem:s17+$0x50] =	vst v19  }
0x49: {  	v18 =	vsel vm0, $0x3F800000, v2;
	[tilespmem:s17+$0x60] =	vst v20  }
0x4a: {  	s19 =	sshra.s32 s18, $0x2;
	s18 =	sadd.s32 $0x40, s18;
	[tilespmem:s17+$0x70] =	vst v18  }
0x4b: {  	v18 =	vld [tilespmem:s19+$0x190];
	_ =	sdelay $0x4  }
0x4c: {  	v19 =	vperm.xlane v18, v0  }
0x4d: {  	v20 =	vperm.xlane v18, v3;
	v21 =	vperm.xlane v18, v4  }
0x4e: {  	v22 =	vperm.xlane v18, v6;
	v50 =	vperm.xlane v18, v8  }
0x4f: {  	v51 =	vperm.xlane v18, v9;
	v53 =	vperm.xlane v18, v11;
	vm0 =	veq.s32 v19, v1  }
0x50: {  	s17 =	sadd.s32 $0x100, s17;
	v57 =	vperm.xlane v18, v13;
	vm1 =	veq.s32 v20, v1;
	v47 =	vsel vm0, $0x3F800000, v2  }
0x51: {  	v59 =	vperm.xlane v18, v14;
	vm14 =	veq.s32 v21, v1;
	v23 =	vsel vm1, $0x3F800000, v2;
	[tilespmem:s17+$0xFFFFFF80] =	vst v47  }
0x52: {  	v61 =	vperm.xlane v18, v16;
	vm4 =	veq.s32 v22, v1;
	v48 =	vsel vm14, $0x3F800000, v2;
	[tilespmem:s17+$0xFFFFFF90] =	vst v23  }
0x53: {  	v19 =	vperm.xlane v18, v5;
	vm6 =	veq.s32 v50, v1;
	v22 =	vsel vm4, $0x3F800000, v2;
	[tilespmem:s17+$0xFFFFFFA0] =	vst v48  }
0x54: {  	vm7 =	veq.s32 v51, v1;
	vm9 =	veq.s32 v53, v1;
	v54 =	vsel vm6, $0x3F800000, v2;
	[tilespmem:s17+$0xFFFFFFC0] =	vst v22  }
0x55: {  	v55 =	vsel vm7, $0x3F800000, v2;
	vm15 =	veq.s32 v19, v1;
	v19 =	vperm.xlane v18, v7;
	[tilespmem:s17+$0xFFFFFFE0] =	vst v54  }
0x56: {  	vm11 =	veq.s32 v57, v1;
	vm12 =	veq.s32 v59, v1;
	v58 =	vsel vm9, $0x3F800000, v2;
	[tilespmem:s17+$0xFFFFFFF0] =	vst v55  }
0x57: {  	v62 =	vsel vm11, $0x3F800000, v2;
	[tilespmem:s17+$0x10] =	vst v58;
	vm5 =	veq.s32 v19, v1;
	v19 =	vperm.xlane v18, v10  }
0x58: {  	v63 =	vsel vm12, $0x3F800000, v2;
	vm14 =	veq.s32 v61, v1;
	[tilespmem:s17+$0x30] =	vst v62  }
0x59: {  	[tilespmem:s17+$0x40] =	vst v63;
	v20 =	vsel vm14, $0x3F800000, v2;
	vm8 =	veq.s32 v19, v1;
	v19 =	vperm.xlane v18, v12  }
0x5a: {  	v49 =	vsel vm15, $0x3F800000, v2;
	[tilespmem:s17+$0x60] =	vst v20  }
0x5b: {  	[tilespmem:s17+$0xFFFFFFB0] =	vst v49;
	v52 =	vsel vm5, $0x3F800000, v2;
	vm10 =	veq.s32 v19, v1;
	v19 =	vperm.xlane v18, v15  }
0x5c: {  	[tilespmem:s17+$0xFFFFFFD0] =	vst v52;
	v56 =	vsel vm8, $0x3F800000, v2;
	v18 =	vperm.xlane v18, v17  }
0x5d: {  	[tilespmem:s17+$0x0] =	vst v56;
	v60 =	vsel vm10, $0x3F800000, v2;
	vm13 =	veq.s32 v19, v1  }
0x5e: {  	s16 =	sadd.s32 $0x1, s16;
	[tilespmem:s17+$0x20] =	vst v60;
	vm15 =	veq.s32 v18, v1;
	v19 =	vsel vm13, $0x3F800000, v2  }
0x5f: {  	p0 =	sne.s32 s16, $0x40;
	v18 =	vsel vm15, $0x3F800000, v2;
	[tilespmem:s17+$0x50] =	vst v19  }
.Ltmp1:
0x60: {  	[tilespmem:s17+$0x70] =	vst v18;
	(pc) =	sbr.rel @p0 .LBB2_2-.Ltmp1, $4  }
0x61: {  	[spmem:s2] =	stream.indirect.scatter.add.f32 [tilespmem:s14], [sflag:$0x1], $0x10, s3, s13, $0xb8;
	[tilespmem:$0xDFA0] =	vst v63  }
0x62: {  	_ =	swait.ge [sflag:s12], $0x1900  }
0x63: {  	[sflag:s12] =	ssyncset.done $0x0  }
0x64: {  	[sflag:s12] =	ssyncadd.s32 $0xFFFFE700  }
0x65: {  	s15 =	sadd.s32 $0x1, s15  }
0x66: {  	p0 =	sne.s32 s15, s9  }
.Ltmp2:
0x67: {  	[bflag:$0x0] =	sbarrier.arrive $0xFFFF;
	(pc) =	sbr.rel @p0 .LBB2_1-.Ltmp2, $4  }
0x68: {  	[hbm:s10], [sflag:s7] =	dma.local [spmem:s11], $0x1870  }
0x69: {  	_ =	swait.ge [sflag:s12], $0x1870  }
0x6a: {  	[sflag:s12] =	ssyncset.done $0x0  }
0x6b: {  	[sflag:s12] =	ssyncadd.s32 $0xFFFFE790  }
0x6c: {  	_ =	sfence.sel $0x180000  }
0x6d: {  	[bflag:$0x0] =	sbarrier.arrive $0xFFFF  }
0x6e: {  	p0 =	sne.s32 s1, $0x0;
	_ =	strace $0x90000047  }
0x6f: {  	s0 =	sadd.s32 @!p0 $0x100000, s0;
	[bflag:$0x2] =	sbarrier.arrive $0xFFFF  }
0x70: {  	[sflag:s0] =	ssyncadd.tile.s32 @!p0 $0x1;
	_ =	shalt  }
.Lfunc_end2:
_tile_overlayer_lowered:
.L_overlay_start_2:
0x71: {  	(tag) =	ssettag $0x2  }
0x72: {  	s0 =	rddreg [dreg:$0x0];
	s2 =	stileid.u32  }
0x73: {  	s1 =	rddreg [dreg:$0x1];
	p0 =	sne.s32 s2, $0x0  }
0x74: {  	s3 =	rddreg [dreg:$0x2];
	[bflag:$0x3] =	sbarrier.arrive $0xFFFF;
	s2 =	simm.s32 @!p0 $0x1C01  }
0x75: {  	[timem:s3], [sflag:s2] =	dma.local @!p0 [hbm:s0], s1  }
0x76: {  	s0 =	simm.s32 @!p0 $0x1  }
0x77: {  	_ =	swait.ge @!p0 [sflag:s0], s1  }
0x78: {  	s1 =	ssub.s32 @!p0 $0x0, s1;
	[sflag:s0] =	ssyncset.done @!p0 $0x0  }
0x79: {  	[sflag:s0] =	ssyncadd.s32 @!p0 s1  }
0x7a: {  	[bflag:$0x3] =	sbarrier.arrive $0xFFFF  }
0x7b: {  	_ =	shalt  }

// kernel: kernel.14.cloned.1.call-start
scs
__scs_entry_jumppad:
0x0: {  	(pc) =	sbr.rel $0x88, $3  }
0x1: {  	(tag) =	ssettag $0x0;
	lr =	simm.s32 $0x1  }
0x2: {  	[smem:$0x3F98] =	sst lr;
	_ =	strace $0xD0000000  }
0x3: {  	_ = 	snop  }
0x4: {  	_ = 	snop  }
0x5: {  	_ = 	snop  }
0x6: {  	_ = 	snop  }
0x7: {  	_ = 	snop  }
__scs_overlays_trampoline_lowered:
0x8: {  	[smem:$0x3FA7] =	sst s0  }
0x9: {  	[smem:$0x3FA8] =	sst s1  }
0xa: {  	[smem:$0x3FA9] =	sst s2  }
0xb: {  	[smem:$0x3FAA] =	sst s3  }
0xc: {  	[smem:$0x3FAB] =	sst s4  }
0xd: {  	[smem:$0x3FAC] =	sst s5  }
0xe: {  	[smem:$0x3FAD] =	sst s6  }
0xf: {  	[smem:$0x3FAE] =	sst s7  }
0x10: {  	[smem:$0x3FAF] =	sst s8  }
0x11: {  	[smem:$0x3FB0] =	sst s9;
	s0 =	simm.s32 @!p0 $0x0  }
0x12: {  	s1 =	sld [smem:$0x3F96];
	s0 =	simm.s32 @p0 $0x1  }
0x13: {  	[smem:$0x3FB1] =	sst s0;
	s0 =	simm.s32 @!p1 $0x0  }
0x14: {  	s2 =	sld [smem:$0x3F95];
	s0 =	simm.s32 @p1 $0x1  }
0x15: {  	[smem:$0x3FB2] =	sst s0;
	s0 =	simm.s32 @!p2 $0x0  }
0x16: {  	s3 =	sld [smem:$0x3FDB];
	s0 =	simm.s32 @p2 $0x1  }
0x17: {  	s4 =	simm.s32 $0x1BF5;
	[smem:$0x3FB4] =	sst s0  }
0x18: {  	s0 =	sld [smem:$0x3F97];
	_ =	swait.ge [sflag:s4], $0x0  }
0x19: {  	s7 =	sld [smem:$0x3F98]  }
0x1a: {  	s8 =	sadd.s32 $0xFFFFE003, lr  }
0x1b: {  	s9 =	sadd.s32 $0xFFFFFEF7, lr;
	s5 =	simm.s32 $0xFFFFFFFF;
	p2 =	slt.u32 s8, $0xFFFFF086  }
0x1c: {  	p1 =	slt.u32 s9, $0xF7A;
	s5 =	simm.s32 @!p2 $0x0  }
0x1d: {  	s5 =	simm.s32 @p1 $0x1;
	p0 =	seq.s32 s7, s2  }
0x1e: {  	s7 =	smul.u32 @!p0 $0xF7A, s2;
	p2 =	seq.s32 @!p0 s5, $0x0  }
0x1f: {  	s9 =	smul.u32 $0xF7A, s1;
	s8 =	simm.s32 @!p0 $0x1BF5;
	p2 =	por !p2, p0  }
0x20: {  	[sflag:s8] =	ssyncset.s32 @!p0 $0xFFFFF086;
	s6 =	sadd.s32 @!p0 s3, s7;
	s7 =	simm.s32 @!p0 $0x108  }
0x21: {  	s3 =	sadd.s32 s3, s9;
	s6 =	sadd.s32 @!p0 $0x88, s6;
	s7 =	simm.s32 @p2 $0x1082  }
0x22: {  	[simem:s7], [sflag:s8] =	dma.local @!p0 [hbm:s6], $0xF7A  }
0x23: {  	s9 =	sor.u32 $0xD0000000, s2;
	s6 =	simm.s32 $0x108;
	_ =	swait.ge @!p0 [sflag:s8], $0x0  }
0x24: {  	s3 =	sadd.s32 $0x88, s3;
	s6 =	simm.s32 @!p1 $0x1082;
	[sflag:s4] =	ssyncset.s32 $0xFFFFF086  }
0x25: {  	[simem:s6], [sflag:s4] =	dma.local [hbm:s3], $0xF7A  }
0x26: {  	[smem:$0x3F98] =	sst s1;
	(tag) =	ssettag s2;
	_ =	strace s9  }
0x27: {  	s1 =	sld [smem:$0x3FA8]  }
0x28: {  	s2 =	sld [smem:$0x3FA9]  }
0x29: {  	s4 =	sld [smem:$0x3FAB]  }
0x2a: {  	p0 =	seq.s32 s5, $0x0;
	s5 =	sld [smem:$0x3FAC]  }
0x2b: {  	s6 =	sld [smem:$0x3FAD]  }
0x2c: {  	s7 =	sld [smem:$0x3FAE]  }
0x2d: {  	s3 =	simm.s32 $0x108;
	s8 =	sld [smem:$0x3FAF]  }
0x2e: {  	s3 =	simm.s32 @!p0 $0x1082;
	s9 =	sld [smem:$0x3FB0]  }
0x2f: {  	lr =	sadd.s32 s0, s3;
	s0 =	sld [smem:$0x3FA7]  }
0x30: {  	s3 =	sld [smem:$0x3FAA]  }
0x31: {  	[smem:$0x3FB3] =	sst s10  }
0x32: {  	s10 =	sld [smem:$0x3FB1];
	_ =	sdelay $0x3  }
0x33: {  	p0 =	seq.s32 s10, $0x1;
	s10 =	sld [smem:$0x3FB3];
	_ =	sdelay $0x3  }
0x34: {  	[smem:$0x3FB3] =	sst s10  }
0x35: {  	s10 =	sld [smem:$0x3FB2];
	_ =	sdelay $0x3  }
0x36: {  	p1 =	seq.s32 s10, $0x1;
	s10 =	sld [smem:$0x3FB3];
	_ =	sdelay $0x3  }
0x37: {  	[smem:$0x3FB3] =	sst s10  }
0x38: {  	s10 =	sld [smem:$0x3FB4]  }
0x39: {  	_ = 	snop;
	(pc) =	sbr.ind lr, $3  }
0x3a: {  	_ = 	snop  }
0x3b: {  	_ = 	snop  }
0x3c: {  	p2 =	seq.s32 s10, $0x1;
	s10 =	sld [smem:$0x3FB3]  }
0x3d: {  	_ =	shalt  }
0x3e: {  	_ =	shalt  }
0x3f: {  	_ =	shalt  }
0x40: {  	_ =	shalt  }
0x41: {  	_ =	shalt  }
0x42: {  	_ =	shalt  }
0x43: {  	_ =	shalt  }
0x44: {  	_ =	shalt  }
0x45: {  	_ =	shalt  }
0x46: {  	_ =	shalt  }
0x47: {  	_ =	shalt  }
0x48: {  	_ =	shalt  }
0x49: {  	_ =	shalt  }
0x4a: {  	_ =	shalt  }
0x4b: {  	_ =	shalt  }
0x4c: {  	_ =	shalt  }
0x4d: {  	_ =	shalt  }
0x4e: {  	_ =	shalt  }
0x4f: {  	_ =	shalt  }
0x50: {  	_ =	shalt  }
0x51: {  	_ =	shalt  }
0x52: {  	_ =	shalt  }
0x53: {  	_ =	shalt  }
0x54: {  	_ =	shalt  }
0x55: {  	_ =	shalt  }
0x56: {  	_ =	shalt  }
0x57: {  	_ =	shalt  }
0x58: {  	_ =	shalt  }
0x59: {  	_ =	shalt  }
0x5a: {  	_ =	shalt  }
0x5b: {  	_ =	shalt  }
0x5c: {  	_ =	shalt  }
0x5d: {  	_ =	shalt  }
0x5e: {  	_ =	shalt  }
0x5f: {  	_ =	shalt  }
0x60: {  	_ =	shalt  }
0x61: {  	_ =	shalt  }
0x62: {  	_ =	shalt  }
0x63: {  	_ =	shalt  }
0x64: {  	_ =	shalt  }
0x65: {  	_ =	shalt  }
0x66: {  	_ =	shalt  }
0x67: {  	_ =	shalt  }
0x68: {  	_ =	shalt  }
0x69: {  	_ =	shalt  }
0x6a: {  	_ =	shalt  }
0x6b: {  	_ =	shalt  }
0x6c: {  	_ =	shalt  }
0x6d: {  	_ =	shalt  }
0x6e: {  	_ =	shalt  }
0x6f: {  	_ =	shalt  }
0x70: {  	_ =	shalt  }
0x71: {  	_ =	shalt  }
0x72: {  	_ =	shalt  }
0x73: {  	_ =	shalt  }
0x74: {  	_ =	shalt  }
0x75: {  	_ =	shalt  }
0x76: {  	_ =	shalt  }
0x77: {  	_ =	shalt  }
0x78: {  	_ =	shalt  }
0x79: {  	_ =	shalt  }
0x7a: {  	_ =	shalt  }
0x7b: {  	_ =	shalt  }
0x7c: {  	_ =	shalt  }
0x7d: {  	_ =	shalt  }
0x7e: {  	_ =	shalt  }
0x7f: {  	_ =	shalt  }
0x80: {  	_ =	shalt  }
0x81: {  	_ =	shalt  }
0x82: {  	_ =	shalt  }
0x83: {  	_ =	shalt  }
0x84: {  	_ =	shalt  }
0x85: {  	_ =	shalt  }
0x86: {  	_ =	shalt  }
0x87: {  	_ =	shalt  }
.Lfunc_end0:
.L_simem_size_0:
called_computation.1_lowered:
.L_overlay_start_0:
0x88: {  	s2 =	sld [smem:$0x3FD9]  }
0x89: {  	s3 =	sld [smem:$0x3FFE];
	_ =	sdelay $0x1  }
0x8a: {  	s1 =	srdreg.scid  }
0x8b: {  	s0 =	sand.u32 $0x1, s1  }
0x8c: {  	s17 =	sshll.u32 s0, $0xA;
	s2 =	sadd.s32 s3, s2  }
0x8d: {  	s2 =	sadd.s32 s2, s17  }
0x8e: {  	[smem:$0x3FBF] =	sst s2  }
0x8f: {  	_ = 	snop  }
0x90: {  	s2 =	sld [smem:$0x3FD0];
	(tm) =	ssettm $0x1  }
0x91: {  	s18 =	sld [smem:$0x3FFB];
	_ =	sdelay $0x3  }
0x92: {  	_ =	strace s18  }
0x93: {  	s3 =	sld [smem:$0x3FFC];
	_ =	sdelay $0x3  }
0x94: {  	_ =	strace s3  }
0x95: {  	s3 =	sld [smem:$0x3FFD];
	_ =	sdelay $0x3  }
0x96: {  	_ =	strace s3  }
0x97: {  	_ =	strace $0x8FFFFFFF  }
0x98: {  	s19 =	sld [smem:$0x3FDB];
	_ =	sdelay $0x1  }
0x99: {  	s4 =	simm.s32 $_scs_section_size  }
0x9a: {  	s5 =	simm.s32 $_size__tile_overlayer_lowered;
	s6 =	simm.s32 $_tile_overlayer_lowered  }
0x9b: {  	s22 =	simm.s32 $0x1BFF;
	s21 =	sshll.u32 s6, $0x1;
	s3 =	sadd.s32 s4, s19  }
0x9c: {  	s7 =	simm.s32 $0x0;
	s20 =	sshll.u32 s5, $0x1;
	s5 =	sadd.s32 s21, s3  }
0x9d: {  	[timem:s7], [sflag:s22] =	dma.local [hbm:s5], s20  }
0x9e: {  	_ =	swait.ge [sflag:s22], s20  }
0x9f: {  	s4 =	ssub.s32 $0x0, s20;
	[sflag:s22] =	ssyncset.done $0x0  }
0xa0: {  	[sflag:s22] =	ssyncadd.s32 s4;
	_ =	sdelay $0x1  }
0xa1: {  	s23 =	simm.s32 $0x1B8B  }
0xa2: {  	_ =	swait.ge [sflag:s23], $0x1  }
0xa3: {  	[sflag:s23] =	ssyncset.done $0x0  }
0xa4: {  	s25 =	simm.s32 $0x1B8E;
	s24 =	sld [smem:$0x3FFE];
	[sflag:s23] =	ssyncadd.s32 $0xFFFFFFFF  }
0xa5: {  	s26 =	simm.s32 $execute0_lowered;
	[smem:$0x3FD2] =	sst s25  }
0xa6: {  	s5 =	sshll.u32 s26, $0x1;
	_ =	strace $0x80000049;
	[dreg:$0x1] =	wrdreg $0xFFFFFFFF  }
0xa7: {  	s28 =	simm.s32 $_size_execute0_lowered;
	s3 =	sadd.s32 s3, s5;
	[dreg:$0x0] =	wrdreg $0x0  }
0xa8: {  	s5 =	sshll.u32 s28, $0x1;
	[dreg:$0x2] =	wrdreg s3  }
0xa9: {  	[dreg:$0x3] =	wrdreg s5  }
0xaa: {  	[dreg:$0x4] =	wrdreg $0xC0  }
0xab: {  	_ =	task [dreg:s7], $0x5FFFF  }
0xac: {  	[dreg:$0x1] =	wrdreg $0xFFFFFFFF  }
0xad: {  	[dreg:$0x0] =	wrdreg $0x60  }
0xae: {  	[dreg:$0x2] =	wrdreg s24  }
0xaf: {  	[dreg:$0x3] =	wrdreg s2  }
0xb0: {  	[dreg:$0x4] =	wrdreg $0x9  }
0xb1: {  	_ =	task.clear_ibuf [dreg:s7], $0x5FFFF;
	_ =	strace $0x90000049  }
0xb2: {  	s29 =	simm.s32 $0x9;
	_ =	strace $0x8000004B  }
0xb3: {  	_ =	swait.ge [sflag:s29], $0x1  }
0xb4: {  	[sflag:s29] =	ssyncadd.s32 $0xFFFFFFFF  }
0xb5: {  	_ =	strace $0x9000004B  }
0xb6: {  	_ =	sfence  }
0xb7: {  	s30 =	sld [smem:$0x0];
	_ =	sdelay $0x2  }
0xb8: {  	s31 =	sshll.u32 s1, $0xD;
	s1 =	sshrl.u32 s1, $0x2  }
0xb9: {  	s3 =	sand.u32 $0x4000, s31;
	s1 =	sadd.s32 s1, s30  }
0xba: {  	s0 =	sor.u32 s3, s0;
	s1 =	sshll.u32 s1, $0x11  }
0xbb: {  	s0 =	sor.u32 s1, s0  }
0xbc: {  	s0 =	sadd.s32 $0x8F2B, s0  }
0xbd: {  	[sflag:s0] =	ssyncadd.remote.s32 $0x1  }
0xbe: {  	_ =	sfence.sel $0xFFFF  }
0xbf: {  	[dreg:$0x0] =	wrdreg $0xFFFFFFFF;
	(pc) =	sbr.abs _section_cstart, $3  }
0xc0: {  	[dreg:$0x1] =	wrdreg $0xFFFFFFFF  }
0xc1: {  	_ =	task.clear_ibuf [dreg:s7], $0x2FFFF;
	_ =	strace $0x9FFFFFFF  }
0xc2: {  	(tm) =	ssettm $0x7FFFFFFF  }
0xc3: {  	_ =	shalt  }
tec
execute0_lowered:
.L_overlay_start_1:
0x0: {  	(tag) =	ssettag $0x1  }
0x1: {  	s7 =	rddreg [dreg:$0x0]  }
0x2: {  	s1 =	rddreg [dreg:$0x1];
	s2 =	srdreg.scid  }
0x3: {  	s0 =	rddreg [dreg:$0x2];
	s3 =	simm.s32 $0x0;
	s10 =	simm.s32 $0x3  }
0x4: {  	s11 =	simm.s32 $0x190;
	s12 =	simm.s32 $0x640;
	s13 =	simm.s32 $0x4B0  }
0x5: {  	s14 =	simm.s32 $0x1F40;
	s15 =	simm.s32 $0x1;
	s16 =	simm.s32 $0x3840  }
0x6: {  	s17 =	simm.s32 $0x2;
	s18 =	simm.s32 $0x39D0;
	s4 =	sand.u32 $0x1, s2  }
0x7: {  	s19 =	simm.s32 $0x0;
	s2 =	stileid.u32;
	s5 =	sshll.u32 s4, $0x4  }
0x8: {  	[smem:$0x7FF] =	sst s3;
	s8 =	ssub.s32 $0x2, s4;
	s5 =	sor.u32 s2, s5  }
0x9: {  	s6 =	sadd.s32 $0x1CE00, s7;
	s9 =	sshrl.u32 s8, $0x1;
	s5 =	smul.u32 $0x6400, s5  }
0xa: {  	v0 =	vlaneseq.u32;
	_ =	strace $0x8000004A;
	s4 =	sadd.s32 $0x3E00, s7;
	s9 =	ssub.s32 s8, s9  }
0xb: {  	v0 =	vmul.u32 $0x10, v0;
	s7 =	sadd.s32 $0x35E00, s7;
	s9 =	smax.u32 s9, $0x1;
	s8 =	sor.u32 $0x190, s5  }
.LBB2_1:
0xc: {  	s20 =	simm.s32 $0x0  }
.LBB2_2:
0xd: {  	s21 =	smul.u32 $0x320, s20;
	_ =	sdelay $0x1  }
0xe: {  	s22 =	sadd.s32 s5, s21  }
0xf: {  	s22 =	sshrl.u32 s22, $0x3  }
0x10: {  	s24 =	simm.s32 $0x0;
	s23 =	sadd.s32 s4, s22  }
0x11: {  	[tilespmem:s24], [sflag:$0x3] =	stream.linear.gather [hbm4b:s23+s24], $0x190, $0x38;
	[tilespmem:$0x3B60] =	vst v63  }
0x12: {  	_ =	swait.ge [sflag:s10], $0x190  }
0x13: {  	[sflag:s10] =	ssyncset.done $0x0  }
0x14: {  	s25 =	simm.s32 $0x320;
	s29 =	sadd.s32 s6, s22;
	[sflag:s10] =	ssyncadd.s32 $0xFFFFFE70  }
0x15: {  	[tilespmem:s25], [sflag:$0x3] =	stream.linear.gather [hbm4b:s29+s24], $0x190, $0x38;
	[tilespmem:$0x3B60] =	vst v63  }
0x16: {  	_ =	swait.ge [sflag:s10], $0x190  }
0x17: {  	s21 =	sadd.s32 s21, s8;
	[sflag:s10] =	ssyncset.done $0x0  }
0x18: {  	s21 =	sshrl.u32 s21, $0x3;
	[sflag:s10] =	ssyncadd.s32 $0xFFFFFE70  }
0x19: {  	[tilespmem:s12], [sflag:$0x1] =	stream.indirect.gather [hbm4b:s1+s11], $0x10, s24, s11, $0xb8;
	[tilespmem:$0x3B60] =	vst v63  }
0x1a: {  	s30 =	sadd.s32 s4, s21  }
0x1b: {  	[tilespmem:s11], [sflag:$0x3] =	stream.linear.gather [hbm4b:s30+s24], $0x190, $0x38;
	[tilespmem:$0x3B60] =	vst v63  }
0x1c: {  	_ =	swait.ge [sflag:s10], $0x190  }
0x1d: {  	[sflag:s10] =	ssyncset.done $0x0  }
0x1e: {  	s31 =	sadd.s32 s6, s21;
	[sflag:s10] =	ssyncadd.s32 $0xFFFFFE70  }
0x1f: {  	[tilespmem:s13], [sflag:$0x3] =	stream.linear.gather [hbm4b:s31+s24], $0x190, $0x38;
	[tilespmem:$0x3B60] =	vst v63  }
0x20: {  	_ =	swait.ge [sflag:s10], $0x190  }
0x21: {  	[sflag:s10] =	ssyncset.done $0x0  }
0x22: {  	[sflag:s10] =	ssyncadd.s32 $0xFFFFFE70  }
0x23: {  	[tilespmem:s14], [sflag:$0x2] =	stream.indirect.gather [hbm4b:s1+s11], $0x10, s11, s11, $0xb8;
	[tilespmem:$0x3B60] =	vst v63  }
0x24: {  	_ =	swait.ge [sflag:s15], $0x1900  }
0x25: {  	[sflag:s15] =	ssyncset.done $0x0  }
0x26: {  	[sflag:s15] =	ssyncadd.s32 $0xFFFFE700  }
0x27: {  	v1 =	vld [tilespmem:s25+$0x0];
	_ =	sdelay $0x2  }
0x28: {  	v2 =	vmov s24  }
0x29: {  	v2 =	vshll.u32 v2, $0x4  }
0x2a: {  	v2 =	vor.u32 v0, v2;
	v3 =	vand.u32 $0xFFFFFFF8, v1  }
0x2b: {  	v1 =	vand.u32 $0x7, v1;
	v2 =	vadd.s32 v2, v3  }
0x2c: {  	v1 =	vor.u32 v1, v2;
	_ =	sdelay $0x4  }
0x2d: {  	v1 =	vld.idx.msk [tilespmem:v1+s12+$0x0], $0xffff;
	_ =	sdelay $0x3  }
0x2e: {  	s23 =	simm.s32 $0x3840  }
0x2f: {  	s24 =	simm.s32 $0x330;
	[tilespmem:s23+$0x0] =	vst v1  }
0x30: {  	s26 =	simm.s32 $0x20;
	s25 =	simm.s32 $0x10;
	v1 =	vld [tilespmem:s24+$0x0]  }
.LBB2_3:
0x31: {  	p0 =	sne.s32 s26, $0x180;
	_ =	sdelay $0x1  }
0x32: {  	v2 =	vmov s25;
	s25 =	smov.u32 s26  }
0x33: {  	v2 =	vshll.u32 v2, $0x4  }
0x34: {  	v2 =	vor.u32 v0, v2;
	v3 =	vand.u32 $0xFFFFFFF8, v1  }
0x35: {  	v1 =	vand.u32 $0x7, v1;
	v2 =	vadd.s32 v2, v3  }
0x36: {  	v1 =	vor.u32 v1, v2;
	_ =	sdelay $0x4  }
0x37: {  	v1 =	vld.idx.msk [tilespmem:v1+s12+$0x0], $0xffff;
	_ =	sdelay $0x2  }
.Ltmp0:
0x38: {  	(pc) =	sbr.rel @p0 .LBB2_3-.Ltmp0, $4  }
0x39: {  	_ = 	snop  }
0x3a: {  	s23 =	sadd.s32 $0x10, s23  }
0x3b: {  	s24 =	sadd.s32 $0x10, s24;
	[tilespmem:s23+$0x0] =	vst v1  }
0x3c: {  	s26 =	sadd.s32 $0x10, s26;
	v1 =	vld [tilespmem:s24+$0x0]  }
0x3d: {  	_ =	sdelay $0x1  }
0x3e: {  	v2 =	vmov s25  }
0x3f: {  	v2 =	vshll.u32 v2, $0x4  }
0x40: {  	v2 =	vor.u32 v0, v2;
	v3 =	vand.u32 $0xFFFFFFF8, v1  }
0x41: {  	v1 =	vand.u32 $0x7, v1;
	v2 =	vadd.s32 v2, v3  }
0x42: {  	v1 =	vor.u32 v1, v2;
	_ =	sdelay $0x4  }
0x43: {  	v1 =	vld.idx.msk [tilespmem:v1+s12+$0x0], $0xffff;
	_ =	sdelay $0x3  }
0x44: {  	s23 =	sadd.s32 $0x10, s23  }
0x45: {  	s22 =	sadd.s32 s7, s22;
	s30 =	simm.s32 $0x0;
	[tilespmem:s23+$0x0] =	vst v1  }
0x46: {  	[hbm4b:s22+s30] =	stream.linear.scatter [tilespmem:s16], [sflag:$0x3], $0x190, $0x38;
	[tilespmem:$0x3B60] =	vst v63  }
0x47: {  	_ =	swait.ge [sflag:s10], $0x190  }
0x48: {  	[sflag:s10] =	ssyncset.done $0x0  }
0x49: {  	[sflag:s10] =	ssyncadd.s32 $0xFFFFFE70  }
0x4a: {  	_ =	swait.ge [sflag:s17], $0x1900  }
0x4b: {  	[sflag:s17] =	ssyncset.done $0x0  }
0x4c: {  	s31 =	simm.s32 $0x4B0;
	[sflag:s17] =	ssyncadd.s32 $0xFFFFE700  }
0x4d: {  	v1 =	vld [tilespmem:s31+$0x0];
	_ =	sdelay $0x2  }
0x4e: {  	v2 =	vmov s30  }
0x4f: {  	v2 =	vshll.u32 v2, $0x4  }
0x50: {  	v2 =	vor.u32 v0, v2;
	v3 =	vand.u32 $0xFFFFFFF8, v1  }
0x51: {  	v1 =	vand.u32 $0x7, v1;
	v2 =	vadd.s32 v2, v3  }
0x52: {  	v1 =	vor.u32 v1, v2;
	_ =	sdelay $0x4  }
0x53: {  	v1 =	vld.idx.msk [tilespmem:v1+s14+$0x0], $0xffff;
	_ =	sdelay $0x3  }
0x54: {  	s22 =	simm.s32 $0x39D0  }
0x55: {  	s23 =	simm.s32 $0x4C0;
	[tilespmem:s22+$0x0] =	vst v1  }
0x56: {  	s24 =	simm.s32 $0x10;
	s25 =	simm.s32 $0x20;
	v1 =	vld [tilespmem:s23+$0x0]  }
.LBB2_5:
0x57: {  	p0 =	sne.s32 s25, $0x180;
	_ =	sdelay $0x1  }
0x58: {  	v2 =	vmov s24;
	s24 =	smov.u32 s25  }
0x59: {  	v2 =	vshll.u32 v2, $0x4  }
0x5a: {  	v2 =	vor.u32 v0, v2;
	v3 =	vand.u32 $0xFFFFFFF8, v1  }
0x5b: {  	v1 =	vand.u32 $0x7, v1;
	v2 =	vadd.s32 v2, v3  }
0x5c: {  	v1 =	vor.u32 v1, v2;
	_ =	sdelay $0x4  }
0x5d: {  	v1 =	vld.idx.msk [tilespmem:v1+s14+$0x0], $0xffff;
	_ =	sdelay $0x2  }
.Ltmp1:
0x5e: {  	(pc) =	sbr.rel @p0 .LBB2_5-.Ltmp1, $4  }
0x5f: {  	_ = 	snop  }
0x60: {  	s22 =	sadd.s32 $0x10, s22  }
0x61: {  	s23 =	sadd.s32 $0x10, s23;
	[tilespmem:s22+$0x0] =	vst v1  }
0x62: {  	s25 =	sadd.s32 $0x10, s25;
	v1 =	vld [tilespmem:s23+$0x0]  }
0x63: {  	_ =	sdelay $0x1  }
0x64: {  	v2 =	vmov s24  }
0x65: {  	v2 =	vshll.u32 v2, $0x4  }
0x66: {  	v2 =	vor.u32 v0, v2;
	v3 =	vand.u32 $0xFFFFFFF8, v1  }
0x67: {  	v1 =	vand.u32 $0x7, v1;
	v2 =	vadd.s32 v2, v3  }
0x68: {  	v1 =	vor.u32 v1, v2;
	_ =	sdelay $0x4  }
0x69: {  	v1 =	vld.idx.msk [tilespmem:v1+s14+$0x0], $0xffff;
	_ =	sdelay $0x2  }
0x6a: {  	s20 =	sadd.s32 $0x1, s20  }
0x6b: {  	s22 =	sadd.s32 $0x10, s22;
	p0 =	sne.s32 s20, $0x20  }
.Ltmp2:
0x6c: {  	s21 =	sadd.s32 s7, s21;
	[tilespmem:s22+$0x0] =	vst v1;
	(pc) =	sbr.rel @p0 .LBB2_2-.Ltmp2, $4  }
0x6d: {  	[hbm4b:s21+s3] =	stream.linear.scatter [tilespmem:s18], [sflag:$0x3], $0x190, $0x38;
	[tilespmem:$0x3B60] =	vst v63  }
0x6e: {  	_ =	swait.ge [sflag:s10], $0x190  }
0x6f: {  	[sflag:s10] =	ssyncset.done $0x0  }
0x70: {  	[sflag:s10] =	ssyncadd.s32 $0xFFFFFE70  }
0x71: {  	s19 =	sadd.s32 $0x1, s19  }
0x72: {  	p0 =	sne.s32 s19, s9  }
.Ltmp3:
0x73: {  	_ = 	snop;
	(pc) =	sbr.rel @p0 .LBB2_1-.Ltmp3, $1  }
0x74: {  	_ =	sdelay $0x3  }
0x75: {  	_ =	sfence.sel $0x180000  }
0x76: {  	[bflag:$0x0] =	sbarrier.arrive $0xFFFF  }
0x77: {  	p0 =	sne.s32 s2, $0x0;
	_ =	strace $0x9000004A  }
0x78: {  	s0 =	sadd.s32 @!p0 $0x100000, s0;
	[bflag:$0x2] =	sbarrier.arrive $0xFFFF  }
0x79: {  	[sflag:s0] =	ssyncadd.tile.s32 @!p0 $0x1;
	_ =	shalt  }
.Lfunc_end2:
_tile_overlayer_lowered:
.L_overlay_start_2:
0x7a: {  	(tag) =	ssettag $0x2  }
0x7b: {  	s0 =	rddreg [dreg:$0x0];
	s2 =	stileid.u32  }
0x7c: {  	s1 =	rddreg [dreg:$0x1];
	p0 =	sne.s32 s2, $0x0  }
0x7d: {  	s3 =	rddreg [dreg:$0x2];
	[bflag:$0x3] =	sbarrier.arrive $0xFFFF;
	s2 =	simm.s32 @!p0 $0x1C03  }
0x7e: {  	[timem:s3], [sflag:s2] =	dma.local @!p0 [hbm:s0], s1  }
0x7f: {  	s0 =	simm.s32 @!p0 $0x3  }
0x80: {  	_ =	swait.ge @!p0 [sflag:s0], s1  }
0x81: {  	s1 =	ssub.s32 @!p0 $0x0, s1;
	[sflag:s0] =	ssyncset.done @!p0 $0x0  }
0x82: {  	[sflag:s0] =	ssyncadd.s32 @!p0 s1  }
0x83: {  	[bflag:$0x3] =	sbarrier.arrive $0xFFFF  }
0x84: {  	_ =	shalt  }

// kernel: kernel.17.cloned.1.call-start
scs
__scs_entry_jumppad:
0x0: {  	(pc) =	sbr.rel $0x88, $3  }
0x1: {  	(tag) =	ssettag $0x0;
	lr =	simm.s32 $0x1  }
0x2: {  	[smem:$0x3F98] =	sst lr;
	_ =	strace $0xD0000000  }
0x3: {  	_ = 	snop  }
0x4: {  	_ = 	snop  }
0x5: {  	_ = 	snop  }
0x6: {  	_ = 	snop  }
0x7: {  	_ = 	snop  }
__scs_overlays_trampoline_lowered:
0x8: {  	[smem:$0x3FA7] =	sst s0  }
0x9: {  	[smem:$0x3FA8] =	sst s1  }
0xa: {  	[smem:$0x3FA9] =	sst s2  }
0xb: {  	[smem:$0x3FAA] =	sst s3  }
0xc: {  	[smem:$0x3FAB] =	sst s4  }
0xd: {  	[smem:$0x3FAC] =	sst s5  }
0xe: {  	[smem:$0x3FAD] =	sst s6  }
0xf: {  	[smem:$0x3FAE] =	sst s7  }
0x10: {  	[smem:$0x3FAF] =	sst s8  }
0x11: {  	[smem:$0x3FB0] =	sst s9;
	s0 =	simm.s32 @!p0 $0x0  }
0x12: {  	s1 =	sld [smem:$0x3F96];
	s0 =	simm.s32 @p0 $0x1  }
0x13: {  	[smem:$0x3FB1] =	sst s0;
	s0 =	simm.s32 @!p1 $0x0  }
0x14: {  	s2 =	sld [smem:$0x3F95];
	s0 =	simm.s32 @p1 $0x1  }
0x15: {  	[smem:$0x3FB2] =	sst s0;
	s0 =	simm.s32 @!p2 $0x0  }
0x16: {  	s3 =	sld [smem:$0x3FDB];
	s0 =	simm.s32 @p2 $0x1  }
0x17: {  	s4 =	simm.s32 $0x1BF5;
	[smem:$0x3FB4] =	sst s0  }
0x18: {  	s0 =	sld [smem:$0x3F97];
	_ =	swait.ge [sflag:s4], $0x0  }
0x19: {  	s7 =	sld [smem:$0x3F98]  }
0x1a: {  	s8 =	sadd.s32 $0xFFFFE003, lr  }
0x1b: {  	s9 =	sadd.s32 $0xFFFFFEF7, lr;
	s5 =	simm.s32 $0xFFFFFFFF;
	p2 =	slt.u32 s8, $0xFFFFF086  }
0x1c: {  	p1 =	slt.u32 s9, $0xF7A;
	s5 =	simm.s32 @!p2 $0x0  }
0x1d: {  	s5 =	simm.s32 @p1 $0x1;
	p0 =	seq.s32 s7, s2  }
0x1e: {  	s7 =	smul.u32 @!p0 $0xF7A, s2;
	p2 =	seq.s32 @!p0 s5, $0x0  }
0x1f: {  	s9 =	smul.u32 $0xF7A, s1;
	s8 =	simm.s32 @!p0 $0x1BF5;
	p2 =	por !p2, p0  }
0x20: {  	[sflag:s8] =	ssyncset.s32 @!p0 $0xFFFFF086;
	s6 =	sadd.s32 @!p0 s3, s7;
	s7 =	simm.s32 @!p0 $0x108  }
0x21: {  	s3 =	sadd.s32 s3, s9;
	s6 =	sadd.s32 @!p0 $0x88, s6;
	s7 =	simm.s32 @p2 $0x1082  }
0x22: {  	[simem:s7], [sflag:s8] =	dma.local @!p0 [hbm:s6], $0xF7A  }
0x23: {  	s9 =	sor.u32 $0xD0000000, s2;
	s6 =	simm.s32 $0x108;
	_ =	swait.ge @!p0 [sflag:s8], $0x0  }
0x24: {  	s3 =	sadd.s32 $0x88, s3;
	s6 =	simm.s32 @!p1 $0x1082;
	[sflag:s4] =	ssyncset.s32 $0xFFFFF086  }
0x25: {  	[simem:s6], [sflag:s4] =	dma.local [hbm:s3], $0xF7A  }
0x26: {  	[smem:$0x3F98] =	sst s1;
	(tag) =	ssettag s2;
	_ =	strace s9  }
0x27: {  	s1 =	sld [smem:$0x3FA8]  }
0x28: {  	s2 =	sld [smem:$0x3FA9]  }
0x29: {  	s4 =	sld [smem:$0x3FAB]  }
0x2a: {  	p0 =	seq.s32 s5, $0x0;
	s5 =	sld [smem:$0x3FAC]  }
0x2b: {  	s6 =	sld [smem:$0x3FAD]  }
0x2c: {  	s7 =	sld [smem:$0x3FAE]  }
0x2d: {  	s3 =	simm.s32 $0x108;
	s8 =	sld [smem:$0x3FAF]  }
0x2e: {  	s3 =	simm.s32 @!p0 $0x1082;
	s9 =	sld [smem:$0x3FB0]  }
0x2f: {  	lr =	sadd.s32 s0, s3;
	s0 =	sld [smem:$0x3FA7]  }
0x30: {  	s3 =	sld [smem:$0x3FAA]  }
0x31: {  	[smem:$0x3FB3] =	sst s10  }
0x32: {  	s10 =	sld [smem:$0x3FB1];
	_ =	sdelay $0x3  }
0x33: {  	p0 =	seq.s32 s10, $0x1;
	s10 =	sld [smem:$0x3FB3];
	_ =	sdelay $0x3  }
0x34: {  	[smem:$0x3FB3] =	sst s10  }
0x35: {  	s10 =	sld [smem:$0x3FB2];
	_ =	sdelay $0x3  }
0x36: {  	p1 =	seq.s32 s10, $0x1;
	s10 =	sld [smem:$0x3FB3];
	_ =	sdelay $0x3  }
0x37: {  	[smem:$0x3FB3] =	sst s10  }
0x38: {  	s10 =	sld [smem:$0x3FB4]  }
0x39: {  	_ = 	snop;
	(pc) =	sbr.ind lr, $3  }
0x3a: {  	_ = 	snop  }
0x3b: {  	_ = 	snop  }
0x3c: {  	p2 =	seq.s32 s10, $0x1;
	s10 =	sld [smem:$0x3FB3]  }
0x3d: {  	_ =	shalt  }
0x3e: {  	_ =	shalt  }
0x3f: {  	_ =	shalt  }
0x40: {  	_ =	shalt  }
0x41: {  	_ =	shalt  }
0x42: {  	_ =	shalt  }
0x43: {  	_ =	shalt  }
0x44: {  	_ =	shalt  }
0x45: {  	_ =	shalt  }
0x46: {  	_ =	shalt  }
0x47: {  	_ =	shalt  }
0x48: {  	_ =	shalt  }
0x49: {  	_ =	shalt  }
0x4a: {  	_ =	shalt  }
0x4b: {  	_ =	shalt  }
0x4c: {  	_ =	shalt  }
0x4d: {  	_ =	shalt  }
0x4e: {  	_ =	shalt  }
0x4f: {  	_ =	shalt  }
0x50: {  	_ =	shalt  }
0x51: {  	_ =	shalt  }
0x52: {  	_ =	shalt  }
0x53: {  	_ =	shalt  }
0x54: {  	_ =	shalt  }
0x55: {  	_ =	shalt  }
0x56: {  	_ =	shalt  }
0x57: {  	_ =	shalt  }
0x58: {  	_ =	shalt  }
0x59: {  	_ =	shalt  }
0x5a: {  	_ =	shalt  }
0x5b: {  	_ =	shalt  }
0x5c: {  	_ =	shalt  }
0x5d: {  	_ =	shalt  }
0x5e: {  	_ =	shalt  }
0x5f: {  	_ =	shalt  }
0x60: {  	_ =	shalt  }
0x61: {  	_ =	shalt  }
0x62: {  	_ =	shalt  }
0x63: {  	_ =	shalt  }
0x64: {  	_ =	shalt  }
0x65: {  	_ =	shalt  }
0x66: {  	_ =	shalt  }
0x67: {  	_ =	shalt  }
0x68: {  	_ =	shalt  }
0x69: {  	_ =	shalt  }
0x6a: {  	_ =	shalt  }
0x6b: {  	_ =	shalt  }
0x6c: {  	_ =	shalt  }
0x6d: {  	_ =	shalt  }
0x6e: {  	_ =	shalt  }
0x6f: {  	_ =	shalt  }
0x70: {  	_ =	shalt  }
0x71: {  	_ =	shalt  }
0x72: {  	_ =	shalt  }
0x73: {  	_ =	shalt  }
0x74: {  	_ =	shalt  }
0x75: {  	_ =	shalt  }
0x76: {  	_ =	shalt  }
0x77: {  	_ =	shalt  }
0x78: {  	_ =	shalt  }
0x79: {  	_ =	shalt  }
0x7a: {  	_ =	shalt  }
0x7b: {  	_ =	shalt  }
0x7c: {  	_ =	shalt  }
0x7d: {  	_ =	shalt  }
0x7e: {  	_ =	shalt  }
0x7f: {  	_ =	shalt  }
0x80: {  	_ =	shalt  }
0x81: {  	_ =	shalt  }
0x82: {  	_ =	shalt  }
0x83: {  	_ =	shalt  }
0x84: {  	_ =	shalt  }
0x85: {  	_ =	shalt  }
0x86: {  	_ =	shalt  }
0x87: {  	_ =	shalt  }
.Lfunc_end0:
.L_simem_size_0:
called_computation.2_lowered:
.L_overlay_start_0:
0x88: {  	s2 =	sld [smem:$0x3FD9]  }
0x89: {  	s3 =	sld [smem:$0x3FFE];
	_ =	sdelay $0x1  }
0x8a: {  	s1 =	srdreg.scid  }
0x8b: {  	s0 =	sand.u32 $0x1, s1  }
0x8c: {  	s17 =	sshll.u32 s0, $0xA;
	s2 =	sadd.s32 s3, s2  }
0x8d: {  	s2 =	sadd.s32 s2, s17  }
0x8e: {  	[smem:$0x3FBF] =	sst s2  }
0x8f: {  	_ = 	snop  }
0x90: {  	s2 =	sld [smem:$0x3FD0];
	(tm) =	ssettm $0x1  }
0x91: {  	s18 =	sld [smem:$0x3FFB];
	_ =	sdelay $0x3  }
0x92: {  	_ =	strace s18  }
0x93: {  	s3 =	sld [smem:$0x3FFC];
	_ =	sdelay $0x3  }
0x94: {  	_ =	strace s3  }
0x95: {  	s3 =	sld [smem:$0x3FFD];
	_ =	sdelay $0x3  }
0x96: {  	_ =	strace s3  }
0x97: {  	_ =	strace $0x8FFFFFFF  }
0x98: {  	s19 =	sld [smem:$0x3FDB];
	_ =	sdelay $0x1  }
0x99: {  	s4 =	simm.s32 $_scs_section_size  }
0x9a: {  	s5 =	simm.s32 $_size__tile_overlayer_lowered;
	s6 =	simm.s32 $_tile_overlayer_lowered  }
0x9b: {  	s22 =	simm.s32 $0x1BFF;
	s21 =	sshll.u32 s6, $0x1;
	s3 =	sadd.s32 s4, s19  }
0x9c: {  	s7 =	simm.s32 $0x0;
	s20 =	sshll.u32 s5, $0x1;
	s5 =	sadd.s32 s21, s3  }
0x9d: {  	[timem:s7], [sflag:s22] =	dma.local [hbm:s5], s20  }
0x9e: {  	_ =	swait.ge [sflag:s22], s20  }
0x9f: {  	s4 =	ssub.s32 $0x0, s20;
	[sflag:s22] =	ssyncset.done $0x0  }
0xa0: {  	[sflag:s22] =	ssyncadd.s32 s4;
	_ =	sdelay $0x1  }
0xa1: {  	s23 =	simm.s32 $0x1B8B  }
0xa2: {  	_ =	swait.ge [sflag:s23], $0x1  }
0xa3: {  	[sflag:s23] =	ssyncset.done $0x0  }
0xa4: {  	s25 =	simm.s32 $0x1B8E;
	s24 =	sld [smem:$0x3FFE];
	[sflag:s23] =	ssyncadd.s32 $0xFFFFFFFF  }
0xa5: {  	s26 =	simm.s32 $execute0_lowered;
	[smem:$0x3FD2] =	sst s25  }
0xa6: {  	s5 =	sshll.u32 s26, $0x1;
	_ =	strace $0x8000004C;
	[dreg:$0x1] =	wrdreg $0xFFFFFFFF  }
0xa7: {  	s28 =	simm.s32 $_size_execute0_lowered;
	s3 =	sadd.s32 s3, s5;
	[dreg:$0x0] =	wrdreg $0x0  }
0xa8: {  	s5 =	sshll.u32 s28, $0x1;
	[dreg:$0x2] =	wrdreg s3  }
0xa9: {  	[dreg:$0x3] =	wrdreg s5  }
0xaa: {  	[dreg:$0x4] =	wrdreg $0xC0  }
0xab: {  	_ =	task [dreg:s7], $0x5FFFF  }
0xac: {  	[dreg:$0x1] =	wrdreg $0xFFFFFFFF  }
0xad: {  	[dreg:$0x0] =	wrdreg $0x60  }
0xae: {  	[dreg:$0x2] =	wrdreg s24  }
0xaf: {  	[dreg:$0x3] =	wrdreg s2  }
0xb0: {  	[dreg:$0x4] =	wrdreg $0x73A00  }
0xb1: {  	[dreg:$0x5] =	wrdreg $0x9  }
0xb2: {  	_ =	task.clear_ibuf [dreg:s7], $0x6FFFF;
	_ =	strace $0x9000004C  }
0xb3: {  	s29 =	simm.s32 $0x9;
	_ =	strace $0x8000004E  }
0xb4: {  	_ =	swait.ge [sflag:s29], $0x1  }
0xb5: {  	[sflag:s29] =	ssyncadd.s32 $0xFFFFFFFF  }
0xb6: {  	_ =	strace $0x9000004E  }
0xb7: {  	_ =	sfence  }
0xb8: {  	s30 =	sld [smem:$0x0];
	_ =	sdelay $0x2  }
0xb9: {  	s31 =	sshll.u32 s1, $0xD;
	s1 =	sshrl.u32 s1, $0x2  }
0xba: {  	s3 =	sand.u32 $0x4000, s31;
	s1 =	sadd.s32 s1, s30  }
0xbb: {  	s0 =	sor.u32 s3, s0;
	s1 =	sshll.u32 s1, $0x11  }
0xbc: {  	s0 =	sor.u32 s1, s0  }
0xbd: {  	s0 =	sadd.s32 $0x8F2B, s0  }
0xbe: {  	[sflag:s0] =	ssyncadd.remote.s32 $0x1  }
0xbf: {  	_ =	sfence.sel $0xFFFF  }
0xc0: {  	[dreg:$0x0] =	wrdreg $0xFFFFFFFF;
	(pc) =	sbr.abs _section_cstart, $3  }
0xc1: {  	[dreg:$0x1] =	wrdreg $0xFFFFFFFF  }
0xc2: {  	_ =	task.clear_ibuf [dreg:s7], $0x2FFFF;
	_ =	strace $0x9FFFFFFF  }
0xc3: {  	(tm) =	ssettm $0x7FFFFFFF  }
tec
execute0_lowered:
.L_overlay_start_1:
0x0: {  	(tag) =	ssettag $0x1  }
0x1: {  	s0 =	rddreg [dreg:$0x0]  }
0x2: {  	s2 =	rddreg [dreg:$0x1]  }
0x3: {  	s1 =	rddreg [dreg:$0x2]  }
0x4: {  	s3 =	simm.s32 $0x0;
	s6 =	srdreg.scid;
	s15 =	stileid.u32  }
0x5: {  	s20 =	simm.s32 $0x3;
	s28 =	simm.s32 $0x4B0;
	s29 =	simm.s32 $0x7D0  }
0x6: {  	s30 =	simm.s32 $0xE10;
	s31 =	simm.s32 $0x1;
	[smem:$0x7FF] =	sst s3  }
0x7: {  	s3 =	sadd.s32 $0x112400, s0;
	s4 =	sadd.s32 $0x3E00, s0;
	s5 =	sadd.s32 $0x1CE00, s0  }
0x8: {  	s9 =	sadd.s32 $0xD60400, s0;
	s7 =	sadd.s32 $0x12B400, s0;
	s6 =	sand.u32 $0x1, s6  }
0x9: {  	s8 =	sadd.s32 $0x35E00, s0;
	s11 =	sadd.s32 $0x2B1E00, s0;
	s13 =	smul.u32 $0x18700, s15  }
0xa: {  	s0 =	sadd.s32 $0x2E2C00, s0;
	s21 =	smul.u32 $0xC800, s15;
	s15 =	sshll.u32 s15, $0x6  }
0xb: {  	_ =	strace $0x8000004D;
	s10 =	ssub.s32 $0x2, s6;
	s17 =	sor.u32 $0x1C03, s15  }
0xc: {  	p0 =	seq.s32 s6, $0x0;
	s6 =	simm.s32 $0x41A0;
	s12 =	sshrl.u32 s10, $0x1  }
0xd: {  	s14 =	sadd.s32 s13, s1;
	s13 =	sshrl.u32 s13, $0x3;
	s22 =	sshrl.u32 s21, $0x3  }
0xe: {  	s15 =	sor.u32 $0x190, s21;
	s16 =	sor.u32 $0x320, s21;
	s0 =	smov.u32 @p0 s11  }
0xf: {  	s7 =	smov.u32 @p0 s9;
	s21 =	simm.s32 $0x320;
	s2 =	sadd.s32 s2, s13  }
0x10: {  	s9 =	simm.s32 $0x2;
	s23 =	sadd.s32 s3, s22;
	[dreg:$0x4] =	wrdreg s2  }
0x11: {  	s11 =	simm.s32 $0x0;
	s24 =	sadd.s32 s4, s22;
	[dreg:$0x5] =	wrdreg s23  }
0x12: {  	v0 =	vimm.s32 $0x0;
	s10 =	ssub.s32 s10, s12;
	s25 =	sadd.s32 s5, s22;
	[dreg:$0x6] =	wrdreg s24  }
0x13: {  	v1 =	vimm.s32 $0x1;
	v2 =	vimm.s32 $0x2;
	v3 =	vimm.s32 $0x3;
	s0 =	sadd.s32 s0, s13;
	[dreg:$0x7] =	wrdreg s25;
	s2 =	sadd.s32 s8, s22  }
0x14: {  	v4 =	vimm.s32 $0x4;
	v5 =	vimm.s32 $0x5;
	v6 =	vimm.s32 $0x6;
	s26 =	smax.u32 s10, $0x1;
	[dreg:$0xa] =	wrdreg s0;
	s10 =	sshrl.u32 s14, $0x3  }
0x15: {  	v7 =	vimm.s32 $0x7;
	v8 =	vimm.s32 $0x8;
	v9 =	vimm.s32 $0x9;
	s22 =	simm.s32 $0x640;
	s23 =	simm.s32 $0xC80;
	[dreg:$0x8] =	wrdreg s2  }
0x16: {  	v10 =	vimm.s32 $0xA;
	v11 =	vimm.s32 $0xB;
	v12 =	vimm.s32 $0xC;
	s24 =	simm.s32 $0x190;
	s25 =	simm.s32 $0x960;
	[dreg:$0x9] =	wrdreg s26  }
0x17: {  	v13 =	vimm.s32 $0xD;
	v14 =	vimm.s32 $0xE;
	v15 =	vimm.s32 $0xF;
	s0 =	simm.s32 $0xAF0;
	s26 =	simm.s32 $0xFA0;
	[dreg:$0xb] =	wrdreg s10  }
.LBB2_1:
0x18: {  	s2 =	rddreg [dreg:$0x4]  }
0x19: {  	[spmem:s10], [sflag:s17] =	dma.local [hbm:s2], $0x30E0  }
0x1a: {  	_ =	swait.ge [sflag:s20], $0x30E0  }
0x1b: {  	[sflag:s20] =	ssyncset.done $0x0  }
0x1c: {  	[sflag:s20] =	ssyncadd.s32 $0xFFFFCF20  }
0x1d: {  	[bflag:$0x0] =	sbarrier.arrive $0xFFFF  }
0x1e: {  	s12 =	simm.s32 $0x0;
	s13 =	rddreg [dreg:$0x5]  }
0x1f: {  	[tilespmem:s12], [sflag:$0x3] =	stream.linear.gather [hbm4b:s13+s12], $0x190, $0x38;
	[tilespmem:$0x1FAA0] =	vst v63  }
0x20: {  	_ =	swait.ge [sflag:s20], $0x190  }
0x21: {  	[sflag:s20] =	ssyncset.done $0x0  }
0x22: {  	s14 =	rddreg [dreg:$0x6];
	[sflag:s20] =	ssyncadd.s32 $0xFFFFFE70  }
0x23: {  	[tilespmem:s21], [sflag:$0x3] =	stream.linear.gather [hbm4b:s14+s12], $0x190, $0x38;
	[tilespmem:$0x1FAA0] =	vst v63  }
0x24: {  	_ =	swait.ge [sflag:s20], $0x190  }
0x25: {  	[sflag:s20] =	ssyncset.done $0x0  }
0x26: {  	s19 =	smov.u32 s17;
	s17 =	rddreg [dreg:$0x7];
	[sflag:s20] =	ssyncadd.s32 $0xFFFFFE70  }
0x27: {  	[tilespmem:s22], [sflag:$0x3] =	stream.linear.gather [hbm4b:s17+s12], $0x190, $0x38;
	[tilespmem:$0x1FAA0] =	vst v63  }
0x28: {  	_ =	swait.ge [sflag:s20], $0x190  }
0x29: {  	[sflag:s20] =	ssyncset.done $0x0  }
0x2a: {  	s18 =	rddreg [dreg:$0x8];
	[sflag:s20] =	ssyncadd.s32 $0xFFFFFE70  }
0x2b: {  	[tilespmem:s23], [sflag:$0x3] =	stream.linear.gather [hbm4b:s18+s12], $0x190, $0x38;
	[tilespmem:$0x1FAA0] =	vst v63  }
0x2c: {  	_ =	swait.ge [sflag:s20], $0x190  }
0x2d: {  	[sflag:s20] =	ssyncset.done $0x0  }
0x2e: {  	s2 =	simm.s32 $0x0;
	[sflag:s20] =	ssyncadd.s32 $0xFFFFFE70  }
0x2f: {  	v16 =	vld [tilespmem:s2+$0x640]  }
0x30: {  	s10 =	simm.s32 $0x40;
	v17 =	vld [tilespmem:s2+$0x0]  }
.LBB2_2:
0x31: {  	_ = 	snop  }
0x32: {  	p0 =	sne.s32 s10, $0x600  }
.Ltmp0:
0x33: {  	_ = 	snop;
	(pc) =	sbr.rel @p0 .LBB2_2-.Ltmp0, $4  }
0x34: {  	v18 =	vmul.u32 $0xC350, v16  }
0x35: {  	s12 =	sshra.s32 s10, $0x2  }
0x36: {  	v16 =	vld [tilespmem:s12+$0x640];
	v18 =	vadd.s32 v17, v18  }
0x37: {  	s10 =	sadd.s32 $0x40, s10;
	v17 =	vld [tilespmem:s12+$0x0];
	[tilespmem:s2+$0x960] =	vst v18;
	s2 =	smov.u32 s12  }
0x38: {  	_ =	sdelay $0x2  }
0x39: {  	v16 =	vmul.u32 $0xC350, v16;
	_ =	sdelay $0x1  }
0x3a: {  	v16 =	vadd.s32 v17, v16  }
0x3b: {  	s12 =	simm.s32 $0x0;
	s13 =	simm.s32 $0x0;
	[tilespmem:s2+$0x960] =	vst v16  }
0x3c: {  	[tilespmem:s26], [sflag:$0x1] =	stream.indirect.gather [hbm4b:s7+s24], $0x20, s25, s24, $0xb8;
	[tilespmem:$0x1FAA0] =	vst v63  }
.LBB2_4:
0x3d: {  	s14 =	smul.u32 $0x320, s13;
	_ =	sdelay $0x1  }
0x3e: {  	s2 =	sadd.s32 s14, s15  }
0x3f: {  	s2 =	sshrl.u32 s2, $0x3  }
0x40: {  	s10 =	sadd.s32 s3, s2  }
0x41: {  	[tilespmem:s24], [sflag:$0x3] =	stream.linear.gather [hbm4b:s10+s12], $0x190, $0x38;
	[tilespmem:$0x1FAA0] =	vst v63  }
0x42: {  	_ =	swait.ge [sflag:s20], $0x190  }
0x43: {  	[sflag:s20] =	ssyncset.done $0x0  }
0x44: {  	s17 =	sadd.s32 s4, s2;
	[sflag:s20] =	ssyncadd.s32 $0xFFFFFE70  }
0x45: {  	[tilespmem:s28], [sflag:$0x3] =	stream.linear.gather [hbm4b:s17+s12], $0x190, $0x38;
	[tilespmem:$0x1FAA0] =	vst v63  }
0x46: {  	_ =	swait.ge [sflag:s20], $0x190  }
0x47: {  	[sflag:s20] =	ssyncset.done $0x0  }
0x48: {  	s18 =	sadd.s32 s5, s2;
	[sflag:s20] =	ssyncadd.s32 $0xFFFFFE70  }
0x49: {  	[tilespmem:s29], [sflag:$0x3] =	stream.linear.gather [hbm4b:s18+s12], $0x190, $0x38;
	[tilespmem:$0x1FAA0] =	vst v63  }
0x4a: {  	_ =	swait.ge [sflag:s20], $0x190  }
0x4b: {  	[sflag:s20] =	ssyncset.done $0x0  }
0x4c: {  	s2 =	sadd.s32 s8, s2;
	[sflag:s20] =	ssyncadd.s32 $0xFFFFFE70  }
0x4d: {  	[tilespmem:s30], [sflag:$0x3] =	stream.linear.gather [hbm4b:s2+s12], $0x190, $0x38;
	[tilespmem:$0x1FAA0] =	vst v63  }
0x4e: {  	_ =	swait.ge [sflag:s20], $0x190  }
0x4f: {  	[sflag:s20] =	ssyncset.done $0x0  }
0x50: {  	s2 =	simm.s32 $0x0;
	[sflag:s20] =	ssyncadd.s32 $0xFFFFFE70  }
0x51: {  	v16 =	vld [tilespmem:s2+$0x7D0]  }
0x52: {  	s10 =	simm.s32 $0x40;
	v17 =	vld [tilespmem:s2+$0x190]  }
.LBB2_5:
0x53: {  	_ = 	snop  }
0x54: {  	p0 =	sne.s32 s10, $0x600  }
.Ltmp1:
0x55: {  	_ = 	snop;
	(pc) =	sbr.rel @p0 .LBB2_5-.Ltmp1, $4  }
0x56: {  	v18 =	vmul.u32 $0xC350, v16  }
0x57: {  	s17 =	sshra.s32 s10, $0x2  }
0x58: {  	v16 =	vld [tilespmem:s17+$0x7D0];
	v18 =	vadd.s32 v17, v18  }
0x59: {  	s10 =	sadd.s32 $0x40, s10;
	v17 =	vld [tilespmem:s17+$0x190];
	[tilespmem:s2+$0xAF0] =	vst v18;
	s2 =	smov.u32 s17  }
0x5a: {  	_ =	sdelay $0x2  }
0x5b: {  	v16 =	vmul.u32 $0xC350, v16;
	_ =	sdelay $0x1  }
0x5c: {  	v16 =	vadd.s32 v17, v16  }
0x5d: {  	[tilespmem:s2+$0xAF0] =	vst v16  }
0x5e: {  	_ =	swait.ge [sflag:s31], $0x3200  }
0x5f: {  	[sflag:s31] =	ssyncset.done $0x0  }
0x60: {  	s17 =	simm.s32 $0x10A0;
	[sflag:s31] =	ssyncadd.s32 $0xFFFFCE00  }
0x61: {  	[tilespmem:s6], [sflag:$0x2] =	stream.indirect.gather [hbm4b:s7+s24], $0x20, s0, s24, $0xb8;
	[tilespmem:$0x1FAA0] =	vst v63  }
0x62: {  	v21 =	vld [tilespmem:s17+$0xFFFFFFA0]  }
0x63: {  	v19 =	vld [tilespmem:s17+$0xFFFFFFF0]  }
0x64: {  	v16 =	vld [tilespmem:s17+$0xFFFFFF60]  }
0x65: {  	v22 =	vld [tilespmem:s17+$0xFFFFFFD0]  }
0x66: {  	v23 =	vld [tilespmem:s17+$0x80]  }
0x67: {  	v26 =	vld [tilespmem:s17+$0xFFFFFF10]  }
0x68: {  	v30 =	vld [tilespmem:s17+$0xE0]  }
0x69: {  	v25 =	vld [tilespmem:s17+$0xFFFFFF40]  }
0x6a: {  	s18 =	simm.s32 $0x0;
	v17 =	vld [tilespmem:s17+$0xFFFFFF90]  }
0x6b: {  	v18 =	vld [tilespmem:s18+$0xC80]  }
0x6c: {  	v24 =	vld [tilespmem:s17+$0xFFFFFFC0]  }
0x6d: {  	v27 =	vld [tilespmem:s17+$0xFFFFFF00]  }
0x6e: {  	v28 =	vld [tilespmem:s17+$0xD0]  }
0x6f: {  	v37 =	vld [tilespmem:s17+$0xC0]  }
0x70: {  	v35 =	vld [tilespmem:s17+$0x90];
	v33 =	vperm.xlane v18, v0;
	v20 =	vperm.xlane v18, v15  }
0x71: {  	v36 =	vld [tilespmem:s17+$0xFFFFFF50];
	v34 =	vperm.xlane v18, v2;
	v32 =	vperm.xlane v18, v14  }
0x72: {  	v31 =	vld [tilespmem:s17+$0xB0];
	v29 =	vperm.xlane v18, v12;
	v39 =	vmul.f32 v27, v33  }
0x73: {  	s2 =	simm.s32 $0x10A0;
	s18 =	simm.s32 $0x40;
	v27 =	vperm.xlane v18, v13;
	v38 =	vmul.f32 v25, v34;
	v25 =	vld [tilespmem:s17+$0x60]  }
.LBB2_7:
0x74: {  	p0 =	sne.s32 s18, $0x600  }
0x75: {  	[tilespmem:s17+$0xFFFFFF00] =	vst v39;
	v39 =	vld [tilespmem:s17+$0xFFFFFFB0];
	v37 =	vmul.f32 v37, v32;
	v30 =	vmul.f32 v30, v20;
	s2 =	sadd.s32 $0x200, s2;
	s10 =	smov.u32 s18;
	s18 =	sadd.s32 $0x40, s18  }
0x76: {  	[tilespmem:s17+$0xFFFFFF40] =	vst v38;
	v38 =	vperm.xlane v18, v10;
	v35 =	vmul.f32 v35, v29;
	v40 =	vld [tilespmem:s17+$0xA0]  }
0x77: {  	v26 =	vmul.f32 v26, v33;
	v33 =	vmul.f32 v36, v34;
	v34 =	vld [tilespmem:s17+$0x70];
	[tilespmem:s17+$0xE0] =	vst v30  }
0x78: {  	v30 =	vperm.xlane v18, v5;
	v36 =	vld [tilespmem:s17+$0xFFFFFFE0];
	v31 =	vmul.f32 v31, v27;
	[tilespmem:s17+$0xC0] =	vst v37  }
0x79: {  	v28 =	vmul.f32 v28, v32;
	[tilespmem:s17+$0xFFFFFF10] =	vst v26;
	v26 =	vperm.xlane v18, v6;
	v37 =	vld [tilespmem:s17+$0x40]  }
0x7a: {  	v41 =	vperm.xlane v18, v11;
	v21 =	vmul.f32 v21, v30;
	v32 =	vld [tilespmem:s17+$0xFFFFFF20];
	[tilespmem:s17+$0x90] =	vst v35  }
0x7b: {  	[tilespmem:s17+$0xFFFFFF50] =	vst v33;
	v33 =	vperm.xlane v18, v9;
	v35 =	vld [tilespmem:s17+$0x20];
	v27 =	vmul.f32 v40, v27  }
0x7c: {  	v30 =	vmul.f32 v39, v30;
	v39 =	vld [tilespmem:s17+$0x50];
	v34 =	vmul.f32 v34, v41;
	[tilespmem:s17+$0xD0] =	vst v28  }
0x7d: {  	v23 =	vmul.f32 v23, v29;
	v28 =	vperm.xlane v18, v7;
	v40 =	vld [tilespmem:s17+$0x30];
	[tilespmem:s17+$0xA0] =	vst v27  }
0x7e: {  	v24 =	vmul.f32 v24, v26;
	v27 =	vperm.xlane v18, v3;
	v29 =	vld [tilespmem:s17+$0x0];
	[tilespmem:s17+$0x70] =	vst v34  }
0x7f: {  	v25 =	vmul.f32 v25, v41;
	v22 =	vmul.f32 v22, v26;
	v26 =	vld [tilespmem:s17+$0x10];
	[tilespmem:s17+$0x80] =	vst v23  }
0x80: {  	v34 =	vperm.xlane v18, v8;
	v37 =	vmul.f32 v37, v38;
	v23 =	vld [tilespmem:s17+$0xFFFFFF30];
	[tilespmem:s17+$0xB0] =	vst v31  }
0x81: {  	v31 =	vperm.xlane v18, v1;
	v41 =	vld [tilespmem:s17+$0xFFFFFF70];
	[tilespmem:s17+$0xFFFFFFD0] =	vst v22;
	v38 =	vmul.f32 v39, v38  }
0x82: {  	v19 =	vmul.f32 v19, v28;
	v22 =	vmul.f32 v36, v28;
	[tilespmem:s17+$0xFFFFFFC0] =	vst v24;
	v24 =	vld [tilespmem:s17+$0xF0]  }
0x83: {  	v36 =	vmul.f32 v40, v33;
	v28 =	vld [tilespmem:s17+$0xFFFFFF80];
	[tilespmem:s17+$0xFFFFFFA0] =	vst v21;
	v29 =	vmul.f32 v29, v34  }
0x84: {  	v21 =	vld [tilespmem:s2+$0xFFFFFFA0];
	[tilespmem:s17+$0xFFFFFFF0] =	vst v19;
	v34 =	vmul.f32 v26, v34;
	v26 =	vmul.f32 v35, v33  }
0x85: {  	v19 =	vmul.f32 v32, v31;
	v31 =	vmul.f32 v23, v31;
	[tilespmem:s17+$0x60] =	vst v25  }
0x86: {  	v16 =	vmul.f32 v16, v27;
	v23 =	vmul.f32 v41, v27;
	[tilespmem:s17+$0xFFFFFFB0] =	vst v30  }
0x87: {  	v18 =	vperm.xlane v18, v4;
	[tilespmem:s17+$0xFFFFFF20] =	vst v19;
	v19 =	vmul.f32 v24, v20  }
0x88: {  	[tilespmem:s17+$0xFFFFFF60] =	vst v16  }
0x89: {  	v20 =	vmul.f32 v28, v18;
	v16 =	vmul.f32 v17, v18;
	[tilespmem:s17+$0x40] =	vst v37  }
0x8a: {  	[tilespmem:s17+$0xFFFFFFE0] =	vst v22  }
0x8b: {  	[tilespmem:s17+$0xF0] =	vst v19  }
0x8c: {  	[tilespmem:s17+$0xFFFFFF90] =	vst v16  }
0x8d: {  	v19 =	vld [tilespmem:s2+$0xFFFFFFF0];
	[tilespmem:s17+$0xFFFFFF70] =	vst v23  }
0x8e: {  	v16 =	vld [tilespmem:s2+$0xFFFFFF60];
	[tilespmem:s17+$0x20] =	vst v26  }
0x8f: {  	v22 =	vld [tilespmem:s2+$0xFFFFFFD0];
	[tilespmem:s17+$0x30] =	vst v36  }
0x90: {  	v23 =	vld [tilespmem:s2+$0x80];
	[tilespmem:s17+$0xFFFFFF80] =	vst v20  }
0x91: {  	v26 =	vld [tilespmem:s2+$0xFFFFFF10];
	[tilespmem:s17+$0x50] =	vst v38  }
0x92: {  	v30 =	vld [tilespmem:s2+$0xE0];
	[tilespmem:s17+$0x0] =	vst v29  }
0x93: {  	v25 =	vld [tilespmem:s2+$0xFFFFFF40];
	[tilespmem:s17+$0xFFFFFF30] =	vst v31  }
0x94: {  	s10 =	sshra.s32 s10, $0x2;
	v17 =	vld [tilespmem:s2+$0xFFFFFF90];
	[tilespmem:s17+$0x10] =	vst v34;
	s17 =	smov.u32 s2  }
0x95: {  	v18 =	vld [tilespmem:s10+$0xC80]  }
0x96: {  	v24 =	vld [tilespmem:s2+$0xFFFFFFC0]  }
0x97: {  	v27 =	vld [tilespmem:s2+$0xFFFFFF00]  }
0x98: {  	v28 =	vld [tilespmem:s2+$0xD0]  }
.Ltmp2:
0x99: {  	v37 =	vld [tilespmem:s2+$0xC0];
	(pc) =	sbr.rel @p0 .LBB2_7-.Ltmp2, $4  }
0x9a: {  	v33 =	vperm.xlane v18, v0;
	v35 =	vld [tilespmem:s2+$0x90];
	v20 =	vperm.xlane v18, v15  }
0x9b: {  	v34 =	vperm.xlane v18, v2;
	v32 =	vperm.xlane v18, v14;
	v36 =	vld [tilespmem:s2+$0xFFFFFF50]  }
0x9c: {  	v39 =	vmul.f32 v27, v33;
	v27 =	vperm.xlane v18, v13;
	v31 =	vld [tilespmem:s2+$0xB0]  }
0x9d: {  	v29 =	vperm.xlane v18, v12;
	v38 =	vmul.f32 v25, v34;
	v25 =	vld [tilespmem:s2+$0x60]  }
0x9e: {  	[tilespmem:s17+$0xFFFFFF00] =	vst v39;
	v30 =	vmul.f32 v30, v20  }
0x9f: {  	v37 =	vmul.f32 v37, v32;
	[tilespmem:s17+$0xFFFFFF40] =	vst v38  }
0xa0: {  	v26 =	vmul.f32 v26, v33;
	[tilespmem:s17+$0xE0] =	vst v30  }
0xa1: {  	v58 =	vmul.f32 v28, v32;
	[tilespmem:s17+$0xC0] =	vst v37  }
0xa2: {  	v56 =	vmul.f32 v35, v29;
	[tilespmem:s17+$0xFFFFFF10] =	vst v26  }
0xa3: {  	v40 =	vperm.xlane v18, v6;
	v23 =	vmul.f32 v23, v29;
	[tilespmem:s17+$0xD0] =	vst v58  }
0xa4: {  	v34 =	vmul.f32 v36, v34;
	[tilespmem:s17+$0x90] =	vst v56  }
0xa5: {  	v44 =	vperm.xlane v18, v5;
	v22 =	vmul.f32 v22, v40;
	[tilespmem:s17+$0x80] =	vst v23  }
0xa6: {  	v46 =	vperm.xlane v18, v7;
	v24 =	vmul.f32 v24, v40;
	[tilespmem:s17+$0xFFFFFF50] =	vst v34  }
0xa7: {  	v53 =	vperm.xlane v18, v3;
	v21 =	vmul.f32 v21, v44;
	[tilespmem:s17+$0xFFFFFFD0] =	vst v22  }
0xa8: {  	v54 =	vld [tilespmem:s17+$0xA0];
	v19 =	vmul.f32 v19, v46;
	[tilespmem:s17+$0xFFFFFFC0] =	vst v24  }
0xa9: {  	v55 =	vld [tilespmem:s17+$0x70];
	v60 =	vperm.xlane v18, v11;
	v16 =	vmul.f32 v16, v53;
	[tilespmem:s17+$0xFFFFFFA0] =	vst v21  }
0xaa: {  	v57 =	vld [tilespmem:s17+$0xFFFFFFB0];
	v58 =	vperm.xlane v18, v4;
	v42 =	vmul.f32 v31, v27;
	[tilespmem:s17+$0xFFFFFFF0] =	vst v19  }
0xab: {  	v59 =	vld [tilespmem:s17+$0xFFFFFF20];
	v25 =	vmul.f32 v25, v60;
	[tilespmem:s17+$0xFFFFFF60] =	vst v16  }
0xac: {  	v61 =	vld [tilespmem:s17+$0xFFFFFFE0];
	v17 =	vmul.f32 v17, v58;
	[tilespmem:s17+$0xB0] =	vst v42  }
0xad: {  	v48 =	vld [tilespmem:s17+$0xFFFFFF70];
	v62 =	vmul.f32 v54, v27;
	[tilespmem:s17+$0x60] =	vst v25  }
0xae: {  	v63 =	vld [tilespmem:s17+$0x40];
	v51 =	vperm.xlane v18, v1;
	v33 =	vmul.f32 v55, v60;
	[tilespmem:s17+$0xFFFFFF90] =	vst v17  }
0xaf: {  	v45 =	vld [tilespmem:s17+$0x30];
	v52 =	vmul.f32 v57, v44;
	[tilespmem:s17+$0xA0] =	vst v62  }
0xb0: {  	v54 =	vld [tilespmem:s17+$0xF0];
	v28 =	vmul.f32 v59, v51;
	[tilespmem:s17+$0x70] =	vst v33  }
0xb1: {  	v49 =	vld [tilespmem:s17+$0xFFFFFF80];
	v55 =	vperm.xlane v18, v10;
	v23 =	vmul.f32 v61, v46;
	[tilespmem:s17+$0xFFFFFFB0] =	vst v52  }
0xb2: {  	v43 =	vld [tilespmem:s17+$0x20];
	v59 =	vperm.xlane v18, v9;
	v60 =	vmul.f32 v48, v53;
	[tilespmem:s17+$0xFFFFFF20] =	vst v28  }
0xb3: {  	v56 =	vld [tilespmem:s17+$0xFFFFFF30];
	v57 =	vmul.f32 v63, v55;
	[tilespmem:s17+$0xFFFFFFE0] =	vst v23  }
0xb4: {  	v41 =	vld [tilespmem:s17+$0x50];
	v17 =	vmul.f32 v45, v59;
	[tilespmem:s17+$0xFFFFFF70] =	vst v60  }
0xb5: {  	v47 =	vld [tilespmem:s17+$0x0];
	[tilespmem:s17+$0x40] =	vst v57;
	v16 =	vmul.f32 v54, v20  }
0xb6: {  	v50 =	vld [tilespmem:s17+$0x10];
	v62 =	vmul.f32 v49, v58;
	[tilespmem:s17+$0x30] =	vst v17  }
0xb7: {  	[tilespmem:s17+$0xF0] =	vst v16;
	v16 =	vmul.f32 v43, v59  }
0xb8: {  	v61 =	vperm.xlane v18, v8;
	v63 =	vmul.f32 v56, v51;
	[tilespmem:s17+$0xFFFFFF80] =	vst v62  }
0xb9: {  	[tilespmem:s17+$0x20] =	vst v16;
	v16 =	vmul.f32 v41, v55  }
0xba: {  	v17 =	vmul.f32 v47, v61;
	[tilespmem:s17+$0xFFFFFF30] =	vst v63  }
0xbb: {  	[tilespmem:s17+$0x50] =	vst v16;
	v16 =	vmul.f32 v50, v61  }
0xbc: {  	p0 =	seq.s32 s13, $0x3F;
	[tilespmem:s17+$0x0] =	vst v17  }
.Ltmp3:
0xbd: {  	[tilespmem:s17+$0x10] =	vst v16;
	(pc) =	sbr.rel @p0 .LBB2_12-.Ltmp3, $4  }
0xbe: {  	[spmem:s1] =	stream.indirect.scatter.add.f32 [tilespmem:s26], [sflag:$0x3], $0x20, s21, s24, $0xb8;
	[tilespmem:$0x1FAA0] =	vst v63  }
0xbf: {  	_ =	swait.ge [sflag:s20], $0x3200  }
0xc0: {  	[sflag:s20] =	ssyncset.done $0x0  }
0xc1: {  	[sflag:s20] =	ssyncadd.s32 $0xFFFFCE00  }
0xc2: {  	s2 =	sadd.s32 s14, s16  }
0xc3: {  	s2 =	sshrl.u32 s2, $0x3  }
0xc4: {  	s14 =	simm.s32 $0x0;
	s10 =	sadd.s32 s3, s2  }
0xc5: {  	[tilespmem:s14], [sflag:$0x3] =	stream.linear.gather [hbm4b:s10+s14], $0x190, $0x38;
	[tilespmem:$0x1FAA0] =	vst v63  }
0xc6: {  	_ =	swait.ge [sflag:s20], $0x190  }
0xc7: {  	[sflag:s20] =	ssyncset.done $0x0  }
0xc8: {  	s17 =	sadd.s32 s4, s2;
	[sflag:s20] =	ssyncadd.s32 $0xFFFFFE70  }
0xc9: {  	[tilespmem:s21], [sflag:$0x3] =	stream.linear.gather [hbm4b:s17+s14], $0x190, $0x38;
	[tilespmem:$0x1FAA0] =	vst v63  }
0xca: {  	_ =	swait.ge [sflag:s20], $0x190  }
0xcb: {  	[sflag:s20] =	ssyncset.done $0x0  }
0xcc: {  	s18 =	sadd.s32 s5, s2;
	[sflag:s20] =	ssyncadd.s32 $0xFFFFFE70  }
0xcd: {  	[tilespmem:s22], [sflag:$0x3] =	stream.linear.gather [hbm4b:s18+s14], $0x190, $0x38;
	[tilespmem:$0x1FAA0] =	vst v63  }
0xce: {  	_ =	swait.ge [sflag:s20], $0x190  }
0xcf: {  	[sflag:s20] =	ssyncset.done $0x0  }
0xd0: {  	s2 =	sadd.s32 s8, s2;
	[sflag:s20] =	ssyncadd.s32 $0xFFFFFE70  }
0xd1: {  	[tilespmem:s23], [sflag:$0x3] =	stream.linear.gather [hbm4b:s2+s14], $0x190, $0x38;
	[tilespmem:$0x1FAA0] =	vst v63  }
0xd2: {  	_ =	swait.ge [sflag:s20], $0x190  }
0xd3: {  	[sflag:s20] =	ssyncset.done $0x0  }
0xd4: {  	s2 =	simm.s32 $0x0;
	[sflag:s20] =	ssyncadd.s32 $0xFFFFFE70  }
0xd5: {  	v16 =	vld [tilespmem:s2+$0x640]  }
0xd6: {  	s10 =	simm.s32 $0x40;
	v17 =	vld [tilespmem:s2+$0x0]  }
.LBB2_10:
0xd7: {  	_ = 	snop  }
0xd8: {  	p0 =	sne.s32 s10, $0x600  }
.Ltmp4:
0xd9: {  	_ = 	snop;
	(pc) =	sbr.rel @p0 .LBB2_10-.Ltmp4, $4  }
0xda: {  	v18 =	vmul.u32 $0xC350, v16  }
0xdb: {  	s14 =	sshra.s32 s10, $0x2  }
0xdc: {  	v16 =	vld [tilespmem:s14+$0x640];
	v18 =	vadd.s32 v17, v18  }
0xdd: {  	s10 =	sadd.s32 $0x40, s10;
	v17 =	vld [tilespmem:s14+$0x0];
	[tilespmem:s2+$0x960] =	vst v18;
	s2 =	smov.u32 s14  }
0xde: {  	_ =	sdelay $0x2  }
0xdf: {  	v16 =	vmul.u32 $0xC350, v16;
	_ =	sdelay $0x1  }
0xe0: {  	v16 =	vadd.s32 v17, v16  }
0xe1: {  	[tilespmem:s2+$0x960] =	vst v16  }
0xe2: {  	[tilespmem:s26], [sflag:$0x1] =	stream.indirect.gather [hbm4b:s7+s24], $0x20, s25, s24, $0xb8;
	[tilespmem:$0x1FAA0] =	vst v63  }
.LBB2_12:
0xe3: {  	_ =	swait.ge [sflag:s9], $0x3200  }
0xe4: {  	[sflag:s9] =	ssyncset.done $0x0  }
0xe5: {  	s14 =	simm.s32 $0x42A0;
	[sflag:s9] =	ssyncadd.s32 $0xFFFFCE00  }
0xe6: {  	v21 =	vld [tilespmem:s14+$0xFFFFFFA0]  }
0xe7: {  	v19 =	vld [tilespmem:s14+$0xFFFFFFF0]  }
0xe8: {  	v16 =	vld [tilespmem:s14+$0xFFFFFF60]  }
0xe9: {  	v22 =	vld [tilespmem:s14+$0xFFFFFFD0]  }
0xea: {  	v23 =	vld [tilespmem:s14+$0x80]  }
0xeb: {  	v26 =	vld [tilespmem:s14+$0xFFFFFF10]  }
0xec: {  	v30 =	vld [tilespmem:s14+$0xE0]  }
0xed: {  	v25 =	vld [tilespmem:s14+$0xFFFFFF40]  }
0xee: {  	s2 =	simm.s32 $0x0;
	v17 =	vld [tilespmem:s14+$0xFFFFFF90]  }
0xef: {  	v18 =	vld [tilespmem:s2+$0xE10]  }
0xf0: {  	v24 =	vld [tilespmem:s14+$0xFFFFFFC0]  }
0xf1: {  	v27 =	vld [tilespmem:s14+$0xFFFFFF00]  }
0xf2: {  	v28 =	vld [tilespmem:s14+$0xD0]  }
0xf3: {  	v37 =	vld [tilespmem:s14+$0xC0]  }
0xf4: {  	v35 =	vld [tilespmem:s14+$0x90];
	v33 =	vperm.xlane v18, v0;
	v20 =	vperm.xlane v18, v15  }
0xf5: {  	v36 =	vld [tilespmem:s14+$0xFFFFFF50];
	v34 =	vperm.xlane v18, v2;
	v32 =	vperm.xlane v18, v14  }
0xf6: {  	v31 =	vld [tilespmem:s14+$0xB0];
	v29 =	vperm.xlane v18, v12;
	v39 =	vmul.f32 v27, v33  }
0xf7: {  	s13 =	sadd.s32 $0x1, s13;
	s17 =	simm.s32 $0x40;
	s2 =	simm.s32 $0x42A0;
	v27 =	vperm.xlane v18, v13;
	v38 =	vmul.f32 v25, v34;
	v25 =	vld [tilespmem:s14+$0x60]  }
.LBB2_13:
0xf8: {  	p0 =	sne.s32 s17, $0x600  }
0xf9: {  	[tilespmem:s14+$0xFFFFFF00] =	vst v39;
	v39 =	vld [tilespmem:s14+$0xFFFFFFB0];
	v37 =	vmul.f32 v37, v32;
	v30 =	vmul.f32 v30, v20;
	s2 =	sadd.s32 $0x200, s2;
	s10 =	smov.u32 s17;
	s17 =	sadd.s32 $0x40, s17  }
0xfa: {  	[tilespmem:s14+$0xFFFFFF40] =	vst v38;
	v38 =	vperm.xlane v18, v10;
	v35 =	vmul.f32 v35, v29;
	v40 =	vld [tilespmem:s14+$0xA0]  }
0xfb: {  	v26 =	vmul.f32 v26, v33;
	v33 =	vmul.f32 v36, v34;
	v34 =	vld [tilespmem:s14+$0x70];
	[tilespmem:s14+$0xE0] =	vst v30  }
0xfc: {  	v30 =	vperm.xlane v18, v5;
	v36 =	vld [tilespmem:s14+$0xFFFFFFE0];
	v31 =	vmul.f32 v31, v27;
	[tilespmem:s14+$0xC0] =	vst v37  }
0xfd: {  	v28 =	vmul.f32 v28, v32;
	[tilespmem:s14+$0xFFFFFF10] =	vst v26;
	v26 =	vperm.xlane v18, v6;
	v37 =	vld [tilespmem:s14+$0x40]  }
0xfe: {  	v41 =	vperm.xlane v18, v11;
	v21 =	vmul.f32 v21, v30;
	v32 =	vld [tilespmem:s14+$0xFFFFFF20];
	[tilespmem:s14+$0x90] =	vst v35  }
0xff: {  	[tilespmem:s14+$0xFFFFFF50] =	vst v33;
	v33 =	vperm.xlane v18, v9;
	v35 =	vld [tilespmem:s14+$0x20];
	v27 =	vmul.f32 v40, v27  }
0x100: {  	v30 =	vmul.f32 v39, v30;
	v39 =	vld [tilespmem:s14+$0x50];
	v34 =	vmul.f32 v34, v41;
	[tilespmem:s14+$0xD0] =	vst v28  }
0x101: {  	v23 =	vmul.f32 v23, v29;
	v28 =	vperm.xlane v18, v7;
	v40 =	vld [tilespmem:s14+$0x30];
	[tilespmem:s14+$0xA0] =	vst v27  }
0x102: {  	v24 =	vmul.f32 v24, v26;
	v27 =	vperm.xlane v18, v3;
	v29 =	vld [tilespmem:s14+$0x0];
	[tilespmem:s14+$0x70] =	vst v34  }
0x103: {  	v25 =	vmul.f32 v25, v41;
	v22 =	vmul.f32 v22, v26;
	v26 =	vld [tilespmem:s14+$0x10];
	[tilespmem:s14+$0x80] =	vst v23  }
0x104: {  	v34 =	vperm.xlane v18, v8;
	v37 =	vmul.f32 v37, v38;
	v23 =	vld [tilespmem:s14+$0xFFFFFF30];
	[tilespmem:s14+$0xB0] =	vst v31  }
0x105: {  	v31 =	vperm.xlane v18, v1;
	v41 =	vld [tilespmem:s14+$0xFFFFFF70];
	[tilespmem:s14+$0xFFFFFFD0] =	vst v22;
	v38 =	vmul.f32 v39, v38  }
0x106: {  	v19 =	vmul.f32 v19, v28;
	v22 =	vmul.f32 v36, v28;
	[tilespmem:s14+$0xFFFFFFC0] =	vst v24;
	v24 =	vld [tilespmem:s14+$0xF0]  }
0x107: {  	v36 =	vmul.f32 v40, v33;
	v28 =	vld [tilespmem:s14+$0xFFFFFF80];
	[tilespmem:s14+$0xFFFFFFA0] =	vst v21;
	v29 =	vmul.f32 v29, v34  }
0x108: {  	v21 =	vld [tilespmem:s2+$0xFFFFFFA0];
	[tilespmem:s14+$0xFFFFFFF0] =	vst v19;
	v34 =	vmul.f32 v26, v34;
	v26 =	vmul.f32 v35, v33  }
0x109: {  	v19 =	vmul.f32 v32, v31;
	v31 =	vmul.f32 v23, v31;
	[tilespmem:s14+$0x60] =	vst v25  }
0x10a: {  	v16 =	vmul.f32 v16, v27;
	v23 =	vmul.f32 v41, v27;
	[tilespmem:s14+$0xFFFFFFB0] =	vst v30  }
0x10b: {  	v18 =	vperm.xlane v18, v4;
	[tilespmem:s14+$0xFFFFFF20] =	vst v19;
	v19 =	vmul.f32 v24, v20  }
0x10c: {  	[tilespmem:s14+$0xFFFFFF60] =	vst v16  }
0x10d: {  	v20 =	vmul.f32 v28, v18;
	v16 =	vmul.f32 v17, v18;
	[tilespmem:s14+$0x40] =	vst v37  }
0x10e: {  	[tilespmem:s14+$0xFFFFFFE0] =	vst v22  }
0x10f: {  	[tilespmem:s14+$0xF0] =	vst v19  }
0x110: {  	[tilespmem:s14+$0xFFFFFF90] =	vst v16  }
0x111: {  	v19 =	vld [tilespmem:s2+$0xFFFFFFF0];
	[tilespmem:s14+$0xFFFFFF70] =	vst v23  }
0x112: {  	v16 =	vld [tilespmem:s2+$0xFFFFFF60];
	[tilespmem:s14+$0x20] =	vst v26  }
0x113: {  	v22 =	vld [tilespmem:s2+$0xFFFFFFD0];
	[tilespmem:s14+$0x30] =	vst v36  }
0x114: {  	v23 =	vld [tilespmem:s2+$0x80];
	[tilespmem:s14+$0xFFFFFF80] =	vst v20  }
0x115: {  	v26 =	vld [tilespmem:s2+$0xFFFFFF10];
	[tilespmem:s14+$0x50] =	vst v38  }
0x116: {  	v30 =	vld [tilespmem:s2+$0xE0];
	[tilespmem:s14+$0x0] =	vst v29  }
0x117: {  	v25 =	vld [tilespmem:s2+$0xFFFFFF40];
	[tilespmem:s14+$0xFFFFFF30] =	vst v31  }
0x118: {  	s10 =	sshra.s32 s10, $0x2;
	v17 =	vld [tilespmem:s2+$0xFFFFFF90];
	[tilespmem:s14+$0x10] =	vst v34;
	s14 =	smov.u32 s2  }
0x119: {  	v18 =	vld [tilespmem:s10+$0xE10]  }
0x11a: {  	v24 =	vld [tilespmem:s2+$0xFFFFFFC0]  }
0x11b: {  	v27 =	vld [tilespmem:s2+$0xFFFFFF00]  }
0x11c: {  	v28 =	vld [tilespmem:s2+$0xD0]  }
.Ltmp5:
0x11d: {  	v37 =	vld [tilespmem:s2+$0xC0];
	(pc) =	sbr.rel @p0 .LBB2_13-.Ltmp5, $4  }
0x11e: {  	v33 =	vperm.xlane v18, v0;
	v35 =	vld [tilespmem:s2+$0x90];
	v20 =	vperm.xlane v18, v15  }
0x11f: {  	v34 =	vperm.xlane v18, v2;
	v32 =	vperm.xlane v18, v14;
	v36 =	vld [tilespmem:s2+$0xFFFFFF50]  }
0x120: {  	v39 =	vmul.f32 v27, v33;
	v27 =	vperm.xlane v18, v13;
	v31 =	vld [tilespmem:s2+$0xB0]  }
0x121: {  	v29 =	vperm.xlane v18, v12;
	v38 =	vmul.f32 v25, v34;
	v25 =	vld [tilespmem:s2+$0x60]  }
0x122: {  	[tilespmem:s14+$0xFFFFFF00] =	vst v39;
	v30 =	vmul.f32 v30, v20  }
0x123: {  	v37 =	vmul.f32 v37, v32;
	[tilespmem:s14+$0xFFFFFF40] =	vst v38  }
0x124: {  	v26 =	vmul.f32 v26, v33;
	[tilespmem:s14+$0xE0] =	vst v30  }
0x125: {  	v58 =	vmul.f32 v28, v32;
	[tilespmem:s14+$0xC0] =	vst v37  }
0x126: {  	v56 =	vmul.f32 v35, v29;
	[tilespmem:s14+$0xFFFFFF10] =	vst v26  }
0x127: {  	v40 =	vperm.xlane v18, v6;
	v23 =	vmul.f32 v23, v29;
	[tilespmem:s14+$0xD0] =	vst v58  }
0x128: {  	v34 =	vmul.f32 v36, v34;
	[tilespmem:s14+$0x90] =	vst v56  }
0x129: {  	v44 =	vperm.xlane v18, v5;
	v22 =	vmul.f32 v22, v40;
	[tilespmem:s14+$0x80] =	vst v23  }
0x12a: {  	v46 =	vperm.xlane v18, v7;
	v24 =	vmul.f32 v24, v40;
	[tilespmem:s14+$0xFFFFFF50] =	vst v34  }
0x12b: {  	v53 =	vperm.xlane v18, v3;
	v21 =	vmul.f32 v21, v44;
	[tilespmem:s14+$0xFFFFFFD0] =	vst v22  }
0x12c: {  	v54 =	vld [tilespmem:s14+$0xA0];
	v19 =	vmul.f32 v19, v46;
	[tilespmem:s14+$0xFFFFFFC0] =	vst v24  }
0x12d: {  	v55 =	vld [tilespmem:s14+$0x70];
	v60 =	vperm.xlane v18, v11;
	v16 =	vmul.f32 v16, v53;
	[tilespmem:s14+$0xFFFFFFA0] =	vst v21  }
0x12e: {  	v57 =	vld [tilespmem:s14+$0xFFFFFFB0];
	v58 =	vperm.xlane v18, v4;
	v42 =	vmul.f32 v31, v27;
	[tilespmem:s14+$0xFFFFFFF0] =	vst v19  }
0x12f: {  	v59 =	vld [tilespmem:s14+$0xFFFFFF20];
	v25 =	vmul.f32 v25, v60;
	[tilespmem:s14+$0xFFFFFF60] =	vst v16  }
0x130: {  	v61 =	vld [tilespmem:s14+$0xFFFFFFE0];
	v17 =	vmul.f32 v17, v58;
	[tilespmem:s14+$0xB0] =	vst v42  }
0x131: {  	v48 =	vld [tilespmem:s14+$0xFFFFFF70];
	v62 =	vmul.f32 v54, v27;
	[tilespmem:s14+$0x60] =	vst v25  }
0x132: {  	v63 =	vld [tilespmem:s14+$0x40];
	v51 =	vperm.xlane v18, v1;
	v33 =	vmul.f32 v55, v60;
	[tilespmem:s14+$0xFFFFFF90] =	vst v17  }
0x133: {  	v45 =	vld [tilespmem:s14+$0x30];
	v52 =	vmul.f32 v57, v44;
	[tilespmem:s14+$0xA0] =	vst v62  }
0x134: {  	v54 =	vld [tilespmem:s14+$0xF0];
	v28 =	vmul.f32 v59, v51;
	[tilespmem:s14+$0x70] =	vst v33  }
0x135: {  	v49 =	vld [tilespmem:s14+$0xFFFFFF80];
	v55 =	vperm.xlane v18, v10;
	v23 =	vmul.f32 v61, v46;
	[tilespmem:s14+$0xFFFFFFB0] =	vst v52  }
0x136: {  	v43 =	vld [tilespmem:s14+$0x20];
	v59 =	vperm.xlane v18, v9;
	v60 =	vmul.f32 v48, v53;
	[tilespmem:s14+$0xFFFFFF20] =	vst v28  }
0x137: {  	v56 =	vld [tilespmem:s14+$0xFFFFFF30];
	v57 =	vmul.f32 v63, v55;
	[tilespmem:s14+$0xFFFFFFE0] =	vst v23  }
0x138: {  	v41 =	vld [tilespmem:s14+$0x50];
	v17 =	vmul.f32 v45, v59;
	[tilespmem:s14+$0xFFFFFF70] =	vst v60  }
0x139: {  	v47 =	vld [tilespmem:s14+$0x0];
	[tilespmem:s14+$0x40] =	vst v57;
	v16 =	vmul.f32 v54, v20  }
0x13a: {  	v50 =	vld [tilespmem:s14+$0x10];
	v62 =	vmul.f32 v49, v58;
	[tilespmem:s14+$0x30] =	vst v17  }
0x13b: {  	[tilespmem:s14+$0xF0] =	vst v16;
	v16 =	vmul.f32 v43, v59  }
0x13c: {  	v61 =	vperm.xlane v18, v8;
	v63 =	vmul.f32 v56, v51;
	[tilespmem:s14+$0xFFFFFF80] =	vst v62  }
0x13d: {  	[tilespmem:s14+$0x20] =	vst v16;
	v16 =	vmul.f32 v41, v55  }
0x13e: {  	v17 =	vmul.f32 v47, v61;
	[tilespmem:s14+$0xFFFFFF30] =	vst v63  }
0x13f: {  	[tilespmem:s14+$0x50] =	vst v16;
	v16 =	vmul.f32 v50, v61  }
0x140: {  	p0 =	sne.s32 s13, $0x40;
	[tilespmem:s14+$0x0] =	vst v17  }
.Ltmp6:
0x141: {  	[tilespmem:s14+$0x10] =	vst v16;
	(pc) =	sbr.rel @p0 .LBB2_4-.Ltmp6, $4  }
0x142: {  	[spmem:s1] =	stream.indirect.scatter.add.f32 [tilespmem:s6], [sflag:$0x3], $0x20, s28, s24, $0xb8;
	[tilespmem:$0x1FAA0] =	vst v63  }
0x143: {  	_ =	swait.ge [sflag:s20], $0x3200  }
0x144: {  	[sflag:s20] =	ssyncset.done $0x0  }
0x145: {  	[sflag:s20] =	ssyncadd.s32 $0xFFFFCE00  }
0x146: {  	[bflag:$0x0] =	sbarrier.arrive $0xFFFF  }
0x147: {  	s2 =	rddreg [dreg:$0xa]  }
0x148: {  	s10 =	rddreg [dreg:$0xb]  }
0x149: {  	[hbm:s2], [sflag:s19] =	dma.local [spmem:s10], $0x30E0  }
0x14a: {  	_ =	swait.ge [sflag:s20], $0x30E0  }
0x14b: {  	s17 =	smov.u32 s19;
	s11 =	sadd.s32 $0x1, s11;
	s19 =	rddreg [dreg:$0x9]  }
0x14c: {  	p0 =	sne.s32 s11, s19  }
.Ltmp7:
0x14d: {  	_ = 	snop;
	(pc) =	sbr.rel @p0 .LBB2_1-.Ltmp7, $3  }
0x14e: {  	_ =	sdelay $0x1  }
0x14f: {  	[sflag:s20] =	ssyncset.done $0x0  }
0x150: {  	[sflag:s20] =	ssyncadd.s32 $0xFFFFCF20  }
0x151: {  	_ =	sfence.sel $0x180000  }
0x152: {  	[bflag:$0x0] =	sbarrier.arrive $0xFFFF  }
0x153: {  	_ =	strace $0x9000004D  }
0x154: {  	s0 =	stileid.u32;
	[bflag:$0x2] =	sbarrier.arrive $0xFFFF  }
0x155: {  	p0 =	sne.s32 s0, $0x0;
	s0 =	rddreg [dreg:$0x3]  }
0x156: {  	s0 =	sadd.s32 @!p0 $0x100000, s0  }
0x157: {  	[sflag:s0] =	ssyncadd.tile.s32 @!p0 $0x1;
	_ =	shalt  }
.Lfunc_end2:
_tile_overlayer_lowered:
.L_overlay_start_2:
0x158: {  	(tag) =	ssettag $0x2  }
0x159: {  	s0 =	rddreg [dreg:$0x0];
	s2 =	stileid.u32  }
0x15a: {  	s1 =	rddreg [dreg:$0x1];
	p0 =	sne.s32 s2, $0x0  }
0x15b: {  	s3 =	rddreg [dreg:$0x2];
	[bflag:$0x3] =	sbarrier.arrive $0xFFFF;
	s2 =	simm.s32 @!p0 $0x1C03  }
0x15c: {  	[timem:s3], [sflag:s2] =	dma.local @!p0 [hbm:s0], s1  }
0x15d: {  	s0 =	simm.s32 @!p0 $0x3  }
0x15e: {  	_ =	swait.ge @!p0 [sflag:s0], s1  }
0x15f: {  	s1 =	ssub.s32 @!p0 $0x0, s1;
	[sflag:s0] =	ssyncset.done @!p0 $0x0  }
0x160: {  	[sflag:s0] =	ssyncadd.s32 @!p0 s1  }
0x161: {  	[bflag:$0x3] =	sbarrier.arrive $0xFFFF  }
0x162: {  	_ =	shalt  }

// kernel: kernel.20.cloned.1.call-start
scs
__scs_entry_jumppad:
0x0: {  	(pc) =	sbr.rel $0x88, $3  }
0x1: {  	(tag) =	ssettag $0x0;
	lr =	simm.s32 $0x1  }
0x2: {  	[smem:$0x3F98] =	sst lr;
	_ =	strace $0xD0000000  }
0x3: {  	_ = 	snop  }
0x4: {  	_ = 	snop  }
0x5: {  	_ = 	snop  }
0x6: {  	_ = 	snop  }
0x7: {  	_ = 	snop  }
__scs_overlays_trampoline_lowered:
0x8: {  	[smem:$0x3FA7] =	sst s0  }
0x9: {  	[smem:$0x3FA8] =	sst s1  }
0xa: {  	[smem:$0x3FA9] =	sst s2  }
0xb: {  	[smem:$0x3FAA] =	sst s3  }
0xc: {  	[smem:$0x3FAB] =	sst s4  }
0xd: {  	[smem:$0x3FAC] =	sst s5  }
0xe: {  	[smem:$0x3FAD] =	sst s6  }
0xf: {  	[smem:$0x3FAE] =	sst s7  }
0x10: {  	[smem:$0x3FAF] =	sst s8  }
0x11: {  	[smem:$0x3FB0] =	sst s9;
	s0 =	simm.s32 @!p0 $0x0  }
0x12: {  	s1 =	sld [smem:$0x3F96];
	s0 =	simm.s32 @p0 $0x1  }
0x13: {  	[smem:$0x3FB1] =	sst s0;
	s0 =	simm.s32 @!p1 $0x0  }
0x14: {  	s2 =	sld [smem:$0x3F95];
	s0 =	simm.s32 @p1 $0x1  }
0x15: {  	[smem:$0x3FB2] =	sst s0;
	s0 =	simm.s32 @!p2 $0x0  }
0x16: {  	s3 =	sld [smem:$0x3FDB];
	s0 =	simm.s32 @p2 $0x1  }
0x17: {  	s4 =	simm.s32 $0x1BF5;
	[smem:$0x3FB4] =	sst s0  }
0x18: {  	s0 =	sld [smem:$0x3F97];
	_ =	swait.ge [sflag:s4], $0x0  }
0x19: {  	s7 =	sld [smem:$0x3F98]  }
0x1a: {  	s8 =	sadd.s32 $0xFFFFE003, lr  }
0x1b: {  	s9 =	sadd.s32 $0xFFFFFEF7, lr;
	s5 =	simm.s32 $0xFFFFFFFF;
	p2 =	slt.u32 s8, $0xFFFFF086  }
0x1c: {  	p1 =	slt.u32 s9, $0xF7A;
	s5 =	simm.s32 @!p2 $0x0  }
0x1d: {  	s5 =	simm.s32 @p1 $0x1;
	p0 =	seq.s32 s7, s2  }
0x1e: {  	s7 =	smul.u32 @!p0 $0xF7A, s2;
	p2 =	seq.s32 @!p0 s5, $0x0  }
0x1f: {  	s9 =	smul.u32 $0xF7A, s1;
	s8 =	simm.s32 @!p0 $0x1BF5;
	p2 =	por !p2, p0  }
0x20: {  	[sflag:s8] =	ssyncset.s32 @!p0 $0xFFFFF086;
	s6 =	sadd.s32 @!p0 s3, s7;
	s7 =	simm.s32 @!p0 $0x108  }
0x21: {  	s3 =	sadd.s32 s3, s9;
	s6 =	sadd.s32 @!p0 $0x88, s6;
	s7 =	simm.s32 @p2 $0x1082  }
0x22: {  	[simem:s7], [sflag:s8] =	dma.local @!p0 [hbm:s6], $0xF7A  }
0x23: {  	s9 =	sor.u32 $0xD0000000, s2;
	s6 =	simm.s32 $0x108;
	_ =	swait.ge @!p0 [sflag:s8], $0x0  }
0x24: {  	s3 =	sadd.s32 $0x88, s3;
	s6 =	simm.s32 @!p1 $0x1082;
	[sflag:s4] =	ssyncset.s32 $0xFFFFF086  }
0x25: {  	[simem:s6], [sflag:s4] =	dma.local [hbm:s3], $0xF7A  }
0x26: {  	[smem:$0x3F98] =	sst s1;
	(tag) =	ssettag s2;
	_ =	strace s9  }
0x27: {  	s1 =	sld [smem:$0x3FA8]  }
0x28: {  	s2 =	sld [smem:$0x3FA9]  }
0x29: {  	s4 =	sld [smem:$0x3FAB]  }
0x2a: {  	p0 =	seq.s32 s5, $0x0;
	s5 =	sld [smem:$0x3FAC]  }
0x2b: {  	s6 =	sld [smem:$0x3FAD]  }
0x2c: {  	s7 =	sld [smem:$0x3FAE]  }
0x2d: {  	s3 =	simm.s32 $0x108;
	s8 =	sld [smem:$0x3FAF]  }
0x2e: {  	s3 =	simm.s32 @!p0 $0x1082;
	s9 =	sld [smem:$0x3FB0]  }
0x2f: {  	lr =	sadd.s32 s0, s3;
	s0 =	sld [smem:$0x3FA7]  }
0x30: {  	s3 =	sld [smem:$0x3FAA]  }
0x31: {  	[smem:$0x3FB3] =	sst s10  }
0x32: {  	s10 =	sld [smem:$0x3FB1];
	_ =	sdelay $0x3  }
0x33: {  	p0 =	seq.s32 s10, $0x1;
	s10 =	sld [smem:$0x3FB3];
	_ =	sdelay $0x3  }
0x34: {  	[smem:$0x3FB3] =	sst s10  }
0x35: {  	s10 =	sld [smem:$0x3FB2];
	_ =	sdelay $0x3  }
0x36: {  	p1 =	seq.s32 s10, $0x1;
	s10 =	sld [smem:$0x3FB3];
	_ =	sdelay $0x3  }
0x37: {  	[smem:$0x3FB3] =	sst s10  }
0x38: {  	s10 =	sld [smem:$0x3FB4]  }
0x39: {  	_ = 	snop;
	(pc) =	sbr.ind lr, $3  }
0x3a: {  	_ = 	snop  }
0x3b: {  	_ = 	snop  }
0x3c: {  	p2 =	seq.s32 s10, $0x1;
	s10 =	sld [smem:$0x3FB3]  }
0x3d: {  	_ =	shalt  }
0x3e: {  	_ =	shalt  }
0x3f: {  	_ =	shalt  }
0x40: {  	_ =	shalt  }
0x41: {  	_ =	shalt  }
0x42: {  	_ =	shalt  }
0x43: {  	_ =	shalt  }
0x44: {  	_ =	shalt  }
0x45: {  	_ =	shalt  }
0x46: {  	_ =	shalt  }
0x47: {  	_ =	shalt  }
0x48: {  	_ =	shalt  }
0x49: {  	_ =	shalt  }
0x4a: {  	_ =	shalt  }
0x4b: {  	_ =	shalt  }
0x4c: {  	_ =	shalt  }
0x4d: {  	_ =	shalt  }
0x4e: {  	_ =	shalt  }
0x4f: {  	_ =	shalt  }
0x50: {  	_ =	shalt  }
0x51: {  	_ =	shalt  }
0x52: {  	_ =	shalt  }
0x53: {  	_ =	shalt  }
0x54: {  	_ =	shalt  }
0x55: {  	_ =	shalt  }
0x56: {  	_ =	shalt  }
0x57: {  	_ =	shalt  }
0x58: {  	_ =	shalt  }
0x59: {  	_ =	shalt  }
0x5a: {  	_ =	shalt  }
0x5b: {  	_ =	shalt  }
0x5c: {  	_ =	shalt  }
0x5d: {  	_ =	shalt  }
0x5e: {  	_ =	shalt  }
0x5f: {  	_ =	shalt  }
0x60: {  	_ =	shalt  }
0x61: {  	_ =	shalt  }
0x62: {  	_ =	shalt  }
0x63: {  	_ =	shalt  }
0x64: {  	_ =	shalt  }
0x65: {  	_ =	shalt  }
0x66: {  	_ =	shalt  }
0x67: {  	_ =	shalt  }
0x68: {  	_ =	shalt  }
0x69: {  	_ =	shalt  }
0x6a: {  	_ =	shalt  }
0x6b: {  	_ =	shalt  }
0x6c: {  	_ =	shalt  }
0x6d: {  	_ =	shalt  }
0x6e: {  	_ =	shalt  }
0x6f: {  	_ =	shalt  }
0x70: {  	_ =	shalt  }
0x71: {  	_ =	shalt  }
0x72: {  	_ =	shalt  }
0x73: {  	_ =	shalt  }
0x74: {  	_ =	shalt  }
0x75: {  	_ =	shalt  }
0x76: {  	_ =	shalt  }
0x77: {  	_ =	shalt  }
0x78: {  	_ =	shalt  }
0x79: {  	_ =	shalt  }
0x7a: {  	_ =	shalt  }
0x7b: {  	_ =	shalt  }
0x7c: {  	_ =	shalt  }
0x7d: {  	_ =	shalt  }
0x7e: {  	_ =	shalt  }
0x7f: {  	_ =	shalt  }
0x80: {  	_ =	shalt  }
0x81: {  	_ =	shalt  }
0x82: {  	_ =	shalt  }
0x83: {  	_ =	shalt  }
0x84: {  	_ =	shalt  }
0x85: {  	_ =	shalt  }
0x86: {  	_ =	shalt  }
0x87: {  	_ =	shalt  }
.Lfunc_end0:
.L_simem_size_0:
called_computation.3_lowered:
.L_overlay_start_0:
0x88: {  	s2 =	sld [smem:$0x3FD9]  }
0x89: {  	s3 =	sld [smem:$0x3FFE];
	_ =	sdelay $0x1  }
0x8a: {  	s1 =	srdreg.scid  }
0x8b: {  	s0 =	sand.u32 $0x1, s1  }
0x8c: {  	s17 =	sshll.u32 s0, $0xA;
	s2 =	sadd.s32 s3, s2  }
0x8d: {  	s2 =	sadd.s32 s2, s17  }
0x8e: {  	[smem:$0x3FBF] =	sst s2  }
0x8f: {  	_ = 	snop  }
0x90: {  	s2 =	sld [smem:$0x3FD0];
	(tm) =	ssettm $0x1  }
0x91: {  	s18 =	sld [smem:$0x3FFB];
	_ =	sdelay $0x3  }
0x92: {  	_ =	strace s18  }
0x93: {  	s3 =	sld [smem:$0x3FFC];
	_ =	sdelay $0x3  }
0x94: {  	_ =	strace s3  }
0x95: {  	s3 =	sld [smem:$0x3FFD];
	_ =	sdelay $0x3  }
0x96: {  	_ =	strace s3  }
0x97: {  	_ =	strace $0x8FFFFFFF  }
0x98: {  	s19 =	sld [smem:$0x3FDB];
	_ =	sdelay $0x1  }
0x99: {  	s4 =	simm.s32 $_scs_section_size  }
0x9a: {  	s5 =	simm.s32 $_size__tile_overlayer_lowered;
	s6 =	simm.s32 $_tile_overlayer_lowered  }
0x9b: {  	s22 =	simm.s32 $0x1BFF;
	s21 =	sshll.u32 s6, $0x1;
	s3 =	sadd.s32 s4, s19  }
0x9c: {  	s7 =	simm.s32 $0x0;
	s20 =	sshll.u32 s5, $0x1;
	s5 =	sadd.s32 s21, s3  }
0x9d: {  	[timem:s7], [sflag:s22] =	dma.local [hbm:s5], s20  }
0x9e: {  	_ =	swait.ge [sflag:s22], s20  }
0x9f: {  	s4 =	ssub.s32 $0x0, s20;
	[sflag:s22] =	ssyncset.done $0x0  }
0xa0: {  	[sflag:s22] =	ssyncadd.s32 s4;
	_ =	sdelay $0x1  }
0xa1: {  	s23 =	simm.s32 $0x1B8B  }
0xa2: {  	_ =	swait.ge [sflag:s23], $0x1  }
0xa3: {  	[sflag:s23] =	ssyncset.done $0x0  }
0xa4: {  	s25 =	simm.s32 $0x1B8E;
	s24 =	sld [smem:$0x3FFE];
	[sflag:s23] =	ssyncadd.s32 $0xFFFFFFFF  }
0xa5: {  	s26 =	simm.s32 $execute0_lowered;
	[smem:$0x3FD2] =	sst s25  }
0xa6: {  	s5 =	sshll.u32 s26, $0x1;
	_ =	strace $0x8000004F;
	[dreg:$0x1] =	wrdreg $0xFFFFFFFF  }
0xa7: {  	s28 =	simm.s32 $_size_execute0_lowered;
	s3 =	sadd.s32 s3, s5;
	[dreg:$0x0] =	wrdreg $0x0  }
0xa8: {  	s5 =	sshll.u32 s28, $0x1;
	[dreg:$0x2] =	wrdreg s3  }
0xa9: {  	[dreg:$0x3] =	wrdreg s5  }
0xaa: {  	[dreg:$0x4] =	wrdreg $0xC0  }
0xab: {  	_ =	task [dreg:s7], $0x5FFFF  }
0xac: {  	[dreg:$0x1] =	wrdreg $0xFFFFFFFF  }
0xad: {  	[dreg:$0x0] =	wrdreg $0x60  }
0xae: {  	[dreg:$0x2] =	wrdreg s24  }
0xaf: {  	[dreg:$0x3] =	wrdreg s2  }
0xb0: {  	[dreg:$0x4] =	wrdreg $0x73A00  }
0xb1: {  	[dreg:$0x5] =	wrdreg $0x9  }
0xb2: {  	_ =	task.clear_ibuf [dreg:s7], $0x6FFFF;
	_ =	strace $0x9000004F  }
0xb3: {  	s29 =	simm.s32 $0x9;
	_ =	strace $0x80000051  }
0xb4: {  	_ =	swait.ge [sflag:s29], $0x1  }
0xb5: {  	[sflag:s29] =	ssyncadd.s32 $0xFFFFFFFF  }
0xb6: {  	_ =	strace $0x90000051  }
0xb7: {  	_ =	sfence  }
0xb8: {  	s30 =	sld [smem:$0x0];
	_ =	sdelay $0x2  }
0xb9: {  	s31 =	sshll.u32 s1, $0xD;
	s1 =	sshrl.u32 s1, $0x2  }
0xba: {  	s3 =	sand.u32 $0x4000, s31;
	s1 =	sadd.s32 s1, s30  }
0xbb: {  	s0 =	sor.u32 s3, s0;
	s1 =	sshll.u32 s1, $0x11  }
0xbc: {  	s0 =	sor.u32 s1, s0  }
0xbd: {  	s0 =	sadd.s32 $0x8F2B, s0  }
0xbe: {  	[sflag:s0] =	ssyncadd.remote.s32 $0x1  }
0xbf: {  	_ =	sfence.sel $0xFFFF  }
0xc0: {  	[dreg:$0x0] =	wrdreg $0xFFFFFFFF;
	(pc) =	sbr.abs _section_cstart, $3  }
0xc1: {  	[dreg:$0x1] =	wrdreg $0xFFFFFFFF  }
0xc2: {  	_ =	task.clear_ibuf [dreg:s7], $0x2FFFF;
	_ =	strace $0x9FFFFFFF  }
0xc3: {  	(tm) =	ssettm $0x7FFFFFFF  }
tec
execute0_lowered:
.L_overlay_start_1:
0x0: {  	(tag) =	ssettag $0x1  }
0x1: {  	s0 =	rddreg [dreg:$0x0]  }
0x2: {  	s2 =	rddreg [dreg:$0x1]  }
0x3: {  	s1 =	rddreg [dreg:$0x2]  }
0x4: {  	s3 =	simm.s32 $0x0;
	s20 =	srdreg.scid;
	s13 =	stileid.u32  }
0x5: {  	s28 =	simm.s32 $0x4B0;
	s29 =	simm.s32 $0x7D0;
	s30 =	simm.s32 $0xE10  }
0x6: {  	s31 =	simm.s32 $0x1;
	[smem:$0x7FF] =	sst s3;
	s4 =	sadd.s32 $0x112400, s0  }
0x7: {  	s5 =	sadd.s32 $0x3E00, s0;
	s3 =	sand.u32 $0x1, s20;
	s6 =	sadd.s32 $0x1CE00, s0  }
0x8: {  	s10 =	smul.u32 $0x18700, s13;
	s20 =	simm.s32 $0x3;
	_ =	strace $0x80000050  }
0x9: {  	s7 =	sshll.u32 s3, $0x4;
	s9 =	ssub.s32 $0x2, s3;
	p0 =	seq.s32 s3, $0x1  }
0xa: {  	s3 =	simm.s32 $0x41A0;
	s8 =	sor.u32 s13, s7;
	s7 =	sadd.s32 $0x12B400, s0  }
0xb: {  	s11 =	sshrl.u32 s9, $0x1;
	s21 =	sadd.s32 s10, s1;
	s10 =	sshrl.u32 s10, $0x3  }
0xc: {  	s13 =	sshll.u32 s13, $0x6;
	s12 =	smul.u32 $0x6400, s8;
	s8 =	sadd.s32 $0x35E00, s0  }
0xd: {  	s9 =	ssub.s32 s9, s11;
	s2 =	sadd.s32 s2, s10;
	s13 =	sor.u32 $0x1C03, s13  }
0xe: {  	s11 =	simm.s32 $0x0;
	[dreg:$0x4] =	wrdreg s2;
	s2 =	simm.s32 $0x7FC00  }
0xf: {  	s26 =	smax.u32 s9, $0x1;
	s9 =	simm.s32 $0x2;
	s14 =	sshrl.u32 s12, $0x3  }
0x10: {  	s2 =	simm.s32 @!p0 $0x4EE00;
	[dreg:$0x9] =	wrdreg s26;
	s22 =	sadd.s32 s4, s14  }
0x11: {  	s15 =	sor.u32 $0x190, s12;
	s23 =	sadd.s32 s5, s14;
	[dreg:$0x5] =	wrdreg s22  }
0x12: {  	v0 =	vimm.s32 $0x0;
	s16 =	sor.u32 $0x320, s12;
	s24 =	sadd.s32 s6, s14;
	[dreg:$0x6] =	wrdreg s23  }
0x13: {  	v1 =	vimm.s32 $0x1;
	v2 =	vimm.s32 $0x2;
	v3 =	vimm.s32 $0x3;
	s25 =	sadd.s32 s8, s14;
	s0 =	sadd.s32 s2, s0;
	[dreg:$0x7] =	wrdreg s24  }
0x14: {  	v4 =	vimm.s32 $0x4;
	v5 =	vimm.s32 $0x5;
	v6 =	vimm.s32 $0x6;
	s26 =	simm.s32 $0xFA0;
	[dreg:$0x8] =	wrdreg s25;
	s0 =	sadd.s32 s0, s10  }
0x15: {  	v7 =	vimm.s32 $0x7;
	v8 =	vimm.s32 $0x8;
	v9 =	vimm.s32 $0x9;
	s10 =	sshrl.u32 s21, $0x3;
	s21 =	simm.s32 $0x320;
	s22 =	simm.s32 $0x640  }
0x16: {  	v10 =	vimm.s32 $0xA;
	v11 =	vimm.s32 $0xB;
	v12 =	vimm.s32 $0xC;
	s23 =	simm.s32 $0xC80;
	s24 =	simm.s32 $0x190;
	[dreg:$0xa] =	wrdreg s0  }
0x17: {  	v13 =	vimm.s32 $0xD;
	v14 =	vimm.s32 $0xE;
	v15 =	vimm.s32 $0xF;
	s25 =	simm.s32 $0x960;
	s0 =	simm.s32 $0xAF0;
	[dreg:$0xb] =	wrdreg s10  }
.LBB2_1:
0x18: {  	s2 =	rddreg [dreg:$0x4]  }
0x19: {  	[spmem:s10], [sflag:s13] =	dma.local [hbm:s2], $0x30E0  }
0x1a: {  	_ =	swait.ge [sflag:s20], $0x30E0  }
0x1b: {  	[sflag:s20] =	ssyncset.done $0x0  }
0x1c: {  	[sflag:s20] =	ssyncadd.s32 $0xFFFFCF20  }
0x1d: {  	[bflag:$0x0] =	sbarrier.arrive $0xFFFF  }
0x1e: {  	s19 =	smov.u32 s13;
	s12 =	simm.s32 $0x0;
	s13 =	rddreg [dreg:$0x5]  }
0x1f: {  	[tilespmem:s12], [sflag:$0x3] =	stream.linear.gather [hbm4b:s13+s12], $0x190, $0x38;
	[tilespmem:$0x1FAA0] =	vst v63  }
0x20: {  	_ =	swait.ge [sflag:s20], $0x190  }
0x21: {  	[sflag:s20] =	ssyncset.done $0x0  }
0x22: {  	s14 =	rddreg [dreg:$0x6];
	[sflag:s20] =	ssyncadd.s32 $0xFFFFFE70  }
0x23: {  	[tilespmem:s21], [sflag:$0x3] =	stream.linear.gather [hbm4b:s14+s12], $0x190, $0x38;
	[tilespmem:$0x1FAA0] =	vst v63  }
0x24: {  	_ =	swait.ge [sflag:s20], $0x190  }
0x25: {  	[sflag:s20] =	ssyncset.done $0x0  }
0x26: {  	s17 =	rddreg [dreg:$0x7];
	[sflag:s20] =	ssyncadd.s32 $0xFFFFFE70  }
0x27: {  	[tilespmem:s22], [sflag:$0x3] =	stream.linear.gather [hbm4b:s17+s12], $0x190, $0x38;
	[tilespmem:$0x1FAA0] =	vst v63  }
0x28: {  	_ =	swait.ge [sflag:s20], $0x190  }
0x29: {  	[sflag:s20] =	ssyncset.done $0x0  }
0x2a: {  	s18 =	rddreg [dreg:$0x8];
	[sflag:s20] =	ssyncadd.s32 $0xFFFFFE70  }
0x2b: {  	[tilespmem:s23], [sflag:$0x3] =	stream.linear.gather [hbm4b:s18+s12], $0x190, $0x38;
	[tilespmem:$0x1FAA0] =	vst v63  }
0x2c: {  	_ =	swait.ge [sflag:s20], $0x190  }
0x2d: {  	[sflag:s20] =	ssyncset.done $0x0  }
0x2e: {  	s2 =	simm.s32 $0x0;
	[sflag:s20] =	ssyncadd.s32 $0xFFFFFE70  }
0x2f: {  	v16 =	vld [tilespmem:s2+$0x640]  }
0x30: {  	s10 =	simm.s32 $0x40;
	v17 =	vld [tilespmem:s2+$0x0]  }
.LBB2_2:
0x31: {  	_ = 	snop  }
0x32: {  	p0 =	sne.s32 s10, $0x600  }
.Ltmp0:
0x33: {  	_ = 	snop;
	(pc) =	sbr.rel @p0 .LBB2_2-.Ltmp0, $4  }
0x34: {  	v18 =	vmul.u32 $0xC350, v16  }
0x35: {  	s12 =	sshra.s32 s10, $0x2  }
0x36: {  	v16 =	vld [tilespmem:s12+$0x640];
	v18 =	vadd.s32 v17, v18  }
0x37: {  	s10 =	sadd.s32 $0x40, s10;
	v17 =	vld [tilespmem:s12+$0x0];
	[tilespmem:s2+$0x960] =	vst v18;
	s2 =	smov.u32 s12  }
0x38: {  	_ =	sdelay $0x2  }
0x39: {  	v16 =	vmul.u32 $0xC350, v16;
	_ =	sdelay $0x1  }
0x3a: {  	v16 =	vadd.s32 v17, v16  }
0x3b: {  	s12 =	simm.s32 $0x0;
	s13 =	simm.s32 $0x0;
	[tilespmem:s2+$0x960] =	vst v16  }
0x3c: {  	[tilespmem:s26], [sflag:$0x1] =	stream.indirect.gather [hbm4b:s7+s24], $0x20, s25, s24, $0xb8;
	[tilespmem:$0x1FAA0] =	vst v63  }
.LBB2_4:
0x3d: {  	s14 =	smul.u32 $0x320, s13;
	_ =	sdelay $0x1  }
0x3e: {  	s2 =	sadd.s32 s14, s15  }
0x3f: {  	s2 =	sshrl.u32 s2, $0x3  }
0x40: {  	s10 =	sadd.s32 s4, s2  }
0x41: {  	[tilespmem:s24], [sflag:$0x3] =	stream.linear.gather [hbm4b:s10+s12], $0x190, $0x38;
	[tilespmem:$0x1FAA0] =	vst v63  }
0x42: {  	_ =	swait.ge [sflag:s20], $0x190  }
0x43: {  	[sflag:s20] =	ssyncset.done $0x0  }
0x44: {  	s17 =	sadd.s32 s5, s2;
	[sflag:s20] =	ssyncadd.s32 $0xFFFFFE70  }
0x45: {  	[tilespmem:s28], [sflag:$0x3] =	stream.linear.gather [hbm4b:s17+s12], $0x190, $0x38;
	[tilespmem:$0x1FAA0] =	vst v63  }
0x46: {  	_ =	swait.ge [sflag:s20], $0x190  }
0x47: {  	[sflag:s20] =	ssyncset.done $0x0  }
0x48: {  	s18 =	sadd.s32 s6, s2;
	[sflag:s20] =	ssyncadd.s32 $0xFFFFFE70  }
0x49: {  	[tilespmem:s29], [sflag:$0x3] =	stream.linear.gather [hbm4b:s18+s12], $0x190, $0x38;
	[tilespmem:$0x1FAA0] =	vst v63  }
0x4a: {  	_ =	swait.ge [sflag:s20], $0x190  }
0x4b: {  	[sflag:s20] =	ssyncset.done $0x0  }
0x4c: {  	s2 =	sadd.s32 s8, s2;
	[sflag:s20] =	ssyncadd.s32 $0xFFFFFE70  }
0x4d: {  	[tilespmem:s30], [sflag:$0x3] =	stream.linear.gather [hbm4b:s2+s12], $0x190, $0x38;
	[tilespmem:$0x1FAA0] =	vst v63  }
0x4e: {  	_ =	swait.ge [sflag:s20], $0x190  }
0x4f: {  	[sflag:s20] =	ssyncset.done $0x0  }
0x50: {  	s2 =	simm.s32 $0x0;
	[sflag:s20] =	ssyncadd.s32 $0xFFFFFE70  }
0x51: {  	v16 =	vld [tilespmem:s2+$0x7D0]  }
0x52: {  	s10 =	simm.s32 $0x40;
	v17 =	vld [tilespmem:s2+$0x190]  }
.LBB2_5:
0x53: {  	_ = 	snop  }
0x54: {  	p0 =	sne.s32 s10, $0x600  }
.Ltmp1:
0x55: {  	_ = 	snop;
	(pc) =	sbr.rel @p0 .LBB2_5-.Ltmp1, $4  }
0x56: {  	v18 =	vmul.u32 $0xC350, v16  }
0x57: {  	s17 =	sshra.s32 s10, $0x2  }
0x58: {  	v16 =	vld [tilespmem:s17+$0x7D0];
	v18 =	vadd.s32 v17, v18  }
0x59: {  	s10 =	sadd.s32 $0x40, s10;
	v17 =	vld [tilespmem:s17+$0x190];
	[tilespmem:s2+$0xAF0] =	vst v18;
	s2 =	smov.u32 s17  }
0x5a: {  	_ =	sdelay $0x2  }
0x5b: {  	v16 =	vmul.u32 $0xC350, v16;
	_ =	sdelay $0x1  }
0x5c: {  	v16 =	vadd.s32 v17, v16  }
0x5d: {  	[tilespmem:s2+$0xAF0] =	vst v16  }
0x5e: {  	_ =	swait.ge [sflag:s31], $0x3200  }
0x5f: {  	[sflag:s31] =	ssyncset.done $0x0  }
0x60: {  	s17 =	simm.s32 $0x10A0;
	[sflag:s31] =	ssyncadd.s32 $0xFFFFCE00  }
0x61: {  	[tilespmem:s3], [sflag:$0x2] =	stream.indirect.gather [hbm4b:s7+s24], $0x20, s0, s24, $0xb8;
	[tilespmem:$0x1FAA0] =	vst v63  }
0x62: {  	v21 =	vld [tilespmem:s17+$0xFFFFFFA0]  }
0x63: {  	v19 =	vld [tilespmem:s17+$0xFFFFFFF0]  }
0x64: {  	v16 =	vld [tilespmem:s17+$0xFFFFFF60]  }
0x65: {  	v22 =	vld [tilespmem:s17+$0xFFFFFFD0]  }
0x66: {  	v23 =	vld [tilespmem:s17+$0x80]  }
0x67: {  	v26 =	vld [tilespmem:s17+$0xFFFFFF10]  }
0x68: {  	v30 =	vld [tilespmem:s17+$0xE0]  }
0x69: {  	v25 =	vld [tilespmem:s17+$0xFFFFFF40]  }
0x6a: {  	s18 =	simm.s32 $0x0;
	v17 =	vld [tilespmem:s17+$0xFFFFFF90]  }
0x6b: {  	v18 =	vld [tilespmem:s18+$0xC80]  }
0x6c: {  	v24 =	vld [tilespmem:s17+$0xFFFFFFC0]  }
0x6d: {  	v27 =	vld [tilespmem:s17+$0xFFFFFF00]  }
0x6e: {  	v28 =	vld [tilespmem:s17+$0xD0]  }
0x6f: {  	v37 =	vld [tilespmem:s17+$0xC0]  }
0x70: {  	v35 =	vld [tilespmem:s17+$0x90];
	v33 =	vperm.xlane v18, v0;
	v20 =	vperm.xlane v18, v15  }
0x71: {  	v36 =	vld [tilespmem:s17+$0xFFFFFF50];
	v34 =	vperm.xlane v18, v2;
	v32 =	vperm.xlane v18, v14  }
0x72: {  	v31 =	vld [tilespmem:s17+$0xB0];
	v29 =	vperm.xlane v18, v12;
	v39 =	vmul.f32 v27, v33  }
0x73: {  	s2 =	simm.s32 $0x10A0;
	s18 =	simm.s32 $0x40;
	v27 =	vperm.xlane v18, v13;
	v38 =	vmul.f32 v25, v34;
	v25 =	vld [tilespmem:s17+$0x60]  }
.LBB2_7:
0x74: {  	p0 =	sne.s32 s18, $0x600  }
0x75: {  	[tilespmem:s17+$0xFFFFFF00] =	vst v39;
	v39 =	vld [tilespmem:s17+$0xFFFFFFB0];
	v37 =	vmul.f32 v37, v32;
	v30 =	vmul.f32 v30, v20;
	s2 =	sadd.s32 $0x200, s2;
	s10 =	smov.u32 s18;
	s18 =	sadd.s32 $0x40, s18  }
0x76: {  	[tilespmem:s17+$0xFFFFFF40] =	vst v38;
	v38 =	vperm.xlane v18, v10;
	v35 =	vmul.f32 v35, v29;
	v40 =	vld [tilespmem:s17+$0xA0]  }
0x77: {  	v26 =	vmul.f32 v26, v33;
	v33 =	vmul.f32 v36, v34;
	v34 =	vld [tilespmem:s17+$0x70];
	[tilespmem:s17+$0xE0] =	vst v30  }
0x78: {  	v30 =	vperm.xlane v18, v5;
	v36 =	vld [tilespmem:s17+$0xFFFFFFE0];
	v31 =	vmul.f32 v31, v27;
	[tilespmem:s17+$0xC0] =	vst v37  }
0x79: {  	v28 =	vmul.f32 v28, v32;
	[tilespmem:s17+$0xFFFFFF10] =	vst v26;
	v26 =	vperm.xlane v18, v6;
	v37 =	vld [tilespmem:s17+$0x40]  }
0x7a: {  	v41 =	vperm.xlane v18, v11;
	v21 =	vmul.f32 v21, v30;
	v32 =	vld [tilespmem:s17+$0xFFFFFF20];
	[tilespmem:s17+$0x90] =	vst v35  }
0x7b: {  	[tilespmem:s17+$0xFFFFFF50] =	vst v33;
	v33 =	vperm.xlane v18, v9;
	v35 =	vld [tilespmem:s17+$0x20];
	v27 =	vmul.f32 v40, v27  }
0x7c: {  	v30 =	vmul.f32 v39, v30;
	v39 =	vld [tilespmem:s17+$0x50];
	v34 =	vmul.f32 v34, v41;
	[tilespmem:s17+$0xD0] =	vst v28  }
0x7d: {  	v23 =	vmul.f32 v23, v29;
	v28 =	vperm.xlane v18, v7;
	v40 =	vld [tilespmem:s17+$0x30];
	[tilespmem:s17+$0xA0] =	vst v27  }
0x7e: {  	v24 =	vmul.f32 v24, v26;
	v27 =	vperm.xlane v18, v3;
	v29 =	vld [tilespmem:s17+$0x0];
	[tilespmem:s17+$0x70] =	vst v34  }
0x7f: {  	v25 =	vmul.f32 v25, v41;
	v22 =	vmul.f32 v22, v26;
	v26 =	vld [tilespmem:s17+$0x10];
	[tilespmem:s17+$0x80] =	vst v23  }
0x80: {  	v34 =	vperm.xlane v18, v8;
	v37 =	vmul.f32 v37, v38;
	v23 =	vld [tilespmem:s17+$0xFFFFFF30];
	[tilespmem:s17+$0xB0] =	vst v31  }
0x81: {  	v31 =	vperm.xlane v18, v1;
	v41 =	vld [tilespmem:s17+$0xFFFFFF70];
	[tilespmem:s17+$0xFFFFFFD0] =	vst v22;
	v38 =	vmul.f32 v39, v38  }
0x82: {  	v19 =	vmul.f32 v19, v28;
	v22 =	vmul.f32 v36, v28;
	[tilespmem:s17+$0xFFFFFFC0] =	vst v24;
	v24 =	vld [tilespmem:s17+$0xF0]  }
0x83: {  	v36 =	vmul.f32 v40, v33;
	v28 =	vld [tilespmem:s17+$0xFFFFFF80];
	[tilespmem:s17+$0xFFFFFFA0] =	vst v21;
	v29 =	vmul.f32 v29, v34  }
0x84: {  	v21 =	vld [tilespmem:s2+$0xFFFFFFA0];
	[tilespmem:s17+$0xFFFFFFF0] =	vst v19;
	v34 =	vmul.f32 v26, v34;
	v26 =	vmul.f32 v35, v33  }
0x85: {  	v19 =	vmul.f32 v32, v31;
	v31 =	vmul.f32 v23, v31;
	[tilespmem:s17+$0x60] =	vst v25  }
0x86: {  	v16 =	vmul.f32 v16, v27;
	v23 =	vmul.f32 v41, v27;
	[tilespmem:s17+$0xFFFFFFB0] =	vst v30  }
0x87: {  	v18 =	vperm.xlane v18, v4;
	[tilespmem:s17+$0xFFFFFF20] =	vst v19;
	v19 =	vmul.f32 v24, v20  }
0x88: {  	[tilespmem:s17+$0xFFFFFF60] =	vst v16  }
0x89: {  	v20 =	vmul.f32 v28, v18;
	v16 =	vmul.f32 v17, v18;
	[tilespmem:s17+$0x40] =	vst v37  }
0x8a: {  	[tilespmem:s17+$0xFFFFFFE0] =	vst v22  }
0x8b: {  	[tilespmem:s17+$0xF0] =	vst v19  }
0x8c: {  	[tilespmem:s17+$0xFFFFFF90] =	vst v16  }
0x8d: {  	v19 =	vld [tilespmem:s2+$0xFFFFFFF0];
	[tilespmem:s17+$0xFFFFFF70] =	vst v23  }
0x8e: {  	v16 =	vld [tilespmem:s2+$0xFFFFFF60];
	[tilespmem:s17+$0x20] =	vst v26  }
0x8f: {  	v22 =	vld [tilespmem:s2+$0xFFFFFFD0];
	[tilespmem:s17+$0x30] =	vst v36  }
0x90: {  	v23 =	vld [tilespmem:s2+$0x80];
	[tilespmem:s17+$0xFFFFFF80] =	vst v20  }
0x91: {  	v26 =	vld [tilespmem:s2+$0xFFFFFF10];
	[tilespmem:s17+$0x50] =	vst v38  }
0x92: {  	v30 =	vld [tilespmem:s2+$0xE0];
	[tilespmem:s17+$0x0] =	vst v29  }
0x93: {  	v25 =	vld [tilespmem:s2+$0xFFFFFF40];
	[tilespmem:s17+$0xFFFFFF30] =	vst v31  }
0x94: {  	s10 =	sshra.s32 s10, $0x2;
	v17 =	vld [tilespmem:s2+$0xFFFFFF90];
	[tilespmem:s17+$0x10] =	vst v34;
	s17 =	smov.u32 s2  }
0x95: {  	v18 =	vld [tilespmem:s10+$0xC80]  }
0x96: {  	v24 =	vld [tilespmem:s2+$0xFFFFFFC0]  }
0x97: {  	v27 =	vld [tilespmem:s2+$0xFFFFFF00]  }
0x98: {  	v28 =	vld [tilespmem:s2+$0xD0]  }
.Ltmp2:
0x99: {  	v37 =	vld [tilespmem:s2+$0xC0];
	(pc) =	sbr.rel @p0 .LBB2_7-.Ltmp2, $4  }
0x9a: {  	v33 =	vperm.xlane v18, v0;
	v35 =	vld [tilespmem:s2+$0x90];
	v20 =	vperm.xlane v18, v15  }
0x9b: {  	v34 =	vperm.xlane v18, v2;
	v32 =	vperm.xlane v18, v14;
	v36 =	vld [tilespmem:s2+$0xFFFFFF50]  }
0x9c: {  	v39 =	vmul.f32 v27, v33;
	v27 =	vperm.xlane v18, v13;
	v31 =	vld [tilespmem:s2+$0xB0]  }
0x9d: {  	v29 =	vperm.xlane v18, v12;
	v38 =	vmul.f32 v25, v34;
	v25 =	vld [tilespmem:s2+$0x60]  }
0x9e: {  	[tilespmem:s17+$0xFFFFFF00] =	vst v39;
	v30 =	vmul.f32 v30, v20  }
0x9f: {  	v37 =	vmul.f32 v37, v32;
	[tilespmem:s17+$0xFFFFFF40] =	vst v38  }
0xa0: {  	v26 =	vmul.f32 v26, v33;
	[tilespmem:s17+$0xE0] =	vst v30  }
0xa1: {  	v58 =	vmul.f32 v28, v32;
	[tilespmem:s17+$0xC0] =	vst v37  }
0xa2: {  	v56 =	vmul.f32 v35, v29;
	[tilespmem:s17+$0xFFFFFF10] =	vst v26  }
0xa3: {  	v40 =	vperm.xlane v18, v6;
	v23 =	vmul.f32 v23, v29;
	[tilespmem:s17+$0xD0] =	vst v58  }
0xa4: {  	v34 =	vmul.f32 v36, v34;
	[tilespmem:s17+$0x90] =	vst v56  }
0xa5: {  	v44 =	vperm.xlane v18, v5;
	v22 =	vmul.f32 v22, v40;
	[tilespmem:s17+$0x80] =	vst v23  }
0xa6: {  	v46 =	vperm.xlane v18, v7;
	v24 =	vmul.f32 v24, v40;
	[tilespmem:s17+$0xFFFFFF50] =	vst v34  }
0xa7: {  	v53 =	vperm.xlane v18, v3;
	v21 =	vmul.f32 v21, v44;
	[tilespmem:s17+$0xFFFFFFD0] =	vst v22  }
0xa8: {  	v54 =	vld [tilespmem:s17+$0xA0];
	v19 =	vmul.f32 v19, v46;
	[tilespmem:s17+$0xFFFFFFC0] =	vst v24  }
0xa9: {  	v55 =	vld [tilespmem:s17+$0x70];
	v60 =	vperm.xlane v18, v11;
	v16 =	vmul.f32 v16, v53;
	[tilespmem:s17+$0xFFFFFFA0] =	vst v21  }
0xaa: {  	v57 =	vld [tilespmem:s17+$0xFFFFFFB0];
	v58 =	vperm.xlane v18, v4;
	v42 =	vmul.f32 v31, v27;
	[tilespmem:s17+$0xFFFFFFF0] =	vst v19  }
0xab: {  	v59 =	vld [tilespmem:s17+$0xFFFFFF20];
	v25 =	vmul.f32 v25, v60;
	[tilespmem:s17+$0xFFFFFF60] =	vst v16  }
0xac: {  	v61 =	vld [tilespmem:s17+$0xFFFFFFE0];
	v17 =	vmul.f32 v17, v58;
	[tilespmem:s17+$0xB0] =	vst v42  }
0xad: {  	v48 =	vld [tilespmem:s17+$0xFFFFFF70];
	v62 =	vmul.f32 v54, v27;
	[tilespmem:s17+$0x60] =	vst v25  }
0xae: {  	v63 =	vld [tilespmem:s17+$0x40];
	v51 =	vperm.xlane v18, v1;
	v33 =	vmul.f32 v55, v60;
	[tilespmem:s17+$0xFFFFFF90] =	vst v17  }
0xaf: {  	v45 =	vld [tilespmem:s17+$0x30];
	v52 =	vmul.f32 v57, v44;
	[tilespmem:s17+$0xA0] =	vst v62  }
0xb0: {  	v54 =	vld [tilespmem:s17+$0xF0];
	v28 =	vmul.f32 v59, v51;
	[tilespmem:s17+$0x70] =	vst v33  }
0xb1: {  	v49 =	vld [tilespmem:s17+$0xFFFFFF80];
	v55 =	vperm.xlane v18, v10;
	v23 =	vmul.f32 v61, v46;
	[tilespmem:s17+$0xFFFFFFB0] =	vst v52  }
0xb2: {  	v43 =	vld [tilespmem:s17+$0x20];
	v59 =	vperm.xlane v18, v9;
	v60 =	vmul.f32 v48, v53;
	[tilespmem:s17+$0xFFFFFF20] =	vst v28  }
0xb3: {  	v56 =	vld [tilespmem:s17+$0xFFFFFF30];
	v57 =	vmul.f32 v63, v55;
	[tilespmem:s17+$0xFFFFFFE0] =	vst v23  }
0xb4: {  	v41 =	vld [tilespmem:s17+$0x50];
	v17 =	vmul.f32 v45, v59;
	[tilespmem:s17+$0xFFFFFF70] =	vst v60  }
0xb5: {  	v47 =	vld [tilespmem:s17+$0x0];
	[tilespmem:s17+$0x40] =	vst v57;
	v16 =	vmul.f32 v54, v20  }
0xb6: {  	v50 =	vld [tilespmem:s17+$0x10];
	v62 =	vmul.f32 v49, v58;
	[tilespmem:s17+$0x30] =	vst v17  }
0xb7: {  	[tilespmem:s17+$0xF0] =	vst v16;
	v16 =	vmul.f32 v43, v59  }
0xb8: {  	v61 =	vperm.xlane v18, v8;
	v63 =	vmul.f32 v56, v51;
	[tilespmem:s17+$0xFFFFFF80] =	vst v62  }
0xb9: {  	[tilespmem:s17+$0x20] =	vst v16;
	v16 =	vmul.f32 v41, v55  }
0xba: {  	v17 =	vmul.f32 v47, v61;
	[tilespmem:s17+$0xFFFFFF30] =	vst v63  }
0xbb: {  	[tilespmem:s17+$0x50] =	vst v16;
	v16 =	vmul.f32 v50, v61  }
0xbc: {  	p0 =	seq.s32 s13, $0x1F;
	[tilespmem:s17+$0x0] =	vst v17  }
.Ltmp3:
0xbd: {  	[tilespmem:s17+$0x10] =	vst v16;
	(pc) =	sbr.rel @p0 .LBB2_12-.Ltmp3, $4  }
0xbe: {  	[spmem:s1] =	stream.indirect.scatter.add.f32 [tilespmem:s26], [sflag:$0x3], $0x20, s21, s24, $0xb8;
	[tilespmem:$0x1FAA0] =	vst v63  }
0xbf: {  	_ =	swait.ge [sflag:s20], $0x3200  }
0xc0: {  	[sflag:s20] =	ssyncset.done $0x0  }
0xc1: {  	[sflag:s20] =	ssyncadd.s32 $0xFFFFCE00  }
0xc2: {  	s2 =	sadd.s32 s14, s16  }
0xc3: {  	s2 =	sshrl.u32 s2, $0x3  }
0xc4: {  	s14 =	simm.s32 $0x0;
	s10 =	sadd.s32 s4, s2  }
0xc5: {  	[tilespmem:s14], [sflag:$0x3] =	stream.linear.gather [hbm4b:s10+s14], $0x190, $0x38;
	[tilespmem:$0x1FAA0] =	vst v63  }
0xc6: {  	_ =	swait.ge [sflag:s20], $0x190  }
0xc7: {  	[sflag:s20] =	ssyncset.done $0x0  }
0xc8: {  	s17 =	sadd.s32 s5, s2;
	[sflag:s20] =	ssyncadd.s32 $0xFFFFFE70  }
0xc9: {  	[tilespmem:s21], [sflag:$0x3] =	stream.linear.gather [hbm4b:s17+s14], $0x190, $0x38;
	[tilespmem:$0x1FAA0] =	vst v63  }
0xca: {  	_ =	swait.ge [sflag:s20], $0x190  }
0xcb: {  	[sflag:s20] =	ssyncset.done $0x0  }
0xcc: {  	s18 =	sadd.s32 s6, s2;
	[sflag:s20] =	ssyncadd.s32 $0xFFFFFE70  }
0xcd: {  	[tilespmem:s22], [sflag:$0x3] =	stream.linear.gather [hbm4b:s18+s14], $0x190, $0x38;
	[tilespmem:$0x1FAA0] =	vst v63  }
0xce: {  	_ =	swait.ge [sflag:s20], $0x190  }
0xcf: {  	[sflag:s20] =	ssyncset.done $0x0  }
0xd0: {  	s2 =	sadd.s32 s8, s2;
	[sflag:s20] =	ssyncadd.s32 $0xFFFFFE70  }
0xd1: {  	[tilespmem:s23], [sflag:$0x3] =	stream.linear.gather [hbm4b:s2+s14], $0x190, $0x38;
	[tilespmem:$0x1FAA0] =	vst v63  }
0xd2: {  	_ =	swait.ge [sflag:s20], $0x190  }
0xd3: {  	[sflag:s20] =	ssyncset.done $0x0  }
0xd4: {  	s2 =	simm.s32 $0x0;
	[sflag:s20] =	ssyncadd.s32 $0xFFFFFE70  }
0xd5: {  	v16 =	vld [tilespmem:s2+$0x640]  }
0xd6: {  	s10 =	simm.s32 $0x40;
	v17 =	vld [tilespmem:s2+$0x0]  }
.LBB2_10:
0xd7: {  	_ = 	snop  }
0xd8: {  	p0 =	sne.s32 s10, $0x600  }
.Ltmp4:
0xd9: {  	_ = 	snop;
	(pc) =	sbr.rel @p0 .LBB2_10-.Ltmp4, $4  }
0xda: {  	v18 =	vmul.u32 $0xC350, v16  }
0xdb: {  	s14 =	sshra.s32 s10, $0x2  }
0xdc: {  	v16 =	vld [tilespmem:s14+$0x640];
	v18 =	vadd.s32 v17, v18  }
0xdd: {  	s10 =	sadd.s32 $0x40, s10;
	v17 =	vld [tilespmem:s14+$0x0];
	[tilespmem:s2+$0x960] =	vst v18;
	s2 =	smov.u32 s14  }
0xde: {  	_ =	sdelay $0x2  }
0xdf: {  	v16 =	vmul.u32 $0xC350, v16;
	_ =	sdelay $0x1  }
0xe0: {  	v16 =	vadd.s32 v17, v16  }
0xe1: {  	[tilespmem:s2+$0x960] =	vst v16  }
0xe2: {  	[tilespmem:s26], [sflag:$0x1] =	stream.indirect.gather [hbm4b:s7+s24], $0x20, s25, s24, $0xb8;
	[tilespmem:$0x1FAA0] =	vst v63  }
.LBB2_12:
0xe3: {  	_ =	swait.ge [sflag:s9], $0x3200  }
0xe4: {  	[sflag:s9] =	ssyncset.done $0x0  }
0xe5: {  	s14 =	simm.s32 $0x42A0;
	[sflag:s9] =	ssyncadd.s32 $0xFFFFCE00  }
0xe6: {  	v21 =	vld [tilespmem:s14+$0xFFFFFFA0]  }
0xe7: {  	v19 =	vld [tilespmem:s14+$0xFFFFFFF0]  }
0xe8: {  	v16 =	vld [tilespmem:s14+$0xFFFFFF60]  }
0xe9: {  	v22 =	vld [tilespmem:s14+$0xFFFFFFD0]  }
0xea: {  	v23 =	vld [tilespmem:s14+$0x80]  }
0xeb: {  	v26 =	vld [tilespmem:s14+$0xFFFFFF10]  }
0xec: {  	v30 =	vld [tilespmem:s14+$0xE0]  }
0xed: {  	v25 =	vld [tilespmem:s14+$0xFFFFFF40]  }
0xee: {  	s2 =	simm.s32 $0x0;
	v17 =	vld [tilespmem:s14+$0xFFFFFF90]  }
0xef: {  	v18 =	vld [tilespmem:s2+$0xE10]  }
0xf0: {  	v24 =	vld [tilespmem:s14+$0xFFFFFFC0]  }
0xf1: {  	v27 =	vld [tilespmem:s14+$0xFFFFFF00]  }
0xf2: {  	v28 =	vld [tilespmem:s14+$0xD0]  }
0xf3: {  	v37 =	vld [tilespmem:s14+$0xC0]  }
0xf4: {  	v35 =	vld [tilespmem:s14+$0x90];
	v33 =	vperm.xlane v18, v0;
	v20 =	vperm.xlane v18, v15  }
0xf5: {  	v36 =	vld [tilespmem:s14+$0xFFFFFF50];
	v34 =	vperm.xlane v18, v2;
	v32 =	vperm.xlane v18, v14  }
0xf6: {  	v31 =	vld [tilespmem:s14+$0xB0];
	v29 =	vperm.xlane v18, v12;
	v39 =	vmul.f32 v27, v33  }
0xf7: {  	s13 =	sadd.s32 $0x1, s13;
	s17 =	simm.s32 $0x40;
	s2 =	simm.s32 $0x42A0;
	v27 =	vperm.xlane v18, v13;
	v38 =	vmul.f32 v25, v34;
	v25 =	vld [tilespmem:s14+$0x60]  }
.LBB2_13:
0xf8: {  	p0 =	sne.s32 s17, $0x600  }
0xf9: {  	[tilespmem:s14+$0xFFFFFF00] =	vst v39;
	v39 =	vld [tilespmem:s14+$0xFFFFFFB0];
	v37 =	vmul.f32 v37, v32;
	v30 =	vmul.f32 v30, v20;
	s2 =	sadd.s32 $0x200, s2;
	s10 =	smov.u32 s17;
	s17 =	sadd.s32 $0x40, s17  }
0xfa: {  	[tilespmem:s14+$0xFFFFFF40] =	vst v38;
	v38 =	vperm.xlane v18, v10;
	v35 =	vmul.f32 v35, v29;
	v40 =	vld [tilespmem:s14+$0xA0]  }
0xfb: {  	v26 =	vmul.f32 v26, v33;
	v33 =	vmul.f32 v36, v34;
	v34 =	vld [tilespmem:s14+$0x70];
	[tilespmem:s14+$0xE0] =	vst v30  }
0xfc: {  	v30 =	vperm.xlane v18, v5;
	v36 =	vld [tilespmem:s14+$0xFFFFFFE0];
	v31 =	vmul.f32 v31, v27;
	[tilespmem:s14+$0xC0] =	vst v37  }
0xfd: {  	v28 =	vmul.f32 v28, v32;
	[tilespmem:s14+$0xFFFFFF10] =	vst v26;
	v26 =	vperm.xlane v18, v6;
	v37 =	vld [tilespmem:s14+$0x40]  }
0xfe: {  	v41 =	vperm.xlane v18, v11;
	v21 =	vmul.f32 v21, v30;
	v32 =	vld [tilespmem:s14+$0xFFFFFF20];
	[tilespmem:s14+$0x90] =	vst v35  }
0xff: {  	[tilespmem:s14+$0xFFFFFF50] =	vst v33;
	v33 =	vperm.xlane v18, v9;
	v35 =	vld [tilespmem:s14+$0x20];
	v27 =	vmul.f32 v40, v27  }
0x100: {  	v30 =	vmul.f32 v39, v30;
	v39 =	vld [tilespmem:s14+$0x50];
	v34 =	vmul.f32 v34, v41;
	[tilespmem:s14+$0xD0] =	vst v28  }
0x101: {  	v23 =	vmul.f32 v23, v29;
	v28 =	vperm.xlane v18, v7;
	v40 =	vld [tilespmem:s14+$0x30];
	[tilespmem:s14+$0xA0] =	vst v27  }
0x102: {  	v24 =	vmul.f32 v24, v26;
	v27 =	vperm.xlane v18, v3;
	v29 =	vld [tilespmem:s14+$0x0];
	[tilespmem:s14+$0x70] =	vst v34  }
0x103: {  	v25 =	vmul.f32 v25, v41;
	v22 =	vmul.f32 v22, v26;
	v26 =	vld [tilespmem:s14+$0x10];
	[tilespmem:s14+$0x80] =	vst v23  }
0x104: {  	v34 =	vperm.xlane v18, v8;
	v37 =	vmul.f32 v37, v38;
	v23 =	vld [tilespmem:s14+$0xFFFFFF30];
	[tilespmem:s14+$0xB0] =	vst v31  }
0x105: {  	v31 =	vperm.xlane v18, v1;
	v41 =	vld [tilespmem:s14+$0xFFFFFF70];
	[tilespmem:s14+$0xFFFFFFD0] =	vst v22;
	v38 =	vmul.f32 v39, v38  }
0x106: {  	v19 =	vmul.f32 v19, v28;
	v22 =	vmul.f32 v36, v28;
	[tilespmem:s14+$0xFFFFFFC0] =	vst v24;
	v24 =	vld [tilespmem:s14+$0xF0]  }
0x107: {  	v36 =	vmul.f32 v40, v33;
	v28 =	vld [tilespmem:s14+$0xFFFFFF80];
	[tilespmem:s14+$0xFFFFFFA0] =	vst v21;
	v29 =	vmul.f32 v29, v34  }
0x108: {  	v21 =	vld [tilespmem:s2+$0xFFFFFFA0];
	[tilespmem:s14+$0xFFFFFFF0] =	vst v19;
	v34 =	vmul.f32 v26, v34;
	v26 =	vmul.f32 v35, v33  }
0x109: {  	v19 =	vmul.f32 v32, v31;
	v31 =	vmul.f32 v23, v31;
	[tilespmem:s14+$0x60] =	vst v25  }
0x10a: {  	v16 =	vmul.f32 v16, v27;
	v23 =	vmul.f32 v41, v27;
	[tilespmem:s14+$0xFFFFFFB0] =	vst v30  }
0x10b: {  	v18 =	vperm.xlane v18, v4;
	[tilespmem:s14+$0xFFFFFF20] =	vst v19;
	v19 =	vmul.f32 v24, v20  }
0x10c: {  	[tilespmem:s14+$0xFFFFFF60] =	vst v16  }
0x10d: {  	v20 =	vmul.f32 v28, v18;
	v16 =	vmul.f32 v17, v18;
	[tilespmem:s14+$0x40] =	vst v37  }
0x10e: {  	[tilespmem:s14+$0xFFFFFFE0] =	vst v22  }
0x10f: {  	[tilespmem:s14+$0xF0] =	vst v19  }
0x110: {  	[tilespmem:s14+$0xFFFFFF90] =	vst v16  }
0x111: {  	v19 =	vld [tilespmem:s2+$0xFFFFFFF0];
	[tilespmem:s14+$0xFFFFFF70] =	vst v23  }
0x112: {  	v16 =	vld [tilespmem:s2+$0xFFFFFF60];
	[tilespmem:s14+$0x20] =	vst v26  }
0x113: {  	v22 =	vld [tilespmem:s2+$0xFFFFFFD0];
	[tilespmem:s14+$0x30] =	vst v36  }
0x114: {  	v23 =	vld [tilespmem:s2+$0x80];
	[tilespmem:s14+$0xFFFFFF80] =	vst v20  }
0x115: {  	v26 =	vld [tilespmem:s2+$0xFFFFFF10];
	[tilespmem:s14+$0x50] =	vst v38  }
0x116: {  	v30 =	vld [tilespmem:s2+$0xE0];
	[tilespmem:s14+$0x0] =	vst v29  }
0x117: {  	v25 =	vld [tilespmem:s2+$0xFFFFFF40];
	[tilespmem:s14+$0xFFFFFF30] =	vst v31  }
0x118: {  	s10 =	sshra.s32 s10, $0x2;
	v17 =	vld [tilespmem:s2+$0xFFFFFF90];
	[tilespmem:s14+$0x10] =	vst v34;
	s14 =	smov.u32 s2  }
0x119: {  	v18 =	vld [tilespmem:s10+$0xE10]  }
0x11a: {  	v24 =	vld [tilespmem:s2+$0xFFFFFFC0]  }
0x11b: {  	v27 =	vld [tilespmem:s2+$0xFFFFFF00]  }
0x11c: {  	v28 =	vld [tilespmem:s2+$0xD0]  }
.Ltmp5:
0x11d: {  	v37 =	vld [tilespmem:s2+$0xC0];
	(pc) =	sbr.rel @p0 .LBB2_13-.Ltmp5, $4  }
0x11e: {  	v33 =	vperm.xlane v18, v0;
	v35 =	vld [tilespmem:s2+$0x90];
	v20 =	vperm.xlane v18, v15  }
0x11f: {  	v34 =	vperm.xlane v18, v2;
	v32 =	vperm.xlane v18, v14;
	v36 =	vld [tilespmem:s2+$0xFFFFFF50]  }
0x120: {  	v39 =	vmul.f32 v27, v33;
	v27 =	vperm.xlane v18, v13;
	v31 =	vld [tilespmem:s2+$0xB0]  }
0x121: {  	v29 =	vperm.xlane v18, v12;
	v38 =	vmul.f32 v25, v34;
	v25 =	vld [tilespmem:s2+$0x60]  }
0x122: {  	[tilespmem:s14+$0xFFFFFF00] =	vst v39;
	v30 =	vmul.f32 v30, v20  }
0x123: {  	v37 =	vmul.f32 v37, v32;
	[tilespmem:s14+$0xFFFFFF40] =	vst v38  }
0x124: {  	v26 =	vmul.f32 v26, v33;
	[tilespmem:s14+$0xE0] =	vst v30  }
0x125: {  	v58 =	vmul.f32 v28, v32;
	[tilespmem:s14+$0xC0] =	vst v37  }
0x126: {  	v56 =	vmul.f32 v35, v29;
	[tilespmem:s14+$0xFFFFFF10] =	vst v26  }
0x127: {  	v40 =	vperm.xlane v18, v6;
	v23 =	vmul.f32 v23, v29;
	[tilespmem:s14+$0xD0] =	vst v58  }
0x128: {  	v34 =	vmul.f32 v36, v34;
	[tilespmem:s14+$0x90] =	vst v56  }
0x129: {  	v44 =	vperm.xlane v18, v5;
	v22 =	vmul.f32 v22, v40;
	[tilespmem:s14+$0x80] =	vst v23  }
0x12a: {  	v46 =	vperm.xlane v18, v7;
	v24 =	vmul.f32 v24, v40;
	[tilespmem:s14+$0xFFFFFF50] =	vst v34  }
0x12b: {  	v53 =	vperm.xlane v18, v3;
	v21 =	vmul.f32 v21, v44;
	[tilespmem:s14+$0xFFFFFFD0] =	vst v22  }
0x12c: {  	v54 =	vld [tilespmem:s14+$0xA0];
	v19 =	vmul.f32 v19, v46;
	[tilespmem:s14+$0xFFFFFFC0] =	vst v24  }
0x12d: {  	v55 =	vld [tilespmem:s14+$0x70];
	v60 =	vperm.xlane v18, v11;
	v16 =	vmul.f32 v16, v53;
	[tilespmem:s14+$0xFFFFFFA0] =	vst v21  }
0x12e: {  	v57 =	vld [tilespmem:s14+$0xFFFFFFB0];
	v58 =	vperm.xlane v18, v4;
	v42 =	vmul.f32 v31, v27;
	[tilespmem:s14+$0xFFFFFFF0] =	vst v19  }
0x12f: {  	v59 =	vld [tilespmem:s14+$0xFFFFFF20];
	v25 =	vmul.f32 v25, v60;
	[tilespmem:s14+$0xFFFFFF60] =	vst v16  }
0x130: {  	v61 =	vld [tilespmem:s14+$0xFFFFFFE0];
	v17 =	vmul.f32 v17, v58;
	[tilespmem:s14+$0xB0] =	vst v42  }
0x131: {  	v48 =	vld [tilespmem:s14+$0xFFFFFF70];
	v62 =	vmul.f32 v54, v27;
	[tilespmem:s14+$0x60] =	vst v25  }
0x132: {  	v63 =	vld [tilespmem:s14+$0x40];
	v51 =	vperm.xlane v18, v1;
	v33 =	vmul.f32 v55, v60;
	[tilespmem:s14+$0xFFFFFF90] =	vst v17  }
0x133: {  	v45 =	vld [tilespmem:s14+$0x30];
	v52 =	vmul.f32 v57, v44;
	[tilespmem:s14+$0xA0] =	vst v62  }
0x134: {  	v54 =	vld [tilespmem:s14+$0xF0];
	v28 =	vmul.f32 v59, v51;
	[tilespmem:s14+$0x70] =	vst v33  }
0x135: {  	v49 =	vld [tilespmem:s14+$0xFFFFFF80];
	v55 =	vperm.xlane v18, v10;
	v23 =	vmul.f32 v61, v46;
	[tilespmem:s14+$0xFFFFFFB0] =	vst v52  }
0x136: {  	v43 =	vld [tilespmem:s14+$0x20];
	v59 =	vperm.xlane v18, v9;
	v60 =	vmul.f32 v48, v53;
	[tilespmem:s14+$0xFFFFFF20] =	vst v28  }
0x137: {  	v56 =	vld [tilespmem:s14+$0xFFFFFF30];
	v57 =	vmul.f32 v63, v55;
	[tilespmem:s14+$0xFFFFFFE0] =	vst v23  }
0x138: {  	v41 =	vld [tilespmem:s14+$0x50];
	v17 =	vmul.f32 v45, v59;
	[tilespmem:s14+$0xFFFFFF70] =	vst v60  }
0x139: {  	v47 =	vld [tilespmem:s14+$0x0];
	[tilespmem:s14+$0x40] =	vst v57;
	v16 =	vmul.f32 v54, v20  }
0x13a: {  	v50 =	vld [tilespmem:s14+$0x10];
	v62 =	vmul.f32 v49, v58;
	[tilespmem:s14+$0x30] =	vst v17  }
0x13b: {  	[tilespmem:s14+$0xF0] =	vst v16;
	v16 =	vmul.f32 v43, v59  }
0x13c: {  	v61 =	vperm.xlane v18, v8;
	v63 =	vmul.f32 v56, v51;
	[tilespmem:s14+$0xFFFFFF80] =	vst v62  }
0x13d: {  	[tilespmem:s14+$0x20] =	vst v16;
	v16 =	vmul.f32 v41, v55  }
0x13e: {  	v17 =	vmul.f32 v47, v61;
	[tilespmem:s14+$0xFFFFFF30] =	vst v63  }
0x13f: {  	[tilespmem:s14+$0x50] =	vst v16;
	v16 =	vmul.f32 v50, v61  }
0x140: {  	p0 =	sne.s32 s13, $0x20;
	[tilespmem:s14+$0x0] =	vst v17  }
.Ltmp6:
0x141: {  	[tilespmem:s14+$0x10] =	vst v16;
	(pc) =	sbr.rel @p0 .LBB2_4-.Ltmp6, $4  }
0x142: {  	[spmem:s1] =	stream.indirect.scatter.add.f32 [tilespmem:s3], [sflag:$0x3], $0x20, s28, s24, $0xb8;
	[tilespmem:$0x1FAA0] =	vst v63  }
0x143: {  	_ =	swait.ge [sflag:s20], $0x3200  }
0x144: {  	[sflag:s20] =	ssyncset.done $0x0  }
0x145: {  	[sflag:s20] =	ssyncadd.s32 $0xFFFFCE00  }
0x146: {  	[bflag:$0x0] =	sbarrier.arrive $0xFFFF  }
0x147: {  	s2 =	rddreg [dreg:$0xa]  }
0x148: {  	s10 =	rddreg [dreg:$0xb]  }
0x149: {  	[hbm:s2], [sflag:s19] =	dma.local [spmem:s10], $0x30E0  }
0x14a: {  	_ =	swait.ge [sflag:s20], $0x30E0  }
0x14b: {  	s13 =	smov.u32 s19;
	s11 =	sadd.s32 $0x1, s11;
	s19 =	rddreg [dreg:$0x9]  }
0x14c: {  	p0 =	sne.s32 s11, s19  }
.Ltmp7:
0x14d: {  	_ = 	snop;
	(pc) =	sbr.rel @p0 .LBB2_1-.Ltmp7, $3  }
0x14e: {  	_ =	sdelay $0x1  }
0x14f: {  	[sflag:s20] =	ssyncset.done $0x0  }
0x150: {  	[sflag:s20] =	ssyncadd.s32 $0xFFFFCF20  }
0x151: {  	_ =	sfence.sel $0x180000  }
0x152: {  	[bflag:$0x0] =	sbarrier.arrive $0xFFFF  }
0x153: {  	_ =	strace $0x90000050  }
0x154: {  	s0 =	stileid.u32;
	[bflag:$0x2] =	sbarrier.arrive $0xFFFF  }
0x155: {  	p0 =	sne.s32 s0, $0x0;
	s0 =	rddreg [dreg:$0x3]  }
0x156: {  	s0 =	sadd.s32 @!p0 $0x100000, s0  }
0x157: {  	[sflag:s0] =	ssyncadd.tile.s32 @!p0 $0x1;
	_ =	shalt  }
.Lfunc_end2:
_tile_overlayer_lowered:
.L_overlay_start_2:
0x158: {  	(tag) =	ssettag $0x2  }
0x159: {  	s0 =	rddreg [dreg:$0x0];
	s2 =	stileid.u32  }
0x15a: {  	s1 =	rddreg [dreg:$0x1];
	p0 =	sne.s32 s2, $0x0  }
0x15b: {  	s3 =	rddreg [dreg:$0x2];
	[bflag:$0x3] =	sbarrier.arrive $0xFFFF;
	s2 =	simm.s32 @!p0 $0x1C03  }
0x15c: {  	[timem:s3], [sflag:s2] =	dma.local @!p0 [hbm:s0], s1  }
0x15d: {  	s0 =	simm.s32 @!p0 $0x3  }
0x15e: {  	_ =	swait.ge @!p0 [sflag:s0], s1  }
0x15f: {  	s1 =	ssub.s32 @!p0 $0x0, s1;
	[sflag:s0] =	ssyncset.done @!p0 $0x0  }
0x160: {  	[sflag:s0] =	ssyncadd.s32 @!p0 s1  }
0x161: {  	[bflag:$0x3] =	sbarrier.arrive $0xFFFF  }
0x162: {  	_ =	shalt  }

</sc_bundles>
